<compile_context>
chip_gen: v7x
topology: tpu7x:2x2x1
jax: 0.10.2.dev20260603
libtpu: 0.0.44.dev20260713+nightly
codegen_flags: <defaults>
</compile_context>

<pallas_src>
import functools

import jax
import jax.numpy as jnp
from jax import lax
from jax.experimental import pallas as pl
from jax.experimental.pallas import tpu as pltpu
from jax.experimental.pallas import tpu_sc as plsc

U = 25000
NI = 25000
N = U + NI
D = 64
H = 32
NC = 2
NS = 16
NPAD = 51200
TN = NPAD // NS
NBK = TN // 128
UPAD = 25600
NLAYERS = 3


def _proj_tc(Gi, F):
    def body(g_ref, f_ref, o_ref):
        o_ref[...] = jnp.dot(jax.nn.sigmoid(g_ref[...]), f_ref[...],
                             preferred_element_type=jnp.float32)
    rows = Gi.shape[0]
    blk = 1000
    return pl.pallas_call(
        body,
        grid=(rows // blk,),
        in_specs=[pl.BlockSpec((blk, D), lambda i: (i, 0)),
                  pl.BlockSpec((D, D), lambda i: (0, 0))],
        out_specs=pl.BlockSpec((blk, D), lambda i: (i, 0)),
        out_shape=jax.ShapeDtypeStruct((rows, D), jnp.float32),
    )(Gi, F)


def _make_sc(teb, b):
    bpt = b // NS
    bblk = bpt // 128
    mesh = plsc.VectorSubcoreMesh(core_axis_name="c", subcore_axis_name="s")

    @functools.partial(
        pl.kernel,
        out_type=[
            jax.ShapeDtypeStruct((NC * b,), jnp.float32),
            jax.ShapeDtypeStruct((NC * NPAD, H), jnp.float32),
            jax.ShapeDtypeStruct((NC * NPAD, H), jnp.float32),
            jax.ShapeDtypeStruct((NC * UPAD, H), jnp.float32),
        ],
        mesh=mesh,
        compiler_params=pltpu.CompilerParams(
            needs_layout_passes=False, use_tc_tiling_on_sc=False),
        scratch_types=[
            pltpu.VMEM_SHARED((NPAD, H), jnp.float32),
            pltpu.VMEM_SHARED((NPAD,), jnp.float32),
            pltpu.VMEM((8, 128), jnp.int32),
            pltpu.VMEM((8, 128), jnp.int32),
            pltpu.VMEM((128, H), jnp.float32),
            pltpu.VMEM((128, H), jnp.float32),
            pltpu.VMEM((128, H), jnp.float32),
            pltpu.VMEM((128, H), jnp.float32),
            pltpu.VMEM((64, H), jnp.float32),
            pltpu.VMEM((TN,), jnp.float32),
            pltpu.VMEM((128,), jnp.float32),
            pltpu.VMEM((128,), jnp.float32),
            pltpu.VMEM((32, H), jnp.float32),
            pltpu.VMEM((128,), jnp.float32),
            pltpu.SemaphoreType.DMA,
            pltpu.SemaphoreType.DMA,
            pltpu.SemaphoreType.DMA,
            pltpu.SemaphoreType.DMA,
            pltpu.SemaphoreType.DMA,
            pltpu.SemaphoreType.DMA,
        ],
    )
    def sc(gu, pj, row_r, col_r, projf, uidx2, iidx2,
           part, ya, yb, accu,
           acc_sp, deg_sp, ridx, cidx, g0, g1, g2, g3, nbuf,
           dinvb, onesb, z1, zbuf, xb,
           gsem0, gsem1, gsem2, gsem3, ssem0, ssem1):
        c = lax.axis_index("c")
        s = lax.axis_index("s")
        nb0 = s * TN
        eb0 = s * teb

        vone = jnp.ones((16,), jnp.float32)
        vzero = jnp.zeros((16,), jnp.float32)
        for g in range(8):
            onesb[pl.ds(g * 16, 16)] = vone
            z1[pl.ds(g * 16, 16)] = vzero

        def zrow(i, _):
            for h in range(H // 16):
                zbuf[i, pl.ds(h * 16, 16)] = vzero
            return 0
        lax.fori_loop(0, 32, zrow, 0)

        def _zero_acc(g):
            pltpu.sync_copy(zbuf, acc_sp.at[pl.ds(g, 32)])
            pltpu.sync_copy(zbuf, acc_sp.at[pl.ds(g + 32, 32)])

        def zblk(i, _):
            g = nb0 + i * 64
            pltpu.sync_copy(zbuf, acc_sp.at[pl.ds(g, 32)])
            pltpu.sync_copy(zbuf, acc_sp.at[pl.ds(g + 32, 32)])
            return 0
        lax.fori_loop(0, TN // 64, zblk, 0)

        def zdeg(i, _):
            pltpu.sync_copy(z1, deg_sp.at[pl.ds(nb0 + i * 128, 128)])
            return 0
        lax.fori_loop(0, TN // 128, zdeg, 0)
        plsc.subcore_barrier()

        def deg_outer(o, _):
            pltpu.sync_copy(col_r.at[pl.ds(eb0 + o * 8, 8)], cidx)
            descs = [pltpu.async_copy(onesb, deg_sp.at[cidx.at[j]],
                                      (ssem0, ssem1)[j % 2], add=True)
                     for j in range(8)]
            for d in descs:
                d.wait()
            return 0
        lax.fori_loop(0, teb // 8, deg_outer, 0)
        plsc.subcore_barrier()

        pltpu.sync_copy(deg_sp.at[pl.ds(nb0, TN)], dinvb)

        def dv(i, _):
            d = dinvb[pl.ds(i * 16, 16)]
            xi = lax.bitcast_convert_type(d, jnp.int32)
            yi = jnp.int32(0x5F3759DF) - (xi >> 1)
            y = lax.bitcast_convert_type(yi, jnp.float32)
            for _ in range(3):
                y = y * (1.5 - 0.5 * d * y * y)
            dinvb[pl.ds(i * 16, 16)] = jnp.where(d > 0.0, y, 0.0)
            return 0
        lax.fori_loop(0, TN // 16, dv, 0)

        rows16 = lax.iota(jnp.int32, 16)
        lane0 = rows16 == 0

        def _dinv_row(i):
            iv = jnp.zeros((16,), jnp.int32) + i
            return plsc.load_gather(dinvb, [iv])

        nstr = N % 64

        def _scale_store(bk, g):
            def rowb(i, _):
                dv16 = _dinv_row(bk * 64 + i)
                for h in range(H // 16):
                    v = nbuf[i, pl.ds(h * 16, 16)]
                    nbuf[i, pl.ds(h * 16, 16)] = v * dv16
                return 0
            lax.fori_loop(0, 64, rowb, 0)
            pltpu.sync_copy(nbuf, ya.at[pl.ds(c * NPAD + g, 64)])

        ustr = U % 64

        def init_b(bk, _):
            g = nb0 + bk * 64

            @pl.when(g + 64 <= U)
            def _():
                pltpu.sync_copy(gu.at[pl.ds(g, 64), pl.ds(c * H, H)], nbuf)

                @pl.when(s < 8)
                def _():
                    pltpu.sync_copy(nbuf, accu.at[pl.ds(c * UPAD + g, 64)])
                _scale_store(bk, g)

            @pl.when((g < U) & (g + 64 > U))
            def _():
                pltpu.sync_copy(gu.at[pl.ds(g, ustr), pl.ds(c * H, H)],
                                nbuf.at[pl.ds(0, ustr)])
                pltpu.sync_copy(pj.at[pl.ds(g + ustr - U, 64 - ustr),
                                      pl.ds(c * H, H)],
                                nbuf.at[pl.ds(ustr, 64 - ustr)])

                @pl.when(s < 8)
                def _():
                    pltpu.sync_copy(nbuf, accu.at[pl.ds(c * UPAD + g, 64)])
                _scale_store(bk, g)

            @pl.when((g >= U) & (g + 64 <= N))
            def _():
                pltpu.sync_copy(pj.at[pl.ds(g - U, 64), pl.ds(c * H, H)],
                                nbuf)

                @pl.when(s < 8)
                def _():
                    pltpu.sync_copy(nbuf, accu.at[pl.ds(c * UPAD + g, 64)])
                _scale_store(bk, g)

            @pl.when(g + 64 > N)
            def _():
                @pl.when(g < N)
                def _():
                    pltpu.sync_copy(pj.at[pl.ds(g - U, nstr),
                                          pl.ds(c * H, H)],
                                    nbuf.at[pl.ds(0, nstr)])

                def zr(i, _):
                    for h in range(H // 16):
                        nbuf[i, pl.ds(h * 16, 16)] = vzero
                    return 0
                lax.fori_loop(jnp.maximum(N - g, 0), 64, zr, 0)
                _scale_store(bk, g)
            return 0
        lax.fori_loop(0, TN // 64, init_b, 0)
        plsc.subcore_barrier()

        for k in range(NLAYERS):
            ycur, ynext = (ya, yb) if k % 2 == 0 else (yb, ya)
            alpha = 1.0 / (k + 2)
            last = k == NLAYERS - 1

            def edge_outer(o, _):
                base = eb0 + o * 8
                pltpu.sync_copy(row_r.at[pl.ds(base, 8)], ridx)
                pltpu.sync_copy(col_r.at[pl.ds(base, 8)], cidx)

                @pl.when(c > 0)
                def _():
                    coff = jnp.zeros((16,), jnp.int32) + c * NPAD

                    def addoff(r, _):
                        for gch in range(8):
                            sl = ridx[r, pl.ds(gch * 16, 16)]
                            ridx[r, pl.ds(gch * 16, 16)] = sl + coff
                        return 0
                    lax.fori_loop(0, 8, addoff, 0)
                bufs = (g0, g1, g2, g3)
                gs = (gsem0, gsem1, gsem2, gsem3)
                ss = (ssem0, ssem1)
                gd = [None] * 8
                sd = [None] * 8
                for j in range(3):
                    gd[j] = pltpu.async_copy(ycur.at[ridx.at[j]],
                                             bufs[j], gs[j])
                for j in range(8):
                    bj = j % 4
                    gd[j].wait()
                    sd[j] = pltpu.async_copy(bufs[bj],
                                             acc_sp.at[cidx.at[j]],
                                             ss[j % 2], add=True)
                    if j + 3 < 8:
                        nb_ = (j + 3) % 4
                        if j >= 1:
                            sd[j - 1].wait()
                        gd[j + 3] = pltpu.async_copy(
                            ycur.at[ridx.at[j + 3]], bufs[nb_], gs[nb_])
                sd[4].wait()
                sd[5].wait()
                sd[6].wait()
                sd[7].wait()
                return 0
            lax.fori_loop(0, teb // 8, edge_outer, 0)
            plsc.subcore_barrier()

            def node_b(bk, _):
                g = nb0 + bk * 64
                pltpu.sync_copy(acc_sp.at[pl.ds(g, 64)], nbuf)

                @pl.when(s < 8)
                def _():
                    pltpu.sync_copy(accu.at[pl.ds(c * UPAD + g, 64)],
                                    g0.at[pl.ds(0, 64)])

                    def rowa(i, _):
                        da = _dinv_row(bk * 64 + i) * alpha
                        for h in range(H // 16):
                            v = nbuf[i, pl.ds(h * 16, 16)]
                            g0[i, pl.ds(h * 16, 16)] = (
                                g0[i, pl.ds(h * 16, 16)] + v * da)
                        return 0
                    lax.fori_loop(0, 64, rowa, 0)
                    pltpu.sync_copy(g0.at[pl.ds(0, 64)],
                                    accu.at[pl.ds(c * UPAD + g, 64)])

                if not last:
                    _zero_acc(g)

                    def rowb(i, _):
                        dv16 = _dinv_row(bk * 64 + i)
                        z = dv16 * dv16
                        for h in range(H // 16):
                            v = nbuf[i, pl.ds(h * 16, 16)]
                            nbuf[i, pl.ds(h * 16, 16)] = v * z
                        return 0
                    lax.fori_loop(0, 64, rowb, 0)
                    pltpu.sync_copy(nbuf, ynext.at[pl.ds(c * NPAD + g, 64)])
                return 0
            lax.fori_loop(0, TN // 64, node_b, 0)
            plsc.subcore_barrier()

        pltpu.sync_copy(uidx2.at[c].at[pl.ds(s * bblk, bblk)], ridx)
        pltpu.sync_copy(iidx2.at[c].at[pl.ds(s * bblk, bblk)], cidx)
        for bb in range(bblk):
            du = pltpu.async_copy(accu.at[ridx.at[bb]], g0, gsem0)
            di = pltpu.async_copy(projf.at[cidx.at[bb]], g1, gsem1)
            du.wait()
            di.wait()

            def rowd(i, _):
                v = jnp.zeros((16,), jnp.float32)
                for h in range(H // 16):
                    v = v + (g0[i, pl.ds(h * 16, 16)] *
                             g1[i, pl.ds(h * 16, 16)])
                tot = jnp.sum(v)
                iv = jnp.zeros((16,), jnp.int32) + i
                plsc.store_scatter(xb, [iv],
                                   jnp.zeros((16,), jnp.float32) + tot,
                                   mask=lane0)
                return 0
            lax.fori_loop(0, 128, rowd, 0)
            pltpu.sync_copy(
                xb, part.at[pl.ds(c * b + s * bpt + bb * 128, 128)])

    return sc


def kernel(Gu, Gi, F, edge_index, user_idx, item_idx):
    proj = _proj_tc(Gi, F)

    e = edge_index.shape[1]
    chunk = 128 * NS * 8
    epad = ((e + chunk - 1) // chunk) * chunk
    p = epad - e
    pidx = jnp.arange(p, dtype=jnp.int32)
    row_r = jnp.concatenate([edge_index[0], pidx % N]).reshape(epad // 128,
                                                              128)
    col_r = jnp.concatenate([edge_index[1],
                             N + (pidx % 512)]).reshape(epad // 128, 128)

    b = user_idx.shape[0]
    uidx2 = jnp.stack([user_idx, user_idx + UPAD]).reshape(NC, b // 128, 128)
    iidx2 = jnp.stack([item_idx, item_idx + NI]).reshape(NC, b // 128, 128)
    projf = jnp.concatenate([proj[:, :H], proj[:, H:]], axis=0)

    sc = _make_sc((epad // 128) // NS, b)
    part, _, _, _ = sc(Gu, proj, row_r, col_r, projf, uidx2, iidx2)
    return part[:b] + part[b:]

# --- scband reference (transcript-rebuilt; emitter-appended) ---
"""Pipeline reference for scband-kgtoremodel-74912819577185 (READ-ONLY COPY).

The authoritative reference and input builder live on the scoring server;
editing this copy changes nothing except your own understanding.
"""

import jax, jax.numpy as jnp
import numpy as np

NUM_USERS = 25000
NUM_ITEMS = 25000
EMBED = 64
KG = 64
N_LAYERS = 3
E = 800000
B = 16384
N = NUM_USERS + NUM_ITEMS


def setup_inputs(seed: int = 0) -> dict:
    key = jax.random.key(seed)
    k1, k2, k3, k4, k5, k6 = jax.random.split(key, 6)
    Gu = jax.random.normal(k1, (NUM_USERS, EMBED), dtype=jnp.float32) * 0.1
    Gi = jax.random.normal(k2, (NUM_ITEMS, KG), dtype=jnp.float32) * 0.1
    F = jax.random.normal(k3, (KG, EMBED), dtype=jnp.float32) * 0.1
    edge_index = jax.random.randint(k4, (2, E), 0, N, dtype=jnp.int32)
    user_idx = jax.random.randint(k5, (B,), 0, NUM_USERS, dtype=jnp.int32)
    item_idx = jax.random.randint(k6, (B,), 0, NUM_ITEMS, dtype=jnp.int32)
    return {"Gu": Gu, "Gi": Gi, "F": F, "edge_index": edge_index,
            "user_idx": user_idx, "item_idx": item_idx}


def reference(Gu, Gi, F, edge_index, user_idx, item_idx):
    # propagate_embeddings (KGTORE / LightGCN-style LGConv stack)
    weight = jax.nn.sigmoid(Gi)
    Gi_proj = jnp.matmul(weight, F)                       # [num_items, embed]
    ego = jnp.concatenate([Gu, Gi_proj], axis=0)          # [N, embed]
    row = edge_index[0]
    col = edge_index[1]
    # symmetric GCN normalization (LGConv default, no self loops)
    ones = jnp.ones(row.shape, dtype=ego.dtype)
    deg = jax.ops.segment_sum(ones, col, num_segments=N)
    deg_inv_sqrt = jnp.where(deg > 0, 1.0 / jnp.sqrt(jnp.where(deg > 0, deg, 1.0)), 0.0)
    norm = deg_inv_sqrt[row] * deg_inv_sqrt[col]          # [E]
    x = ego
    acc = ego * (1.0 / 1.0)                               # alpha_0 = 1/(0+1)
    for layer in range(N_LAYERS):
        msg = x[row] * norm[:, None]                      # gather + scale
        x = jax.ops.segment_sum(msg, col, num_segments=N)  # scatter-add
        acc = acc + x * (1.0 / (layer + 2))               # alpha_k = 1/(k+1)
    gu = acc[:NUM_USERS]                                  # user side uses propagated emb
    # forward: batched dot product (BPR score); item side uses Gi_proj (as in KGTORE)
    gamma_u = gu[user_idx]
    gamma_i = Gi_proj[item_idx]
    xui = jnp.sum(gamma_u * gamma_i, axis=-1)
    return xui

if __name__ == "__main__":
    import jax
    _d = setup_inputs()
    print(jax.jit(kernel)(*tuple(_d.values())))

</pallas_src>

<mosaic_0001>
#map = affine_map<(d0, d1) -> (0, 0)>
#map1 = affine_map<(d0, d1) -> (0, 0, 0)>
#map2 = affine_map<(d0, d1) -> (0)>
module attributes {stable_mosaic.version = 14 : i64} {
  func.func @sc(%arg0: i32, %arg1: i32, %arg2: memref<25000x64xf32, #tpu.memory_space<hbm>>, %arg3: memref<25000x64xf32, #tpu.memory_space<hbm>>, %arg4: memref<6272x128xi32, #tpu.memory_space<hbm>>, %arg5: memref<6272x128xi32, #tpu.memory_space<hbm>>, %arg6: memref<50000x32xf32, #tpu.memory_space<hbm>>, %arg7: memref<2x128x128xi32, #tpu.memory_space<hbm>>, %arg8: memref<2x128x128xi32, #tpu.memory_space<hbm>>, %arg9: memref<32768xf32, #tpu.memory_space<hbm>>, %arg10: memref<102400x32xf32, #tpu.memory_space<hbm>>, %arg11: memref<102400x32xf32, #tpu.memory_space<hbm>>, %arg12: memref<51200x32xf32, #tpu.memory_space<hbm>>, %arg13: memref<51200x32xf32, #tpu.memory_space<vmem_shared>>, %arg14: memref<51200xf32, #tpu.memory_space<vmem_shared>>, %arg15: memref<8x128xi32, #tpu.memory_space<vmem>>, %arg16: memref<8x128xi32, #tpu.memory_space<vmem>>, %arg17: memref<128x32xf32, #tpu.memory_space<vmem>>, %arg18: memref<128x32xf32, #tpu.memory_space<vmem>>, %arg19: memref<128x32xf32, #tpu.memory_space<vmem>>, %arg20: memref<128x32xf32, #tpu.memory_space<vmem>>, %arg21: memref<64x32xf32, #tpu.memory_space<vmem>>, %arg22: memref<3200xf32, #tpu.memory_space<vmem>>, %arg23: memref<128xf32, #tpu.memory_space<vmem>>, %arg24: memref<128xf32, #tpu.memory_space<vmem>>, %arg25: memref<32x32xf32, #tpu.memory_space<vmem>>, %arg26: memref<128xf32, #tpu.memory_space<vmem>>, %arg27: memref<!tpu.dma_semaphore, #tpu.memory_space<semaphore_mem>>, %arg28: memref<!tpu.dma_semaphore, #tpu.memory_space<semaphore_mem>>, %arg29: memref<!tpu.dma_semaphore, #tpu.memory_space<semaphore_mem>>, %arg30: memref<!tpu.dma_semaphore, #tpu.memory_space<semaphore_mem>>, %arg31: memref<!tpu.dma_semaphore, #tpu.memory_space<semaphore_mem>>, %arg32: memref<!tpu.dma_semaphore, #tpu.memory_space<semaphore_mem>>) attributes {dimension_semantics = [#tpu.dimension_semantics<core_parallel>, #tpu.dimension_semantics<subcore_parallel>], iteration_bounds = array<i64: 2, 16>, scalar_prefetch = 0 : i64, scratch_operands = 20 : i64, tpu.core_type = #tpu.core_type<sc_vector_subcore>, window_params = [{transform_indices = #map}, {transform_indices = #map}, {transform_indices = #map}, {transform_indices = #map}, {transform_indices = #map}, {transform_indices = #map1}, {transform_indices = #map1}, {transform_indices = #map2}, {transform_indices = #map}, {transform_indices = #map}, {transform_indices = #map}]} {
    %mul3A = arith.constant 3200 : i32
    %mul3A_0 = arith.muli %arg1, %mul3A : i32
    %mul3A_1 = arith.constant 392 : i32
    %mul3A_2 = arith.muli %arg1, %mul3A_1 : i32
    %broadcast_in_dim3A = arith.constant 1.000000e+00 : f32
    %broadcast_in_dim3A_3 = vector.broadcast %broadcast_in_dim3A : f32 to vector<16xf32>
    %broadcast_in_dim3A_4 = arith.constant 0.000000e+00 : f32
    %broadcast_in_dim3A_5 = vector.broadcast %broadcast_in_dim3A_4 : f32 to vector<16xf32>
    %swap3A = arith.constant 0 : index
    %swap3A_6 = tpu.vector_load %arg23[%swap3A] {strides = array<i32>} : memref<128xf32, #tpu.memory_space<vmem>>, vector<16xf32>,
    tpu.vector_store %arg23[%swap3A], %broadcast_in_dim3A_3 {strides = array<i32>} : memref<128xf32, #tpu.memory_space<vmem>>, vector<16xf32>,
    %swap3A_7 = arith.constant 0 : index
    %swap3A_8 = tpu.vector_load %arg24[%swap3A_7] {strides = array<i32>} : memref<128xf32, #tpu.memory_space<vmem>>, vector<16xf32>,
    tpu.vector_store %arg24[%swap3A_7], %broadcast_in_dim3A_5 {strides = array<i32>} : memref<128xf32, #tpu.memory_space<vmem>>, vector<16xf32>,
    %swap3A_9 = arith.constant 16 : index
    %swap3A_10 = tpu.vector_load %arg23[%swap3A_9] {strides = array<i32>} : memref<128xf32, #tpu.memory_space<vmem>>, vector<16xf32>,
    tpu.vector_store %arg23[%swap3A_9], %broadcast_in_dim3A_3 {strides = array<i32>} : memref<128xf32, #tpu.memory_space<vmem>>, vector<16xf32>,
    %swap3A_11 = arith.constant 16 : index
    %swap3A_12 = tpu.vector_load %arg24[%swap3A_11] {strides = array<i32>} : memref<128xf32, #tpu.memory_space<vmem>>, vector<16xf32>,
    tpu.vector_store %arg24[%swap3A_11], %broadcast_in_dim3A_5 {strides = array<i32>} : memref<128xf32, #tpu.memory_space<vmem>>, vector<16xf32>,
    %swap3A_13 = arith.constant 32 : index
    %swap3A_14 = tpu.vector_load %arg23[%swap3A_13] {strides = array<i32>} : memref<128xf32, #tpu.memory_space<vmem>>, vector<16xf32>,
    tpu.vector_store %arg23[%swap3A_13], %broadcast_in_dim3A_3 {strides = array<i32>} : memref<128xf32, #tpu.memory_space<vmem>>, vector<16xf32>,
    %swap3A_15 = arith.constant 32 : index
    %swap3A_16 = tpu.vector_load %arg24[%swap3A_15] {strides = array<i32>} : memref<128xf32, #tpu.memory_space<vmem>>, vector<16xf32>,
    tpu.vector_store %arg24[%swap3A_15], %broadcast_in_dim3A_5 {strides = array<i32>} : memref<128xf32, #tpu.memory_space<vmem>>, vector<16xf32>,
    %swap3A_17 = arith.constant 48 : index
    %swap3A_18 = tpu.vector_load %arg23[%swap3A_17] {strides = array<i32>} : memref<128xf32, #tpu.memory_space<vmem>>, vector<16xf32>,
    tpu.vector_store %arg23[%swap3A_17], %broadcast_in_dim3A_3 {strides = array<i32>} : memref<128xf32, #tpu.memory_space<vmem>>, vector<16xf32>,
    %swap3A_19 = arith.constant 48 : index
    %swap3A_20 = tpu.vector_load %arg24[%swap3A_19] {strides = array<i32>} : memref<128xf32, #tpu.memory_space<vmem>>, vector<16xf32>,
    tpu.vector_store %arg24[%swap3A_19], %broadcast_in_dim3A_5 {strides = array<i32>} : memref<128xf32, #tpu.memory_space<vmem>>, vector<16xf32>,
    %swap3A_21 = arith.constant 64 : index
    %swap3A_22 = tpu.vector_load %arg23[%swap3A_21] {strides = array<i32>} : memref<128xf32, #tpu.memory_space<vmem>>, vector<16xf32>,
    tpu.vector_store %arg23[%swap3A_21], %broadcast_in_dim3A_3 {strides = array<i32>} : memref<128xf32, #tpu.memory_space<vmem>>, vector<16xf32>,
    %swap3A_23 = arith.constant 64 : index
    %swap3A_24 = tpu.vector_load %arg24[%swap3A_23] {strides = array<i32>} : memref<128xf32, #tpu.memory_space<vmem>>, vector<16xf32>,
    tpu.vector_store %arg24[%swap3A_23], %broadcast_in_dim3A_5 {strides = array<i32>} : memref<128xf32, #tpu.memory_space<vmem>>, vector<16xf32>,
    %swap3A_25 = arith.constant 80 : index
    %swap3A_26 = tpu.vector_load %arg23[%swap3A_25] {strides = array<i32>} : memref<128xf32, #tpu.memory_space<vmem>>, vector<16xf32>,
    tpu.vector_store %arg23[%swap3A_25], %broadcast_in_dim3A_3 {strides = array<i32>} : memref<128xf32, #tpu.memory_space<vmem>>, vector<16xf32>,
    %swap3A_27 = arith.constant 80 : index
    %swap3A_28 = tpu.vector_load %arg24[%swap3A_27] {strides = array<i32>} : memref<128xf32, #tpu.memory_space<vmem>>, vector<16xf32>,
    tpu.vector_store %arg24[%swap3A_27], %broadcast_in_dim3A_5 {strides = array<i32>} : memref<128xf32, #tpu.memory_space<vmem>>, vector<16xf32>,
    %swap3A_29 = arith.constant 96 : index
    %swap3A_30 = tpu.vector_load %arg23[%swap3A_29] {strides = array<i32>} : memref<128xf32, #tpu.memory_space<vmem>>, vector<16xf32>,
    tpu.vector_store %arg23[%swap3A_29], %broadcast_in_dim3A_3 {strides = array<i32>} : memref<128xf32, #tpu.memory_space<vmem>>, vector<16xf32>,
    %swap3A_31 = arith.constant 96 : index
    %swap3A_32 = tpu.vector_load %arg24[%swap3A_31] {strides = array<i32>} : memref<128xf32, #tpu.memory_space<vmem>>, vector<16xf32>,
    tpu.vector_store %arg24[%swap3A_31], %broadcast_in_dim3A_5 {strides = array<i32>} : memref<128xf32, #tpu.memory_space<vmem>>, vector<16xf32>,
    %swap3A_33 = arith.constant 112 : index
    %swap3A_34 = tpu.vector_load %arg23[%swap3A_33] {strides = array<i32>} : memref<128xf32, #tpu.memory_space<vmem>>, vector<16xf32>,
    tpu.vector_store %arg23[%swap3A_33], %broadcast_in_dim3A_3 {strides = array<i32>} : memref<128xf32, #tpu.memory_space<vmem>>, vector<16xf32>,
    %swap3A_35 = arith.constant 112 : index
    %swap3A_36 = tpu.vector_load %arg24[%swap3A_35] {strides = array<i32>} : memref<128xf32, #tpu.memory_space<vmem>>, vector<16xf32>,
    tpu.vector_store %arg24[%swap3A_35], %broadcast_in_dim3A_5 {strides = array<i32>} : memref<128xf32, #tpu.memory_space<vmem>>, vector<16xf32>,
    %scan3A = arith.constant 0 : i32
    %scan3A_37 = arith.constant 0 : i32
    %scan3A_38 = arith.constant 32 : i32
    %scan3A_39 = arith.addi %scan3A_37, %scan3A_38 : i32
    %scan3A_40 = arith.constant 1 : i32
    %scan3A_41 = scf.for %scan3A_467 = %scan3A_37 to %scan3A_39 step %scan3A_40 iter_args(%scan3A_468 = %scan3A) -> (i32)  : i32 {
      %swap3A_469 = arith.index_cast %scan3A_467 : i32 to index
      %swap3A_470 = arith.constant 0 : index
      %swap3A_471 = tpu.vector_load %arg25[%swap3A_469, %swap3A_470] {strides = array<i32>} : memref<32x32xf32, #tpu.memory_space<vmem>>, vector<16xf32>,
      tpu.vector_store %arg25[%swap3A_469, %swap3A_470], %broadcast_in_dim3A_5 {strides = array<i32>} : memref<32x32xf32, #tpu.memory_space<vmem>>, vector<16xf32>,
      %swap3A_472 = arith.index_cast %scan3A_467 : i32 to index
      %swap3A_473 = arith.constant 16 : index
      %swap3A_474 = tpu.vector_load %arg25[%swap3A_472, %swap3A_473] {strides = array<i32>} : memref<32x32xf32, #tpu.memory_space<vmem>>, vector<16xf32>,
      tpu.vector_store %arg25[%swap3A_472, %swap3A_473], %broadcast_in_dim3A_5 {strides = array<i32>} : memref<32x32xf32, #tpu.memory_space<vmem>>, vector<16xf32>,
      %scan3A_475 = arith.constant 0 : i32
      scf.yield %scan3A_475 : i32
    }
    %scan3A_42 = arith.constant 32 : i32
    %scan3A_43 = arith.constant 0 : i32
    %scan3A_44 = arith.constant 0 : i32
    %scan3A_45 = arith.constant 50 : i32
    %scan3A_46 = arith.addi %scan3A_44, %scan3A_45 : i32
    %scan3A_47 = arith.constant 1 : i32
    %scan3A_48 = scf.for %scan3A_467 = %scan3A_44 to %scan3A_46 step %scan3A_47 iter_args(%scan3A_468 = %scan3A_43) -> (i32)  : i32 {
      %mul3A_469 = arith.constant 64 : i32
      %mul3A_470 = arith.muli %scan3A_467, %mul3A_469 : i32
      %add3A_471 = arith.addi %mul3A_0, %mul3A_470 : i32
      "tpu.region"() ({
        %run_scoped3A = tpu.sem_alloc : memref<!tpu.dma_semaphore, #tpu.memory_space<semaphore_mem>>
        %dma_start3A_475 = arith.constant 0 : i32
        %dma_start3A_476 = tpu.memref_slice %arg13[%add3A_471, %dma_start3A_475] : memref<51200x32xf32, #tpu.memory_space<vmem_shared>> -> memref<32x32xf32, #tpu.memory_space<vmem_shared>>
        %dma_start3A_477 = arith.constant 0 : i32
        %dma_start3A_478 = tpu.memref_slice %arg13[%add3A_471, %dma_start3A_477] : memref<51200x32xf32, #tpu.memory_space<vmem_shared>> -> memref<32x32xf32, #tpu.memory_space<vmem_shared>>
        tpu.enqueue_dma source(%arg25 : memref<32x32xf32, #tpu.memory_space<vmem>>) target(%dma_start3A_478 : memref<32x32xf32, #tpu.memory_space<vmem_shared>>) target_semaphore(%run_scoped3A : memref<!tpu.dma_semaphore, #tpu.memory_space<semaphore_mem>>)
        %dma_wait3A_479 = arith.constant 0 : i32
        %dma_wait3A_480 = tpu.memref_slice %arg13[%add3A_471, %dma_wait3A_479] : memref<51200x32xf32, #tpu.memory_space<vmem_shared>> -> memref<32x32xf32, #tpu.memory_space<vmem_shared>>
        %dma_wait3A_481 = arith.constant 0 : i32
        %dma_wait3A_482 = tpu.memref_slice %arg13[%add3A_471, %dma_wait3A_481] : memref<51200x32xf32, #tpu.memory_space<vmem_shared>> -> memref<32x32xf32, #tpu.memory_space<vmem_shared>>
        tpu.wait_dma2 semaphore(%run_scoped3A : memref<!tpu.dma_semaphore, #tpu.memory_space<semaphore_mem>>) src(%arg25 : memref<32x32xf32, #tpu.memory_space<vmem>>) dst(%dma_wait3A_482 : memref<32x32xf32, #tpu.memory_space<vmem_shared>>)
        tpu.yield
      }) : () -> ()
      %add3A_472 = arith.constant 32 : i32
      %add3A_473 = arith.addi %add3A_471, %add3A_472 : i32
      "tpu.region"() ({
        %run_scoped3A = tpu.sem_alloc : memref<!tpu.dma_semaphore, #tpu.memory_space<semaphore_mem>>
        %dma_start3A_475 = arith.constant 0 : i32
        %dma_start3A_476 = tpu.memref_slice %arg13[%add3A_473, %dma_start3A_475] : memref<51200x32xf32, #tpu.memory_space<vmem_shared>> -> memref<32x32xf32, #tpu.memory_space<vmem_shared>>
        %dma_start3A_477 = arith.constant 0 : i32
        %dma_start3A_478 = tpu.memref_slice %arg13[%add3A_473, %dma_start3A_477] : memref<51200x32xf32, #tpu.memory_space<vmem_shared>> -> memref<32x32xf32, #tpu.memory_space<vmem_shared>>
        tpu.enqueue_dma source(%arg25 : memref<32x32xf32, #tpu.memory_space<vmem>>) target(%dma_start3A_478 : memref<32x32xf32, #tpu.memory_space<vmem_shared>>) target_semaphore(%run_scoped3A : memref<!tpu.dma_semaphore, #tpu.memory_space<semaphore_mem>>)
        %dma_wait3A_479 = arith.constant 0 : i32
        %dma_wait3A_480 = tpu.memref_slice %arg13[%add3A_473, %dma_wait3A_479] : memref<51200x32xf32, #tpu.memory_space<vmem_shared>> -> memref<32x32xf32, #tpu.memory_space<vmem_shared>>
        %dma_wait3A_481 = arith.constant 0 : i32
        %dma_wait3A_482 = tpu.memref_slice %arg13[%add3A_473, %dma_wait3A_481] : memref<51200x32xf32, #tpu.memory_space<vmem_shared>> -> memref<32x32xf32, #tpu.memory_space<vmem_shared>>
        tpu.wait_dma2 semaphore(%run_scoped3A : memref<!tpu.dma_semaphore, #tpu.memory_space<semaphore_mem>>) src(%arg25 : memref<32x32xf32, #tpu.memory_space<vmem>>) dst(%dma_wait3A_482 : memref<32x32xf32, #tpu.memory_space<vmem_shared>>)
        tpu.yield
      }) : () -> ()
      %scan3A_474 = arith.constant 0 : i32
      scf.yield %scan3A_474 : i32
    }
    %scan3A_49 = arith.constant 50 : i32
    %scan3A_50 = arith.constant 0 : i32
    %scan3A_51 = arith.constant 0 : i32
    %scan3A_52 = arith.constant 25 : i32
    %scan3A_53 = arith.addi %scan3A_51, %scan3A_52 : i32
    %scan3A_54 = arith.constant 1 : i32
    %scan3A_55 = scf.for %scan3A_467 = %scan3A_51 to %scan3A_53 step %scan3A_54 iter_args(%scan3A_468 = %scan3A_50) -> (i32)  : i32 {
      %mul3A_469 = arith.constant 128 : i32
      %mul3A_470 = arith.muli %scan3A_467, %mul3A_469 : i32
      %add3A_471 = arith.addi %mul3A_0, %mul3A_470 : i32
      "tpu.region"() ({
        %run_scoped3A = tpu.sem_alloc : memref<!tpu.dma_semaphore, #tpu.memory_space<semaphore_mem>>
        %dma_start3A_473 = tpu.memref_slice %arg14[%add3A_471] : memref<51200xf32, #tpu.memory_space<vmem_shared>> -> memref<128xf32, #tpu.memory_space<vmem_shared>>
        %dma_start3A_474 = tpu.memref_slice %arg14[%add3A_471] : memref<51200xf32, #tpu.memory_space<vmem_shared>> -> memref<128xf32, #tpu.memory_space<vmem_shared>>
        tpu.enqueue_dma source(%arg24 : memref<128xf32, #tpu.memory_space<vmem>>) target(%dma_start3A_474 : memref<128xf32, #tpu.memory_space<vmem_shared>>) target_semaphore(%run_scoped3A : memref<!tpu.dma_semaphore, #tpu.memory_space<semaphore_mem>>)
        %dma_wait3A_475 = tpu.memref_slice %arg14[%add3A_471] : memref<51200xf32, #tpu.memory_space<vmem_shared>> -> memref<128xf32, #tpu.memory_space<vmem_shared>>
        %dma_wait3A_476 = tpu.memref_slice %arg14[%add3A_471] : memref<51200xf32, #tpu.memory_space<vmem_shared>> -> memref<128xf32, #tpu.memory_space<vmem_shared>>
        tpu.wait_dma2 semaphore(%run_scoped3A : memref<!tpu.dma_semaphore, #tpu.memory_space<semaphore_mem>>) src(%arg24 : memref<128xf32, #tpu.memory_space<vmem>>) dst(%dma_wait3A_476 : memref<128xf32, #tpu.memory_space<vmem_shared>>)
        tpu.yield
      }) : () -> ()
      %scan3A_472 = arith.constant 0 : i32
      scf.yield %scan3A_472 : i32
    }
    %scan3A_56 = arith.constant 25 : i32
    %barrier3A = arith.constant 0 : index
    tpu.barrier barrier_id(%barrier3A)
    %scan3A_57 = arith.constant 0 : i32
    %scan3A_58 = arith.constant 0 : i32
    %scan3A_59 = arith.constant 49 : i32
    %scan3A_60 = arith.addi %scan3A_58, %scan3A_59 : i32
    %scan3A_61 = arith.constant 1 : i32
    %scan3A_62 = scf.for %scan3A_467 = %scan3A_58 to %scan3A_60 step %scan3A_61 iter_args(%scan3A_468 = %scan3A_57) -> (i32)  : i32 {
      %mul3A_469 = arith.constant 8 : i32
      %mul3A_470 = arith.muli %scan3A_467, %mul3A_469 : i32
      %add3A_471 = arith.addi %mul3A_2, %mul3A_470 : i32
      "tpu.region"() ({
        %run_scoped3A = tpu.sem_alloc : memref<!tpu.dma_semaphore, #tpu.memory_space<semaphore_mem>>
        %dma_start3A_569 = arith.constant 0 : i32
        %dma_start3A_570 = tpu.memref_slice %arg5[%add3A_471, %dma_start3A_569] : memref<6272x128xi32, #tpu.memory_space<hbm>> -> memref<8x128xi32, #tpu.memory_space<hbm>>
        %dma_start3A_571 = arith.constant 0 : i32
        %dma_start3A_572 = tpu.memref_slice %arg5[%add3A_471, %dma_start3A_571] : memref<6272x128xi32, #tpu.memory_space<hbm>> -> memref<8x128xi32, #tpu.memory_space<hbm>>
        tpu.enqueue_dma source(%dma_start3A_572 : memref<8x128xi32, #tpu.memory_space<hbm>>) target(%arg16 : memref<8x128xi32, #tpu.memory_space<vmem>>) target_semaphore(%run_scoped3A : memref<!tpu.dma_semaphore, #tpu.memory_space<semaphore_mem>>)
        %dma_wait3A_573 = arith.constant 0 : i32
        %dma_wait3A_574 = tpu.memref_slice %arg5[%add3A_471, %dma_wait3A_573] : memref<6272x128xi32, #tpu.memory_space<hbm>> -> memref<8x128xi32, #tpu.memory_space<hbm>>
        %dma_wait3A_575 = arith.constant 0 : i32
        %dma_wait3A_576 = tpu.memref_slice %arg5[%add3A_471, %dma_wait3A_575] : memref<6272x128xi32, #tpu.memory_space<hbm>> -> memref<8x128xi32, #tpu.memory_space<hbm>>
        tpu.wait_dma2 semaphore(%run_scoped3A : memref<!tpu.dma_semaphore, #tpu.memory_space<semaphore_mem>>) src(%dma_wait3A_576 : memref<8x128xi32, #tpu.memory_space<hbm>>) dst(%arg16 : memref<8x128xi32, #tpu.memory_space<vmem>>)
        tpu.yield
      }) : () -> ()
      %dma_start3A_472 = arith.constant 0 : i32
      %dma_start3A_473 = arith.constant 0 : i32
      %dma_start3A_474 = tpu.memref_slice %arg16[%dma_start3A_472, %dma_start3A_473] : memref<8x128xi32, #tpu.memory_space<vmem>> -> memref<1x128xi32, #tpu.memory_space<vmem>>
      %dma_start3A_475 = tpu.memref_squeeze %dma_start3A_474 : memref<1x128xi32, #tpu.memory_space<vmem>> -> memref<128xi32, #tpu.memory_space<vmem>>
      %dma_start3A_476 = arith.constant 0 : i32
      %dma_start3A_477 = tpu.memref_slice %arg14[%dma_start3A_476] : memref<51200xf32, #tpu.memory_space<vmem_shared>> -> memref<51200xf32, #tpu.memory_space<vmem_shared>>
      tpu.enqueue_indirect_dma source(%arg23 : memref<128xf32, #tpu.memory_space<vmem>>) target(%dma_start3A_477 : memref<51200xf32, #tpu.memory_space<vmem_shared>>) offsets(%dma_start3A_475 : memref<128xi32, #tpu.memory_space<vmem>>) semaphore(%arg31 : memref<!tpu.dma_semaphore, #tpu.memory_space<semaphore_mem>>) {add = true}
      %dma_start3A_478 = arith.constant 1 : i32
      %dma_start3A_479 = arith.constant 0 : i32
      %dma_start3A_480 = tpu.memref_slice %arg16[%dma_start3A_478, %dma_start3A_479] : memref<8x128xi32, #tpu.memory_space<vmem>> -> memref<1x128xi32, #tpu.memory_space<vmem>>
      %dma_start3A_481 = tpu.memref_squeeze %dma_start3A_480 : memref<1x128xi32, #tpu.memory_space<vmem>> -> memref<128xi32, #tpu.memory_space<vmem>>
      %dma_start3A_482 = arith.constant 0 : i32
      %dma_start3A_483 = tpu.memref_slice %arg14[%dma_start3A_482] : memref<51200xf32, #tpu.memory_space<vmem_shared>> -> memref<51200xf32, #tpu.memory_space<vmem_shared>>
      tpu.enqueue_indirect_dma source(%arg23 : memref<128xf32, #tpu.memory_space<vmem>>) target(%dma_start3A_483 : memref<51200xf32, #tpu.memory_space<vmem_shared>>) offsets(%dma_start3A_481 : memref<128xi32, #tpu.memory_space<vmem>>) semaphore(%arg32 : memref<!tpu.dma_semaphore, #tpu.memory_space<semaphore_mem>>) {add = true}
      %dma_start3A_484 = arith.constant 2 : i32
      %dma_start3A_485 = arith.constant 0 : i32
      %dma_start3A_486 = tpu.memref_slice %arg16[%dma_start3A_484, %dma_start3A_485] : memref<8x128xi32, #tpu.memory_space<vmem>> -> memref<1x128xi32, #tpu.memory_space<vmem>>
      %dma_start3A_487 = tpu.memref_squeeze %dma_start3A_486 : memref<1x128xi32, #tpu.memory_space<vmem>> -> memref<128xi32, #tpu.memory_space<vmem>>
      %dma_start3A_488 = arith.constant 0 : i32
      %dma_start3A_489 = tpu.memref_slice %arg14[%dma_start3A_488] : memref<51200xf32, #tpu.memory_space<vmem_shared>> -> memref<51200xf32, #tpu.memory_space<vmem_shared>>
      tpu.enqueue_indirect_dma source(%arg23 : memref<128xf32, #tpu.memory_space<vmem>>) target(%dma_start3A_489 : memref<51200xf32, #tpu.memory_space<vmem_shared>>) offsets(%dma_start3A_487 : memref<128xi32, #tpu.memory_space<vmem>>) semaphore(%arg31 : memref<!tpu.dma_semaphore, #tpu.memory_space<semaphore_mem>>) {add = true}
      %dma_start3A_490 = arith.constant 3 : i32
      %dma_start3A_491 = arith.constant 0 : i32
      %dma_start3A_492 = tpu.memref_slice %arg16[%dma_start3A_490, %dma_start3A_491] : memref<8x128xi32, #tpu.memory_space<vmem>> -> memref<1x128xi32, #tpu.memory_space<vmem>>
      %dma_start3A_493 = tpu.memref_squeeze %dma_start3A_492 : memref<1x128xi32, #tpu.memory_space<vmem>> -> memref<128xi32, #tpu.memory_space<vmem>>
      %dma_start3A_494 = arith.constant 0 : i32
      %dma_start3A_495 = tpu.memref_slice %arg14[%dma_start3A_494] : memref<51200xf32, #tpu.memory_space<vmem_shared>> -> memref<51200xf32, #tpu.memory_space<vmem_shared>>
      tpu.enqueue_indirect_dma source(%arg23 : memref<128xf32, #tpu.memory_space<vmem>>) target(%dma_start3A_495 : memref<51200xf32, #tpu.memory_space<vmem_shared>>) offsets(%dma_start3A_493 : memref<128xi32, #tpu.memory_space<vmem>>) semaphore(%arg32 : memref<!tpu.dma_semaphore, #tpu.memory_space<semaphore_mem>>) {add = true}
      %dma_start3A_496 = arith.constant 4 : i32
      %dma_start3A_497 = arith.constant 0 : i32
      %dma_start3A_498 = tpu.memref_slice %arg16[%dma_start3A_496, %dma_start3A_497] : memref<8x128xi32, #tpu.memory_space<vmem>> -> memref<1x128xi32, #tpu.memory_space<vmem>>
      %dma_start3A_499 = tpu.memref_squeeze %dma_start3A_498 : memref<1x128xi32, #tpu.memory_space<vmem>> -> memref<128xi32, #tpu.memory_space<vmem>>
      %dma_start3A_500 = arith.constant 0 : i32
      %dma_start3A_501 = tpu.memref_slice %arg14[%dma_start3A_500] : memref<51200xf32, #tpu.memory_space<vmem_shared>> -> memref<51200xf32, #tpu.memory_space<vmem_shared>>
      tpu.enqueue_indirect_dma source(%arg23 : memref<128xf32, #tpu.memory_space<vmem>>) target(%dma_start3A_501 : memref<51200xf32, #tpu.memory_space<vmem_shared>>) offsets(%dma_start3A_499 : memref<128xi32, #tpu.memory_space<vmem>>) semaphore(%arg31 : memref<!tpu.dma_semaphore, #tpu.memory_space<semaphore_mem>>) {add = true}
      %dma_start3A_502 = arith.constant 5 : i32
      %dma_start3A_503 = arith.constant 0 : i32
      %dma_start3A_504 = tpu.memref_slice %arg16[%dma_start3A_502, %dma_start3A_503] : memref<8x128xi32, #tpu.memory_space<vmem>> -> memref<1x128xi32, #tpu.memory_space<vmem>>
      %dma_start3A_505 = tpu.memref_squeeze %dma_start3A_504 : memref<1x128xi32, #tpu.memory_space<vmem>> -> memref<128xi32, #tpu.memory_space<vmem>>
      %dma_start3A_506 = arith.constant 0 : i32
      %dma_start3A_507 = tpu.memref_slice %arg14[%dma_start3A_506] : memref<51200xf32, #tpu.memory_space<vmem_shared>> -> memref<51200xf32, #tpu.memory_space<vmem_shared>>
      tpu.enqueue_indirect_dma source(%arg23 : memref<128xf32, #tpu.memory_space<vmem>>) target(%dma_start3A_507 : memref<51200xf32, #tpu.memory_space<vmem_shared>>) offsets(%dma_start3A_505 : memref<128xi32, #tpu.memory_space<vmem>>) semaphore(%arg32 : memref<!tpu.dma_semaphore, #tpu.memory_space<semaphore_mem>>) {add = true}
      %dma_start3A_508 = arith.constant 6 : i32
      %dma_start3A_509 = arith.constant 0 : i32
      %dma_start3A_510 = tpu.memref_slice %arg16[%dma_start3A_508, %dma_start3A_509] : memref<8x128xi32, #tpu.memory_space<vmem>> -> memref<1x128xi32, #tpu.memory_space<vmem>>
      %dma_start3A_511 = tpu.memref_squeeze %dma_start3A_510 : memref<1x128xi32, #tpu.memory_space<vmem>> -> memref<128xi32, #tpu.memory_space<vmem>>
      %dma_start3A_512 = arith.constant 0 : i32
      %dma_start3A_513 = tpu.memref_slice %arg14[%dma_start3A_512] : memref<51200xf32, #tpu.memory_space<vmem_shared>> -> memref<51200xf32, #tpu.memory_space<vmem_shared>>
      tpu.enqueue_indirect_dma source(%arg23 : memref<128xf32, #tpu.memory_space<vmem>>) target(%dma_start3A_513 : memref<51200xf32, #tpu.memory_space<vmem_shared>>) offsets(%dma_start3A_511 : memref<128xi32, #tpu.memory_space<vmem>>) semaphore(%arg31 : memref<!tpu.dma_semaphore, #tpu.memory_space<semaphore_mem>>) {add = true}
      %dma_start3A_514 = arith.constant 7 : i32
      %dma_start3A_515 = arith.constant 0 : i32
      %dma_start3A_516 = tpu.memref_slice %arg16[%dma_start3A_514, %dma_start3A_515] : memref<8x128xi32, #tpu.memory_space<vmem>> -> memref<1x128xi32, #tpu.memory_space<vmem>>
      %dma_start3A_517 = tpu.memref_squeeze %dma_start3A_516 : memref<1x128xi32, #tpu.memory_space<vmem>> -> memref<128xi32, #tpu.memory_space<vmem>>
      %dma_start3A_518 = arith.constant 0 : i32
      %dma_start3A_519 = tpu.memref_slice %arg14[%dma_start3A_518] : memref<51200xf32, #tpu.memory_space<vmem_shared>> -> memref<51200xf32, #tpu.memory_space<vmem_shared>>
      tpu.enqueue_indirect_dma source(%arg23 : memref<128xf32, #tpu.memory_space<vmem>>) target(%dma_start3A_519 : memref<51200xf32, #tpu.memory_space<vmem_shared>>) offsets(%dma_start3A_517 : memref<128xi32, #tpu.memory_space<vmem>>) semaphore(%arg32 : memref<!tpu.dma_semaphore, #tpu.memory_space<semaphore_mem>>) {add = true}
      %dma_wait3A_520 = arith.constant 0 : i32
      %dma_wait3A_521 = arith.constant 0 : i32
      %dma_wait3A_522 = tpu.memref_slice %arg16[%dma_wait3A_520, %dma_wait3A_521] : memref<8x128xi32, #tpu.memory_space<vmem>> -> memref<1x128xi32, #tpu.memory_space<vmem>>
      %dma_wait3A_523 = tpu.memref_squeeze %dma_wait3A_522 : memref<1x128xi32, #tpu.memory_space<vmem>> -> memref<128xi32, #tpu.memory_space<vmem>>
      %dma_wait3A_524 = arith.constant 0 : i32
      %dma_wait3A_525 = tpu.memref_slice %arg14[%dma_wait3A_524] : memref<51200xf32, #tpu.memory_space<vmem_shared>> -> memref<51200xf32, #tpu.memory_space<vmem_shared>>
      tpu.wait_indirect_dma semaphore(%arg31 : memref<!tpu.dma_semaphore, #tpu.memory_space<semaphore_mem>>) src(%arg23 : memref<128xf32, #tpu.memory_space<vmem>>) dst(%dma_wait3A_525 : memref<51200xf32, #tpu.memory_space<vmem_shared>>)
      %dma_wait3A_526 = arith.constant 1 : i32
      %dma_wait3A_527 = arith.constant 0 : i32
      %dma_wait3A_528 = tpu.memref_slice %arg16[%dma_wait3A_526, %dma_wait3A_527] : memref<8x128xi32, #tpu.memory_space<vmem>> -> memref<1x128xi32, #tpu.memory_space<vmem>>
      %dma_wait3A_529 = tpu.memref_squeeze %dma_wait3A_528 : memref<1x128xi32, #tpu.memory_space<vmem>> -> memref<128xi32, #tpu.memory_space<vmem>>
      %dma_wait3A_530 = arith.constant 0 : i32
      %dma_wait3A_531 = tpu.memref_slice %arg14[%dma_wait3A_530] : memref<51200xf32, #tpu.memory_space<vmem_shared>> -> memref<51200xf32, #tpu.memory_space<vmem_shared>>
      tpu.wait_indirect_dma semaphore(%arg32 : memref<!tpu.dma_semaphore, #tpu.memory_space<semaphore_mem>>) src(%arg23 : memref<128xf32, #tpu.memory_space<vmem>>) dst(%dma_wait3A_531 : memref<51200xf32, #tpu.memory_space<vmem_shared>>)
      %dma_wait3A_532 = arith.constant 2 : i32
      %dma_wait3A_533 = arith.constant 0 : i32
      %dma_wait3A_534 = tpu.memref_slice %arg16[%dma_wait3A_532, %dma_wait3A_533] : memref<8x128xi32, #tpu.memory_space<vmem>> -> memref<1x128xi32, #tpu.memory_space<vmem>>
      %dma_wait3A_535 = tpu.memref_squeeze %dma_wait3A_534 : memref<1x128xi32, #tpu.memory_space<vmem>> -> memref<128xi32, #tpu.memory_space<vmem>>
      %dma_wait3A_536 = arith.constant 0 : i32
      %dma_wait3A_537 = tpu.memref_slice %arg14[%dma_wait3A_536] : memref<51200xf32, #tpu.memory_space<vmem_shared>> -> memref<51200xf32, #tpu.memory_space<vmem_shared>>
      tpu.wait_indirect_dma semaphore(%arg31 : memref<!tpu.dma_semaphore, #tpu.memory_space<semaphore_mem>>) src(%arg23 : memref<128xf32, #tpu.memory_space<vmem>>) dst(%dma_wait3A_537 : memref<51200xf32, #tpu.memory_space<vmem_shared>>)
      %dma_wait3A_538 = arith.constant 3 : i32
      %dma_wait3A_539 = arith.constant 0 : i32
      %dma_wait3A_540 = tpu.memref_slice %arg16[%dma_wait3A_538, %dma_wait3A_539] : memref<8x128xi32, #tpu.memory_space<vmem>> -> memref<1x128xi32, #tpu.memory_space<vmem>>
      %dma_wait3A_541 = tpu.memref_squeeze %dma_wait3A_540 : memref<1x128xi32, #tpu.memory_space<vmem>> -> memref<128xi32, #tpu.memory_space<vmem>>
      %dma_wait3A_542 = arith.constant 0 : i32
      %dma_wait3A_543 = tpu.memref_slice %arg14[%dma_wait3A_542] : memref<51200xf32, #tpu.memory_space<vmem_shared>> -> memref<51200xf32, #tpu.memory_space<vmem_shared>>
      tpu.wait_indirect_dma semaphore(%arg32 : memref<!tpu.dma_semaphore, #tpu.memory_space<semaphore_mem>>) src(%arg23 : memref<128xf32, #tpu.memory_space<vmem>>) dst(%dma_wait3A_543 : memref<51200xf32, #tpu.memory_space<vmem_shared>>)
      %dma_wait3A_544 = arith.constant 4 : i32
      %dma_wait3A_545 = arith.constant 0 : i32
      %dma_wait3A_546 = tpu.memref_slice %arg16[%dma_wait3A_544, %dma_wait3A_545] : memref<8x128xi32, #tpu.memory_space<vmem>> -> memref<1x128xi32, #tpu.memory_space<vmem>>
      %dma_wait3A_547 = tpu.memref_squeeze %dma_wait3A_546 : memref<1x128xi32, #tpu.memory_space<vmem>> -> memref<128xi32, #tpu.memory_space<vmem>>
      %dma_wait3A_548 = arith.constant 0 : i32
      %dma_wait3A_549 = tpu.memref_slice %arg14[%dma_wait3A_548] : memref<51200xf32, #tpu.memory_space<vmem_shared>> -> memref<51200xf32, #tpu.memory_space<vmem_shared>>
      tpu.wait_indirect_dma semaphore(%arg31 : memref<!tpu.dma_semaphore, #tpu.memory_space<semaphore_mem>>) src(%arg23 : memref<128xf32, #tpu.memory_space<vmem>>) dst(%dma_wait3A_549 : memref<51200xf32, #tpu.memory_space<vmem_shared>>)
      %dma_wait3A_550 = arith.constant 5 : i32
      %dma_wait3A_551 = arith.constant 0 : i32
      %dma_wait3A_552 = tpu.memref_slice %arg16[%dma_wait3A_550, %dma_wait3A_551] : memref<8x128xi32, #tpu.memory_space<vmem>> -> memref<1x128xi32, #tpu.memory_space<vmem>>
      %dma_wait3A_553 = tpu.memref_squeeze %dma_wait3A_552 : memref<1x128xi32, #tpu.memory_space<vmem>> -> memref<128xi32, #tpu.memory_space<vmem>>
      %dma_wait3A_554 = arith.constant 0 : i32
      %dma_wait3A_555 = tpu.memref_slice %arg14[%dma_wait3A_554] : memref<51200xf32, #tpu.memory_space<vmem_shared>> -> memref<51200xf32, #tpu.memory_space<vmem_shared>>
      tpu.wait_indirect_dma semaphore(%arg32 : memref<!tpu.dma_semaphore, #tpu.memory_space<semaphore_mem>>) src(%arg23 : memref<128xf32, #tpu.memory_space<vmem>>) dst(%dma_wait3A_555 : memref<51200xf32, #tpu.memory_space<vmem_shared>>)
      %dma_wait3A_556 = arith.constant 6 : i32
      %dma_wait3A_557 = arith.constant 0 : i32
      %dma_wait3A_558 = tpu.memref_slice %arg16[%dma_wait3A_556, %dma_wait3A_557] : memref<8x128xi32, #tpu.memory_space<vmem>> -> memref<1x128xi32, #tpu.memory_space<vmem>>
      %dma_wait3A_559 = tpu.memref_squeeze %dma_wait3A_558 : memref<1x128xi32, #tpu.memory_space<vmem>> -> memref<128xi32, #tpu.memory_space<vmem>>
      %dma_wait3A_560 = arith.constant 0 : i32
      %dma_wait3A_561 = tpu.memref_slice %arg14[%dma_wait3A_560] : memref<51200xf32, #tpu.memory_space<vmem_shared>> -> memref<51200xf32, #tpu.memory_space<vmem_shared>>
      tpu.wait_indirect_dma semaphore(%arg31 : memref<!tpu.dma_semaphore, #tpu.memory_space<semaphore_mem>>) src(%arg23 : memref<128xf32, #tpu.memory_space<vmem>>) dst(%dma_wait3A_561 : memref<51200xf32, #tpu.memory_space<vmem_shared>>)
      %dma_wait3A_562 = arith.constant 7 : i32
      %dma_wait3A_563 = arith.constant 0 : i32
      %dma_wait3A_564 = tpu.memref_slice %arg16[%dma_wait3A_562, %dma_wait3A_563] : memref<8x128xi32, #tpu.memory_space<vmem>> -> memref<1x128xi32, #tpu.memory_space<vmem>>
      %dma_wait3A_565 = tpu.memref_squeeze %dma_wait3A_564 : memref<1x128xi32, #tpu.memory_space<vmem>> -> memref<128xi32, #tpu.memory_space<vmem>>
      %dma_wait3A_566 = arith.constant 0 : i32
      %dma_wait3A_567 = tpu.memref_slice %arg14[%dma_wait3A_566] : memref<51200xf32, #tpu.memory_space<vmem_shared>> -> memref<51200xf32, #tpu.memory_space<vmem_shared>>
      tpu.wait_indirect_dma semaphore(%arg32 : memref<!tpu.dma_semaphore, #tpu.memory_space<semaphore_mem>>) src(%arg23 : memref<128xf32, #tpu.memory_space<vmem>>) dst(%dma_wait3A_567 : memref<51200xf32, #tpu.memory_space<vmem_shared>>)
      %scan3A_568 = arith.constant 0 : i32
      scf.yield %scan3A_568 : i32
    }
    %scan3A_63 = arith.constant 49 : i32
    %barrier3A_64 = arith.constant 0 : index
    tpu.barrier barrier_id(%barrier3A_64)
    "tpu.region"() ({
      %run_scoped3A = tpu.sem_alloc : memref<!tpu.dma_semaphore, #tpu.memory_space<semaphore_mem>>
      %dma_start3A_467 = tpu.memref_slice %arg14[%mul3A_0] : memref<51200xf32, #tpu.memory_space<vmem_shared>> -> memref<3200xf32, #tpu.memory_space<vmem_shared>>
      %dma_start3A_468 = tpu.memref_slice %arg14[%mul3A_0] : memref<51200xf32, #tpu.memory_space<vmem_shared>> -> memref<3200xf32, #tpu.memory_space<vmem_shared>>
      tpu.enqueue_dma source(%dma_start3A_468 : memref<3200xf32, #tpu.memory_space<vmem_shared>>) target(%arg22 : memref<3200xf32, #tpu.memory_space<vmem>>) target_semaphore(%run_scoped3A : memref<!tpu.dma_semaphore, #tpu.memory_space<semaphore_mem>>)
      %dma_wait3A_469 = tpu.memref_slice %arg14[%mul3A_0] : memref<51200xf32, #tpu.memory_space<vmem_shared>> -> memref<3200xf32, #tpu.memory_space<vmem_shared>>
      %dma_wait3A_470 = tpu.memref_slice %arg14[%mul3A_0] : memref<51200xf32, #tpu.memory_space<vmem_shared>> -> memref<3200xf32, #tpu.memory_space<vmem_shared>>
      tpu.wait_dma2 semaphore(%run_scoped3A : memref<!tpu.dma_semaphore, #tpu.memory_space<semaphore_mem>>) src(%dma_wait3A_470 : memref<3200xf32, #tpu.memory_space<vmem_shared>>) dst(%arg22 : memref<3200xf32, #tpu.memory_space<vmem>>)
      tpu.yield
    }) : () -> ()
    %scan3A_65 = arith.constant 0 : i32
    %scan3A_66 = arith.constant 0 : i32
    %scan3A_67 = arith.constant 200 : i32
    %scan3A_68 = arith.addi %scan3A_66, %scan3A_67 : i32
    %scan3A_69 = arith.constant 1 : i32
    %scan3A_70 = scf.for %scan3A_467 = %scan3A_66 to %scan3A_68 step %scan3A_69 iter_args(%scan3A_468 = %scan3A_65) -> (i32)  : i32 {
      %mul3A_469 = arith.constant 16 : i32
      %mul3A_470 = arith.muli %scan3A_467, %mul3A_469 : i32
      %get3A = arith.index_cast %mul3A_470 : i32 to index
      %get3A_471 = tpu.vector_load %arg22[%get3A] {strides = array<i32>} : memref<3200xf32, #tpu.memory_space<vmem>>, vector<16xf32>,
      %bitcast_convert_type3A = tpu.bitcast %get3A_471 : vector<16xf32> -> vector<16xi32>
      %shift_right_arithmetic3A = arith.constant 1 : i32
      %shift_right_arithmetic3A_472 = vector.broadcast %shift_right_arithmetic3A : i32 to vector<16xi32>
      %shift_right_arithmetic3A_473 = arith.shrsi %bitcast_convert_type3A, %shift_right_arithmetic3A_472 : vector<16xi32>
      %sub3A = arith.constant 1597463007 : i32
      %sub3A_474 = vector.broadcast %sub3A : i32 to vector<16xi32>
      %sub3A_475 = arith.subi %sub3A_474, %shift_right_arithmetic3A_473 : vector<16xi32>
      %bitcast_convert_type3A_476 = tpu.bitcast %sub3A_475 : vector<16xi32> -> vector<16xf32>
      %mul3A_477 = arith.constant 5.000000e-01 : f32
      %mul3A_478 = vector.broadcast %mul3A_477 : f32 to vector<16xf32>
      %mul3A_479 = arith.mulf %mul3A_478, %get3A_471 : vector<16xf32>
      %mul3A_480 = arith.mulf %mul3A_479, %bitcast_convert_type3A_476 : vector<16xf32>
      %mul3A_481 = arith.mulf %mul3A_480, %bitcast_convert_type3A_476 : vector<16xf32>
      %sub3A_482 = arith.constant 1.500000e+00 : f32
      %sub3A_483 = vector.broadcast %sub3A_482 : f32 to vector<16xf32>
      %sub3A_484 = arith.subf %sub3A_483, %mul3A_481 : vector<16xf32>
      %mul3A_485 = arith.mulf %bitcast_convert_type3A_476, %sub3A_484 : vector<16xf32>
      %mul3A_486 = arith.constant 5.000000e-01 : f32
      %mul3A_487 = vector.broadcast %mul3A_486 : f32 to vector<16xf32>
      %mul3A_488 = arith.mulf %mul3A_487, %get3A_471 : vector<16xf32>
      %mul3A_489 = arith.mulf %mul3A_488, %mul3A_485 : vector<16xf32>
      %mul3A_490 = arith.mulf %mul3A_489, %mul3A_485 : vector<16xf32>
      %sub3A_491 = arith.constant 1.500000e+00 : f32
      %sub3A_492 = vector.broadcast %sub3A_491 : f32 to vector<16xf32>
      %sub3A_493 = arith.subf %sub3A_492, %mul3A_490 : vector<16xf32>
      %mul3A_494 = arith.mulf %mul3A_485, %sub3A_493 : vector<16xf32>
      %mul3A_495 = arith.constant 5.000000e-01 : f32
      %mul3A_496 = vector.broadcast %mul3A_495 : f32 to vector<16xf32>
      %mul3A_497 = arith.mulf %mul3A_496, %get3A_471 : vector<16xf32>
      %mul3A_498 = arith.mulf %mul3A_497, %mul3A_494 : vector<16xf32>
      %mul3A_499 = arith.mulf %mul3A_498, %mul3A_494 : vector<16xf32>
      %sub3A_500 = arith.constant 1.500000e+00 : f32
      %sub3A_501 = vector.broadcast %sub3A_500 : f32 to vector<16xf32>
      %sub3A_502 = arith.subf %sub3A_501, %mul3A_499 : vector<16xf32>
      %mul3A_503 = arith.mulf %mul3A_494, %sub3A_502 : vector<16xf32>
      %gt3A = arith.constant 0.000000e+00 : f32
      %gt3A_504 = vector.broadcast %gt3A : f32 to vector<16xf32>
      %gt3A_505 = arith.cmpf ogt, %get3A_471, %gt3A_504 : vector<16xf32>
      %jit3A = arith.constant 0.000000e+00 : f32
      %broadcast_in_dim3A_506 = vector.broadcast %jit3A : f32 to vector<16xf32>
      %select_n3A = arith.select %gt3A_505, %mul3A_503, %broadcast_in_dim3A_506 : vector<16xi1>, vector<16xf32>
      %mul3A_507 = arith.constant 16 : i32
      %mul3A_508 = arith.muli %scan3A_467, %mul3A_507 : i32
      %swap3A_509 = arith.index_cast %mul3A_508 : i32 to index
      %swap3A_510 = tpu.vector_load %arg22[%swap3A_509] {strides = array<i32>} : memref<3200xf32, #tpu.memory_space<vmem>>, vector<16xf32>,
      tpu.vector_store %arg22[%swap3A_509], %select_n3A {strides = array<i32>} : memref<3200xf32, #tpu.memory_space<vmem>>, vector<16xf32>,
      %scan3A_511 = arith.constant 0 : i32
      scf.yield %scan3A_511 : i32
    }
    %scan3A_71 = arith.constant 200 : i32
    %iota3A = tpu.iota {dimensions = array<i32: 0>} : vector<16xi32>
    %eq3A = arith.constant 0 : i32
    %eq3A_72 = vector.broadcast %eq3A : i32 to vector<16xi32>
    %eq3A_73 = arith.cmpi eq, %iota3A, %eq3A_72 : vector<16xi32>
    %scan3A_74 = arith.constant 0 : i32
    %scan3A_75 = arith.constant 0 : i32
    %scan3A_76 = arith.constant 50 : i32
    %scan3A_77 = arith.addi %scan3A_75, %scan3A_76 : i32
    %scan3A_78 = arith.constant 1 : i32
    %scan3A_79 = scf.for %scan3A_467 = %scan3A_75 to %scan3A_77 step %scan3A_78 iter_args(%scan3A_468 = %scan3A_74) -> (i32)  : i32 {
      %mul3A_469 = arith.constant 64 : i32
      %mul3A_470 = arith.muli %scan3A_467, %mul3A_469 : i32
      %add3A_471 = arith.addi %mul3A_0, %mul3A_470 : i32
      %add3A_472 = arith.constant 64 : i32
      %add3A_473 = arith.addi %add3A_471, %add3A_472 : i32
      %le3A = arith.constant 25000 : i32
      %le3A_474 = arith.cmpi sle, %add3A_473, %le3A : i32
      %convert_element_type3A = arith.extui %le3A_474 : i1 to i32
      %cond3A = arith.constant 0 : i32
      %cond3A_475 = arith.cmpi ne, %convert_element_type3A, %cond3A : i32
      scf.if %cond3A_475 {
        %mul3A_500 = arith.constant 32 : i32
        %mul3A_501 = arith.muli %arg0, %mul3A_500 : i32
        "tpu.region"() ({
          %run_scoped3A = tpu.sem_alloc : memref<!tpu.dma_semaphore, #tpu.memory_space<semaphore_mem>>
          %dma_start3A_517 = tpu.memref_slice %arg2[%add3A_471, %mul3A_501] : memref<25000x64xf32, #tpu.memory_space<hbm>> -> memref<64x32xf32, #tpu.memory_space<hbm>>
          %dma_start3A_518 = tpu.memref_slice %arg2[%add3A_471, %mul3A_501] : memref<25000x64xf32, #tpu.memory_space<hbm>> -> memref<64x32xf32, #tpu.memory_space<hbm>>
          tpu.enqueue_dma source(%dma_start3A_518 : memref<64x32xf32, #tpu.memory_space<hbm>>) target(%arg21 : memref<64x32xf32, #tpu.memory_space<vmem>>) target_semaphore(%run_scoped3A : memref<!tpu.dma_semaphore, #tpu.memory_space<semaphore_mem>>)
          %dma_wait3A_519 = tpu.memref_slice %arg2[%add3A_471, %mul3A_501] : memref<25000x64xf32, #tpu.memory_space<hbm>> -> memref<64x32xf32, #tpu.memory_space<hbm>>
          %dma_wait3A_520 = tpu.memref_slice %arg2[%add3A_471, %mul3A_501] : memref<25000x64xf32, #tpu.memory_space<hbm>> -> memref<64x32xf32, #tpu.memory_space<hbm>>
          tpu.wait_dma2 semaphore(%run_scoped3A : memref<!tpu.dma_semaphore, #tpu.memory_space<semaphore_mem>>) src(%dma_wait3A_520 : memref<64x32xf32, #tpu.memory_space<hbm>>) dst(%arg21 : memref<64x32xf32, #tpu.memory_space<vmem>>)
          tpu.yield
        }) : () -> ()
        %lt3A_502 = arith.constant 8 : i32
        %lt3A_503 = arith.cmpi slt, %arg1, %lt3A_502 : i32
        %convert_element_type3A_504 = arith.extui %lt3A_503 : i1 to i32
        %cond3A_505 = arith.constant 0 : i32
        %cond3A_506 = arith.cmpi ne, %convert_element_type3A_504, %cond3A_505 : i32
        scf.if %cond3A_506 {
          %mul3A_517 = arith.constant 25600 : i32
          %mul3A_518 = arith.muli %arg0, %mul3A_517 : i32
          %add3A_519 = arith.addi %mul3A_518, %add3A_471 : i32
          "tpu.region"() ({
            %run_scoped3A = tpu.sem_alloc : memref<!tpu.dma_semaphore, #tpu.memory_space<semaphore_mem>>
            %dma_start3A_520 = arith.constant 0 : i32
            %dma_start3A_521 = tpu.memref_slice %arg12[%add3A_519, %dma_start3A_520] : memref<51200x32xf32, #tpu.memory_space<hbm>> -> memref<64x32xf32, #tpu.memory_space<hbm>>
            %dma_start3A_522 = arith.constant 0 : i32
            %dma_start3A_523 = tpu.memref_slice %arg12[%add3A_519, %dma_start3A_522] : memref<51200x32xf32, #tpu.memory_space<hbm>> -> memref<64x32xf32, #tpu.memory_space<hbm>>
            tpu.enqueue_dma source(%arg21 : memref<64x32xf32, #tpu.memory_space<vmem>>) target(%dma_start3A_523 : memref<64x32xf32, #tpu.memory_space<hbm>>) target_semaphore(%run_scoped3A : memref<!tpu.dma_semaphore, #tpu.memory_space<semaphore_mem>>)
            %dma_wait3A_524 = arith.constant 0 : i32
            %dma_wait3A_525 = tpu.memref_slice %arg12[%add3A_519, %dma_wait3A_524] : memref<51200x32xf32, #tpu.memory_space<hbm>> -> memref<64x32xf32, #tpu.memory_space<hbm>>
            %dma_wait3A_526 = arith.constant 0 : i32
            %dma_wait3A_527 = tpu.memref_slice %arg12[%add3A_519, %dma_wait3A_526] : memref<51200x32xf32, #tpu.memory_space<hbm>> -> memref<64x32xf32, #tpu.memory_space<hbm>>
            tpu.wait_dma2 semaphore(%run_scoped3A : memref<!tpu.dma_semaphore, #tpu.memory_space<semaphore_mem>>) src(%arg21 : memref<64x32xf32, #tpu.memory_space<vmem>>) dst(%dma_wait3A_527 : memref<64x32xf32, #tpu.memory_space<hbm>>)
            tpu.yield
          }) : () -> ()
        } else {
        }
        %scan3A_507 = arith.constant 0 : i32
        %scan3A_508 = arith.constant 0 : i32
        %scan3A_509 = arith.constant 64 : i32
        %scan3A_510 = arith.addi %scan3A_508, %scan3A_509 : i32
        %scan3A_511 = arith.constant 1 : i32
        %scan3A_512 = scf.for %scan3A_517 = %scan3A_508 to %scan3A_510 step %scan3A_511 iter_args(%scan3A_518 = %scan3A_507) -> (i32)  : i32 {
          %mul3A_519 = arith.constant 64 : i32
          %mul3A_520 = arith.muli %scan3A_467, %mul3A_519 : i32
          %add3A_521 = arith.addi %mul3A_520, %scan3A_517 : i32
          %broadcast_in_dim3A_522 = arith.constant 0 : i32
          %broadcast_in_dim3A_523 = vector.broadcast %broadcast_in_dim3A_522 : i32 to vector<16xi32>
          %add3A_524 = vector.broadcast %add3A_521 : i32 to vector<16xi32>
          %add3A_525 = arith.addi %broadcast_in_dim3A_523, %add3A_524 : vector<16xi32>
          %gather3A = tpu.vector_load_idx %arg22[%add3A_525] : memref<3200xf32, #tpu.memory_space<vmem>>[vector<16xi32>], vector<16xf32>,
          %get3A = arith.index_cast %scan3A_517 : i32 to index
          %get3A_526 = arith.constant 0 : index
          %get3A_527 = tpu.vector_load %arg21[%get3A, %get3A_526] {strides = array<i32>} : memref<64x32xf32, #tpu.memory_space<vmem>>, vector<16xf32>,
          %mul3A_528 = arith.mulf %get3A_527, %gather3A : vector<16xf32>
          %swap3A_529 = arith.index_cast %scan3A_517 : i32 to index
          %swap3A_530 = arith.constant 0 : index
          %swap3A_531 = tpu.vector_load %arg21[%swap3A_529, %swap3A_530] {strides = array<i32>} : memref<64x32xf32, #tpu.memory_space<vmem>>, vector<16xf32>,
          tpu.vector_store %arg21[%swap3A_529, %swap3A_530], %mul3A_528 {strides = array<i32>} : memref<64x32xf32, #tpu.memory_space<vmem>>, vector<16xf32>,
          %get3A_532 = arith.index_cast %scan3A_517 : i32 to index
          %get3A_533 = arith.constant 16 : index
          %get3A_534 = tpu.vector_load %arg21[%get3A_532, %get3A_533] {strides = array<i32>} : memref<64x32xf32, #tpu.memory_space<vmem>>, vector<16xf32>,
          %mul3A_535 = arith.mulf %get3A_534, %gather3A : vector<16xf32>
          %swap3A_536 = arith.index_cast %scan3A_517 : i32 to index
          %swap3A_537 = arith.constant 16 : index
          %swap3A_538 = tpu.vector_load %arg21[%swap3A_536, %swap3A_537] {strides = array<i32>} : memref<64x32xf32, #tpu.memory_space<vmem>>, vector<16xf32>,
          tpu.vector_store %arg21[%swap3A_536, %swap3A_537], %mul3A_535 {strides = array<i32>} : memref<64x32xf32, #tpu.memory_space<vmem>>, vector<16xf32>,
          %scan3A_539 = arith.constant 0 : i32
          scf.yield %scan3A_539 : i32
        }
        %scan3A_513 = arith.constant 64 : i32
        %mul3A_514 = arith.constant 51200 : i32
        %mul3A_515 = arith.muli %arg0, %mul3A_514 : i32
        %add3A_516 = arith.addi %mul3A_515, %add3A_471 : i32
        "tpu.region"() ({
          %run_scoped3A = tpu.sem_alloc : memref<!tpu.dma_semaphore, #tpu.memory_space<semaphore_mem>>
          %dma_start3A_517 = arith.constant 0 : i32
          %dma_start3A_518 = tpu.memref_slice %arg10[%add3A_516, %dma_start3A_517] : memref<102400x32xf32, #tpu.memory_space<hbm>> -> memref<64x32xf32, #tpu.memory_space<hbm>>
          %dma_start3A_519 = arith.constant 0 : i32
          %dma_start3A_520 = tpu.memref_slice %arg10[%add3A_516, %dma_start3A_519] : memref<102400x32xf32, #tpu.memory_space<hbm>> -> memref<64x32xf32, #tpu.memory_space<hbm>>
          tpu.enqueue_dma source(%arg21 : memref<64x32xf32, #tpu.memory_space<vmem>>) target(%dma_start3A_520 : memref<64x32xf32, #tpu.memory_space<hbm>>) target_semaphore(%run_scoped3A : memref<!tpu.dma_semaphore, #tpu.memory_space<semaphore_mem>>)
          %dma_wait3A_521 = arith.constant 0 : i32
          %dma_wait3A_522 = tpu.memref_slice %arg10[%add3A_516, %dma_wait3A_521] : memref<102400x32xf32, #tpu.memory_space<hbm>> -> memref<64x32xf32, #tpu.memory_space<hbm>>
          %dma_wait3A_523 = arith.constant 0 : i32
          %dma_wait3A_524 = tpu.memref_slice %arg10[%add3A_516, %dma_wait3A_523] : memref<102400x32xf32, #tpu.memory_space<hbm>> -> memref<64x32xf32, #tpu.memory_space<hbm>>
          tpu.wait_dma2 semaphore(%run_scoped3A : memref<!tpu.dma_semaphore, #tpu.memory_space<semaphore_mem>>) src(%arg21 : memref<64x32xf32, #tpu.memory_space<vmem>>) dst(%dma_wait3A_524 : memref<64x32xf32, #tpu.memory_space<hbm>>)
          tpu.yield
        }) : () -> ()
      } else {
      }
      %lt3A = arith.constant 25000 : i32
      %lt3A_476 = arith.cmpi slt, %add3A_471, %lt3A : i32
      %add3A_477 = arith.constant 64 : i32
      %add3A_478 = arith.addi %add3A_471, %add3A_477 : i32
      %gt3A = arith.constant 25000 : i32
      %gt3A_479 = arith.cmpi sgt, %add3A_478, %gt3A : i32
      %and3A = arith.andi %lt3A_476, %gt3A_479 : i1
      %convert_element_type3A_480 = arith.extui %and3A : i1 to i32
      %cond3A_481 = arith.constant 0 : i32
      %cond3A_482 = arith.cmpi ne, %convert_element_type3A_480, %cond3A_481 : i32
      scf.if %cond3A_482 {
        %mul3A_500 = arith.constant 32 : i32
        %mul3A_501 = arith.muli %arg0, %mul3A_500 : i32
        "tpu.region"() ({
          %run_scoped3A = tpu.sem_alloc : memref<!tpu.dma_semaphore, #tpu.memory_space<semaphore_mem>>
          %dma_start3A_522 = arith.constant 0 : i32
          %dma_start3A_523 = arith.constant 0 : i32
          %dma_start3A_524 = tpu.memref_slice %arg21[%dma_start3A_522, %dma_start3A_523] : memref<64x32xf32, #tpu.memory_space<vmem>> -> memref<40x32xf32, #tpu.memory_space<vmem>>
          %dma_start3A_525 = tpu.memref_slice %arg2[%add3A_471, %mul3A_501] : memref<25000x64xf32, #tpu.memory_space<hbm>> -> memref<40x32xf32, #tpu.memory_space<hbm>>
          %dma_start3A_526 = arith.constant 0 : i32
          %dma_start3A_527 = arith.constant 0 : i32
          %dma_start3A_528 = tpu.memref_slice %arg21[%dma_start3A_526, %dma_start3A_527] : memref<64x32xf32, #tpu.memory_space<vmem>> -> memref<40x32xf32, #tpu.memory_space<vmem>>
          %dma_start3A_529 = tpu.memref_slice %arg2[%add3A_471, %mul3A_501] : memref<25000x64xf32, #tpu.memory_space<hbm>> -> memref<40x32xf32, #tpu.memory_space<hbm>>
          tpu.enqueue_dma source(%dma_start3A_529 : memref<40x32xf32, #tpu.memory_space<hbm>>) target(%dma_start3A_528 : memref<40x32xf32, #tpu.memory_space<vmem>>) target_semaphore(%run_scoped3A : memref<!tpu.dma_semaphore, #tpu.memory_space<semaphore_mem>>)
          %dma_wait3A_530 = arith.constant 0 : i32
          %dma_wait3A_531 = arith.constant 0 : i32
          %dma_wait3A_532 = tpu.memref_slice %arg21[%dma_wait3A_530, %dma_wait3A_531] : memref<64x32xf32, #tpu.memory_space<vmem>> -> memref<40x32xf32, #tpu.memory_space<vmem>>
          %dma_wait3A_533 = tpu.memref_slice %arg2[%add3A_471, %mul3A_501] : memref<25000x64xf32, #tpu.memory_space<hbm>> -> memref<40x32xf32, #tpu.memory_space<hbm>>
          %dma_wait3A_534 = arith.constant 0 : i32
          %dma_wait3A_535 = arith.constant 0 : i32
          %dma_wait3A_536 = tpu.memref_slice %arg21[%dma_wait3A_534, %dma_wait3A_535] : memref<64x32xf32, #tpu.memory_space<vmem>> -> memref<40x32xf32, #tpu.memory_space<vmem>>
          %dma_wait3A_537 = tpu.memref_slice %arg2[%add3A_471, %mul3A_501] : memref<25000x64xf32, #tpu.memory_space<hbm>> -> memref<40x32xf32, #tpu.memory_space<hbm>>
          tpu.wait_dma2 semaphore(%run_scoped3A : memref<!tpu.dma_semaphore, #tpu.memory_space<semaphore_mem>>) src(%dma_wait3A_537 : memref<40x32xf32, #tpu.memory_space<hbm>>) dst(%dma_wait3A_536 : memref<40x32xf32, #tpu.memory_space<vmem>>)
          tpu.yield
        }) : () -> ()
        %add3A_502 = arith.constant 40 : i32
        %add3A_503 = arith.addi %add3A_471, %add3A_502 : i32
        %sub3A = arith.constant 25000 : i32
        %sub3A_504 = arith.subi %add3A_503, %sub3A : i32
        %mul3A_505 = arith.constant 32 : i32
        %mul3A_506 = arith.muli %arg0, %mul3A_505 : i32
        "tpu.region"() ({
          %run_scoped3A = tpu.sem_alloc : memref<!tpu.dma_semaphore, #tpu.memory_space<semaphore_mem>>
          %dma_start3A_522 = arith.constant 40 : i32
          %dma_start3A_523 = arith.constant 0 : i32
          %dma_start3A_524 = tpu.memref_slice %arg21[%dma_start3A_522, %dma_start3A_523] : memref<64x32xf32, #tpu.memory_space<vmem>> -> memref<24x32xf32, #tpu.memory_space<vmem>>
          %dma_start3A_525 = tpu.memref_slice %arg3[%sub3A_504, %mul3A_506] : memref<25000x64xf32, #tpu.memory_space<hbm>> -> memref<24x32xf32, #tpu.memory_space<hbm>>
          %dma_start3A_526 = arith.constant 40 : i32
          %dma_start3A_527 = arith.constant 0 : i32
          %dma_start3A_528 = tpu.memref_slice %arg21[%dma_start3A_526, %dma_start3A_527] : memref<64x32xf32, #tpu.memory_space<vmem>> -> memref<24x32xf32, #tpu.memory_space<vmem>>
          %dma_start3A_529 = tpu.memref_slice %arg3[%sub3A_504, %mul3A_506] : memref<25000x64xf32, #tpu.memory_space<hbm>> -> memref<24x32xf32, #tpu.memory_space<hbm>>
          tpu.enqueue_dma source(%dma_start3A_529 : memref<24x32xf32, #tpu.memory_space<hbm>>) target(%dma_start3A_528 : memref<24x32xf32, #tpu.memory_space<vmem>>) target_semaphore(%run_scoped3A : memref<!tpu.dma_semaphore, #tpu.memory_space<semaphore_mem>>)
          %dma_wait3A_530 = arith.constant 40 : i32
          %dma_wait3A_531 = arith.constant 0 : i32
          %dma_wait3A_532 = tpu.memref_slice %arg21[%dma_wait3A_530, %dma_wait3A_531] : memref<64x32xf32, #tpu.memory_space<vmem>> -> memref<24x32xf32, #tpu.memory_space<vmem>>
          %dma_wait3A_533 = tpu.memref_slice %arg3[%sub3A_504, %mul3A_506] : memref<25000x64xf32, #tpu.memory_space<hbm>> -> memref<24x32xf32, #tpu.memory_space<hbm>>
          %dma_wait3A_534 = arith.constant 40 : i32
          %dma_wait3A_535 = arith.constant 0 : i32
          %dma_wait3A_536 = tpu.memref_slice %arg21[%dma_wait3A_534, %dma_wait3A_535] : memref<64x32xf32, #tpu.memory_space<vmem>> -> memref<24x32xf32, #tpu.memory_space<vmem>>
          %dma_wait3A_537 = tpu.memref_slice %arg3[%sub3A_504, %mul3A_506] : memref<25000x64xf32, #tpu.memory_space<hbm>> -> memref<24x32xf32, #tpu.memory_space<hbm>>
          tpu.wait_dma2 semaphore(%run_scoped3A : memref<!tpu.dma_semaphore, #tpu.memory_space<semaphore_mem>>) src(%dma_wait3A_537 : memref<24x32xf32, #tpu.memory_space<hbm>>) dst(%dma_wait3A_536 : memref<24x32xf32, #tpu.memory_space<vmem>>)
          tpu.yield
        }) : () -> ()
        %lt3A_507 = arith.constant 8 : i32
        %lt3A_508 = arith.cmpi slt, %arg1, %lt3A_507 : i32
        %convert_element_type3A_509 = arith.extui %lt3A_508 : i1 to i32
        %cond3A_510 = arith.constant 0 : i32
        %cond3A_511 = arith.cmpi ne, %convert_element_type3A_509, %cond3A_510 : i32
        scf.if %cond3A_511 {
          %mul3A_522 = arith.constant 25600 : i32
          %mul3A_523 = arith.muli %arg0, %mul3A_522 : i32
          %add3A_524 = arith.addi %mul3A_523, %add3A_471 : i32
          "tpu.region"() ({
            %run_scoped3A = tpu.sem_alloc : memref<!tpu.dma_semaphore, #tpu.memory_space<semaphore_mem>>
            %dma_start3A_525 = arith.constant 0 : i32
            %dma_start3A_526 = tpu.memref_slice %arg12[%add3A_524, %dma_start3A_525] : memref<51200x32xf32, #tpu.memory_space<hbm>> -> memref<64x32xf32, #tpu.memory_space<hbm>>
            %dma_start3A_527 = arith.constant 0 : i32
            %dma_start3A_528 = tpu.memref_slice %arg12[%add3A_524, %dma_start3A_527] : memref<51200x32xf32, #tpu.memory_space<hbm>> -> memref<64x32xf32, #tpu.memory_space<hbm>>
            tpu.enqueue_dma source(%arg21 : memref<64x32xf32, #tpu.memory_space<vmem>>) target(%dma_start3A_528 : memref<64x32xf32, #tpu.memory_space<hbm>>) target_semaphore(%run_scoped3A : memref<!tpu.dma_semaphore, #tpu.memory_space<semaphore_mem>>)
            %dma_wait3A_529 = arith.constant 0 : i32
            %dma_wait3A_530 = tpu.memref_slice %arg12[%add3A_524, %dma_wait3A_529] : memref<51200x32xf32, #tpu.memory_space<hbm>> -> memref<64x32xf32, #tpu.memory_space<hbm>>
            %dma_wait3A_531 = arith.constant 0 : i32
            %dma_wait3A_532 = tpu.memref_slice %arg12[%add3A_524, %dma_wait3A_531] : memref<51200x32xf32, #tpu.memory_space<hbm>> -> memref<64x32xf32, #tpu.memory_space<hbm>>
            tpu.wait_dma2 semaphore(%run_scoped3A : memref<!tpu.dma_semaphore, #tpu.memory_space<semaphore_mem>>) src(%arg21 : memref<64x32xf32, #tpu.memory_space<vmem>>) dst(%dma_wait3A_532 : memref<64x32xf32, #tpu.memory_space<hbm>>)
            tpu.yield
          }) : () -> ()
        } else {
        }
        %scan3A_512 = arith.constant 0 : i32
        %scan3A_513 = arith.constant 0 : i32
        %scan3A_514 = arith.constant 64 : i32
        %scan3A_515 = arith.addi %scan3A_513, %scan3A_514 : i32
        %scan3A_516 = arith.constant 1 : i32
        %scan3A_517 = scf.for %scan3A_522 = %scan3A_513 to %scan3A_515 step %scan3A_516 iter_args(%scan3A_523 = %scan3A_512) -> (i32)  : i32 {
          %mul3A_524 = arith.constant 64 : i32
          %mul3A_525 = arith.muli %scan3A_467, %mul3A_524 : i32
          %add3A_526 = arith.addi %mul3A_525, %scan3A_522 : i32
          %broadcast_in_dim3A_527 = arith.constant 0 : i32
          %broadcast_in_dim3A_528 = vector.broadcast %broadcast_in_dim3A_527 : i32 to vector<16xi32>
          %add3A_529 = vector.broadcast %add3A_526 : i32 to vector<16xi32>
          %add3A_530 = arith.addi %broadcast_in_dim3A_528, %add3A_529 : vector<16xi32>
          %gather3A = tpu.vector_load_idx %arg22[%add3A_530] : memref<3200xf32, #tpu.memory_space<vmem>>[vector<16xi32>], vector<16xf32>,
          %get3A = arith.index_cast %scan3A_522 : i32 to index
          %get3A_531 = arith.constant 0 : index
          %get3A_532 = tpu.vector_load %arg21[%get3A, %get3A_531] {strides = array<i32>} : memref<64x32xf32, #tpu.memory_space<vmem>>, vector<16xf32>,
          %mul3A_533 = arith.mulf %get3A_532, %gather3A : vector<16xf32>
          %swap3A_534 = arith.index_cast %scan3A_522 : i32 to index
          %swap3A_535 = arith.constant 0 : index
          %swap3A_536 = tpu.vector_load %arg21[%swap3A_534, %swap3A_535] {strides = array<i32>} : memref<64x32xf32, #tpu.memory_space<vmem>>, vector<16xf32>,
          tpu.vector_store %arg21[%swap3A_534, %swap3A_535], %mul3A_533 {strides = array<i32>} : memref<64x32xf32, #tpu.memory_space<vmem>>, vector<16xf32>,
          %get3A_537 = arith.index_cast %scan3A_522 : i32 to index
          %get3A_538 = arith.constant 16 : index
          %get3A_539 = tpu.vector_load %arg21[%get3A_537, %get3A_538] {strides = array<i32>} : memref<64x32xf32, #tpu.memory_space<vmem>>, vector<16xf32>,
          %mul3A_540 = arith.mulf %get3A_539, %gather3A : vector<16xf32>
          %swap3A_541 = arith.index_cast %scan3A_522 : i32 to index
          %swap3A_542 = arith.constant 16 : index
          %swap3A_543 = tpu.vector_load %arg21[%swap3A_541, %swap3A_542] {strides = array<i32>} : memref<64x32xf32, #tpu.memory_space<vmem>>, vector<16xf32>,
          tpu.vector_store %arg21[%swap3A_541, %swap3A_542], %mul3A_540 {strides = array<i32>} : memref<64x32xf32, #tpu.memory_space<vmem>>, vector<16xf32>,
          %scan3A_544 = arith.constant 0 : i32
          scf.yield %scan3A_544 : i32
        }
        %scan3A_518 = arith.constant 64 : i32
        %mul3A_519 = arith.constant 51200 : i32
        %mul3A_520 = arith.muli %arg0, %mul3A_519 : i32
        %add3A_521 = arith.addi %mul3A_520, %add3A_471 : i32
        "tpu.region"() ({
          %run_scoped3A = tpu.sem_alloc : memref<!tpu.dma_semaphore, #tpu.memory_space<semaphore_mem>>
          %dma_start3A_522 = arith.constant 0 : i32
          %dma_start3A_523 = tpu.memref_slice %arg10[%add3A_521, %dma_start3A_522] : memref<102400x32xf32, #tpu.memory_space<hbm>> -> memref<64x32xf32, #tpu.memory_space<hbm>>
          %dma_start3A_524 = arith.constant 0 : i32
          %dma_start3A_525 = tpu.memref_slice %arg10[%add3A_521, %dma_start3A_524] : memref<102400x32xf32, #tpu.memory_space<hbm>> -> memref<64x32xf32, #tpu.memory_space<hbm>>
          tpu.enqueue_dma source(%arg21 : memref<64x32xf32, #tpu.memory_space<vmem>>) target(%dma_start3A_525 : memref<64x32xf32, #tpu.memory_space<hbm>>) target_semaphore(%run_scoped3A : memref<!tpu.dma_semaphore, #tpu.memory_space<semaphore_mem>>)
          %dma_wait3A_526 = arith.constant 0 : i32
          %dma_wait3A_527 = tpu.memref_slice %arg10[%add3A_521, %dma_wait3A_526] : memref<102400x32xf32, #tpu.memory_space<hbm>> -> memref<64x32xf32, #tpu.memory_space<hbm>>
          %dma_wait3A_528 = arith.constant 0 : i32
          %dma_wait3A_529 = tpu.memref_slice %arg10[%add3A_521, %dma_wait3A_528] : memref<102400x32xf32, #tpu.memory_space<hbm>> -> memref<64x32xf32, #tpu.memory_space<hbm>>
          tpu.wait_dma2 semaphore(%run_scoped3A : memref<!tpu.dma_semaphore, #tpu.memory_space<semaphore_mem>>) src(%arg21 : memref<64x32xf32, #tpu.memory_space<vmem>>) dst(%dma_wait3A_529 : memref<64x32xf32, #tpu.memory_space<hbm>>)
          tpu.yield
        }) : () -> ()
      } else {
      }
      %ge3A = arith.constant 25000 : i32
      %ge3A_483 = arith.cmpi sge, %add3A_471, %ge3A : i32
      %add3A_484 = arith.constant 64 : i32
      %add3A_485 = arith.addi %add3A_471, %add3A_484 : i32
      %le3A_486 = arith.constant 50000 : i32
      %le3A_487 = arith.cmpi sle, %add3A_485, %le3A_486 : i32
      %and3A_488 = arith.andi %ge3A_483, %le3A_487 : i1
      %convert_element_type3A_489 = arith.extui %and3A_488 : i1 to i32
      %cond3A_490 = arith.constant 0 : i32
      %cond3A_491 = arith.cmpi ne, %convert_element_type3A_489, %cond3A_490 : i32
      scf.if %cond3A_491 {
        %sub3A = arith.constant 25000 : i32
        %sub3A_500 = arith.subi %add3A_471, %sub3A : i32
        %mul3A_501 = arith.constant 32 : i32
        %mul3A_502 = arith.muli %arg0, %mul3A_501 : i32
        "tpu.region"() ({
          %run_scoped3A = tpu.sem_alloc : memref<!tpu.dma_semaphore, #tpu.memory_space<semaphore_mem>>
          %dma_start3A_518 = tpu.memref_slice %arg3[%sub3A_500, %mul3A_502] : memref<25000x64xf32, #tpu.memory_space<hbm>> -> memref<64x32xf32, #tpu.memory_space<hbm>>
          %dma_start3A_519 = tpu.memref_slice %arg3[%sub3A_500, %mul3A_502] : memref<25000x64xf32, #tpu.memory_space<hbm>> -> memref<64x32xf32, #tpu.memory_space<hbm>>
          tpu.enqueue_dma source(%dma_start3A_519 : memref<64x32xf32, #tpu.memory_space<hbm>>) target(%arg21 : memref<64x32xf32, #tpu.memory_space<vmem>>) target_semaphore(%run_scoped3A : memref<!tpu.dma_semaphore, #tpu.memory_space<semaphore_mem>>)
          %dma_wait3A_520 = tpu.memref_slice %arg3[%sub3A_500, %mul3A_502] : memref<25000x64xf32, #tpu.memory_space<hbm>> -> memref<64x32xf32, #tpu.memory_space<hbm>>
          %dma_wait3A_521 = tpu.memref_slice %arg3[%sub3A_500, %mul3A_502] : memref<25000x64xf32, #tpu.memory_space<hbm>> -> memref<64x32xf32, #tpu.memory_space<hbm>>
          tpu.wait_dma2 semaphore(%run_scoped3A : memref<!tpu.dma_semaphore, #tpu.memory_space<semaphore_mem>>) src(%dma_wait3A_521 : memref<64x32xf32, #tpu.memory_space<hbm>>) dst(%arg21 : memref<64x32xf32, #tpu.memory_space<vmem>>)
          tpu.yield
        }) : () -> ()
        %lt3A_503 = arith.constant 8 : i32
        %lt3A_504 = arith.cmpi slt, %arg1, %lt3A_503 : i32
        %convert_element_type3A_505 = arith.extui %lt3A_504 : i1 to i32
        %cond3A_506 = arith.constant 0 : i32
        %cond3A_507 = arith.cmpi ne, %convert_element_type3A_505, %cond3A_506 : i32
        scf.if %cond3A_507 {
          %mul3A_518 = arith.constant 25600 : i32
          %mul3A_519 = arith.muli %arg0, %mul3A_518 : i32
          %add3A_520 = arith.addi %mul3A_519, %add3A_471 : i32
          "tpu.region"() ({
            %run_scoped3A = tpu.sem_alloc : memref<!tpu.dma_semaphore, #tpu.memory_space<semaphore_mem>>
            %dma_start3A_521 = arith.constant 0 : i32
            %dma_start3A_522 = tpu.memref_slice %arg12[%add3A_520, %dma_start3A_521] : memref<51200x32xf32, #tpu.memory_space<hbm>> -> memref<64x32xf32, #tpu.memory_space<hbm>>
            %dma_start3A_523 = arith.constant 0 : i32
            %dma_start3A_524 = tpu.memref_slice %arg12[%add3A_520, %dma_start3A_523] : memref<51200x32xf32, #tpu.memory_space<hbm>> -> memref<64x32xf32, #tpu.memory_space<hbm>>
            tpu.enqueue_dma source(%arg21 : memref<64x32xf32, #tpu.memory_space<vmem>>) target(%dma_start3A_524 : memref<64x32xf32, #tpu.memory_space<hbm>>) target_semaphore(%run_scoped3A : memref<!tpu.dma_semaphore, #tpu.memory_space<semaphore_mem>>)
            %dma_wait3A_525 = arith.constant 0 : i32
            %dma_wait3A_526 = tpu.memref_slice %arg12[%add3A_520, %dma_wait3A_525] : memref<51200x32xf32, #tpu.memory_space<hbm>> -> memref<64x32xf32, #tpu.memory_space<hbm>>
            %dma_wait3A_527 = arith.constant 0 : i32
            %dma_wait3A_528 = tpu.memref_slice %arg12[%add3A_520, %dma_wait3A_527] : memref<51200x32xf32, #tpu.memory_space<hbm>> -> memref<64x32xf32, #tpu.memory_space<hbm>>
            tpu.wait_dma2 semaphore(%run_scoped3A : memref<!tpu.dma_semaphore, #tpu.memory_space<semaphore_mem>>) src(%arg21 : memref<64x32xf32, #tpu.memory_space<vmem>>) dst(%dma_wait3A_528 : memref<64x32xf32, #tpu.memory_space<hbm>>)
            tpu.yield
          }) : () -> ()
        } else {
        }
        %scan3A_508 = arith.constant 0 : i32
        %scan3A_509 = arith.constant 0 : i32
        %scan3A_510 = arith.constant 64 : i32
        %scan3A_511 = arith.addi %scan3A_509, %scan3A_510 : i32
        %scan3A_512 = arith.constant 1 : i32
        %scan3A_513 = scf.for %scan3A_518 = %scan3A_509 to %scan3A_511 step %scan3A_512 iter_args(%scan3A_519 = %scan3A_508) -> (i32)  : i32 {
          %mul3A_520 = arith.constant 64 : i32
          %mul3A_521 = arith.muli %scan3A_467, %mul3A_520 : i32
          %add3A_522 = arith.addi %mul3A_521, %scan3A_518 : i32
          %broadcast_in_dim3A_523 = arith.constant 0 : i32
          %broadcast_in_dim3A_524 = vector.broadcast %broadcast_in_dim3A_523 : i32 to vector<16xi32>
          %add3A_525 = vector.broadcast %add3A_522 : i32 to vector<16xi32>
          %add3A_526 = arith.addi %broadcast_in_dim3A_524, %add3A_525 : vector<16xi32>
          %gather3A = tpu.vector_load_idx %arg22[%add3A_526] : memref<3200xf32, #tpu.memory_space<vmem>>[vector<16xi32>], vector<16xf32>,
          %get3A = arith.index_cast %scan3A_518 : i32 to index
          %get3A_527 = arith.constant 0 : index
          %get3A_528 = tpu.vector_load %arg21[%get3A, %get3A_527] {strides = array<i32>} : memref<64x32xf32, #tpu.memory_space<vmem>>, vector<16xf32>,
          %mul3A_529 = arith.mulf %get3A_528, %gather3A : vector<16xf32>
          %swap3A_530 = arith.index_cast %scan3A_518 : i32 to index
          %swap3A_531 = arith.constant 0 : index
          %swap3A_532 = tpu.vector_load %arg21[%swap3A_530, %swap3A_531] {strides = array<i32>} : memref<64x32xf32, #tpu.memory_space<vmem>>, vector<16xf32>,
          tpu.vector_store %arg21[%swap3A_530, %swap3A_531], %mul3A_529 {strides = array<i32>} : memref<64x32xf32, #tpu.memory_space<vmem>>, vector<16xf32>,
          %get3A_533 = arith.index_cast %scan3A_518 : i32 to index
          %get3A_534 = arith.constant 16 : index
          %get3A_535 = tpu.vector_load %arg21[%get3A_533, %get3A_534] {strides = array<i32>} : memref<64x32xf32, #tpu.memory_space<vmem>>, vector<16xf32>,
          %mul3A_536 = arith.mulf %get3A_535, %gather3A : vector<16xf32>
          %swap3A_537 = arith.index_cast %scan3A_518 : i32 to index
          %swap3A_538 = arith.constant 16 : index
          %swap3A_539 = tpu.vector_load %arg21[%swap3A_537, %swap3A_538] {strides = array<i32>} : memref<64x32xf32, #tpu.memory_space<vmem>>, vector<16xf32>,
          tpu.vector_store %arg21[%swap3A_537, %swap3A_538], %mul3A_536 {strides = array<i32>} : memref<64x32xf32, #tpu.memory_space<vmem>>, vector<16xf32>,
          %scan3A_540 = arith.constant 0 : i32
          scf.yield %scan3A_540 : i32
        }
        %scan3A_514 = arith.constant 64 : i32
        %mul3A_515 = arith.constant 51200 : i32
        %mul3A_516 = arith.muli %arg0, %mul3A_515 : i32
        %add3A_517 = arith.addi %mul3A_516, %add3A_471 : i32
        "tpu.region"() ({
          %run_scoped3A = tpu.sem_alloc : memref<!tpu.dma_semaphore, #tpu.memory_space<semaphore_mem>>
          %dma_start3A_518 = arith.constant 0 : i32
          %dma_start3A_519 = tpu.memref_slice %arg10[%add3A_517, %dma_start3A_518] : memref<102400x32xf32, #tpu.memory_space<hbm>> -> memref<64x32xf32, #tpu.memory_space<hbm>>
          %dma_start3A_520 = arith.constant 0 : i32
          %dma_start3A_521 = tpu.memref_slice %arg10[%add3A_517, %dma_start3A_520] : memref<102400x32xf32, #tpu.memory_space<hbm>> -> memref<64x32xf32, #tpu.memory_space<hbm>>
          tpu.enqueue_dma source(%arg21 : memref<64x32xf32, #tpu.memory_space<vmem>>) target(%dma_start3A_521 : memref<64x32xf32, #tpu.memory_space<hbm>>) target_semaphore(%run_scoped3A : memref<!tpu.dma_semaphore, #tpu.memory_space<semaphore_mem>>)
          %dma_wait3A_522 = arith.constant 0 : i32
          %dma_wait3A_523 = tpu.memref_slice %arg10[%add3A_517, %dma_wait3A_522] : memref<102400x32xf32, #tpu.memory_space<hbm>> -> memref<64x32xf32, #tpu.memory_space<hbm>>
          %dma_wait3A_524 = arith.constant 0 : i32
          %dma_wait3A_525 = tpu.memref_slice %arg10[%add3A_517, %dma_wait3A_524] : memref<102400x32xf32, #tpu.memory_space<hbm>> -> memref<64x32xf32, #tpu.memory_space<hbm>>
          tpu.wait_dma2 semaphore(%run_scoped3A : memref<!tpu.dma_semaphore, #tpu.memory_space<semaphore_mem>>) src(%arg21 : memref<64x32xf32, #tpu.memory_space<vmem>>) dst(%dma_wait3A_525 : memref<64x32xf32, #tpu.memory_space<hbm>>)
          tpu.yield
        }) : () -> ()
      } else {
      }
      %add3A_492 = arith.constant 64 : i32
      %add3A_493 = arith.addi %add3A_471, %add3A_492 : i32
      %gt3A_494 = arith.constant 50000 : i32
      %gt3A_495 = arith.cmpi sgt, %add3A_493, %gt3A_494 : i32
      %convert_element_type3A_496 = arith.extui %gt3A_495 : i1 to i32
      %cond3A_497 = arith.constant 0 : i32
      %cond3A_498 = arith.cmpi ne, %convert_element_type3A_496, %cond3A_497 : i32
      scf.if %cond3A_498 {
        %lt3A_500 = arith.constant 50000 : i32
        %lt3A_501 = arith.cmpi slt, %add3A_471, %lt3A_500 : i32
        %convert_element_type3A_502 = arith.extui %lt3A_501 : i1 to i32
        %cond3A_503 = arith.constant 0 : i32
        %cond3A_504 = arith.cmpi ne, %convert_element_type3A_502, %cond3A_503 : i32
        scf.if %cond3A_504 {
          %sub3A_528 = arith.constant 25000 : i32
          %sub3A_529 = arith.subi %add3A_471, %sub3A_528 : i32
          %mul3A_530 = arith.constant 32 : i32
          %mul3A_531 = arith.muli %arg0, %mul3A_530 : i32
          "tpu.region"() ({
            %run_scoped3A = tpu.sem_alloc : memref<!tpu.dma_semaphore, #tpu.memory_space<semaphore_mem>>
            %dma_start3A_532 = arith.constant 0 : i32
            %dma_start3A_533 = arith.constant 0 : i32
            %dma_start3A_534 = tpu.memref_slice %arg21[%dma_start3A_532, %dma_start3A_533] : memref<64x32xf32, #tpu.memory_space<vmem>> -> memref<16x32xf32, #tpu.memory_space<vmem>>
            %dma_start3A_535 = tpu.memref_slice %arg3[%sub3A_529, %mul3A_531] : memref<25000x64xf32, #tpu.memory_space<hbm>> -> memref<16x32xf32, #tpu.memory_space<hbm>>
            %dma_start3A_536 = arith.constant 0 : i32
            %dma_start3A_537 = arith.constant 0 : i32
            %dma_start3A_538 = tpu.memref_slice %arg21[%dma_start3A_536, %dma_start3A_537] : memref<64x32xf32, #tpu.memory_space<vmem>> -> memref<16x32xf32, #tpu.memory_space<vmem>>
            %dma_start3A_539 = tpu.memref_slice %arg3[%sub3A_529, %mul3A_531] : memref<25000x64xf32, #tpu.memory_space<hbm>> -> memref<16x32xf32, #tpu.memory_space<hbm>>
            tpu.enqueue_dma source(%dma_start3A_539 : memref<16x32xf32, #tpu.memory_space<hbm>>) target(%dma_start3A_538 : memref<16x32xf32, #tpu.memory_space<vmem>>) target_semaphore(%run_scoped3A : memref<!tpu.dma_semaphore, #tpu.memory_space<semaphore_mem>>)
            %dma_wait3A_540 = arith.constant 0 : i32
            %dma_wait3A_541 = arith.constant 0 : i32
            %dma_wait3A_542 = tpu.memref_slice %arg21[%dma_wait3A_540, %dma_wait3A_541] : memref<64x32xf32, #tpu.memory_space<vmem>> -> memref<16x32xf32, #tpu.memory_space<vmem>>
            %dma_wait3A_543 = tpu.memref_slice %arg3[%sub3A_529, %mul3A_531] : memref<25000x64xf32, #tpu.memory_space<hbm>> -> memref<16x32xf32, #tpu.memory_space<hbm>>
            %dma_wait3A_544 = arith.constant 0 : i32
            %dma_wait3A_545 = arith.constant 0 : i32
            %dma_wait3A_546 = tpu.memref_slice %arg21[%dma_wait3A_544, %dma_wait3A_545] : memref<64x32xf32, #tpu.memory_space<vmem>> -> memref<16x32xf32, #tpu.memory_space<vmem>>
            %dma_wait3A_547 = tpu.memref_slice %arg3[%sub3A_529, %mul3A_531] : memref<25000x64xf32, #tpu.memory_space<hbm>> -> memref<16x32xf32, #tpu.memory_space<hbm>>
            tpu.wait_dma2 semaphore(%run_scoped3A : memref<!tpu.dma_semaphore, #tpu.memory_space<semaphore_mem>>) src(%dma_wait3A_547 : memref<16x32xf32, #tpu.memory_space<hbm>>) dst(%dma_wait3A_546 : memref<16x32xf32, #tpu.memory_space<vmem>>)
            tpu.yield
          }) : () -> ()
        } else {
        }
        %sub3A = arith.constant 50000 : i32
        %sub3A_505 = arith.subi %sub3A, %add3A_471 : i32
        %max3A = arith.constant 0 : i32
        %max3A_506 = arith.maxsi %sub3A_505, %max3A : i32
        %while3A = arith.constant 64 : i32
        %while3A_507 = arith.constant 0 : i32
        %while3A_508 = arith.subi %while3A, %max3A_506 : i32
        %while3A_509 = arith.addi %max3A_506, %while3A_508 : i32
        %while3A_510 = arith.constant 1 : i32
        %while3A_511 = arith.divsi %while3A_508, %while3A_510 : i32
        %while3A_512 = arith.muli %while3A_511, %while3A_510 : i32
        %while3A_513 = arith.addi %max3A_506, %while3A_512 : i32
        %while3A_514 = arith.constant 1 : i32
        %while3A_515 = scf.for %while3A_528 = %max3A_506 to %while3A_513 step %while3A_514 iter_args(%while3A_529 = %while3A_507) -> (i32)  : i32 {
          %swap3A_530 = arith.index_cast %while3A_528 : i32 to index
          %swap3A_531 = arith.constant 0 : index
          %swap3A_532 = tpu.vector_load %arg21[%swap3A_530, %swap3A_531] {strides = array<i32>} : memref<64x32xf32, #tpu.memory_space<vmem>>, vector<16xf32>,
          tpu.vector_store %arg21[%swap3A_530, %swap3A_531], %broadcast_in_dim3A_5 {strides = array<i32>} : memref<64x32xf32, #tpu.memory_space<vmem>>, vector<16xf32>,
          %swap3A_533 = arith.index_cast %while3A_528 : i32 to index
          %swap3A_534 = arith.constant 16 : index
          %swap3A_535 = tpu.vector_load %arg21[%swap3A_533, %swap3A_534] {strides = array<i32>} : memref<64x32xf32, #tpu.memory_space<vmem>>, vector<16xf32>,
          tpu.vector_store %arg21[%swap3A_533, %swap3A_534], %broadcast_in_dim3A_5 {strides = array<i32>} : memref<64x32xf32, #tpu.memory_space<vmem>>, vector<16xf32>,
          %while3A_536 = arith.constant 0 : i32
          scf.yield %while3A_536 : i32
        }
        %while3A_516 = arith.constant 1 : i32
        %while3A_517 = scf.for %while3A_528 = %while3A_513 to %while3A_509 step %while3A_516 iter_args(%while3A_529 = %while3A_515) -> (i32)  : i32 {
          %swap3A_530 = arith.index_cast %while3A_528 : i32 to index
          %swap3A_531 = arith.constant 0 : index
          %swap3A_532 = tpu.vector_load %arg21[%swap3A_530, %swap3A_531] {strides = array<i32>} : memref<64x32xf32, #tpu.memory_space<vmem>>, vector<16xf32>,
          tpu.vector_store %arg21[%swap3A_530, %swap3A_531], %broadcast_in_dim3A_5 {strides = array<i32>} : memref<64x32xf32, #tpu.memory_space<vmem>>, vector<16xf32>,
          %swap3A_533 = arith.index_cast %while3A_528 : i32 to index
          %swap3A_534 = arith.constant 16 : index
          %swap3A_535 = tpu.vector_load %arg21[%swap3A_533, %swap3A_534] {strides = array<i32>} : memref<64x32xf32, #tpu.memory_space<vmem>>, vector<16xf32>,
          tpu.vector_store %arg21[%swap3A_533, %swap3A_534], %broadcast_in_dim3A_5 {strides = array<i32>} : memref<64x32xf32, #tpu.memory_space<vmem>>, vector<16xf32>,
          %while3A_536 = arith.constant 0 : i32
          scf.yield %while3A_536 : i32
        }
        %scan3A_518 = arith.constant 0 : i32
        %scan3A_519 = arith.constant 0 : i32
        %scan3A_520 = arith.constant 64 : i32
        %scan3A_521 = arith.addi %scan3A_519, %scan3A_520 : i32
        %scan3A_522 = arith.constant 1 : i32
        %scan3A_523 = scf.for %scan3A_528 = %scan3A_519 to %scan3A_521 step %scan3A_522 iter_args(%scan3A_529 = %scan3A_518) -> (i32)  : i32 {
          %mul3A_530 = arith.constant 64 : i32
          %mul3A_531 = arith.muli %scan3A_467, %mul3A_530 : i32
          %add3A_532 = arith.addi %mul3A_531, %scan3A_528 : i32
          %broadcast_in_dim3A_533 = arith.constant 0 : i32
          %broadcast_in_dim3A_534 = vector.broadcast %broadcast_in_dim3A_533 : i32 to vector<16xi32>
          %add3A_535 = vector.broadcast %add3A_532 : i32 to vector<16xi32>
          %add3A_536 = arith.addi %broadcast_in_dim3A_534, %add3A_535 : vector<16xi32>
          %gather3A = tpu.vector_load_idx %arg22[%add3A_536] : memref<3200xf32, #tpu.memory_space<vmem>>[vector<16xi32>], vector<16xf32>,
          %get3A = arith.index_cast %scan3A_528 : i32 to index
          %get3A_537 = arith.constant 0 : index
          %get3A_538 = tpu.vector_load %arg21[%get3A, %get3A_537] {strides = array<i32>} : memref<64x32xf32, #tpu.memory_space<vmem>>, vector<16xf32>,
          %mul3A_539 = arith.mulf %get3A_538, %gather3A : vector<16xf32>
          %swap3A_540 = arith.index_cast %scan3A_528 : i32 to index
          %swap3A_541 = arith.constant 0 : index
          %swap3A_542 = tpu.vector_load %arg21[%swap3A_540, %swap3A_541] {strides = array<i32>} : memref<64x32xf32, #tpu.memory_space<vmem>>, vector<16xf32>,
          tpu.vector_store %arg21[%swap3A_540, %swap3A_541], %mul3A_539 {strides = array<i32>} : memref<64x32xf32, #tpu.memory_space<vmem>>, vector<16xf32>,
          %get3A_543 = arith.index_cast %scan3A_528 : i32 to index
          %get3A_544 = arith.constant 16 : index
          %get3A_545 = tpu.vector_load %arg21[%get3A_543, %get3A_544] {strides = array<i32>} : memref<64x32xf32, #tpu.memory_space<vmem>>, vector<16xf32>,
          %mul3A_546 = arith.mulf %get3A_545, %gather3A : vector<16xf32>
          %swap3A_547 = arith.index_cast %scan3A_528 : i32 to index
          %swap3A_548 = arith.constant 16 : index
          %swap3A_549 = tpu.vector_load %arg21[%swap3A_547, %swap3A_548] {strides = array<i32>} : memref<64x32xf32, #tpu.memory_space<vmem>>, vector<16xf32>,
          tpu.vector_store %arg21[%swap3A_547, %swap3A_548], %mul3A_546 {strides = array<i32>} : memref<64x32xf32, #tpu.memory_space<vmem>>, vector<16xf32>,
          %scan3A_550 = arith.constant 0 : i32
          scf.yield %scan3A_550 : i32
        }
        %scan3A_524 = arith.constant 64 : i32
        %mul3A_525 = arith.constant 51200 : i32
        %mul3A_526 = arith.muli %arg0, %mul3A_525 : i32
        %add3A_527 = arith.addi %mul3A_526, %add3A_471 : i32
        "tpu.region"() ({
          %run_scoped3A = tpu.sem_alloc : memref<!tpu.dma_semaphore, #tpu.memory_space<semaphore_mem>>
          %dma_start3A_528 = arith.constant 0 : i32
          %dma_start3A_529 = tpu.memref_slice %arg10[%add3A_527, %dma_start3A_528] : memref<102400x32xf32, #tpu.memory_space<hbm>> -> memref<64x32xf32, #tpu.memory_space<hbm>>
          %dma_start3A_530 = arith.constant 0 : i32
          %dma_start3A_531 = tpu.memref_slice %arg10[%add3A_527, %dma_start3A_530] : memref<102400x32xf32, #tpu.memory_space<hbm>> -> memref<64x32xf32, #tpu.memory_space<hbm>>
          tpu.enqueue_dma source(%arg21 : memref<64x32xf32, #tpu.memory_space<vmem>>) target(%dma_start3A_531 : memref<64x32xf32, #tpu.memory_space<hbm>>) target_semaphore(%run_scoped3A : memref<!tpu.dma_semaphore, #tpu.memory_space<semaphore_mem>>)
          %dma_wait3A_532 = arith.constant 0 : i32
          %dma_wait3A_533 = tpu.memref_slice %arg10[%add3A_527, %dma_wait3A_532] : memref<102400x32xf32, #tpu.memory_space<hbm>> -> memref<64x32xf32, #tpu.memory_space<hbm>>
          %dma_wait3A_534 = arith.constant 0 : i32
          %dma_wait3A_535 = tpu.memref_slice %arg10[%add3A_527, %dma_wait3A_534] : memref<102400x32xf32, #tpu.memory_space<hbm>> -> memref<64x32xf32, #tpu.memory_space<hbm>>
          tpu.wait_dma2 semaphore(%run_scoped3A : memref<!tpu.dma_semaphore, #tpu.memory_space<semaphore_mem>>) src(%arg21 : memref<64x32xf32, #tpu.memory_space<vmem>>) dst(%dma_wait3A_535 : memref<64x32xf32, #tpu.memory_space<hbm>>)
          tpu.yield
        }) : () -> ()
      } else {
      }
      %scan3A_499 = arith.constant 0 : i32
      scf.yield %scan3A_499 : i32
    }
    %scan3A_80 = arith.constant 50 : i32
    %barrier3A_81 = arith.constant 0 : index
    tpu.barrier barrier_id(%barrier3A_81)
    %scan3A_82 = arith.constant 0 : i32
    %scan3A_83 = arith.constant 0 : i32
    %scan3A_84 = arith.constant 49 : i32
    %scan3A_85 = arith.addi %scan3A_83, %scan3A_84 : i32
    %scan3A_86 = arith.constant 1 : i32
    %scan3A_87 = scf.for %scan3A_467 = %scan3A_83 to %scan3A_85 step %scan3A_86 iter_args(%scan3A_468 = %scan3A_82) -> (i32)  : i32 {
      %mul3A_469 = arith.constant 8 : i32
      %mul3A_470 = arith.muli %scan3A_467, %mul3A_469 : i32
      %add3A_471 = arith.addi %mul3A_2, %mul3A_470 : i32
      "tpu.region"() ({
        %run_scoped3A = tpu.sem_alloc : memref<!tpu.dma_semaphore, #tpu.memory_space<semaphore_mem>>
        %dma_start3A_699 = arith.constant 0 : i32
        %dma_start3A_700 = tpu.memref_slice %arg4[%add3A_471, %dma_start3A_699] : memref<6272x128xi32, #tpu.memory_space<hbm>> -> memref<8x128xi32, #tpu.memory_space<hbm>>
        %dma_start3A_701 = arith.constant 0 : i32
        %dma_start3A_702 = tpu.memref_slice %arg4[%add3A_471, %dma_start3A_701] : memref<6272x128xi32, #tpu.memory_space<hbm>> -> memref<8x128xi32, #tpu.memory_space<hbm>>
        tpu.enqueue_dma source(%dma_start3A_702 : memref<8x128xi32, #tpu.memory_space<hbm>>) target(%arg15 : memref<8x128xi32, #tpu.memory_space<vmem>>) target_semaphore(%run_scoped3A : memref<!tpu.dma_semaphore, #tpu.memory_space<semaphore_mem>>)
        %dma_wait3A_703 = arith.constant 0 : i32
        %dma_wait3A_704 = tpu.memref_slice %arg4[%add3A_471, %dma_wait3A_703] : memref<6272x128xi32, #tpu.memory_space<hbm>> -> memref<8x128xi32, #tpu.memory_space<hbm>>
        %dma_wait3A_705 = arith.constant 0 : i32
        %dma_wait3A_706 = tpu.memref_slice %arg4[%add3A_471, %dma_wait3A_705] : memref<6272x128xi32, #tpu.memory_space<hbm>> -> memref<8x128xi32, #tpu.memory_space<hbm>>
        tpu.wait_dma2 semaphore(%run_scoped3A : memref<!tpu.dma_semaphore, #tpu.memory_space<semaphore_mem>>) src(%dma_wait3A_706 : memref<8x128xi32, #tpu.memory_space<hbm>>) dst(%arg15 : memref<8x128xi32, #tpu.memory_space<vmem>>)
        tpu.yield
      }) : () -> ()
      "tpu.region"() ({
        %run_scoped3A = tpu.sem_alloc : memref<!tpu.dma_semaphore, #tpu.memory_space<semaphore_mem>>
        %dma_start3A_699 = arith.constant 0 : i32
        %dma_start3A_700 = tpu.memref_slice %arg5[%add3A_471, %dma_start3A_699] : memref<6272x128xi32, #tpu.memory_space<hbm>> -> memref<8x128xi32, #tpu.memory_space<hbm>>
        %dma_start3A_701 = arith.constant 0 : i32
        %dma_start3A_702 = tpu.memref_slice %arg5[%add3A_471, %dma_start3A_701] : memref<6272x128xi32, #tpu.memory_space<hbm>> -> memref<8x128xi32, #tpu.memory_space<hbm>>
        tpu.enqueue_dma source(%dma_start3A_702 : memref<8x128xi32, #tpu.memory_space<hbm>>) target(%arg16 : memref<8x128xi32, #tpu.memory_space<vmem>>) target_semaphore(%run_scoped3A : memref<!tpu.dma_semaphore, #tpu.memory_space<semaphore_mem>>)
        %dma_wait3A_703 = arith.constant 0 : i32
        %dma_wait3A_704 = tpu.memref_slice %arg5[%add3A_471, %dma_wait3A_703] : memref<6272x128xi32, #tpu.memory_space<hbm>> -> memref<8x128xi32, #tpu.memory_space<hbm>>
        %dma_wait3A_705 = arith.constant 0 : i32
        %dma_wait3A_706 = tpu.memref_slice %arg5[%add3A_471, %dma_wait3A_705] : memref<6272x128xi32, #tpu.memory_space<hbm>> -> memref<8x128xi32, #tpu.memory_space<hbm>>
        tpu.wait_dma2 semaphore(%run_scoped3A : memref<!tpu.dma_semaphore, #tpu.memory_space<semaphore_mem>>) src(%dma_wait3A_706 : memref<8x128xi32, #tpu.memory_space<hbm>>) dst(%arg16 : memref<8x128xi32, #tpu.memory_space<vmem>>)
        tpu.yield
      }) : () -> ()
      %gt3A = arith.constant 0 : i32
      %gt3A_472 = arith.cmpi sgt, %arg0, %gt3A : i32
      %convert_element_type3A = arith.extui %gt3A_472 : i1 to i32
      %cond3A = arith.constant 0 : i32
      %cond3A_473 = arith.cmpi ne, %convert_element_type3A, %cond3A : i32
      scf.if %cond3A_473 {
        %broadcast_in_dim3A_699 = arith.constant 0 : i32
        %broadcast_in_dim3A_700 = vector.broadcast %broadcast_in_dim3A_699 : i32 to vector<16xi32>
        %mul3A_701 = arith.constant 51200 : i32
        %mul3A_702 = arith.muli %arg0, %mul3A_701 : i32
        %add3A_703 = vector.broadcast %mul3A_702 : i32 to vector<16xi32>
        %add3A_704 = arith.addi %broadcast_in_dim3A_700, %add3A_703 : vector<16xi32>
        %scan3A_705 = arith.constant 0 : i32
        %scan3A_706 = arith.constant 0 : i32
        %scan3A_707 = arith.constant 8 : i32
        %scan3A_708 = arith.addi %scan3A_706, %scan3A_707 : i32
        %scan3A_709 = arith.constant 1 : i32
        %scan3A_710 = scf.for %scan3A_712 = %scan3A_706 to %scan3A_708 step %scan3A_709 iter_args(%scan3A_713 = %scan3A_705) -> (i32)  : i32 {
          %get3A = arith.index_cast %scan3A_712 : i32 to index
          %get3A_714 = arith.constant 0 : index
          %get3A_715 = tpu.vector_load %arg15[%get3A, %get3A_714] {strides = array<i32>} : memref<8x128xi32, #tpu.memory_space<vmem>>, vector<16xi32>,
          %add3A_716 = arith.addi %get3A_715, %add3A_704 : vector<16xi32>
          %swap3A_717 = arith.index_cast %scan3A_712 : i32 to index
          %swap3A_718 = arith.constant 0 : index
          %swap3A_719 = tpu.vector_load %arg15[%swap3A_717, %swap3A_718] {strides = array<i32>} : memref<8x128xi32, #tpu.memory_space<vmem>>, vector<16xi32>,
          tpu.vector_store %arg15[%swap3A_717, %swap3A_718], %add3A_716 {strides = array<i32>} : memref<8x128xi32, #tpu.memory_space<vmem>>, vector<16xi32>,
          %get3A_720 = arith.index_cast %scan3A_712 : i32 to index
          %get3A_721 = arith.constant 16 : index
          %get3A_722 = tpu.vector_load %arg15[%get3A_720, %get3A_721] {strides = array<i32>} : memref<8x128xi32, #tpu.memory_space<vmem>>, vector<16xi32>,
          %add3A_723 = arith.addi %get3A_722, %add3A_704 : vector<16xi32>
          %swap3A_724 = arith.index_cast %scan3A_712 : i32 to index
          %swap3A_725 = arith.constant 16 : index
          %swap3A_726 = tpu.vector_load %arg15[%swap3A_724, %swap3A_725] {strides = array<i32>} : memref<8x128xi32, #tpu.memory_space<vmem>>, vector<16xi32>,
          tpu.vector_store %arg15[%swap3A_724, %swap3A_725], %add3A_723 {strides = array<i32>} : memref<8x128xi32, #tpu.memory_space<vmem>>, vector<16xi32>,
          %get3A_727 = arith.index_cast %scan3A_712 : i32 to index
          %get3A_728 = arith.constant 32 : index
          %get3A_729 = tpu.vector_load %arg15[%get3A_727, %get3A_728] {strides = array<i32>} : memref<8x128xi32, #tpu.memory_space<vmem>>, vector<16xi32>,
          %add3A_730 = arith.addi %get3A_729, %add3A_704 : vector<16xi32>
          %swap3A_731 = arith.index_cast %scan3A_712 : i32 to index
          %swap3A_732 = arith.constant 32 : index
          %swap3A_733 = tpu.vector_load %arg15[%swap3A_731, %swap3A_732] {strides = array<i32>} : memref<8x128xi32, #tpu.memory_space<vmem>>, vector<16xi32>,
          tpu.vector_store %arg15[%swap3A_731, %swap3A_732], %add3A_730 {strides = array<i32>} : memref<8x128xi32, #tpu.memory_space<vmem>>, vector<16xi32>,
          %get3A_734 = arith.index_cast %scan3A_712 : i32 to index
          %get3A_735 = arith.constant 48 : index
          %get3A_736 = tpu.vector_load %arg15[%get3A_734, %get3A_735] {strides = array<i32>} : memref<8x128xi32, #tpu.memory_space<vmem>>, vector<16xi32>,
          %add3A_737 = arith.addi %get3A_736, %add3A_704 : vector<16xi32>
          %swap3A_738 = arith.index_cast %scan3A_712 : i32 to index
          %swap3A_739 = arith.constant 48 : index
          %swap3A_740 = tpu.vector_load %arg15[%swap3A_738, %swap3A_739] {strides = array<i32>} : memref<8x128xi32, #tpu.memory_space<vmem>>, vector<16xi32>,
          tpu.vector_store %arg15[%swap3A_738, %swap3A_739], %add3A_737 {strides = array<i32>} : memref<8x128xi32, #tpu.memory_space<vmem>>, vector<16xi32>,
          %get3A_741 = arith.index_cast %scan3A_712 : i32 to index
          %get3A_742 = arith.constant 64 : index
          %get3A_743 = tpu.vector_load %arg15[%get3A_741, %get3A_742] {strides = array<i32>} : memref<8x128xi32, #tpu.memory_space<vmem>>, vector<16xi32>,
          %add3A_744 = arith.addi %get3A_743, %add3A_704 : vector<16xi32>
          %swap3A_745 = arith.index_cast %scan3A_712 : i32 to index
          %swap3A_746 = arith.constant 64 : index
          %swap3A_747 = tpu.vector_load %arg15[%swap3A_745, %swap3A_746] {strides = array<i32>} : memref<8x128xi32, #tpu.memory_space<vmem>>, vector<16xi32>,
          tpu.vector_store %arg15[%swap3A_745, %swap3A_746], %add3A_744 {strides = array<i32>} : memref<8x128xi32, #tpu.memory_space<vmem>>, vector<16xi32>,
          %get3A_748 = arith.index_cast %scan3A_712 : i32 to index
          %get3A_749 = arith.constant 80 : index
          %get3A_750 = tpu.vector_load %arg15[%get3A_748, %get3A_749] {strides = array<i32>} : memref<8x128xi32, #tpu.memory_space<vmem>>, vector<16xi32>,
          %add3A_751 = arith.addi %get3A_750, %add3A_704 : vector<16xi32>
          %swap3A_752 = arith.index_cast %scan3A_712 : i32 to index
          %swap3A_753 = arith.constant 80 : index
          %swap3A_754 = tpu.vector_load %arg15[%swap3A_752, %swap3A_753] {strides = array<i32>} : memref<8x128xi32, #tpu.memory_space<vmem>>, vector<16xi32>,
          tpu.vector_store %arg15[%swap3A_752, %swap3A_753], %add3A_751 {strides = array<i32>} : memref<8x128xi32, #tpu.memory_space<vmem>>, vector<16xi32>,
          %get3A_755 = arith.index_cast %scan3A_712 : i32 to index
          %get3A_756 = arith.constant 96 : index
          %get3A_757 = tpu.vector_load %arg15[%get3A_755, %get3A_756] {strides = array<i32>} : memref<8x128xi32, #tpu.memory_space<vmem>>, vector<16xi32>,
          %add3A_758 = arith.addi %get3A_757, %add3A_704 : vector<16xi32>
          %swap3A_759 = arith.index_cast %scan3A_712 : i32 to index
          %swap3A_760 = arith.constant 96 : index
          %swap3A_761 = tpu.vector_load %arg15[%swap3A_759, %swap3A_760] {strides = array<i32>} : memref<8x128xi32, #tpu.memory_space<vmem>>, vector<16xi32>,
          tpu.vector_store %arg15[%swap3A_759, %swap3A_760], %add3A_758 {strides = array<i32>} : memref<8x128xi32, #tpu.memory_space<vmem>>, vector<16xi32>,
          %get3A_762 = arith.index_cast %scan3A_712 : i32 to index
          %get3A_763 = arith.constant 112 : index
          %get3A_764 = tpu.vector_load %arg15[%get3A_762, %get3A_763] {strides = array<i32>} : memref<8x128xi32, #tpu.memory_space<vmem>>, vector<16xi32>,
          %add3A_765 = arith.addi %get3A_764, %add3A_704 : vector<16xi32>
          %swap3A_766 = arith.index_cast %scan3A_712 : i32 to index
          %swap3A_767 = arith.constant 112 : index
          %swap3A_768 = tpu.vector_load %arg15[%swap3A_766, %swap3A_767] {strides = array<i32>} : memref<8x128xi32, #tpu.memory_space<vmem>>, vector<16xi32>,
          tpu.vector_store %arg15[%swap3A_766, %swap3A_767], %add3A_765 {strides = array<i32>} : memref<8x128xi32, #tpu.memory_space<vmem>>, vector<16xi32>,
          %scan3A_769 = arith.constant 0 : i32
          scf.yield %scan3A_769 : i32
        }
        %scan3A_711 = arith.constant 8 : i32
      } else {
      }
      %dma_start3A_474 = arith.constant 0 : i32
      %dma_start3A_475 = arith.constant 0 : i32
      %dma_start3A_476 = tpu.memref_slice %arg15[%dma_start3A_474, %dma_start3A_475] : memref<8x128xi32, #tpu.memory_space<vmem>> -> memref<1x128xi32, #tpu.memory_space<vmem>>
      %dma_start3A_477 = tpu.memref_squeeze %dma_start3A_476 : memref<1x128xi32, #tpu.memory_space<vmem>> -> memref<128xi32, #tpu.memory_space<vmem>>
      %dma_start3A_478 = arith.constant 0 : i32
      %dma_start3A_479 = arith.constant 0 : i32
      %dma_start3A_480 = tpu.memref_slice %arg10[%dma_start3A_478, %dma_start3A_479] : memref<102400x32xf32, #tpu.memory_space<hbm>> -> memref<102400x32xf32, #tpu.memory_space<hbm>>
      tpu.enqueue_indirect_dma source(%dma_start3A_480 : memref<102400x32xf32, #tpu.memory_space<hbm>>) target(%arg17 : memref<128x32xf32, #tpu.memory_space<vmem>>) offsets(%dma_start3A_477 : memref<128xi32, #tpu.memory_space<vmem>>) semaphore(%arg27 : memref<!tpu.dma_semaphore, #tpu.memory_space<semaphore_mem>>)
      %dma_start3A_481 = arith.constant 1 : i32
      %dma_start3A_482 = arith.constant 0 : i32
      %dma_start3A_483 = tpu.memref_slice %arg15[%dma_start3A_481, %dma_start3A_482] : memref<8x128xi32, #tpu.memory_space<vmem>> -> memref<1x128xi32, #tpu.memory_space<vmem>>
      %dma_start3A_484 = tpu.memref_squeeze %dma_start3A_483 : memref<1x128xi32, #tpu.memory_space<vmem>> -> memref<128xi32, #tpu.memory_space<vmem>>
      %dma_start3A_485 = arith.constant 0 : i32
      %dma_start3A_486 = arith.constant 0 : i32
      %dma_start3A_487 = tpu.memref_slice %arg10[%dma_start3A_485, %dma_start3A_486] : memref<102400x32xf32, #tpu.memory_space<hbm>> -> memref<102400x32xf32, #tpu.memory_space<hbm>>
      tpu.enqueue_indirect_dma source(%dma_start3A_487 : memref<102400x32xf32, #tpu.memory_space<hbm>>) target(%arg18 : memref<128x32xf32, #tpu.memory_space<vmem>>) offsets(%dma_start3A_484 : memref<128xi32, #tpu.memory_space<vmem>>) semaphore(%arg28 : memref<!tpu.dma_semaphore, #tpu.memory_space<semaphore_mem>>)
      %dma_start3A_488 = arith.constant 2 : i32
      %dma_start3A_489 = arith.constant 0 : i32
      %dma_start3A_490 = tpu.memref_slice %arg15[%dma_start3A_488, %dma_start3A_489] : memref<8x128xi32, #tpu.memory_space<vmem>> -> memref<1x128xi32, #tpu.memory_space<vmem>>
      %dma_start3A_491 = tpu.memref_squeeze %dma_start3A_490 : memref<1x128xi32, #tpu.memory_space<vmem>> -> memref<128xi32, #tpu.memory_space<vmem>>
      %dma_start3A_492 = arith.constant 0 : i32
      %dma_start3A_493 = arith.constant 0 : i32
      %dma_start3A_494 = tpu.memref_slice %arg10[%dma_start3A_492, %dma_start3A_493] : memref<102400x32xf32, #tpu.memory_space<hbm>> -> memref<102400x32xf32, #tpu.memory_space<hbm>>
      tpu.enqueue_indirect_dma source(%dma_start3A_494 : memref<102400x32xf32, #tpu.memory_space<hbm>>) target(%arg19 : memref<128x32xf32, #tpu.memory_space<vmem>>) offsets(%dma_start3A_491 : memref<128xi32, #tpu.memory_space<vmem>>) semaphore(%arg29 : memref<!tpu.dma_semaphore, #tpu.memory_space<semaphore_mem>>)
      %dma_wait3A_495 = arith.constant 0 : i32
      %dma_wait3A_496 = arith.constant 0 : i32
      %dma_wait3A_497 = tpu.memref_slice %arg15[%dma_wait3A_495, %dma_wait3A_496] : memref<8x128xi32, #tpu.memory_space<vmem>> -> memref<1x128xi32, #tpu.memory_space<vmem>>
      %dma_wait3A_498 = tpu.memref_squeeze %dma_wait3A_497 : memref<1x128xi32, #tpu.memory_space<vmem>> -> memref<128xi32, #tpu.memory_space<vmem>>
      %dma_wait3A_499 = arith.constant 0 : i32
      %dma_wait3A_500 = arith.constant 0 : i32
      %dma_wait3A_501 = tpu.memref_slice %arg10[%dma_wait3A_499, %dma_wait3A_500] : memref<102400x32xf32, #tpu.memory_space<hbm>> -> memref<102400x32xf32, #tpu.memory_space<hbm>>
      tpu.wait_indirect_dma semaphore(%arg27 : memref<!tpu.dma_semaphore, #tpu.memory_space<semaphore_mem>>) src(%dma_wait3A_501 : memref<102400x32xf32, #tpu.memory_space<hbm>>) dst(%arg17 : memref<128x32xf32, #tpu.memory_space<vmem>>)
      %dma_start3A_502 = arith.constant 0 : i32
      %dma_start3A_503 = arith.constant 0 : i32
      %dma_start3A_504 = tpu.memref_slice %arg16[%dma_start3A_502, %dma_start3A_503] : memref<8x128xi32, #tpu.memory_space<vmem>> -> memref<1x128xi32, #tpu.memory_space<vmem>>
      %dma_start3A_505 = tpu.memref_squeeze %dma_start3A_504 : memref<1x128xi32, #tpu.memory_space<vmem>> -> memref<128xi32, #tpu.memory_space<vmem>>
      %dma_start3A_506 = arith.constant 0 : i32
      %dma_start3A_507 = arith.constant 0 : i32
      %dma_start3A_508 = tpu.memref_slice %arg13[%dma_start3A_506, %dma_start3A_507] : memref<51200x32xf32, #tpu.memory_space<vmem_shared>> -> memref<51200x32xf32, #tpu.memory_space<vmem_shared>>
      tpu.enqueue_indirect_dma source(%arg17 : memref<128x32xf32, #tpu.memory_space<vmem>>) target(%dma_start3A_508 : memref<51200x32xf32, #tpu.memory_space<vmem_shared>>) offsets(%dma_start3A_505 : memref<128xi32, #tpu.memory_space<vmem>>) semaphore(%arg31 : memref<!tpu.dma_semaphore, #tpu.memory_space<semaphore_mem>>) {add = true}
      %dma_start3A_509 = arith.constant 3 : i32
      %dma_start3A_510 = arith.constant 0 : i32
      %dma_start3A_511 = tpu.memref_slice %arg15[%dma_start3A_509, %dma_start3A_510] : memref<8x128xi32, #tpu.memory_space<vmem>> -> memref<1x128xi32, #tpu.memory_space<vmem>>
      %dma_start3A_512 = tpu.memref_squeeze %dma_start3A_511 : memref<1x128xi32, #tpu.memory_space<vmem>> -> memref<128xi32, #tpu.memory_space<vmem>>
      %dma_start3A_513 = arith.constant 0 : i32
      %dma_start3A_514 = arith.constant 0 : i32
      %dma_start3A_515 = tpu.memref_slice %arg10[%dma_start3A_513, %dma_start3A_514] : memref<102400x32xf32, #tpu.memory_space<hbm>> -> memref<102400x32xf32, #tpu.memory_space<hbm>>
      tpu.enqueue_indirect_dma source(%dma_start3A_515 : memref<102400x32xf32, #tpu.memory_space<hbm>>) target(%arg20 : memref<128x32xf32, #tpu.memory_space<vmem>>) offsets(%dma_start3A_512 : memref<128xi32, #tpu.memory_space<vmem>>) semaphore(%arg30 : memref<!tpu.dma_semaphore, #tpu.memory_space<semaphore_mem>>)
      %dma_wait3A_516 = arith.constant 1 : i32
      %dma_wait3A_517 = arith.constant 0 : i32
      %dma_wait3A_518 = tpu.memref_slice %arg15[%dma_wait3A_516, %dma_wait3A_517] : memref<8x128xi32, #tpu.memory_space<vmem>> -> memref<1x128xi32, #tpu.memory_space<vmem>>
      %dma_wait3A_519 = tpu.memref_squeeze %dma_wait3A_518 : memref<1x128xi32, #tpu.memory_space<vmem>> -> memref<128xi32, #tpu.memory_space<vmem>>
      %dma_wait3A_520 = arith.constant 0 : i32
      %dma_wait3A_521 = arith.constant 0 : i32
      %dma_wait3A_522 = tpu.memref_slice %arg10[%dma_wait3A_520, %dma_wait3A_521] : memref<102400x32xf32, #tpu.memory_space<hbm>> -> memref<102400x32xf32, #tpu.memory_space<hbm>>
      tpu.wait_indirect_dma semaphore(%arg28 : memref<!tpu.dma_semaphore, #tpu.memory_space<semaphore_mem>>) src(%dma_wait3A_522 : memref<102400x32xf32, #tpu.memory_space<hbm>>) dst(%arg18 : memref<128x32xf32, #tpu.memory_space<vmem>>)
      %dma_start3A_523 = arith.constant 1 : i32
      %dma_start3A_524 = arith.constant 0 : i32
      %dma_start3A_525 = tpu.memref_slice %arg16[%dma_start3A_523, %dma_start3A_524] : memref<8x128xi32, #tpu.memory_space<vmem>> -> memref<1x128xi32, #tpu.memory_space<vmem>>
      %dma_start3A_526 = tpu.memref_squeeze %dma_start3A_525 : memref<1x128xi32, #tpu.memory_space<vmem>> -> memref<128xi32, #tpu.memory_space<vmem>>
      %dma_start3A_527 = arith.constant 0 : i32
      %dma_start3A_528 = arith.constant 0 : i32
      %dma_start3A_529 = tpu.memref_slice %arg13[%dma_start3A_527, %dma_start3A_528] : memref<51200x32xf32, #tpu.memory_space<vmem_shared>> -> memref<51200x32xf32, #tpu.memory_space<vmem_shared>>
      tpu.enqueue_indirect_dma source(%arg18 : memref<128x32xf32, #tpu.memory_space<vmem>>) target(%dma_start3A_529 : memref<51200x32xf32, #tpu.memory_space<vmem_shared>>) offsets(%dma_start3A_526 : memref<128xi32, #tpu.memory_space<vmem>>) semaphore(%arg32 : memref<!tpu.dma_semaphore, #tpu.memory_space<semaphore_mem>>) {add = true}
      %dma_wait3A_530 = arith.constant 0 : i32
      %dma_wait3A_531 = arith.constant 0 : i32
      %dma_wait3A_532 = tpu.memref_slice %arg16[%dma_wait3A_530, %dma_wait3A_531] : memref<8x128xi32, #tpu.memory_space<vmem>> -> memref<1x128xi32, #tpu.memory_space<vmem>>
      %dma_wait3A_533 = tpu.memref_squeeze %dma_wait3A_532 : memref<1x128xi32, #tpu.memory_space<vmem>> -> memref<128xi32, #tpu.memory_space<vmem>>
      %dma_wait3A_534 = arith.constant 0 : i32
      %dma_wait3A_535 = arith.constant 0 : i32
      %dma_wait3A_536 = tpu.memref_slice %arg13[%dma_wait3A_534, %dma_wait3A_535] : memref<51200x32xf32, #tpu.memory_space<vmem_shared>> -> memref<51200x32xf32, #tpu.memory_space<vmem_shared>>
      tpu.wait_indirect_dma semaphore(%arg31 : memref<!tpu.dma_semaphore, #tpu.memory_space<semaphore_mem>>) src(%arg17 : memref<128x32xf32, #tpu.memory_space<vmem>>) dst(%dma_wait3A_536 : memref<51200x32xf32, #tpu.memory_space<vmem_shared>>)
      %dma_start3A_537 = arith.constant 4 : i32
      %dma_start3A_538 = arith.constant 0 : i32
      %dma_start3A_539 = tpu.memref_slice %arg15[%dma_start3A_537, %dma_start3A_538] : memref<8x128xi32, #tpu.memory_space<vmem>> -> memref<1x128xi32, #tpu.memory_space<vmem>>
      %dma_start3A_540 = tpu.memref_squeeze %dma_start3A_539 : memref<1x128xi32, #tpu.memory_space<vmem>> -> memref<128xi32, #tpu.memory_space<vmem>>
      %dma_start3A_541 = arith.constant 0 : i32
      %dma_start3A_542 = arith.constant 0 : i32
      %dma_start3A_543 = tpu.memref_slice %arg10[%dma_start3A_541, %dma_start3A_542] : memref<102400x32xf32, #tpu.memory_space<hbm>> -> memref<102400x32xf32, #tpu.memory_space<hbm>>
      tpu.enqueue_indirect_dma source(%dma_start3A_543 : memref<102400x32xf32, #tpu.memory_space<hbm>>) target(%arg17 : memref<128x32xf32, #tpu.memory_space<vmem>>) offsets(%dma_start3A_540 : memref<128xi32, #tpu.memory_space<vmem>>) semaphore(%arg27 : memref<!tpu.dma_semaphore, #tpu.memory_space<semaphore_mem>>)
      %dma_wait3A_544 = arith.constant 2 : i32
      %dma_wait3A_545 = arith.constant 0 : i32
      %dma_wait3A_546 = tpu.memref_slice %arg15[%dma_wait3A_544, %dma_wait3A_545] : memref<8x128xi32, #tpu.memory_space<vmem>> -> memref<1x128xi32, #tpu.memory_space<vmem>>
      %dma_wait3A_547 = tpu.memref_squeeze %dma_wait3A_546 : memref<1x128xi32, #tpu.memory_space<vmem>> -> memref<128xi32, #tpu.memory_space<vmem>>
      %dma_wait3A_548 = arith.constant 0 : i32
      %dma_wait3A_549 = arith.constant 0 : i32
      %dma_wait3A_550 = tpu.memref_slice %arg10[%dma_wait3A_548, %dma_wait3A_549] : memref<102400x32xf32, #tpu.memory_space<hbm>> -> memref<102400x32xf32, #tpu.memory_space<hbm>>
      tpu.wait_indirect_dma semaphore(%arg29 : memref<!tpu.dma_semaphore, #tpu.memory_space<semaphore_mem>>) src(%dma_wait3A_550 : memref<102400x32xf32, #tpu.memory_space<hbm>>) dst(%arg19 : memref<128x32xf32, #tpu.memory_space<vmem>>)
      %dma_start3A_551 = arith.constant 2 : i32
      %dma_start3A_552 = arith.constant 0 : i32
      %dma_start3A_553 = tpu.memref_slice %arg16[%dma_start3A_551, %dma_start3A_552] : memref<8x128xi32, #tpu.memory_space<vmem>> -> memref<1x128xi32, #tpu.memory_space<vmem>>
      %dma_start3A_554 = tpu.memref_squeeze %dma_start3A_553 : memref<1x128xi32, #tpu.memory_space<vmem>> -> memref<128xi32, #tpu.memory_space<vmem>>
      %dma_start3A_555 = arith.constant 0 : i32
      %dma_start3A_556 = arith.constant 0 : i32
      %dma_start3A_557 = tpu.memref_slice %arg13[%dma_start3A_555, %dma_start3A_556] : memref<51200x32xf32, #tpu.memory_space<vmem_shared>> -> memref<51200x32xf32, #tpu.memory_space<vmem_shared>>
      tpu.enqueue_indirect_dma source(%arg19 : memref<128x32xf32, #tpu.memory_space<vmem>>) target(%dma_start3A_557 : memref<51200x32xf32, #tpu.memory_space<vmem_shared>>) offsets(%dma_start3A_554 : memref<128xi32, #tpu.memory_space<vmem>>) semaphore(%arg31 : memref<!tpu.dma_semaphore, #tpu.memory_space<semaphore_mem>>) {add = true}
      %dma_wait3A_558 = arith.constant 1 : i32
      %dma_wait3A_559 = arith.constant 0 : i32
      %dma_wait3A_560 = tpu.memref_slice %arg16[%dma_wait3A_558, %dma_wait3A_559] : memref<8x128xi32, #tpu.memory_space<vmem>> -> memref<1x128xi32, #tpu.memory_space<vmem>>
      %dma_wait3A_561 = tpu.memref_squeeze %dma_wait3A_560 : memref<1x128xi32, #tpu.memory_space<vmem>> -> memref<128xi32, #tpu.memory_space<vmem>>
      %dma_wait3A_562 = arith.constant 0 : i32
      %dma_wait3A_563 = arith.constant 0 : i32
      %dma_wait3A_564 = tpu.memref_slice %arg13[%dma_wait3A_562, %dma_wait3A_563] : memref<51200x32xf32, #tpu.memory_space<vmem_shared>> -> memref<51200x32xf32, #tpu.memory_space<vmem_shared>>
      tpu.wait_indirect_dma semaphore(%arg32 : memref<!tpu.dma_semaphore, #tpu.memory_space<semaphore_mem>>) src(%arg18 : memref<128x32xf32, #tpu.memory_space<vmem>>) dst(%dma_wait3A_564 : memref<51200x32xf32, #tpu.memory_space<vmem_shared>>)
      %dma_start3A_565 = arith.constant 5 : i32
      %dma_start3A_566 = arith.constant 0 : i32
      %dma_start3A_567 = tpu.memref_slice %arg15[%dma_start3A_565, %dma_start3A_566] : memref<8x128xi32, #tpu.memory_space<vmem>> -> memref<1x128xi32, #tpu.memory_space<vmem>>
      %dma_start3A_568 = tpu.memref_squeeze %dma_start3A_567 : memref<1x128xi32, #tpu.memory_space<vmem>> -> memref<128xi32, #tpu.memory_space<vmem>>
      %dma_start3A_569 = arith.constant 0 : i32
      %dma_start3A_570 = arith.constant 0 : i32
      %dma_start3A_571 = tpu.memref_slice %arg10[%dma_start3A_569, %dma_start3A_570] : memref<102400x32xf32, #tpu.memory_space<hbm>> -> memref<102400x32xf32, #tpu.memory_space<hbm>>
      tpu.enqueue_indirect_dma source(%dma_start3A_571 : memref<102400x32xf32, #tpu.memory_space<hbm>>) target(%arg18 : memref<128x32xf32, #tpu.memory_space<vmem>>) offsets(%dma_start3A_568 : memref<128xi32, #tpu.memory_space<vmem>>) semaphore(%arg28 : memref<!tpu.dma_semaphore, #tpu.memory_space<semaphore_mem>>)
      %dma_wait3A_572 = arith.constant 3 : i32
      %dma_wait3A_573 = arith.constant 0 : i32
      %dma_wait3A_574 = tpu.memref_slice %arg15[%dma_wait3A_572, %dma_wait3A_573] : memref<8x128xi32, #tpu.memory_space<vmem>> -> memref<1x128xi32, #tpu.memory_space<vmem>>
      %dma_wait3A_575 = tpu.memref_squeeze %dma_wait3A_574 : memref<1x128xi32, #tpu.memory_space<vmem>> -> memref<128xi32, #tpu.memory_space<vmem>>
      %dma_wait3A_576 = arith.constant 0 : i32
      %dma_wait3A_577 = arith.constant 0 : i32
      %dma_wait3A_578 = tpu.memref_slice %arg10[%dma_wait3A_576, %dma_wait3A_577] : memref<102400x32xf32, #tpu.memory_space<hbm>> -> memref<102400x32xf32, #tpu.memory_space<hbm>>
      tpu.wait_indirect_dma semaphore(%arg30 : memref<!tpu.dma_semaphore, #tpu.memory_space<semaphore_mem>>) src(%dma_wait3A_578 : memref<102400x32xf32, #tpu.memory_space<hbm>>) dst(%arg20 : memref<128x32xf32, #tpu.memory_space<vmem>>)
      %dma_start3A_579 = arith.constant 3 : i32
      %dma_start3A_580 = arith.constant 0 : i32
      %dma_start3A_581 = tpu.memref_slice %arg16[%dma_start3A_579, %dma_start3A_580] : memref<8x128xi32, #tpu.memory_space<vmem>> -> memref<1x128xi32, #tpu.memory_space<vmem>>
      %dma_start3A_582 = tpu.memref_squeeze %dma_start3A_581 : memref<1x128xi32, #tpu.memory_space<vmem>> -> memref<128xi32, #tpu.memory_space<vmem>>
      %dma_start3A_583 = arith.constant 0 : i32
      %dma_start3A_584 = arith.constant 0 : i32
      %dma_start3A_585 = tpu.memref_slice %arg13[%dma_start3A_583, %dma_start3A_584] : memref<51200x32xf32, #tpu.memory_space<vmem_shared>> -> memref<51200x32xf32, #tpu.memory_space<vmem_shared>>
      tpu.enqueue_indirect_dma source(%arg20 : memref<128x32xf32, #tpu.memory_space<vmem>>) target(%dma_start3A_585 : memref<51200x32xf32, #tpu.memory_space<vmem_shared>>) offsets(%dma_start3A_582 : memref<128xi32, #tpu.memory_space<vmem>>) semaphore(%arg32 : memref<!tpu.dma_semaphore, #tpu.memory_space<semaphore_mem>>) {add = true}
      %dma_wait3A_586 = arith.constant 2 : i32
      %dma_wait3A_587 = arith.constant 0 : i32
      %dma_wait3A_588 = tpu.memref_slice %arg16[%dma_wait3A_586, %dma_wait3A_587] : memref<8x128xi32, #tpu.memory_space<vmem>> -> memref<1x128xi32, #tpu.memory_space<vmem>>
      %dma_wait3A_589 = tpu.memref_squeeze %dma_wait3A_588 : memref<1x128xi32, #tpu.memory_space<vmem>> -> memref<128xi32, #tpu.memory_space<vmem>>
      %dma_wait3A_590 = arith.constant 0 : i32
      %dma_wait3A_591 = arith.constant 0 : i32
      %dma_wait3A_592 = tpu.memref_slice %arg13[%dma_wait3A_590, %dma_wait3A_591] : memref<51200x32xf32, #tpu.memory_space<vmem_shared>> -> memref<51200x32xf32, #tpu.memory_space<vmem_shared>>
      tpu.wait_indirect_dma semaphore(%arg31 : memref<!tpu.dma_semaphore, #tpu.memory_space<semaphore_mem>>) src(%arg19 : memref<128x32xf32, #tpu.memory_space<vmem>>) dst(%dma_wait3A_592 : memref<51200x32xf32, #tpu.memory_space<vmem_shared>>)
      %dma_start3A_593 = arith.constant 6 : i32
      %dma_start3A_594 = arith.constant 0 : i32
      %dma_start3A_595 = tpu.memref_slice %arg15[%dma_start3A_593, %dma_start3A_594] : memref<8x128xi32, #tpu.memory_space<vmem>> -> memref<1x128xi32, #tpu.memory_space<vmem>>
      %dma_start3A_596 = tpu.memref_squeeze %dma_start3A_595 : memref<1x128xi32, #tpu.memory_space<vmem>> -> memref<128xi32, #tpu.memory_space<vmem>>
      %dma_start3A_597 = arith.constant 0 : i32
      %dma_start3A_598 = arith.constant 0 : i32
      %dma_start3A_599 = tpu.memref_slice %arg10[%dma_start3A_597, %dma_start3A_598] : memref<102400x32xf32, #tpu.memory_space<hbm>> -> memref<102400x32xf32, #tpu.memory_space<hbm>>
      tpu.enqueue_indirect_dma source(%dma_start3A_599 : memref<102400x32xf32, #tpu.memory_space<hbm>>) target(%arg19 : memref<128x32xf32, #tpu.memory_space<vmem>>) offsets(%dma_start3A_596 : memref<128xi32, #tpu.memory_space<vmem>>) semaphore(%arg29 : memref<!tpu.dma_semaphore, #tpu.memory_space<semaphore_mem>>)
      %dma_wait3A_600 = arith.constant 4 : i32
      %dma_wait3A_601 = arith.constant 0 : i32
      %dma_wait3A_602 = tpu.memref_slice %arg15[%dma_wait3A_600, %dma_wait3A_601] : memref<8x128xi32, #tpu.memory_space<vmem>> -> memref<1x128xi32, #tpu.memory_space<vmem>>
      %dma_wait3A_603 = tpu.memref_squeeze %dma_wait3A_602 : memref<1x128xi32, #tpu.memory_space<vmem>> -> memref<128xi32, #tpu.memory_space<vmem>>
      %dma_wait3A_604 = arith.constant 0 : i32
      %dma_wait3A_605 = arith.constant 0 : i32
      %dma_wait3A_606 = tpu.memref_slice %arg10[%dma_wait3A_604, %dma_wait3A_605] : memref<102400x32xf32, #tpu.memory_space<hbm>> -> memref<102400x32xf32, #tpu.memory_space<hbm>>
      tpu.wait_indirect_dma semaphore(%arg27 : memref<!tpu.dma_semaphore, #tpu.memory_space<semaphore_mem>>) src(%dma_wait3A_606 : memref<102400x32xf32, #tpu.memory_space<hbm>>) dst(%arg17 : memref<128x32xf32, #tpu.memory_space<vmem>>)
      %dma_start3A_607 = arith.constant 4 : i32
      %dma_start3A_608 = arith.constant 0 : i32
      %dma_start3A_609 = tpu.memref_slice %arg16[%dma_start3A_607, %dma_start3A_608] : memref<8x128xi32, #tpu.memory_space<vmem>> -> memref<1x128xi32, #tpu.memory_space<vmem>>
      %dma_start3A_610 = tpu.memref_squeeze %dma_start3A_609 : memref<1x128xi32, #tpu.memory_space<vmem>> -> memref<128xi32, #tpu.memory_space<vmem>>
      %dma_start3A_611 = arith.constant 0 : i32
      %dma_start3A_612 = arith.constant 0 : i32
      %dma_start3A_613 = tpu.memref_slice %arg13[%dma_start3A_611, %dma_start3A_612] : memref<51200x32xf32, #tpu.memory_space<vmem_shared>> -> memref<51200x32xf32, #tpu.memory_space<vmem_shared>>
      tpu.enqueue_indirect_dma source(%arg17 : memref<128x32xf32, #tpu.memory_space<vmem>>) target(%dma_start3A_613 : memref<51200x32xf32, #tpu.memory_space<vmem_shared>>) offsets(%dma_start3A_610 : memref<128xi32, #tpu.memory_space<vmem>>) semaphore(%arg31 : memref<!tpu.dma_semaphore, #tpu.memory_space<semaphore_mem>>) {add = true}
      %dma_wait3A_614 = arith.constant 3 : i32
      %dma_wait3A_615 = arith.constant 0 : i32
      %dma_wait3A_616 = tpu.memref_slice %arg16[%dma_wait3A_614, %dma_wait3A_615] : memref<8x128xi32, #tpu.memory_space<vmem>> -> memref<1x128xi32, #tpu.memory_space<vmem>>
      %dma_wait3A_617 = tpu.memref_squeeze %dma_wait3A_616 : memref<1x128xi32, #tpu.memory_space<vmem>> -> memref<128xi32, #tpu.memory_space<vmem>>
      %dma_wait3A_618 = arith.constant 0 : i32
      %dma_wait3A_619 = arith.constant 0 : i32
      %dma_wait3A_620 = tpu.memref_slice %arg13[%dma_wait3A_618, %dma_wait3A_619] : memref<51200x32xf32, #tpu.memory_space<vmem_shared>> -> memref<51200x32xf32, #tpu.memory_space<vmem_shared>>
      tpu.wait_indirect_dma semaphore(%arg32 : memref<!tpu.dma_semaphore, #tpu.memory_space<semaphore_mem>>) src(%arg20 : memref<128x32xf32, #tpu.memory_space<vmem>>) dst(%dma_wait3A_620 : memref<51200x32xf32, #tpu.memory_space<vmem_shared>>)
      %dma_start3A_621 = arith.constant 7 : i32
      %dma_start3A_622 = arith.constant 0 : i32
      %dma_start3A_623 = tpu.memref_slice %arg15[%dma_start3A_621, %dma_start3A_622] : memref<8x128xi32, #tpu.memory_space<vmem>> -> memref<1x128xi32, #tpu.memory_space<vmem>>
      %dma_start3A_624 = tpu.memref_squeeze %dma_start3A_623 : memref<1x128xi32, #tpu.memory_space<vmem>> -> memref<128xi32, #tpu.memory_space<vmem>>
      %dma_start3A_625 = arith.constant 0 : i32
      %dma_start3A_626 = arith.constant 0 : i32
      %dma_start3A_627 = tpu.memref_slice %arg10[%dma_start3A_625, %dma_start3A_626] : memref<102400x32xf32, #tpu.memory_space<hbm>> -> memref<102400x32xf32, #tpu.memory_space<hbm>>
      tpu.enqueue_indirect_dma source(%dma_start3A_627 : memref<102400x32xf32, #tpu.memory_space<hbm>>) target(%arg20 : memref<128x32xf32, #tpu.memory_space<vmem>>) offsets(%dma_start3A_624 : memref<128xi32, #tpu.memory_space<vmem>>) semaphore(%arg30 : memref<!tpu.dma_semaphore, #tpu.memory_space<semaphore_mem>>)
      %dma_wait3A_628 = arith.constant 5 : i32
      %dma_wait3A_629 = arith.constant 0 : i32
      %dma_wait3A_630 = tpu.memref_slice %arg15[%dma_wait3A_628, %dma_wait3A_629] : memref<8x128xi32, #tpu.memory_space<vmem>> -> memref<1x128xi32, #tpu.memory_space<vmem>>
      %dma_wait3A_631 = tpu.memref_squeeze %dma_wait3A_630 : memref<1x128xi32, #tpu.memory_space<vmem>> -> memref<128xi32, #tpu.memory_space<vmem>>
      %dma_wait3A_632 = arith.constant 0 : i32
      %dma_wait3A_633 = arith.constant 0 : i32
      %dma_wait3A_634 = tpu.memref_slice %arg10[%dma_wait3A_632, %dma_wait3A_633] : memref<102400x32xf32, #tpu.memory_space<hbm>> -> memref<102400x32xf32, #tpu.memory_space<hbm>>
      tpu.wait_indirect_dma semaphore(%arg28 : memref<!tpu.dma_semaphore, #tpu.memory_space<semaphore_mem>>) src(%dma_wait3A_634 : memref<102400x32xf32, #tpu.memory_space<hbm>>) dst(%arg18 : memref<128x32xf32, #tpu.memory_space<vmem>>)
      %dma_start3A_635 = arith.constant 5 : i32
      %dma_start3A_636 = arith.constant 0 : i32
      %dma_start3A_637 = tpu.memref_slice %arg16[%dma_start3A_635, %dma_start3A_636] : memref<8x128xi32, #tpu.memory_space<vmem>> -> memref<1x128xi32, #tpu.memory_space<vmem>>
      %dma_start3A_638 = tpu.memref_squeeze %dma_start3A_637 : memref<1x128xi32, #tpu.memory_space<vmem>> -> memref<128xi32, #tpu.memory_space<vmem>>
      %dma_start3A_639 = arith.constant 0 : i32
      %dma_start3A_640 = arith.constant 0 : i32
      %dma_start3A_641 = tpu.memref_slice %arg13[%dma_start3A_639, %dma_start3A_640] : memref<51200x32xf32, #tpu.memory_space<vmem_shared>> -> memref<51200x32xf32, #tpu.memory_space<vmem_shared>>
      tpu.enqueue_indirect_dma source(%arg18 : memref<128x32xf32, #tpu.memory_space<vmem>>) target(%dma_start3A_641 : memref<51200x32xf32, #tpu.memory_space<vmem_shared>>) offsets(%dma_start3A_638 : memref<128xi32, #tpu.memory_space<vmem>>) semaphore(%arg32 : memref<!tpu.dma_semaphore, #tpu.memory_space<semaphore_mem>>) {add = true}
      %dma_wait3A_642 = arith.constant 6 : i32
      %dma_wait3A_643 = arith.constant 0 : i32
      %dma_wait3A_644 = tpu.memref_slice %arg15[%dma_wait3A_642, %dma_wait3A_643] : memref<8x128xi32, #tpu.memory_space<vmem>> -> memref<1x128xi32, #tpu.memory_space<vmem>>
      %dma_wait3A_645 = tpu.memref_squeeze %dma_wait3A_644 : memref<1x128xi32, #tpu.memory_space<vmem>> -> memref<128xi32, #tpu.memory_space<vmem>>
      %dma_wait3A_646 = arith.constant 0 : i32
      %dma_wait3A_647 = arith.constant 0 : i32
      %dma_wait3A_648 = tpu.memref_slice %arg10[%dma_wait3A_646, %dma_wait3A_647] : memref<102400x32xf32, #tpu.memory_space<hbm>> -> memref<102400x32xf32, #tpu.memory_space<hbm>>
      tpu.wait_indirect_dma semaphore(%arg29 : memref<!tpu.dma_semaphore, #tpu.memory_space<semaphore_mem>>) src(%dma_wait3A_648 : memref<102400x32xf32, #tpu.memory_space<hbm>>) dst(%arg19 : memref<128x32xf32, #tpu.memory_space<vmem>>)
      %dma_start3A_649 = arith.constant 6 : i32
      %dma_start3A_650 = arith.constant 0 : i32
      %dma_start3A_651 = tpu.memref_slice %arg16[%dma_start3A_649, %dma_start3A_650] : memref<8x128xi32, #tpu.memory_space<vmem>> -> memref<1x128xi32, #tpu.memory_space<vmem>>
      %dma_start3A_652 = tpu.memref_squeeze %dma_start3A_651 : memref<1x128xi32, #tpu.memory_space<vmem>> -> memref<128xi32, #tpu.memory_space<vmem>>
      %dma_start3A_653 = arith.constant 0 : i32
      %dma_start3A_654 = arith.constant 0 : i32
      %dma_start3A_655 = tpu.memref_slice %arg13[%dma_start3A_653, %dma_start3A_654] : memref<51200x32xf32, #tpu.memory_space<vmem_shared>> -> memref<51200x32xf32, #tpu.memory_space<vmem_shared>>
      tpu.enqueue_indirect_dma source(%arg19 : memref<128x32xf32, #tpu.memory_space<vmem>>) target(%dma_start3A_655 : memref<51200x32xf32, #tpu.memory_space<vmem_shared>>) offsets(%dma_start3A_652 : memref<128xi32, #tpu.memory_space<vmem>>) semaphore(%arg31 : memref<!tpu.dma_semaphore, #tpu.memory_space<semaphore_mem>>) {add = true}
      %dma_wait3A_656 = arith.constant 7 : i32
      %dma_wait3A_657 = arith.constant 0 : i32
      %dma_wait3A_658 = tpu.memref_slice %arg15[%dma_wait3A_656, %dma_wait3A_657] : memref<8x128xi32, #tpu.memory_space<vmem>> -> memref<1x128xi32, #tpu.memory_space<vmem>>
      %dma_wait3A_659 = tpu.memref_squeeze %dma_wait3A_658 : memref<1x128xi32, #tpu.memory_space<vmem>> -> memref<128xi32, #tpu.memory_space<vmem>>
      %dma_wait3A_660 = arith.constant 0 : i32
      %dma_wait3A_661 = arith.constant 0 : i32
      %dma_wait3A_662 = tpu.memref_slice %arg10[%dma_wait3A_660, %dma_wait3A_661] : memref<102400x32xf32, #tpu.memory_space<hbm>> -> memref<102400x32xf32, #tpu.memory_space<hbm>>
      tpu.wait_indirect_dma semaphore(%arg30 : memref<!tpu.dma_semaphore, #tpu.memory_space<semaphore_mem>>) src(%dma_wait3A_662 : memref<102400x32xf32, #tpu.memory_space<hbm>>) dst(%arg20 : memref<128x32xf32, #tpu.memory_space<vmem>>)
      %dma_start3A_663 = arith.constant 7 : i32
      %dma_start3A_664 = arith.constant 0 : i32
      %dma_start3A_665 = tpu.memref_slice %arg16[%dma_start3A_663, %dma_start3A_664] : memref<8x128xi32, #tpu.memory_space<vmem>> -> memref<1x128xi32, #tpu.memory_space<vmem>>
      %dma_start3A_666 = tpu.memref_squeeze %dma_start3A_665 : memref<1x128xi32, #tpu.memory_space<vmem>> -> memref<128xi32, #tpu.memory_space<vmem>>
      %dma_start3A_667 = arith.constant 0 : i32
      %dma_start3A_668 = arith.constant 0 : i32
      %dma_start3A_669 = tpu.memref_slice %arg13[%dma_start3A_667, %dma_start3A_668] : memref<51200x32xf32, #tpu.memory_space<vmem_shared>> -> memref<51200x32xf32, #tpu.memory_space<vmem_shared>>
      tpu.enqueue_indirect_dma source(%arg20 : memref<128x32xf32, #tpu.memory_space<vmem>>) target(%dma_start3A_669 : memref<51200x32xf32, #tpu.memory_space<vmem_shared>>) offsets(%dma_start3A_666 : memref<128xi32, #tpu.memory_space<vmem>>) semaphore(%arg32 : memref<!tpu.dma_semaphore, #tpu.memory_space<semaphore_mem>>) {add = true}
      %dma_wait3A_670 = arith.constant 4 : i32
      %dma_wait3A_671 = arith.constant 0 : i32
      %dma_wait3A_672 = tpu.memref_slice %arg16[%dma_wait3A_670, %dma_wait3A_671] : memref<8x128xi32, #tpu.memory_space<vmem>> -> memref<1x128xi32, #tpu.memory_space<vmem>>
      %dma_wait3A_673 = tpu.memref_squeeze %dma_wait3A_672 : memref<1x128xi32, #tpu.memory_space<vmem>> -> memref<128xi32, #tpu.memory_space<vmem>>
      %dma_wait3A_674 = arith.constant 0 : i32
      %dma_wait3A_675 = arith.constant 0 : i32
      %dma_wait3A_676 = tpu.memref_slice %arg13[%dma_wait3A_674, %dma_wait3A_675] : memref<51200x32xf32, #tpu.memory_space<vmem_shared>> -> memref<51200x32xf32, #tpu.memory_space<vmem_shared>>
      tpu.wait_indirect_dma semaphore(%arg31 : memref<!tpu.dma_semaphore, #tpu.memory_space<semaphore_mem>>) src(%arg17 : memref<128x32xf32, #tpu.memory_space<vmem>>) dst(%dma_wait3A_676 : memref<51200x32xf32, #tpu.memory_space<vmem_shared>>)
      %dma_wait3A_677 = arith.constant 5 : i32
      %dma_wait3A_678 = arith.constant 0 : i32
      %dma_wait3A_679 = tpu.memref_slice %arg16[%dma_wait3A_677, %dma_wait3A_678] : memref<8x128xi32, #tpu.memory_space<vmem>> -> memref<1x128xi32, #tpu.memory_space<vmem>>
      %dma_wait3A_680 = tpu.memref_squeeze %dma_wait3A_679 : memref<1x128xi32, #tpu.memory_space<vmem>> -> memref<128xi32, #tpu.memory_space<vmem>>
      %dma_wait3A_681 = arith.constant 0 : i32
      %dma_wait3A_682 = arith.constant 0 : i32
      %dma_wait3A_683 = tpu.memref_slice %arg13[%dma_wait3A_681, %dma_wait3A_682] : memref<51200x32xf32, #tpu.memory_space<vmem_shared>> -> memref<51200x32xf32, #tpu.memory_space<vmem_shared>>
      tpu.wait_indirect_dma semaphore(%arg32 : memref<!tpu.dma_semaphore, #tpu.memory_space<semaphore_mem>>) src(%arg18 : memref<128x32xf32, #tpu.memory_space<vmem>>) dst(%dma_wait3A_683 : memref<51200x32xf32, #tpu.memory_space<vmem_shared>>)
      %dma_wait3A_684 = arith.constant 6 : i32
      %dma_wait3A_685 = arith.constant 0 : i32
      %dma_wait3A_686 = tpu.memref_slice %arg16[%dma_wait3A_684, %dma_wait3A_685] : memref<8x128xi32, #tpu.memory_space<vmem>> -> memref<1x128xi32, #tpu.memory_space<vmem>>
      %dma_wait3A_687 = tpu.memref_squeeze %dma_wait3A_686 : memref<1x128xi32, #tpu.memory_space<vmem>> -> memref<128xi32, #tpu.memory_space<vmem>>
      %dma_wait3A_688 = arith.constant 0 : i32
      %dma_wait3A_689 = arith.constant 0 : i32
      %dma_wait3A_690 = tpu.memref_slice %arg13[%dma_wait3A_688, %dma_wait3A_689] : memref<51200x32xf32, #tpu.memory_space<vmem_shared>> -> memref<51200x32xf32, #tpu.memory_space<vmem_shared>>
      tpu.wait_indirect_dma semaphore(%arg31 : memref<!tpu.dma_semaphore, #tpu.memory_space<semaphore_mem>>) src(%arg19 : memref<128x32xf32, #tpu.memory_space<vmem>>) dst(%dma_wait3A_690 : memref<51200x32xf32, #tpu.memory_space<vmem_shared>>)
      %dma_wait3A_691 = arith.constant 7 : i32
      %dma_wait3A_692 = arith.constant 0 : i32
      %dma_wait3A_693 = tpu.memref_slice %arg16[%dma_wait3A_691, %dma_wait3A_692] : memref<8x128xi32, #tpu.memory_space<vmem>> -> memref<1x128xi32, #tpu.memory_space<vmem>>
      %dma_wait3A_694 = tpu.memref_squeeze %dma_wait3A_693 : memref<1x128xi32, #tpu.memory_space<vmem>> -> memref<128xi32, #tpu.memory_space<vmem>>
      %dma_wait3A_695 = arith.constant 0 : i32
      %dma_wait3A_696 = arith.constant 0 : i32
      %dma_wait3A_697 = tpu.memref_slice %arg13[%dma_wait3A_695, %dma_wait3A_696] : memref<51200x32xf32, #tpu.memory_space<vmem_shared>> -> memref<51200x32xf32, #tpu.memory_space<vmem_shared>>
      tpu.wait_indirect_dma semaphore(%arg32 : memref<!tpu.dma_semaphore, #tpu.memory_space<semaphore_mem>>) src(%arg20 : memref<128x32xf32, #tpu.memory_space<vmem>>) dst(%dma_wait3A_697 : memref<51200x32xf32, #tpu.memory_space<vmem_shared>>)
      %scan3A_698 = arith.constant 0 : i32
      scf.yield %scan3A_698 : i32
    }
    %scan3A_88 = arith.constant 49 : i32
    %barrier3A_89 = arith.constant 0 : index
    tpu.barrier barrier_id(%barrier3A_89)
    %scan3A_90 = arith.constant 0 : i32
    %scan3A_91 = arith.constant 0 : i32
    %scan3A_92 = arith.constant 50 : i32
    %scan3A_93 = arith.addi %scan3A_91, %scan3A_92 : i32
    %scan3A_94 = arith.constant 1 : i32
    %scan3A_95 = scf.for %scan3A_467 = %scan3A_91 to %scan3A_93 step %scan3A_94 iter_args(%scan3A_468 = %scan3A_90) -> (i32)  : i32 {
      %mul3A_469 = arith.constant 64 : i32
      %mul3A_470 = arith.muli %scan3A_467, %mul3A_469 : i32
      %add3A_471 = arith.addi %mul3A_0, %mul3A_470 : i32
      "tpu.region"() ({
        %run_scoped3A = tpu.sem_alloc : memref<!tpu.dma_semaphore, #tpu.memory_space<semaphore_mem>>
        %dma_start3A_487 = arith.constant 0 : i32
        %dma_start3A_488 = tpu.memref_slice %arg13[%add3A_471, %dma_start3A_487] : memref<51200x32xf32, #tpu.memory_space<vmem_shared>> -> memref<64x32xf32, #tpu.memory_space<vmem_shared>>
        %dma_start3A_489 = arith.constant 0 : i32
        %dma_start3A_490 = tpu.memref_slice %arg13[%add3A_471, %dma_start3A_489] : memref<51200x32xf32, #tpu.memory_space<vmem_shared>> -> memref<64x32xf32, #tpu.memory_space<vmem_shared>>
        tpu.enqueue_dma source(%dma_start3A_490 : memref<64x32xf32, #tpu.memory_space<vmem_shared>>) target(%arg21 : memref<64x32xf32, #tpu.memory_space<vmem>>) target_semaphore(%run_scoped3A : memref<!tpu.dma_semaphore, #tpu.memory_space<semaphore_mem>>)
        %dma_wait3A_491 = arith.constant 0 : i32
        %dma_wait3A_492 = tpu.memref_slice %arg13[%add3A_471, %dma_wait3A_491] : memref<51200x32xf32, #tpu.memory_space<vmem_shared>> -> memref<64x32xf32, #tpu.memory_space<vmem_shared>>
        %dma_wait3A_493 = arith.constant 0 : i32
        %dma_wait3A_494 = tpu.memref_slice %arg13[%add3A_471, %dma_wait3A_493] : memref<51200x32xf32, #tpu.memory_space<vmem_shared>> -> memref<64x32xf32, #tpu.memory_space<vmem_shared>>
        tpu.wait_dma2 semaphore(%run_scoped3A : memref<!tpu.dma_semaphore, #tpu.memory_space<semaphore_mem>>) src(%dma_wait3A_494 : memref<64x32xf32, #tpu.memory_space<vmem_shared>>) dst(%arg21 : memref<64x32xf32, #tpu.memory_space<vmem>>)
        tpu.yield
      }) : () -> ()
      %lt3A = arith.constant 8 : i32
      %lt3A_472 = arith.cmpi slt, %arg1, %lt3A : i32
      %convert_element_type3A = arith.extui %lt3A_472 : i1 to i32
      %cond3A = arith.constant 0 : i32
      %cond3A_473 = arith.cmpi ne, %convert_element_type3A, %cond3A : i32
      scf.if %cond3A_473 {
        %mul3A_487 = arith.constant 25600 : i32
        %mul3A_488 = arith.muli %arg0, %mul3A_487 : i32
        %add3A_489 = arith.addi %mul3A_488, %add3A_471 : i32
        "tpu.region"() ({
          %run_scoped3A = tpu.sem_alloc : memref<!tpu.dma_semaphore, #tpu.memory_space<semaphore_mem>>
          %dma_start3A_500 = arith.constant 0 : i32
          %dma_start3A_501 = arith.constant 0 : i32
          %dma_start3A_502 = tpu.memref_slice %arg17[%dma_start3A_500, %dma_start3A_501] : memref<128x32xf32, #tpu.memory_space<vmem>> -> memref<64x32xf32, #tpu.memory_space<vmem>>
          %dma_start3A_503 = arith.constant 0 : i32
          %dma_start3A_504 = tpu.memref_slice %arg12[%add3A_489, %dma_start3A_503] : memref<51200x32xf32, #tpu.memory_space<hbm>> -> memref<64x32xf32, #tpu.memory_space<hbm>>
          %dma_start3A_505 = arith.constant 0 : i32
          %dma_start3A_506 = arith.constant 0 : i32
          %dma_start3A_507 = tpu.memref_slice %arg17[%dma_start3A_505, %dma_start3A_506] : memref<128x32xf32, #tpu.memory_space<vmem>> -> memref<64x32xf32, #tpu.memory_space<vmem>>
          %dma_start3A_508 = arith.constant 0 : i32
          %dma_start3A_509 = tpu.memref_slice %arg12[%add3A_489, %dma_start3A_508] : memref<51200x32xf32, #tpu.memory_space<hbm>> -> memref<64x32xf32, #tpu.memory_space<hbm>>
          tpu.enqueue_dma source(%dma_start3A_509 : memref<64x32xf32, #tpu.memory_space<hbm>>) target(%dma_start3A_507 : memref<64x32xf32, #tpu.memory_space<vmem>>) target_semaphore(%run_scoped3A : memref<!tpu.dma_semaphore, #tpu.memory_space<semaphore_mem>>)
          %dma_wait3A_510 = arith.constant 0 : i32
          %dma_wait3A_511 = arith.constant 0 : i32
          %dma_wait3A_512 = tpu.memref_slice %arg17[%dma_wait3A_510, %dma_wait3A_511] : memref<128x32xf32, #tpu.memory_space<vmem>> -> memref<64x32xf32, #tpu.memory_space<vmem>>
          %dma_wait3A_513 = arith.constant 0 : i32
          %dma_wait3A_514 = tpu.memref_slice %arg12[%add3A_489, %dma_wait3A_513] : memref<51200x32xf32, #tpu.memory_space<hbm>> -> memref<64x32xf32, #tpu.memory_space<hbm>>
          %dma_wait3A_515 = arith.constant 0 : i32
          %dma_wait3A_516 = arith.constant 0 : i32
          %dma_wait3A_517 = tpu.memref_slice %arg17[%dma_wait3A_515, %dma_wait3A_516] : memref<128x32xf32, #tpu.memory_space<vmem>> -> memref<64x32xf32, #tpu.memory_space<vmem>>
          %dma_wait3A_518 = arith.constant 0 : i32
          %dma_wait3A_519 = tpu.memref_slice %arg12[%add3A_489, %dma_wait3A_518] : memref<51200x32xf32, #tpu.memory_space<hbm>> -> memref<64x32xf32, #tpu.memory_space<hbm>>
          tpu.wait_dma2 semaphore(%run_scoped3A : memref<!tpu.dma_semaphore, #tpu.memory_space<semaphore_mem>>) src(%dma_wait3A_519 : memref<64x32xf32, #tpu.memory_space<hbm>>) dst(%dma_wait3A_517 : memref<64x32xf32, #tpu.memory_space<vmem>>)
          tpu.yield
        }) : () -> ()
        %scan3A_490 = arith.constant 0 : i32
        %scan3A_491 = arith.constant 0 : i32
        %scan3A_492 = arith.constant 64 : i32
        %scan3A_493 = arith.addi %scan3A_491, %scan3A_492 : i32
        %scan3A_494 = arith.constant 1 : i32
        %scan3A_495 = scf.for %scan3A_500 = %scan3A_491 to %scan3A_493 step %scan3A_494 iter_args(%scan3A_501 = %scan3A_490) -> (i32)  : i32 {
          %mul3A_502 = arith.constant 64 : i32
          %mul3A_503 = arith.muli %scan3A_467, %mul3A_502 : i32
          %add3A_504 = arith.addi %mul3A_503, %scan3A_500 : i32
          %broadcast_in_dim3A_505 = arith.constant 0 : i32
          %broadcast_in_dim3A_506 = vector.broadcast %broadcast_in_dim3A_505 : i32 to vector<16xi32>
          %add3A_507 = vector.broadcast %add3A_504 : i32 to vector<16xi32>
          %add3A_508 = arith.addi %broadcast_in_dim3A_506, %add3A_507 : vector<16xi32>
          %gather3A = tpu.vector_load_idx %arg22[%add3A_508] : memref<3200xf32, #tpu.memory_space<vmem>>[vector<16xi32>], vector<16xf32>,
          %mul3A_509 = arith.constant 5.000000e-01 : f32
          %mul3A_510 = vector.broadcast %mul3A_509 : f32 to vector<16xf32>
          %mul3A_511 = arith.mulf %gather3A, %mul3A_510 : vector<16xf32>
          %get3A = arith.index_cast %scan3A_500 : i32 to index
          %get3A_512 = arith.constant 0 : index
          %get3A_513 = tpu.vector_load %arg21[%get3A, %get3A_512] {strides = array<i32>} : memref<64x32xf32, #tpu.memory_space<vmem>>, vector<16xf32>,
          %get3A_514 = arith.index_cast %scan3A_500 : i32 to index
          %get3A_515 = arith.constant 0 : index
          %get3A_516 = tpu.vector_load %arg17[%get3A_514, %get3A_515] {strides = array<i32>} : memref<128x32xf32, #tpu.memory_space<vmem>>, vector<16xf32>,
          %mul3A_517 = arith.mulf %get3A_513, %mul3A_511 : vector<16xf32>
          %add3A_518 = arith.addf %get3A_516, %mul3A_517 : vector<16xf32>
          %swap3A_519 = arith.index_cast %scan3A_500 : i32 to index
          %swap3A_520 = arith.constant 0 : index
          %swap3A_521 = tpu.vector_load %arg17[%swap3A_519, %swap3A_520] {strides = array<i32>} : memref<128x32xf32, #tpu.memory_space<vmem>>, vector<16xf32>,
          tpu.vector_store %arg17[%swap3A_519, %swap3A_520], %add3A_518 {strides = array<i32>} : memref<128x32xf32, #tpu.memory_space<vmem>>, vector<16xf32>,
          %get3A_522 = arith.index_cast %scan3A_500 : i32 to index
          %get3A_523 = arith.constant 16 : index
          %get3A_524 = tpu.vector_load %arg21[%get3A_522, %get3A_523] {strides = array<i32>} : memref<64x32xf32, #tpu.memory_space<vmem>>, vector<16xf32>,
          %get3A_525 = arith.index_cast %scan3A_500 : i32 to index
          %get3A_526 = arith.constant 16 : index
          %get3A_527 = tpu.vector_load %arg17[%get3A_525, %get3A_526] {strides = array<i32>} : memref<128x32xf32, #tpu.memory_space<vmem>>, vector<16xf32>,
          %mul3A_528 = arith.mulf %get3A_524, %mul3A_511 : vector<16xf32>
          %add3A_529 = arith.addf %get3A_527, %mul3A_528 : vector<16xf32>
          %swap3A_530 = arith.index_cast %scan3A_500 : i32 to index
          %swap3A_531 = arith.constant 16 : index
          %swap3A_532 = tpu.vector_load %arg17[%swap3A_530, %swap3A_531] {strides = array<i32>} : memref<128x32xf32, #tpu.memory_space<vmem>>, vector<16xf32>,
          tpu.vector_store %arg17[%swap3A_530, %swap3A_531], %add3A_529 {strides = array<i32>} : memref<128x32xf32, #tpu.memory_space<vmem>>, vector<16xf32>,
          %scan3A_533 = arith.constant 0 : i32
          scf.yield %scan3A_533 : i32
        }
        %scan3A_496 = arith.constant 64 : i32
        %mul3A_497 = arith.constant 25600 : i32
        %mul3A_498 = arith.muli %arg0, %mul3A_497 : i32
        %add3A_499 = arith.addi %mul3A_498, %add3A_471 : i32
        "tpu.region"() ({
          %run_scoped3A = tpu.sem_alloc : memref<!tpu.dma_semaphore, #tpu.memory_space<semaphore_mem>>
          %dma_start3A_500 = arith.constant 0 : i32
          %dma_start3A_501 = arith.constant 0 : i32
          %dma_start3A_502 = tpu.memref_slice %arg17[%dma_start3A_500, %dma_start3A_501] : memref<128x32xf32, #tpu.memory_space<vmem>> -> memref<64x32xf32, #tpu.memory_space<vmem>>
          %dma_start3A_503 = arith.constant 0 : i32
          %dma_start3A_504 = tpu.memref_slice %arg12[%add3A_499, %dma_start3A_503] : memref<51200x32xf32, #tpu.memory_space<hbm>> -> memref<64x32xf32, #tpu.memory_space<hbm>>
          %dma_start3A_505 = arith.constant 0 : i32
          %dma_start3A_506 = tpu.memref_slice %arg12[%add3A_499, %dma_start3A_505] : memref<51200x32xf32, #tpu.memory_space<hbm>> -> memref<64x32xf32, #tpu.memory_space<hbm>>
          %dma_start3A_507 = arith.constant 0 : i32
          %dma_start3A_508 = arith.constant 0 : i32
          %dma_start3A_509 = tpu.memref_slice %arg17[%dma_start3A_507, %dma_start3A_508] : memref<128x32xf32, #tpu.memory_space<vmem>> -> memref<64x32xf32, #tpu.memory_space<vmem>>
          tpu.enqueue_dma source(%dma_start3A_509 : memref<64x32xf32, #tpu.memory_space<vmem>>) target(%dma_start3A_506 : memref<64x32xf32, #tpu.memory_space<hbm>>) target_semaphore(%run_scoped3A : memref<!tpu.dma_semaphore, #tpu.memory_space<semaphore_mem>>)
          %dma_wait3A_510 = arith.constant 0 : i32
          %dma_wait3A_511 = arith.constant 0 : i32
          %dma_wait3A_512 = tpu.memref_slice %arg17[%dma_wait3A_510, %dma_wait3A_511] : memref<128x32xf32, #tpu.memory_space<vmem>> -> memref<64x32xf32, #tpu.memory_space<vmem>>
          %dma_wait3A_513 = arith.constant 0 : i32
          %dma_wait3A_514 = tpu.memref_slice %arg12[%add3A_499, %dma_wait3A_513] : memref<51200x32xf32, #tpu.memory_space<hbm>> -> memref<64x32xf32, #tpu.memory_space<hbm>>
          %dma_wait3A_515 = arith.constant 0 : i32
          %dma_wait3A_516 = tpu.memref_slice %arg12[%add3A_499, %dma_wait3A_515] : memref<51200x32xf32, #tpu.memory_space<hbm>> -> memref<64x32xf32, #tpu.memory_space<hbm>>
          %dma_wait3A_517 = arith.constant 0 : i32
          %dma_wait3A_518 = arith.constant 0 : i32
          %dma_wait3A_519 = tpu.memref_slice %arg17[%dma_wait3A_517, %dma_wait3A_518] : memref<128x32xf32, #tpu.memory_space<vmem>> -> memref<64x32xf32, #tpu.memory_space<vmem>>
          tpu.wait_dma2 semaphore(%run_scoped3A : memref<!tpu.dma_semaphore, #tpu.memory_space<semaphore_mem>>) src(%dma_wait3A_519 : memref<64x32xf32, #tpu.memory_space<vmem>>) dst(%dma_wait3A_516 : memref<64x32xf32, #tpu.memory_space<hbm>>)
          tpu.yield
        }) : () -> ()
      } else {
      }
      "tpu.region"() ({
        %run_scoped3A = tpu.sem_alloc : memref<!tpu.dma_semaphore, #tpu.memory_space<semaphore_mem>>
        %dma_start3A_487 = arith.constant 0 : i32
        %dma_start3A_488 = tpu.memref_slice %arg13[%add3A_471, %dma_start3A_487] : memref<51200x32xf32, #tpu.memory_space<vmem_shared>> -> memref<32x32xf32, #tpu.memory_space<vmem_shared>>
        %dma_start3A_489 = arith.constant 0 : i32
        %dma_start3A_490 = tpu.memref_slice %arg13[%add3A_471, %dma_start3A_489] : memref<51200x32xf32, #tpu.memory_space<vmem_shared>> -> memref<32x32xf32, #tpu.memory_space<vmem_shared>>
        tpu.enqueue_dma source(%arg25 : memref<32x32xf32, #tpu.memory_space<vmem>>) target(%dma_start3A_490 : memref<32x32xf32, #tpu.memory_space<vmem_shared>>) target_semaphore(%run_scoped3A : memref<!tpu.dma_semaphore, #tpu.memory_space<semaphore_mem>>)
        %dma_wait3A_491 = arith.constant 0 : i32
        %dma_wait3A_492 = tpu.memref_slice %arg13[%add3A_471, %dma_wait3A_491] : memref<51200x32xf32, #tpu.memory_space<vmem_shared>> -> memref<32x32xf32, #tpu.memory_space<vmem_shared>>
        %dma_wait3A_493 = arith.constant 0 : i32
        %dma_wait3A_494 = tpu.memref_slice %arg13[%add3A_471, %dma_wait3A_493] : memref<51200x32xf32, #tpu.memory_space<vmem_shared>> -> memref<32x32xf32, #tpu.memory_space<vmem_shared>>
        tpu.wait_dma2 semaphore(%run_scoped3A : memref<!tpu.dma_semaphore, #tpu.memory_space<semaphore_mem>>) src(%arg25 : memref<32x32xf32, #tpu.memory_space<vmem>>) dst(%dma_wait3A_494 : memref<32x32xf32, #tpu.memory_space<vmem_shared>>)
        tpu.yield
      }) : () -> ()
      %add3A_474 = arith.constant 32 : i32
      %add3A_475 = arith.addi %add3A_471, %add3A_474 : i32
      "tpu.region"() ({
        %run_scoped3A = tpu.sem_alloc : memref<!tpu.dma_semaphore, #tpu.memory_space<semaphore_mem>>
        %dma_start3A_487 = arith.constant 0 : i32
        %dma_start3A_488 = tpu.memref_slice %arg13[%add3A_475, %dma_start3A_487] : memref<51200x32xf32, #tpu.memory_space<vmem_shared>> -> memref<32x32xf32, #tpu.memory_space<vmem_shared>>
        %dma_start3A_489 = arith.constant 0 : i32
        %dma_start3A_490 = tpu.memref_slice %arg13[%add3A_475, %dma_start3A_489] : memref<51200x32xf32, #tpu.memory_space<vmem_shared>> -> memref<32x32xf32, #tpu.memory_space<vmem_shared>>
        tpu.enqueue_dma source(%arg25 : memref<32x32xf32, #tpu.memory_space<vmem>>) target(%dma_start3A_490 : memref<32x32xf32, #tpu.memory_space<vmem_shared>>) target_semaphore(%run_scoped3A : memref<!tpu.dma_semaphore, #tpu.memory_space<semaphore_mem>>)
        %dma_wait3A_491 = arith.constant 0 : i32
        %dma_wait3A_492 = tpu.memref_slice %arg13[%add3A_475, %dma_wait3A_491] : memref<51200x32xf32, #tpu.memory_space<vmem_shared>> -> memref<32x32xf32, #tpu.memory_space<vmem_shared>>
        %dma_wait3A_493 = arith.constant 0 : i32
        %dma_wait3A_494 = tpu.memref_slice %arg13[%add3A_475, %dma_wait3A_493] : memref<51200x32xf32, #tpu.memory_space<vmem_shared>> -> memref<32x32xf32, #tpu.memory_space<vmem_shared>>
        tpu.wait_dma2 semaphore(%run_scoped3A : memref<!tpu.dma_semaphore, #tpu.memory_space<semaphore_mem>>) src(%arg25 : memref<32x32xf32, #tpu.memory_space<vmem>>) dst(%dma_wait3A_494 : memref<32x32xf32, #tpu.memory_space<vmem_shared>>)
        tpu.yield
      }) : () -> ()
      %scan3A_476 = arith.constant 0 : i32
      %scan3A_477 = arith.constant 0 : i32
      %scan3A_478 = arith.constant 64 : i32
      %scan3A_479 = arith.addi %scan3A_477, %scan3A_478 : i32
      %scan3A_480 = arith.constant 1 : i32
      %scan3A_481 = scf.for %scan3A_487 = %scan3A_477 to %scan3A_479 step %scan3A_480 iter_args(%scan3A_488 = %scan3A_476) -> (i32)  : i32 {
        %mul3A_489 = arith.constant 64 : i32
        %mul3A_490 = arith.muli %scan3A_467, %mul3A_489 : i32
        %add3A_491 = arith.addi %mul3A_490, %scan3A_487 : i32
        %broadcast_in_dim3A_492 = arith.constant 0 : i32
        %broadcast_in_dim3A_493 = vector.broadcast %broadcast_in_dim3A_492 : i32 to vector<16xi32>
        %add3A_494 = vector.broadcast %add3A_491 : i32 to vector<16xi32>
        %add3A_495 = arith.addi %broadcast_in_dim3A_493, %add3A_494 : vector<16xi32>
        %gather3A = tpu.vector_load_idx %arg22[%add3A_495] : memref<3200xf32, #tpu.memory_space<vmem>>[vector<16xi32>], vector<16xf32>,
        %mul3A_496 = arith.mulf %gather3A, %gather3A : vector<16xf32>
        %get3A = arith.index_cast %scan3A_487 : i32 to index
        %get3A_497 = arith.constant 0 : index
        %get3A_498 = tpu.vector_load %arg21[%get3A, %get3A_497] {strides = array<i32>} : memref<64x32xf32, #tpu.memory_space<vmem>>, vector<16xf32>,
        %mul3A_499 = arith.mulf %get3A_498, %mul3A_496 : vector<16xf32>
        %swap3A_500 = arith.index_cast %scan3A_487 : i32 to index
        %swap3A_501 = arith.constant 0 : index
        %swap3A_502 = tpu.vector_load %arg21[%swap3A_500, %swap3A_501] {strides = array<i32>} : memref<64x32xf32, #tpu.memory_space<vmem>>, vector<16xf32>,
        tpu.vector_store %arg21[%swap3A_500, %swap3A_501], %mul3A_499 {strides = array<i32>} : memref<64x32xf32, #tpu.memory_space<vmem>>, vector<16xf32>,
        %get3A_503 = arith.index_cast %scan3A_487 : i32 to index
        %get3A_504 = arith.constant 16 : index
        %get3A_505 = tpu.vector_load %arg21[%get3A_503, %get3A_504] {strides = array<i32>} : memref<64x32xf32, #tpu.memory_space<vmem>>, vector<16xf32>,
        %mul3A_506 = arith.mulf %get3A_505, %mul3A_496 : vector<16xf32>
        %swap3A_507 = arith.index_cast %scan3A_487 : i32 to index
        %swap3A_508 = arith.constant 16 : index
        %swap3A_509 = tpu.vector_load %arg21[%swap3A_507, %swap3A_508] {strides = array<i32>} : memref<64x32xf32, #tpu.memory_space<vmem>>, vector<16xf32>,
        tpu.vector_store %arg21[%swap3A_507, %swap3A_508], %mul3A_506 {strides = array<i32>} : memref<64x32xf32, #tpu.memory_space<vmem>>, vector<16xf32>,
        %scan3A_510 = arith.constant 0 : i32
        scf.yield %scan3A_510 : i32
      }
      %scan3A_482 = arith.constant 64 : i32
      %mul3A_483 = arith.constant 51200 : i32
      %mul3A_484 = arith.muli %arg0, %mul3A_483 : i32
      %add3A_485 = arith.addi %mul3A_484, %add3A_471 : i32
      "tpu.region"() ({
        %run_scoped3A = tpu.sem_alloc : memref<!tpu.dma_semaphore, #tpu.memory_space<semaphore_mem>>
        %dma_start3A_487 = arith.constant 0 : i32
        %dma_start3A_488 = tpu.memref_slice %arg11[%add3A_485, %dma_start3A_487] : memref<102400x32xf32, #tpu.memory_space<hbm>> -> memref<64x32xf32, #tpu.memory_space<hbm>>
        %dma_start3A_489 = arith.constant 0 : i32
        %dma_start3A_490 = tpu.memref_slice %arg11[%add3A_485, %dma_start3A_489] : memref<102400x32xf32, #tpu.memory_space<hbm>> -> memref<64x32xf32, #tpu.memory_space<hbm>>
        tpu.enqueue_dma source(%arg21 : memref<64x32xf32, #tpu.memory_space<vmem>>) target(%dma_start3A_490 : memref<64x32xf32, #tpu.memory_space<hbm>>) target_semaphore(%run_scoped3A : memref<!tpu.dma_semaphore, #tpu.memory_space<semaphore_mem>>)
        %dma_wait3A_491 = arith.constant 0 : i32
        %dma_wait3A_492 = tpu.memref_slice %arg11[%add3A_485, %dma_wait3A_491] : memref<102400x32xf32, #tpu.memory_space<hbm>> -> memref<64x32xf32, #tpu.memory_space<hbm>>
        %dma_wait3A_493 = arith.constant 0 : i32
        %dma_wait3A_494 = tpu.memref_slice %arg11[%add3A_485, %dma_wait3A_493] : memref<102400x32xf32, #tpu.memory_space<hbm>> -> memref<64x32xf32, #tpu.memory_space<hbm>>
        tpu.wait_dma2 semaphore(%run_scoped3A : memref<!tpu.dma_semaphore, #tpu.memory_space<semaphore_mem>>) src(%arg21 : memref<64x32xf32, #tpu.memory_space<vmem>>) dst(%dma_wait3A_494 : memref<64x32xf32, #tpu.memory_space<hbm>>)
        tpu.yield
      }) : () -> ()
      %scan3A_486 = arith.constant 0 : i32
      scf.yield %scan3A_486 : i32
    }
    %scan3A_96 = arith.constant 50 : i32
    %barrier3A_97 = arith.constant 0 : index
    tpu.barrier barrier_id(%barrier3A_97)
    %scan3A_98 = arith.constant 0 : i32
    %scan3A_99 = arith.constant 0 : i32
    %scan3A_100 = arith.constant 49 : i32
    %scan3A_101 = arith.addi %scan3A_99, %scan3A_100 : i32
    %scan3A_102 = arith.constant 1 : i32
    %scan3A_103 = scf.for %scan3A_467 = %scan3A_99 to %scan3A_101 step %scan3A_102 iter_args(%scan3A_468 = %scan3A_98) -> (i32)  : i32 {
      %mul3A_469 = arith.constant 8 : i32
      %mul3A_470 = arith.muli %scan3A_467, %mul3A_469 : i32
      %add3A_471 = arith.addi %mul3A_2, %mul3A_470 : i32
      "tpu.region"() ({
        %run_scoped3A = tpu.sem_alloc : memref<!tpu.dma_semaphore, #tpu.memory_space<semaphore_mem>>
        %dma_start3A_699 = arith.constant 0 : i32
        %dma_start3A_700 = tpu.memref_slice %arg4[%add3A_471, %dma_start3A_699] : memref<6272x128xi32, #tpu.memory_space<hbm>> -> memref<8x128xi32, #tpu.memory_space<hbm>>
        %dma_start3A_701 = arith.constant 0 : i32
        %dma_start3A_702 = tpu.memref_slice %arg4[%add3A_471, %dma_start3A_701] : memref<6272x128xi32, #tpu.memory_space<hbm>> -> memref<8x128xi32, #tpu.memory_space<hbm>>
        tpu.enqueue_dma source(%dma_start3A_702 : memref<8x128xi32, #tpu.memory_space<hbm>>) target(%arg15 : memref<8x128xi32, #tpu.memory_space<vmem>>) target_semaphore(%run_scoped3A : memref<!tpu.dma_semaphore, #tpu.memory_space<semaphore_mem>>)
        %dma_wait3A_703 = arith.constant 0 : i32
        %dma_wait3A_704 = tpu.memref_slice %arg4[%add3A_471, %dma_wait3A_703] : memref<6272x128xi32, #tpu.memory_space<hbm>> -> memref<8x128xi32, #tpu.memory_space<hbm>>
        %dma_wait3A_705 = arith.constant 0 : i32
        %dma_wait3A_706 = tpu.memref_slice %arg4[%add3A_471, %dma_wait3A_705] : memref<6272x128xi32, #tpu.memory_space<hbm>> -> memref<8x128xi32, #tpu.memory_space<hbm>>
        tpu.wait_dma2 semaphore(%run_scoped3A : memref<!tpu.dma_semaphore, #tpu.memory_space<semaphore_mem>>) src(%dma_wait3A_706 : memref<8x128xi32, #tpu.memory_space<hbm>>) dst(%arg15 : memref<8x128xi32, #tpu.memory_space<vmem>>)
        tpu.yield
      }) : () -> ()
      "tpu.region"() ({
        %run_scoped3A = tpu.sem_alloc : memref<!tpu.dma_semaphore, #tpu.memory_space<semaphore_mem>>
        %dma_start3A_699 = arith.constant 0 : i32
        %dma_start3A_700 = tpu.memref_slice %arg5[%add3A_471, %dma_start3A_699] : memref<6272x128xi32, #tpu.memory_space<hbm>> -> memref<8x128xi32, #tpu.memory_space<hbm>>
        %dma_start3A_701 = arith.constant 0 : i32
        %dma_start3A_702 = tpu.memref_slice %arg5[%add3A_471, %dma_start3A_701] : memref<6272x128xi32, #tpu.memory_space<hbm>> -> memref<8x128xi32, #tpu.memory_space<hbm>>
        tpu.enqueue_dma source(%dma_start3A_702 : memref<8x128xi32, #tpu.memory_space<hbm>>) target(%arg16 : memref<8x128xi32, #tpu.memory_space<vmem>>) target_semaphore(%run_scoped3A : memref<!tpu.dma_semaphore, #tpu.memory_space<semaphore_mem>>)
        %dma_wait3A_703 = arith.constant 0 : i32
        %dma_wait3A_704 = tpu.memref_slice %arg5[%add3A_471, %dma_wait3A_703] : memref<6272x128xi32, #tpu.memory_space<hbm>> -> memref<8x128xi32, #tpu.memory_space<hbm>>
        %dma_wait3A_705 = arith.constant 0 : i32
        %dma_wait3A_706 = tpu.memref_slice %arg5[%add3A_471, %dma_wait3A_705] : memref<6272x128xi32, #tpu.memory_space<hbm>> -> memref<8x128xi32, #tpu.memory_space<hbm>>
        tpu.wait_dma2 semaphore(%run_scoped3A : memref<!tpu.dma_semaphore, #tpu.memory_space<semaphore_mem>>) src(%dma_wait3A_706 : memref<8x128xi32, #tpu.memory_space<hbm>>) dst(%arg16 : memref<8x128xi32, #tpu.memory_space<vmem>>)
        tpu.yield
      }) : () -> ()
      %gt3A = arith.constant 0 : i32
      %gt3A_472 = arith.cmpi sgt, %arg0, %gt3A : i32
      %convert_element_type3A = arith.extui %gt3A_472 : i1 to i32
      %cond3A = arith.constant 0 : i32
      %cond3A_473 = arith.cmpi ne, %convert_element_type3A, %cond3A : i32
      scf.if %cond3A_473 {
        %broadcast_in_dim3A_699 = arith.constant 0 : i32
        %broadcast_in_dim3A_700 = vector.broadcast %broadcast_in_dim3A_699 : i32 to vector<16xi32>
        %mul3A_701 = arith.constant 51200 : i32
        %mul3A_702 = arith.muli %arg0, %mul3A_701 : i32
        %add3A_703 = vector.broadcast %mul3A_702 : i32 to vector<16xi32>
        %add3A_704 = arith.addi %broadcast_in_dim3A_700, %add3A_703 : vector<16xi32>
        %scan3A_705 = arith.constant 0 : i32
        %scan3A_706 = arith.constant 0 : i32
        %scan3A_707 = arith.constant 8 : i32
        %scan3A_708 = arith.addi %scan3A_706, %scan3A_707 : i32
        %scan3A_709 = arith.constant 1 : i32
        %scan3A_710 = scf.for %scan3A_712 = %scan3A_706 to %scan3A_708 step %scan3A_709 iter_args(%scan3A_713 = %scan3A_705) -> (i32)  : i32 {
          %get3A = arith.index_cast %scan3A_712 : i32 to index
          %get3A_714 = arith.constant 0 : index
          %get3A_715 = tpu.vector_load %arg15[%get3A, %get3A_714] {strides = array<i32>} : memref<8x128xi32, #tpu.memory_space<vmem>>, vector<16xi32>,
          %add3A_716 = arith.addi %get3A_715, %add3A_704 : vector<16xi32>
          %swap3A_717 = arith.index_cast %scan3A_712 : i32 to index
          %swap3A_718 = arith.constant 0 : index
          %swap3A_719 = tpu.vector_load %arg15[%swap3A_717, %swap3A_718] {strides = array<i32>} : memref<8x128xi32, #tpu.memory_space<vmem>>, vector<16xi32>,
          tpu.vector_store %arg15[%swap3A_717, %swap3A_718], %add3A_716 {strides = array<i32>} : memref<8x128xi32, #tpu.memory_space<vmem>>, vector<16xi32>,
          %get3A_720 = arith.index_cast %scan3A_712 : i32 to index
          %get3A_721 = arith.constant 16 : index
          %get3A_722 = tpu.vector_load %arg15[%get3A_720, %get3A_721] {strides = array<i32>} : memref<8x128xi32, #tpu.memory_space<vmem>>, vector<16xi32>,
          %add3A_723 = arith.addi %get3A_722, %add3A_704 : vector<16xi32>
          %swap3A_724 = arith.index_cast %scan3A_712 : i32 to index
          %swap3A_725 = arith.constant 16 : index
          %swap3A_726 = tpu.vector_load %arg15[%swap3A_724, %swap3A_725] {strides = array<i32>} : memref<8x128xi32, #tpu.memory_space<vmem>>, vector<16xi32>,
          tpu.vector_store %arg15[%swap3A_724, %swap3A_725], %add3A_723 {strides = array<i32>} : memref<8x128xi32, #tpu.memory_space<vmem>>, vector<16xi32>,
          %get3A_727 = arith.index_cast %scan3A_712 : i32 to index
          %get3A_728 = arith.constant 32 : index
          %get3A_729 = tpu.vector_load %arg15[%get3A_727, %get3A_728] {strides = array<i32>} : memref<8x128xi32, #tpu.memory_space<vmem>>, vector<16xi32>,
          %add3A_730 = arith.addi %get3A_729, %add3A_704 : vector<16xi32>
          %swap3A_731 = arith.index_cast %scan3A_712 : i32 to index
          %swap3A_732 = arith.constant 32 : index
          %swap3A_733 = tpu.vector_load %arg15[%swap3A_731, %swap3A_732] {strides = array<i32>} : memref<8x128xi32, #tpu.memory_space<vmem>>, vector<16xi32>,
          tpu.vector_store %arg15[%swap3A_731, %swap3A_732], %add3A_730 {strides = array<i32>} : memref<8x128xi32, #tpu.memory_space<vmem>>, vector<16xi32>,
          %get3A_734 = arith.index_cast %scan3A_712 : i32 to index
          %get3A_735 = arith.constant 48 : index
          %get3A_736 = tpu.vector_load %arg15[%get3A_734, %get3A_735] {strides = array<i32>} : memref<8x128xi32, #tpu.memory_space<vmem>>, vector<16xi32>,
          %add3A_737 = arith.addi %get3A_736, %add3A_704 : vector<16xi32>
          %swap3A_738 = arith.index_cast %scan3A_712 : i32 to index
          %swap3A_739 = arith.constant 48 : index
          %swap3A_740 = tpu.vector_load %arg15[%swap3A_738, %swap3A_739] {strides = array<i32>} : memref<8x128xi32, #tpu.memory_space<vmem>>, vector<16xi32>,
          tpu.vector_store %arg15[%swap3A_738, %swap3A_739], %add3A_737 {strides = array<i32>} : memref<8x128xi32, #tpu.memory_space<vmem>>, vector<16xi32>,
          %get3A_741 = arith.index_cast %scan3A_712 : i32 to index
          %get3A_742 = arith.constant 64 : index
          %get3A_743 = tpu.vector_load %arg15[%get3A_741, %get3A_742] {strides = array<i32>} : memref<8x128xi32, #tpu.memory_space<vmem>>, vector<16xi32>,
          %add3A_744 = arith.addi %get3A_743, %add3A_704 : vector<16xi32>
          %swap3A_745 = arith.index_cast %scan3A_712 : i32 to index
          %swap3A_746 = arith.constant 64 : index
          %swap3A_747 = tpu.vector_load %arg15[%swap3A_745, %swap3A_746] {strides = array<i32>} : memref<8x128xi32, #tpu.memory_space<vmem>>, vector<16xi32>,
          tpu.vector_store %arg15[%swap3A_745, %swap3A_746], %add3A_744 {strides = array<i32>} : memref<8x128xi32, #tpu.memory_space<vmem>>, vector<16xi32>,
          %get3A_748 = arith.index_cast %scan3A_712 : i32 to index
          %get3A_749 = arith.constant 80 : index
          %get3A_750 = tpu.vector_load %arg15[%get3A_748, %get3A_749] {strides = array<i32>} : memref<8x128xi32, #tpu.memory_space<vmem>>, vector<16xi32>,
          %add3A_751 = arith.addi %get3A_750, %add3A_704 : vector<16xi32>
          %swap3A_752 = arith.index_cast %scan3A_712 : i32 to index
          %swap3A_753 = arith.constant 80 : index
          %swap3A_754 = tpu.vector_load %arg15[%swap3A_752, %swap3A_753] {strides = array<i32>} : memref<8x128xi32, #tpu.memory_space<vmem>>, vector<16xi32>,
          tpu.vector_store %arg15[%swap3A_752, %swap3A_753], %add3A_751 {strides = array<i32>} : memref<8x128xi32, #tpu.memory_space<vmem>>, vector<16xi32>,
          %get3A_755 = arith.index_cast %scan3A_712 : i32 to index
          %get3A_756 = arith.constant 96 : index
          %get3A_757 = tpu.vector_load %arg15[%get3A_755, %get3A_756] {strides = array<i32>} : memref<8x128xi32, #tpu.memory_space<vmem>>, vector<16xi32>,
          %add3A_758 = arith.addi %get3A_757, %add3A_704 : vector<16xi32>
          %swap3A_759 = arith.index_cast %scan3A_712 : i32 to index
          %swap3A_760 = arith.constant 96 : index
          %swap3A_761 = tpu.vector_load %arg15[%swap3A_759, %swap3A_760] {strides = array<i32>} : memref<8x128xi32, #tpu.memory_space<vmem>>, vector<16xi32>,
          tpu.vector_store %arg15[%swap3A_759, %swap3A_760], %add3A_758 {strides = array<i32>} : memref<8x128xi32, #tpu.memory_space<vmem>>, vector<16xi32>,
          %get3A_762 = arith.index_cast %scan3A_712 : i32 to index
          %get3A_763 = arith.constant 112 : index
          %get3A_764 = tpu.vector_load %arg15[%get3A_762, %get3A_763] {strides = array<i32>} : memref<8x128xi32, #tpu.memory_space<vmem>>, vector<16xi32>,
          %add3A_765 = arith.addi %get3A_764, %add3A_704 : vector<16xi32>
          %swap3A_766 = arith.index_cast %scan3A_712 : i32 to index
          %swap3A_767 = arith.constant 112 : index
          %swap3A_768 = tpu.vector_load %arg15[%swap3A_766, %swap3A_767] {strides = array<i32>} : memref<8x128xi32, #tpu.memory_space<vmem>>, vector<16xi32>,
          tpu.vector_store %arg15[%swap3A_766, %swap3A_767], %add3A_765 {strides = array<i32>} : memref<8x128xi32, #tpu.memory_space<vmem>>, vector<16xi32>,
          %scan3A_769 = arith.constant 0 : i32
          scf.yield %scan3A_769 : i32
        }
        %scan3A_711 = arith.constant 8 : i32
      } else {
      }
      %dma_start3A_474 = arith.constant 0 : i32
      %dma_start3A_475 = arith.constant 0 : i32
      %dma_start3A_476 = tpu.memref_slice %arg15[%dma_start3A_474, %dma_start3A_475] : memref<8x128xi32, #tpu.memory_space<vmem>> -> memref<1x128xi32, #tpu.memory_space<vmem>>
      %dma_start3A_477 = tpu.memref_squeeze %dma_start3A_476 : memref<1x128xi32, #tpu.memory_space<vmem>> -> memref<128xi32, #tpu.memory_space<vmem>>
      %dma_start3A_478 = arith.constant 0 : i32
      %dma_start3A_479 = arith.constant 0 : i32
      %dma_start3A_480 = tpu.memref_slice %arg11[%dma_start3A_478, %dma_start3A_479] : memref<102400x32xf32, #tpu.memory_space<hbm>> -> memref<102400x32xf32, #tpu.memory_space<hbm>>
      tpu.enqueue_indirect_dma source(%dma_start3A_480 : memref<102400x32xf32, #tpu.memory_space<hbm>>) target(%arg17 : memref<128x32xf32, #tpu.memory_space<vmem>>) offsets(%dma_start3A_477 : memref<128xi32, #tpu.memory_space<vmem>>) semaphore(%arg27 : memref<!tpu.dma_semaphore, #tpu.memory_space<semaphore_mem>>)
      %dma_start3A_481 = arith.constant 1 : i32
      %dma_start3A_482 = arith.constant 0 : i32
      %dma_start3A_483 = tpu.memref_slice %arg15[%dma_start3A_481, %dma_start3A_482] : memref<8x128xi32, #tpu.memory_space<vmem>> -> memref<1x128xi32, #tpu.memory_space<vmem>>
      %dma_start3A_484 = tpu.memref_squeeze %dma_start3A_483 : memref<1x128xi32, #tpu.memory_space<vmem>> -> memref<128xi32, #tpu.memory_space<vmem>>
      %dma_start3A_485 = arith.constant 0 : i32
      %dma_start3A_486 = arith.constant 0 : i32
      %dma_start3A_487 = tpu.memref_slice %arg11[%dma_start3A_485, %dma_start3A_486] : memref<102400x32xf32, #tpu.memory_space<hbm>> -> memref<102400x32xf32, #tpu.memory_space<hbm>>
      tpu.enqueue_indirect_dma source(%dma_start3A_487 : memref<102400x32xf32, #tpu.memory_space<hbm>>) target(%arg18 : memref<128x32xf32, #tpu.memory_space<vmem>>) offsets(%dma_start3A_484 : memref<128xi32, #tpu.memory_space<vmem>>) semaphore(%arg28 : memref<!tpu.dma_semaphore, #tpu.memory_space<semaphore_mem>>)
      %dma_start3A_488 = arith.constant 2 : i32
      %dma_start3A_489 = arith.constant 0 : i32
      %dma_start3A_490 = tpu.memref_slice %arg15[%dma_start3A_488, %dma_start3A_489] : memref<8x128xi32, #tpu.memory_space<vmem>> -> memref<1x128xi32, #tpu.memory_space<vmem>>
      %dma_start3A_491 = tpu.memref_squeeze %dma_start3A_490 : memref<1x128xi32, #tpu.memory_space<vmem>> -> memref<128xi32, #tpu.memory_space<vmem>>
      %dma_start3A_492 = arith.constant 0 : i32
      %dma_start3A_493 = arith.constant 0 : i32
      %dma_start3A_494 = tpu.memref_slice %arg11[%dma_start3A_492, %dma_start3A_493] : memref<102400x32xf32, #tpu.memory_space<hbm>> -> memref<102400x32xf32, #tpu.memory_space<hbm>>
      tpu.enqueue_indirect_dma source(%dma_start3A_494 : memref<102400x32xf32, #tpu.memory_space<hbm>>) target(%arg19 : memref<128x32xf32, #tpu.memory_space<vmem>>) offsets(%dma_start3A_491 : memref<128xi32, #tpu.memory_space<vmem>>) semaphore(%arg29 : memref<!tpu.dma_semaphore, #tpu.memory_space<semaphore_mem>>)
      %dma_wait3A_495 = arith.constant 0 : i32
      %dma_wait3A_496 = arith.constant 0 : i32
      %dma_wait3A_497 = tpu.memref_slice %arg15[%dma_wait3A_495, %dma_wait3A_496] : memref<8x128xi32, #tpu.memory_space<vmem>> -> memref<1x128xi32, #tpu.memory_space<vmem>>
      %dma_wait3A_498 = tpu.memref_squeeze %dma_wait3A_497 : memref<1x128xi32, #tpu.memory_space<vmem>> -> memref<128xi32, #tpu.memory_space<vmem>>
      %dma_wait3A_499 = arith.constant 0 : i32
      %dma_wait3A_500 = arith.constant 0 : i32
      %dma_wait3A_501 = tpu.memref_slice %arg11[%dma_wait3A_499, %dma_wait3A_500] : memref<102400x32xf32, #tpu.memory_space<hbm>> -> memref<102400x32xf32, #tpu.memory_space<hbm>>
      tpu.wait_indirect_dma semaphore(%arg27 : memref<!tpu.dma_semaphore, #tpu.memory_space<semaphore_mem>>) src(%dma_wait3A_501 : memref<102400x32xf32, #tpu.memory_space<hbm>>) dst(%arg17 : memref<128x32xf32, #tpu.memory_space<vmem>>)
      %dma_start3A_502 = arith.constant 0 : i32
      %dma_start3A_503 = arith.constant 0 : i32
      %dma_start3A_504 = tpu.memref_slice %arg16[%dma_start3A_502, %dma_start3A_503] : memref<8x128xi32, #tpu.memory_space<vmem>> -> memref<1x128xi32, #tpu.memory_space<vmem>>
      %dma_start3A_505 = tpu.memref_squeeze %dma_start3A_504 : memref<1x128xi32, #tpu.memory_space<vmem>> -> memref<128xi32, #tpu.memory_space<vmem>>
      %dma_start3A_506 = arith.constant 0 : i32
      %dma_start3A_507 = arith.constant 0 : i32
      %dma_start3A_508 = tpu.memref_slice %arg13[%dma_start3A_506, %dma_start3A_507] : memref<51200x32xf32, #tpu.memory_space<vmem_shared>> -> memref<51200x32xf32, #tpu.memory_space<vmem_shared>>
      tpu.enqueue_indirect_dma source(%arg17 : memref<128x32xf32, #tpu.memory_space<vmem>>) target(%dma_start3A_508 : memref<51200x32xf32, #tpu.memory_space<vmem_shared>>) offsets(%dma_start3A_505 : memref<128xi32, #tpu.memory_space<vmem>>) semaphore(%arg31 : memref<!tpu.dma_semaphore, #tpu.memory_space<semaphore_mem>>) {add = true}
      %dma_start3A_509 = arith.constant 3 : i32
      %dma_start3A_510 = arith.constant 0 : i32
      %dma_start3A_511 = tpu.memref_slice %arg15[%dma_start3A_509, %dma_start3A_510] : memref<8x128xi32, #tpu.memory_space<vmem>> -> memref<1x128xi32, #tpu.memory_space<vmem>>
      %dma_start3A_512 = tpu.memref_squeeze %dma_start3A_511 : memref<1x128xi32, #tpu.memory_space<vmem>> -> memref<128xi32, #tpu.memory_space<vmem>>
      %dma_start3A_513 = arith.constant 0 : i32
      %dma_start3A_514 = arith.constant 0 : i32
      %dma_start3A_515 = tpu.memref_slice %arg11[%dma_start3A_513, %dma_start3A_514] : memref<102400x32xf32, #tpu.memory_space<hbm>> -> memref<102400x32xf32, #tpu.memory_space<hbm>>
      tpu.enqueue_indirect_dma source(%dma_start3A_515 : memref<102400x32xf32, #tpu.memory_space<hbm>>) target(%arg20 : memref<128x32xf32, #tpu.memory_space<vmem>>) offsets(%dma_start3A_512 : memref<128xi32, #tpu.memory_space<vmem>>) semaphore(%arg30 : memref<!tpu.dma_semaphore, #tpu.memory_space<semaphore_mem>>)
      %dma_wait3A_516 = arith.constant 1 : i32
      %dma_wait3A_517 = arith.constant 0 : i32
      %dma_wait3A_518 = tpu.memref_slice %arg15[%dma_wait3A_516, %dma_wait3A_517] : memref<8x128xi32, #tpu.memory_space<vmem>> -> memref<1x128xi32, #tpu.memory_space<vmem>>
      %dma_wait3A_519 = tpu.memref_squeeze %dma_wait3A_518 : memref<1x128xi32, #tpu.memory_space<vmem>> -> memref<128xi32, #tpu.memory_space<vmem>>
      %dma_wait3A_520 = arith.constant 0 : i32
      %dma_wait3A_521 = arith.constant 0 : i32
      %dma_wait3A_522 = tpu.memref_slice %arg11[%dma_wait3A_520, %dma_wait3A_521] : memref<102400x32xf32, #tpu.memory_space<hbm>> -> memref<102400x32xf32, #tpu.memory_space<hbm>>
      tpu.wait_indirect_dma semaphore(%arg28 : memref<!tpu.dma_semaphore, #tpu.memory_space<semaphore_mem>>) src(%dma_wait3A_522 : memref<102400x32xf32, #tpu.memory_space<hbm>>) dst(%arg18 : memref<128x32xf32, #tpu.memory_space<vmem>>)
      %dma_start3A_523 = arith.constant 1 : i32
      %dma_start3A_524 = arith.constant 0 : i32
      %dma_start3A_525 = tpu.memref_slice %arg16[%dma_start3A_523, %dma_start3A_524] : memref<8x128xi32, #tpu.memory_space<vmem>> -> memref<1x128xi32, #tpu.memory_space<vmem>>
      %dma_start3A_526 = tpu.memref_squeeze %dma_start3A_525 : memref<1x128xi32, #tpu.memory_space<vmem>> -> memref<128xi32, #tpu.memory_space<vmem>>
      %dma_start3A_527 = arith.constant 0 : i32
      %dma_start3A_528 = arith.constant 0 : i32
      %dma_start3A_529 = tpu.memref_slice %arg13[%dma_start3A_527, %dma_start3A_528] : memref<51200x32xf32, #tpu.memory_space<vmem_shared>> -> memref<51200x32xf32, #tpu.memory_space<vmem_shared>>
      tpu.enqueue_indirect_dma source(%arg18 : memref<128x32xf32, #tpu.memory_space<vmem>>) target(%dma_start3A_529 : memref<51200x32xf32, #tpu.memory_space<vmem_shared>>) offsets(%dma_start3A_526 : memref<128xi32, #tpu.memory_space<vmem>>) semaphore(%arg32 : memref<!tpu.dma_semaphore, #tpu.memory_space<semaphore_mem>>) {add = true}
      %dma_wait3A_530 = arith.constant 0 : i32
      %dma_wait3A_531 = arith.constant 0 : i32
      %dma_wait3A_532 = tpu.memref_slice %arg16[%dma_wait3A_530, %dma_wait3A_531] : memref<8x128xi32, #tpu.memory_space<vmem>> -> memref<1x128xi32, #tpu.memory_space<vmem>>
      %dma_wait3A_533 = tpu.memref_squeeze %dma_wait3A_532 : memref<1x128xi32, #tpu.memory_space<vmem>> -> memref<128xi32, #tpu.memory_space<vmem>>
      %dma_wait3A_534 = arith.constant 0 : i32
      %dma_wait3A_535 = arith.constant 0 : i32
      %dma_wait3A_536 = tpu.memref_slice %arg13[%dma_wait3A_534, %dma_wait3A_535] : memref<51200x32xf32, #tpu.memory_space<vmem_shared>> -> memref<51200x32xf32, #tpu.memory_space<vmem_shared>>
      tpu.wait_indirect_dma semaphore(%arg31 : memref<!tpu.dma_semaphore, #tpu.memory_space<semaphore_mem>>) src(%arg17 : memref<128x32xf32, #tpu.memory_space<vmem>>) dst(%dma_wait3A_536 : memref<51200x32xf32, #tpu.memory_space<vmem_shared>>)
      %dma_start3A_537 = arith.constant 4 : i32
      %dma_start3A_538 = arith.constant 0 : i32
      %dma_start3A_539 = tpu.memref_slice %arg15[%dma_start3A_537, %dma_start3A_538] : memref<8x128xi32, #tpu.memory_space<vmem>> -> memref<1x128xi32, #tpu.memory_space<vmem>>
      %dma_start3A_540 = tpu.memref_squeeze %dma_start3A_539 : memref<1x128xi32, #tpu.memory_space<vmem>> -> memref<128xi32, #tpu.memory_space<vmem>>
      %dma_start3A_541 = arith.constant 0 : i32
      %dma_start3A_542 = arith.constant 0 : i32
      %dma_start3A_543 = tpu.memref_slice %arg11[%dma_start3A_541, %dma_start3A_542] : memref<102400x32xf32, #tpu.memory_space<hbm>> -> memref<102400x32xf32, #tpu.memory_space<hbm>>
      tpu.enqueue_indirect_dma source(%dma_start3A_543 : memref<102400x32xf32, #tpu.memory_space<hbm>>) target(%arg17 : memref<128x32xf32, #tpu.memory_space<vmem>>) offsets(%dma_start3A_540 : memref<128xi32, #tpu.memory_space<vmem>>) semaphore(%arg27 : memref<!tpu.dma_semaphore, #tpu.memory_space<semaphore_mem>>)
      %dma_wait3A_544 = arith.constant 2 : i32
      %dma_wait3A_545 = arith.constant 0 : i32
      %dma_wait3A_546 = tpu.memref_slice %arg15[%dma_wait3A_544, %dma_wait3A_545] : memref<8x128xi32, #tpu.memory_space<vmem>> -> memref<1x128xi32, #tpu.memory_space<vmem>>
      %dma_wait3A_547 = tpu.memref_squeeze %dma_wait3A_546 : memref<1x128xi32, #tpu.memory_space<vmem>> -> memref<128xi32, #tpu.memory_space<vmem>>
      %dma_wait3A_548 = arith.constant 0 : i32
      %dma_wait3A_549 = arith.constant 0 : i32
      %dma_wait3A_550 = tpu.memref_slice %arg11[%dma_wait3A_548, %dma_wait3A_549] : memref<102400x32xf32, #tpu.memory_space<hbm>> -> memref<102400x32xf32, #tpu.memory_space<hbm>>
      tpu.wait_indirect_dma semaphore(%arg29 : memref<!tpu.dma_semaphore, #tpu.memory_space<semaphore_mem>>) src(%dma_wait3A_550 : memref<102400x32xf32, #tpu.memory_space<hbm>>) dst(%arg19 : memref<128x32xf32, #tpu.memory_space<vmem>>)
      %dma_start3A_551 = arith.constant 2 : i32
      %dma_start3A_552 = arith.constant 0 : i32
      %dma_start3A_553 = tpu.memref_slice %arg16[%dma_start3A_551, %dma_start3A_552] : memref<8x128xi32, #tpu.memory_space<vmem>> -> memref<1x128xi32, #tpu.memory_space<vmem>>
      %dma_start3A_554 = tpu.memref_squeeze %dma_start3A_553 : memref<1x128xi32, #tpu.memory_space<vmem>> -> memref<128xi32, #tpu.memory_space<vmem>>
      %dma_start3A_555 = arith.constant 0 : i32
      %dma_start3A_556 = arith.constant 0 : i32
      %dma_start3A_557 = tpu.memref_slice %arg13[%dma_start3A_555, %dma_start3A_556] : memref<51200x32xf32, #tpu.memory_space<vmem_shared>> -> memref<51200x32xf32, #tpu.memory_space<vmem_shared>>
      tpu.enqueue_indirect_dma source(%arg19 : memref<128x32xf32, #tpu.memory_space<vmem>>) target(%dma_start3A_557 : memref<51200x32xf32, #tpu.memory_space<vmem_shared>>) offsets(%dma_start3A_554 : memref<128xi32, #tpu.memory_space<vmem>>) semaphore(%arg31 : memref<!tpu.dma_semaphore, #tpu.memory_space<semaphore_mem>>) {add = true}
      %dma_wait3A_558 = arith.constant 1 : i32
      %dma_wait3A_559 = arith.constant 0 : i32
      %dma_wait3A_560 = tpu.memref_slice %arg16[%dma_wait3A_558, %dma_wait3A_559] : memref<8x128xi32, #tpu.memory_space<vmem>> -> memref<1x128xi32, #tpu.memory_space<vmem>>
      %dma_wait3A_561 = tpu.memref_squeeze %dma_wait3A_560 : memref<1x128xi32, #tpu.memory_space<vmem>> -> memref<128xi32, #tpu.memory_space<vmem>>
      %dma_wait3A_562 = arith.constant 0 : i32
      %dma_wait3A_563 = arith.constant 0 : i32
      %dma_wait3A_564 = tpu.memref_slice %arg13[%dma_wait3A_562, %dma_wait3A_563] : memref<51200x32xf32, #tpu.memory_space<vmem_shared>> -> memref<51200x32xf32, #tpu.memory_space<vmem_shared>>
      tpu.wait_indirect_dma semaphore(%arg32 : memref<!tpu.dma_semaphore, #tpu.memory_space<semaphore_mem>>) src(%arg18 : memref<128x32xf32, #tpu.memory_space<vmem>>) dst(%dma_wait3A_564 : memref<51200x32xf32, #tpu.memory_space<vmem_shared>>)
      %dma_start3A_565 = arith.constant 5 : i32
      %dma_start3A_566 = arith.constant 0 : i32
      %dma_start3A_567 = tpu.memref_slice %arg15[%dma_start3A_565, %dma_start3A_566] : memref<8x128xi32, #tpu.memory_space<vmem>> -> memref<1x128xi32, #tpu.memory_space<vmem>>
      %dma_start3A_568 = tpu.memref_squeeze %dma_start3A_567 : memref<1x128xi32, #tpu.memory_space<vmem>> -> memref<128xi32, #tpu.memory_space<vmem>>
      %dma_start3A_569 = arith.constant 0 : i32
      %dma_start3A_570 = arith.constant 0 : i32
      %dma_start3A_571 = tpu.memref_slice %arg11[%dma_start3A_569, %dma_start3A_570] : memref<102400x32xf32, #tpu.memory_space<hbm>> -> memref<102400x32xf32, #tpu.memory_space<hbm>>
      tpu.enqueue_indirect_dma source(%dma_start3A_571 : memref<102400x32xf32, #tpu.memory_space<hbm>>) target(%arg18 : memref<128x32xf32, #tpu.memory_space<vmem>>) offsets(%dma_start3A_568 : memref<128xi32, #tpu.memory_space<vmem>>) semaphore(%arg28 : memref<!tpu.dma_semaphore, #tpu.memory_space<semaphore_mem>>)
      %dma_wait3A_572 = arith.constant 3 : i32
      %dma_wait3A_573 = arith.constant 0 : i32
      %dma_wait3A_574 = tpu.memref_slice %arg15[%dma_wait3A_572, %dma_wait3A_573] : memref<8x128xi32, #tpu.memory_space<vmem>> -> memref<1x128xi32, #tpu.memory_space<vmem>>
      %dma_wait3A_575 = tpu.memref_squeeze %dma_wait3A_574 : memref<1x128xi32, #tpu.memory_space<vmem>> -> memref<128xi32, #tpu.memory_space<vmem>>
      %dma_wait3A_576 = arith.constant 0 : i32
      %dma_wait3A_577 = arith.constant 0 : i32
      %dma_wait3A_578 = tpu.memref_slice %arg11[%dma_wait3A_576, %dma_wait3A_577] : memref<102400x32xf32, #tpu.memory_space<hbm>> -> memref<102400x32xf32, #tpu.memory_space<hbm>>
      tpu.wait_indirect_dma semaphore(%arg30 : memref<!tpu.dma_semaphore, #tpu.memory_space<semaphore_mem>>) src(%dma_wait3A_578 : memref<102400x32xf32, #tpu.memory_space<hbm>>) dst(%arg20 : memref<128x32xf32, #tpu.memory_space<vmem>>)
      %dma_start3A_579 = arith.constant 3 : i32
      %dma_start3A_580 = arith.constant 0 : i32
      %dma_start3A_581 = tpu.memref_slice %arg16[%dma_start3A_579, %dma_start3A_580] : memref<8x128xi32, #tpu.memory_space<vmem>> -> memref<1x128xi32, #tpu.memory_space<vmem>>
      %dma_start3A_582 = tpu.memref_squeeze %dma_start3A_581 : memref<1x128xi32, #tpu.memory_space<vmem>> -> memref<128xi32, #tpu.memory_space<vmem>>
      %dma_start3A_583 = arith.constant 0 : i32
      %dma_start3A_584 = arith.constant 0 : i32
      %dma_start3A_585 = tpu.memref_slice %arg13[%dma_start3A_583, %dma_start3A_584] : memref<51200x32xf32, #tpu.memory_space<vmem_shared>> -> memref<51200x32xf32, #tpu.memory_space<vmem_shared>>
      tpu.enqueue_indirect_dma source(%arg20 : memref<128x32xf32, #tpu.memory_space<vmem>>) target(%dma_start3A_585 : memref<51200x32xf32, #tpu.memory_space<vmem_shared>>) offsets(%dma_start3A_582 : memref<128xi32, #tpu.memory_space<vmem>>) semaphore(%arg32 : memref<!tpu.dma_semaphore, #tpu.memory_space<semaphore_mem>>) {add = true}
      %dma_wait3A_586 = arith.constant 2 : i32
      %dma_wait3A_587 = arith.constant 0 : i32
      %dma_wait3A_588 = tpu.memref_slice %arg16[%dma_wait3A_586, %dma_wait3A_587] : memref<8x128xi32, #tpu.memory_space<vmem>> -> memref<1x128xi32, #tpu.memory_space<vmem>>
      %dma_wait3A_589 = tpu.memref_squeeze %dma_wait3A_588 : memref<1x128xi32, #tpu.memory_space<vmem>> -> memref<128xi32, #tpu.memory_space<vmem>>
      %dma_wait3A_590 = arith.constant 0 : i32
      %dma_wait3A_591 = arith.constant 0 : i32
      %dma_wait3A_592 = tpu.memref_slice %arg13[%dma_wait3A_590, %dma_wait3A_591] : memref<51200x32xf32, #tpu.memory_space<vmem_shared>> -> memref<51200x32xf32, #tpu.memory_space<vmem_shared>>
      tpu.wait_indirect_dma semaphore(%arg31 : memref<!tpu.dma_semaphore, #tpu.memory_space<semaphore_mem>>) src(%arg19 : memref<128x32xf32, #tpu.memory_space<vmem>>) dst(%dma_wait3A_592 : memref<51200x32xf32, #tpu.memory_space<vmem_shared>>)
      %dma_start3A_593 = arith.constant 6 : i32
      %dma_start3A_594 = arith.constant 0 : i32
      %dma_start3A_595 = tpu.memref_slice %arg15[%dma_start3A_593, %dma_start3A_594] : memref<8x128xi32, #tpu.memory_space<vmem>> -> memref<1x128xi32, #tpu.memory_space<vmem>>
      %dma_start3A_596 = tpu.memref_squeeze %dma_start3A_595 : memref<1x128xi32, #tpu.memory_space<vmem>> -> memref<128xi32, #tpu.memory_space<vmem>>
      %dma_start3A_597 = arith.constant 0 : i32
      %dma_start3A_598 = arith.constant 0 : i32
      %dma_start3A_599 = tpu.memref_slice %arg11[%dma_start3A_597, %dma_start3A_598] : memref<102400x32xf32, #tpu.memory_space<hbm>> -> memref<102400x32xf32, #tpu.memory_space<hbm>>
      tpu.enqueue_indirect_dma source(%dma_start3A_599 : memref<102400x32xf32, #tpu.memory_space<hbm>>) target(%arg19 : memref<128x32xf32, #tpu.memory_space<vmem>>) offsets(%dma_start3A_596 : memref<128xi32, #tpu.memory_space<vmem>>) semaphore(%arg29 : memref<!tpu.dma_semaphore, #tpu.memory_space<semaphore_mem>>)
      %dma_wait3A_600 = arith.constant 4 : i32
      %dma_wait3A_601 = arith.constant 0 : i32
      %dma_wait3A_602 = tpu.memref_slice %arg15[%dma_wait3A_600, %dma_wait3A_601] : memref<8x128xi32, #tpu.memory_space<vmem>> -> memref<1x128xi32, #tpu.memory_space<vmem>>
      %dma_wait3A_603 = tpu.memref_squeeze %dma_wait3A_602 : memref<1x128xi32, #tpu.memory_space<vmem>> -> memref<128xi32, #tpu.memory_space<vmem>>
      %dma_wait3A_604 = arith.constant 0 : i32
      %dma_wait3A_605 = arith.constant 0 : i32
      %dma_wait3A_606 = tpu.memref_slice %arg11[%dma_wait3A_604, %dma_wait3A_605] : memref<102400x32xf32, #tpu.memory_space<hbm>> -> memref<102400x32xf32, #tpu.memory_space<hbm>>
      tpu.wait_indirect_dma semaphore(%arg27 : memref<!tpu.dma_semaphore, #tpu.memory_space<semaphore_mem>>) src(%dma_wait3A_606 : memref<102400x32xf32, #tpu.memory_space<hbm>>) dst(%arg17 : memref<128x32xf32, #tpu.memory_space<vmem>>)
      %dma_start3A_607 = arith.constant 4 : i32
      %dma_start3A_608 = arith.constant 0 : i32
      %dma_start3A_609 = tpu.memref_slice %arg16[%dma_start3A_607, %dma_start3A_608] : memref<8x128xi32, #tpu.memory_space<vmem>> -> memref<1x128xi32, #tpu.memory_space<vmem>>
      %dma_start3A_610 = tpu.memref_squeeze %dma_start3A_609 : memref<1x128xi32, #tpu.memory_space<vmem>> -> memref<128xi32, #tpu.memory_space<vmem>>
      %dma_start3A_611 = arith.constant 0 : i32
      %dma_start3A_612 = arith.constant 0 : i32
      %dma_start3A_613 = tpu.memref_slice %arg13[%dma_start3A_611, %dma_start3A_612] : memref<51200x32xf32, #tpu.memory_space<vmem_shared>> -> memref<51200x32xf32, #tpu.memory_space<vmem_shared>>
      tpu.enqueue_indirect_dma source(%arg17 : memref<128x32xf32, #tpu.memory_space<vmem>>) target(%dma_start3A_613 : memref<51200x32xf32, #tpu.memory_space<vmem_shared>>) offsets(%dma_start3A_610 : memref<128xi32, #tpu.memory_space<vmem>>) semaphore(%arg31 : memref<!tpu.dma_semaphore, #tpu.memory_space<semaphore_mem>>) {add = true}
      %dma_wait3A_614 = arith.constant 3 : i32
      %dma_wait3A_615 = arith.constant 0 : i32
      %dma_wait3A_616 = tpu.memref_slice %arg16[%dma_wait3A_614, %dma_wait3A_615] : memref<8x128xi32, #tpu.memory_space<vmem>> -> memref<1x128xi32, #tpu.memory_space<vmem>>
      %dma_wait3A_617 = tpu.memref_squeeze %dma_wait3A_616 : memref<1x128xi32, #tpu.memory_space<vmem>> -> memref<128xi32, #tpu.memory_space<vmem>>
      %dma_wait3A_618 = arith.constant 0 : i32
      %dma_wait3A_619 = arith.constant 0 : i32
      %dma_wait3A_620 = tpu.memref_slice %arg13[%dma_wait3A_618, %dma_wait3A_619] : memref<51200x32xf32, #tpu.memory_space<vmem_shared>> -> memref<51200x32xf32, #tpu.memory_space<vmem_shared>>
      tpu.wait_indirect_dma semaphore(%arg32 : memref<!tpu.dma_semaphore, #tpu.memory_space<semaphore_mem>>) src(%arg20 : memref<128x32xf32, #tpu.memory_space<vmem>>) dst(%dma_wait3A_620 : memref<51200x32xf32, #tpu.memory_space<vmem_shared>>)
      %dma_start3A_621 = arith.constant 7 : i32
      %dma_start3A_622 = arith.constant 0 : i32
      %dma_start3A_623 = tpu.memref_slice %arg15[%dma_start3A_621, %dma_start3A_622] : memref<8x128xi32, #tpu.memory_space<vmem>> -> memref<1x128xi32, #tpu.memory_space<vmem>>
      %dma_start3A_624 = tpu.memref_squeeze %dma_start3A_623 : memref<1x128xi32, #tpu.memory_space<vmem>> -> memref<128xi32, #tpu.memory_space<vmem>>
      %dma_start3A_625 = arith.constant 0 : i32
      %dma_start3A_626 = arith.constant 0 : i32
      %dma_start3A_627 = tpu.memref_slice %arg11[%dma_start3A_625, %dma_start3A_626] : memref<102400x32xf32, #tpu.memory_space<hbm>> -> memref<102400x32xf32, #tpu.memory_space<hbm>>
      tpu.enqueue_indirect_dma source(%dma_start3A_627 : memref<102400x32xf32, #tpu.memory_space<hbm>>) target(%arg20 : memref<128x32xf32, #tpu.memory_space<vmem>>) offsets(%dma_start3A_624 : memref<128xi32, #tpu.memory_space<vmem>>) semaphore(%arg30 : memref<!tpu.dma_semaphore, #tpu.memory_space<semaphore_mem>>)
      %dma_wait3A_628 = arith.constant 5 : i32
      %dma_wait3A_629 = arith.constant 0 : i32
      %dma_wait3A_630 = tpu.memref_slice %arg15[%dma_wait3A_628, %dma_wait3A_629] : memref<8x128xi32, #tpu.memory_space<vmem>> -> memref<1x128xi32, #tpu.memory_space<vmem>>
      %dma_wait3A_631 = tpu.memref_squeeze %dma_wait3A_630 : memref<1x128xi32, #tpu.memory_space<vmem>> -> memref<128xi32, #tpu.memory_space<vmem>>
      %dma_wait3A_632 = arith.constant 0 : i32
      %dma_wait3A_633 = arith.constant 0 : i32
      %dma_wait3A_634 = tpu.memref_slice %arg11[%dma_wait3A_632, %dma_wait3A_633] : memref<102400x32xf32, #tpu.memory_space<hbm>> -> memref<102400x32xf32, #tpu.memory_space<hbm>>
      tpu.wait_indirect_dma semaphore(%arg28 : memref<!tpu.dma_semaphore, #tpu.memory_space<semaphore_mem>>) src(%dma_wait3A_634 : memref<102400x32xf32, #tpu.memory_space<hbm>>) dst(%arg18 : memref<128x32xf32, #tpu.memory_space<vmem>>)
      %dma_start3A_635 = arith.constant 5 : i32
      %dma_start3A_636 = arith.constant 0 : i32
      %dma_start3A_637 = tpu.memref_slice %arg16[%dma_start3A_635, %dma_start3A_636] : memref<8x128xi32, #tpu.memory_space<vmem>> -> memref<1x128xi32, #tpu.memory_space<vmem>>
      %dma_start3A_638 = tpu.memref_squeeze %dma_start3A_637 : memref<1x128xi32, #tpu.memory_space<vmem>> -> memref<128xi32, #tpu.memory_space<vmem>>
      %dma_start3A_639 = arith.constant 0 : i32
      %dma_start3A_640 = arith.constant 0 : i32
      %dma_start3A_641 = tpu.memref_slice %arg13[%dma_start3A_639, %dma_start3A_640] : memref<51200x32xf32, #tpu.memory_space<vmem_shared>> -> memref<51200x32xf32, #tpu.memory_space<vmem_shared>>
      tpu.enqueue_indirect_dma source(%arg18 : memref<128x32xf32, #tpu.memory_space<vmem>>) target(%dma_start3A_641 : memref<51200x32xf32, #tpu.memory_space<vmem_shared>>) offsets(%dma_start3A_638 : memref<128xi32, #tpu.memory_space<vmem>>) semaphore(%arg32 : memref<!tpu.dma_semaphore, #tpu.memory_space<semaphore_mem>>) {add = true}
      %dma_wait3A_642 = arith.constant 6 : i32
      %dma_wait3A_643 = arith.constant 0 : i32
      %dma_wait3A_644 = tpu.memref_slice %arg15[%dma_wait3A_642, %dma_wait3A_643] : memref<8x128xi32, #tpu.memory_space<vmem>> -> memref<1x128xi32, #tpu.memory_space<vmem>>
      %dma_wait3A_645 = tpu.memref_squeeze %dma_wait3A_644 : memref<1x128xi32, #tpu.memory_space<vmem>> -> memref<128xi32, #tpu.memory_space<vmem>>
      %dma_wait3A_646 = arith.constant 0 : i32
      %dma_wait3A_647 = arith.constant 0 : i32
      %dma_wait3A_648 = tpu.memref_slice %arg11[%dma_wait3A_646, %dma_wait3A_647] : memref<102400x32xf32, #tpu.memory_space<hbm>> -> memref<102400x32xf32, #tpu.memory_space<hbm>>
      tpu.wait_indirect_dma semaphore(%arg29 : memref<!tpu.dma_semaphore, #tpu.memory_space<semaphore_mem>>) src(%dma_wait3A_648 : memref<102400x32xf32, #tpu.memory_space<hbm>>) dst(%arg19 : memref<128x32xf32, #tpu.memory_space<vmem>>)
      %dma_start3A_649 = arith.constant 6 : i32
      %dma_start3A_650 = arith.constant 0 : i32
      %dma_start3A_651 = tpu.memref_slice %arg16[%dma_start3A_649, %dma_start3A_650] : memref<8x128xi32, #tpu.memory_space<vmem>> -> memref<1x128xi32, #tpu.memory_space<vmem>>
      %dma_start3A_652 = tpu.memref_squeeze %dma_start3A_651 : memref<1x128xi32, #tpu.memory_space<vmem>> -> memref<128xi32, #tpu.memory_space<vmem>>
      %dma_start3A_653 = arith.constant 0 : i32
      %dma_start3A_654 = arith.constant 0 : i32
      %dma_start3A_655 = tpu.memref_slice %arg13[%dma_start3A_653, %dma_start3A_654] : memref<51200x32xf32, #tpu.memory_space<vmem_shared>> -> memref<51200x32xf32, #tpu.memory_space<vmem_shared>>
      tpu.enqueue_indirect_dma source(%arg19 : memref<128x32xf32, #tpu.memory_space<vmem>>) target(%dma_start3A_655 : memref<51200x32xf32, #tpu.memory_space<vmem_shared>>) offsets(%dma_start3A_652 : memref<128xi32, #tpu.memory_space<vmem>>) semaphore(%arg31 : memref<!tpu.dma_semaphore, #tpu.memory_space<semaphore_mem>>) {add = true}
      %dma_wait3A_656 = arith.constant 7 : i32
      %dma_wait3A_657 = arith.constant 0 : i32
      %dma_wait3A_658 = tpu.memref_slice %arg15[%dma_wait3A_656, %dma_wait3A_657] : memref<8x128xi32, #tpu.memory_space<vmem>> -> memref<1x128xi32, #tpu.memory_space<vmem>>
      %dma_wait3A_659 = tpu.memref_squeeze %dma_wait3A_658 : memref<1x128xi32, #tpu.memory_space<vmem>> -> memref<128xi32, #tpu.memory_space<vmem>>
      %dma_wait3A_660 = arith.constant 0 : i32
      %dma_wait3A_661 = arith.constant 0 : i32
      %dma_wait3A_662 = tpu.memref_slice %arg11[%dma_wait3A_660, %dma_wait3A_661] : memref<102400x32xf32, #tpu.memory_space<hbm>> -> memref<102400x32xf32, #tpu.memory_space<hbm>>
      tpu.wait_indirect_dma semaphore(%arg30 : memref<!tpu.dma_semaphore, #tpu.memory_space<semaphore_mem>>) src(%dma_wait3A_662 : memref<102400x32xf32, #tpu.memory_space<hbm>>) dst(%arg20 : memref<128x32xf32, #tpu.memory_space<vmem>>)
      %dma_start3A_663 = arith.constant 7 : i32
      %dma_start3A_664 = arith.constant 0 : i32
      %dma_start3A_665 = tpu.memref_slice %arg16[%dma_start3A_663, %dma_start3A_664] : memref<8x128xi32, #tpu.memory_space<vmem>> -> memref<1x128xi32, #tpu.memory_space<vmem>>
      %dma_start3A_666 = tpu.memref_squeeze %dma_start3A_665 : memref<1x128xi32, #tpu.memory_space<vmem>> -> memref<128xi32, #tpu.memory_space<vmem>>
      %dma_start3A_667 = arith.constant 0 : i32
      %dma_start3A_668 = arith.constant 0 : i32
      %dma_start3A_669 = tpu.memref_slice %arg13[%dma_start3A_667, %dma_start3A_668] : memref<51200x32xf32, #tpu.memory_space<vmem_shared>> -> memref<51200x32xf32, #tpu.memory_space<vmem_shared>>
      tpu.enqueue_indirect_dma source(%arg20 : memref<128x32xf32, #tpu.memory_space<vmem>>) target(%dma_start3A_669 : memref<51200x32xf32, #tpu.memory_space<vmem_shared>>) offsets(%dma_start3A_666 : memref<128xi32, #tpu.memory_space<vmem>>) semaphore(%arg32 : memref<!tpu.dma_semaphore, #tpu.memory_space<semaphore_mem>>) {add = true}
      %dma_wait3A_670 = arith.constant 4 : i32
      %dma_wait3A_671 = arith.constant 0 : i32
      %dma_wait3A_672 = tpu.memref_slice %arg16[%dma_wait3A_670, %dma_wait3A_671] : memref<8x128xi32, #tpu.memory_space<vmem>> -> memref<1x128xi32, #tpu.memory_space<vmem>>
      %dma_wait3A_673 = tpu.memref_squeeze %dma_wait3A_672 : memref<1x128xi32, #tpu.memory_space<vmem>> -> memref<128xi32, #tpu.memory_space<vmem>>
      %dma_wait3A_674 = arith.constant 0 : i32
      %dma_wait3A_675 = arith.constant 0 : i32
      %dma_wait3A_676 = tpu.memref_slice %arg13[%dma_wait3A_674, %dma_wait3A_675] : memref<51200x32xf32, #tpu.memory_space<vmem_shared>> -> memref<51200x32xf32, #tpu.memory_space<vmem_shared>>
      tpu.wait_indirect_dma semaphore(%arg31 : memref<!tpu.dma_semaphore, #tpu.memory_space<semaphore_mem>>) src(%arg17 : memref<128x32xf32, #tpu.memory_space<vmem>>) dst(%dma_wait3A_676 : memref<51200x32xf32, #tpu.memory_space<vmem_shared>>)
      %dma_wait3A_677 = arith.constant 5 : i32
      %dma_wait3A_678 = arith.constant 0 : i32
      %dma_wait3A_679 = tpu.memref_slice %arg16[%dma_wait3A_677, %dma_wait3A_678] : memref<8x128xi32, #tpu.memory_space<vmem>> -> memref<1x128xi32, #tpu.memory_space<vmem>>
      %dma_wait3A_680 = tpu.memref_squeeze %dma_wait3A_679 : memref<1x128xi32, #tpu.memory_space<vmem>> -> memref<128xi32, #tpu.memory_space<vmem>>
      %dma_wait3A_681 = arith.constant 0 : i32
      %dma_wait3A_682 = arith.constant 0 : i32
      %dma_wait3A_683 = tpu.memref_slice %arg13[%dma_wait3A_681, %dma_wait3A_682] : memref<51200x32xf32, #tpu.memory_space<vmem_shared>> -> memref<51200x32xf32, #tpu.memory_space<vmem_shared>>
      tpu.wait_indirect_dma semaphore(%arg32 : memref<!tpu.dma_semaphore, #tpu.memory_space<semaphore_mem>>) src(%arg18 : memref<128x32xf32, #tpu.memory_space<vmem>>) dst(%dma_wait3A_683 : memref<51200x32xf32, #tpu.memory_space<vmem_shared>>)
      %dma_wait3A_684 = arith.constant 6 : i32
      %dma_wait3A_685 = arith.constant 0 : i32
      %dma_wait3A_686 = tpu.memref_slice %arg16[%dma_wait3A_684, %dma_wait3A_685] : memref<8x128xi32, #tpu.memory_space<vmem>> -> memref<1x128xi32, #tpu.memory_space<vmem>>
      %dma_wait3A_687 = tpu.memref_squeeze %dma_wait3A_686 : memref<1x128xi32, #tpu.memory_space<vmem>> -> memref<128xi32, #tpu.memory_space<vmem>>
      %dma_wait3A_688 = arith.constant 0 : i32
      %dma_wait3A_689 = arith.constant 0 : i32
      %dma_wait3A_690 = tpu.memref_slice %arg13[%dma_wait3A_688, %dma_wait3A_689] : memref<51200x32xf32, #tpu.memory_space<vmem_shared>> -> memref<51200x32xf32, #tpu.memory_space<vmem_shared>>
      tpu.wait_indirect_dma semaphore(%arg31 : memref<!tpu.dma_semaphore, #tpu.memory_space<semaphore_mem>>) src(%arg19 : memref<128x32xf32, #tpu.memory_space<vmem>>) dst(%dma_wait3A_690 : memref<51200x32xf32, #tpu.memory_space<vmem_shared>>)
      %dma_wait3A_691 = arith.constant 7 : i32
      %dma_wait3A_692 = arith.constant 0 : i32
      %dma_wait3A_693 = tpu.memref_slice %arg16[%dma_wait3A_691, %dma_wait3A_692] : memref<8x128xi32, #tpu.memory_space<vmem>> -> memref<1x128xi32, #tpu.memory_space<vmem>>
      %dma_wait3A_694 = tpu.memref_squeeze %dma_wait3A_693 : memref<1x128xi32, #tpu.memory_space<vmem>> -> memref<128xi32, #tpu.memory_space<vmem>>
      %dma_wait3A_695 = arith.constant 0 : i32
      %dma_wait3A_696 = arith.constant 0 : i32
      %dma_wait3A_697 = tpu.memref_slice %arg13[%dma_wait3A_695, %dma_wait3A_696] : memref<51200x32xf32, #tpu.memory_space<vmem_shared>> -> memref<51200x32xf32, #tpu.memory_space<vmem_shared>>
      tpu.wait_indirect_dma semaphore(%arg32 : memref<!tpu.dma_semaphore, #tpu.memory_space<semaphore_mem>>) src(%arg20 : memref<128x32xf32, #tpu.memory_space<vmem>>) dst(%dma_wait3A_697 : memref<51200x32xf32, #tpu.memory_space<vmem_shared>>)
      %scan3A_698 = arith.constant 0 : i32
      scf.yield %scan3A_698 : i32
    }
    %scan3A_104 = arith.constant 49 : i32
    %barrier3A_105 = arith.constant 0 : index
    tpu.barrier barrier_id(%barrier3A_105)
    %scan3A_106 = arith.constant 0 : i32
    %scan3A_107 = arith.constant 0 : i32
    %scan3A_108 = arith.constant 50 : i32
    %scan3A_109 = arith.addi %scan3A_107, %scan3A_108 : i32
    %scan3A_110 = arith.constant 1 : i32
    %scan3A_111 = scf.for %scan3A_467 = %scan3A_107 to %scan3A_109 step %scan3A_110 iter_args(%scan3A_468 = %scan3A_106) -> (i32)  : i32 {
      %mul3A_469 = arith.constant 64 : i32
      %mul3A_470 = arith.muli %scan3A_467, %mul3A_469 : i32
      %add3A_471 = arith.addi %mul3A_0, %mul3A_470 : i32
      "tpu.region"() ({
        %run_scoped3A = tpu.sem_alloc : memref<!tpu.dma_semaphore, #tpu.memory_space<semaphore_mem>>
        %dma_start3A_487 = arith.constant 0 : i32
        %dma_start3A_488 = tpu.memref_slice %arg13[%add3A_471, %dma_start3A_487] : memref<51200x32xf32, #tpu.memory_space<vmem_shared>> -> memref<64x32xf32, #tpu.memory_space<vmem_shared>>
        %dma_start3A_489 = arith.constant 0 : i32
        %dma_start3A_490 = tpu.memref_slice %arg13[%add3A_471, %dma_start3A_489] : memref<51200x32xf32, #tpu.memory_space<vmem_shared>> -> memref<64x32xf32, #tpu.memory_space<vmem_shared>>
        tpu.enqueue_dma source(%dma_start3A_490 : memref<64x32xf32, #tpu.memory_space<vmem_shared>>) target(%arg21 : memref<64x32xf32, #tpu.memory_space<vmem>>) target_semaphore(%run_scoped3A : memref<!tpu.dma_semaphore, #tpu.memory_space<semaphore_mem>>)
        %dma_wait3A_491 = arith.constant 0 : i32
        %dma_wait3A_492 = tpu.memref_slice %arg13[%add3A_471, %dma_wait3A_491] : memref<51200x32xf32, #tpu.memory_space<vmem_shared>> -> memref<64x32xf32, #tpu.memory_space<vmem_shared>>
        %dma_wait3A_493 = arith.constant 0 : i32
        %dma_wait3A_494 = tpu.memref_slice %arg13[%add3A_471, %dma_wait3A_493] : memref<51200x32xf32, #tpu.memory_space<vmem_shared>> -> memref<64x32xf32, #tpu.memory_space<vmem_shared>>
        tpu.wait_dma2 semaphore(%run_scoped3A : memref<!tpu.dma_semaphore, #tpu.memory_space<semaphore_mem>>) src(%dma_wait3A_494 : memref<64x32xf32, #tpu.memory_space<vmem_shared>>) dst(%arg21 : memref<64x32xf32, #tpu.memory_space<vmem>>)
        tpu.yield
      }) : () -> ()
      %lt3A = arith.constant 8 : i32
      %lt3A_472 = arith.cmpi slt, %arg1, %lt3A : i32
      %convert_element_type3A = arith.extui %lt3A_472 : i1 to i32
      %cond3A = arith.constant 0 : i32
      %cond3A_473 = arith.cmpi ne, %convert_element_type3A, %cond3A : i32
      scf.if %cond3A_473 {
        %mul3A_487 = arith.constant 25600 : i32
        %mul3A_488 = arith.muli %arg0, %mul3A_487 : i32
        %add3A_489 = arith.addi %mul3A_488, %add3A_471 : i32
        "tpu.region"() ({
          %run_scoped3A = tpu.sem_alloc : memref<!tpu.dma_semaphore, #tpu.memory_space<semaphore_mem>>
          %dma_start3A_500 = arith.constant 0 : i32
          %dma_start3A_501 = arith.constant 0 : i32
          %dma_start3A_502 = tpu.memref_slice %arg17[%dma_start3A_500, %dma_start3A_501] : memref<128x32xf32, #tpu.memory_space<vmem>> -> memref<64x32xf32, #tpu.memory_space<vmem>>
          %dma_start3A_503 = arith.constant 0 : i32
          %dma_start3A_504 = tpu.memref_slice %arg12[%add3A_489, %dma_start3A_503] : memref<51200x32xf32, #tpu.memory_space<hbm>> -> memref<64x32xf32, #tpu.memory_space<hbm>>
          %dma_start3A_505 = arith.constant 0 : i32
          %dma_start3A_506 = arith.constant 0 : i32
          %dma_start3A_507 = tpu.memref_slice %arg17[%dma_start3A_505, %dma_start3A_506] : memref<128x32xf32, #tpu.memory_space<vmem>> -> memref<64x32xf32, #tpu.memory_space<vmem>>
          %dma_start3A_508 = arith.constant 0 : i32
          %dma_start3A_509 = tpu.memref_slice %arg12[%add3A_489, %dma_start3A_508] : memref<51200x32xf32, #tpu.memory_space<hbm>> -> memref<64x32xf32, #tpu.memory_space<hbm>>
          tpu.enqueue_dma source(%dma_start3A_509 : memref<64x32xf32, #tpu.memory_space<hbm>>) target(%dma_start3A_507 : memref<64x32xf32, #tpu.memory_space<vmem>>) target_semaphore(%run_scoped3A : memref<!tpu.dma_semaphore, #tpu.memory_space<semaphore_mem>>)
          %dma_wait3A_510 = arith.constant 0 : i32
          %dma_wait3A_511 = arith.constant 0 : i32
          %dma_wait3A_512 = tpu.memref_slice %arg17[%dma_wait3A_510, %dma_wait3A_511] : memref<128x32xf32, #tpu.memory_space<vmem>> -> memref<64x32xf32, #tpu.memory_space<vmem>>
          %dma_wait3A_513 = arith.constant 0 : i32
          %dma_wait3A_514 = tpu.memref_slice %arg12[%add3A_489, %dma_wait3A_513] : memref<51200x32xf32, #tpu.memory_space<hbm>> -> memref<64x32xf32, #tpu.memory_space<hbm>>
          %dma_wait3A_515 = arith.constant 0 : i32
          %dma_wait3A_516 = arith.constant 0 : i32
          %dma_wait3A_517 = tpu.memref_slice %arg17[%dma_wait3A_515, %dma_wait3A_516] : memref<128x32xf32, #tpu.memory_space<vmem>> -> memref<64x32xf32, #tpu.memory_space<vmem>>
          %dma_wait3A_518 = arith.constant 0 : i32
          %dma_wait3A_519 = tpu.memref_slice %arg12[%add3A_489, %dma_wait3A_518] : memref<51200x32xf32, #tpu.memory_space<hbm>> -> memref<64x32xf32, #tpu.memory_space<hbm>>
          tpu.wait_dma2 semaphore(%run_scoped3A : memref<!tpu.dma_semaphore, #tpu.memory_space<semaphore_mem>>) src(%dma_wait3A_519 : memref<64x32xf32, #tpu.memory_space<hbm>>) dst(%dma_wait3A_517 : memref<64x32xf32, #tpu.memory_space<vmem>>)
          tpu.yield
        }) : () -> ()
        %scan3A_490 = arith.constant 0 : i32
        %scan3A_491 = arith.constant 0 : i32
        %scan3A_492 = arith.constant 64 : i32
        %scan3A_493 = arith.addi %scan3A_491, %scan3A_492 : i32
        %scan3A_494 = arith.constant 1 : i32
        %scan3A_495 = scf.for %scan3A_500 = %scan3A_491 to %scan3A_493 step %scan3A_494 iter_args(%scan3A_501 = %scan3A_490) -> (i32)  : i32 {
          %mul3A_502 = arith.constant 64 : i32
          %mul3A_503 = arith.muli %scan3A_467, %mul3A_502 : i32
          %add3A_504 = arith.addi %mul3A_503, %scan3A_500 : i32
          %broadcast_in_dim3A_505 = arith.constant 0 : i32
          %broadcast_in_dim3A_506 = vector.broadcast %broadcast_in_dim3A_505 : i32 to vector<16xi32>
          %add3A_507 = vector.broadcast %add3A_504 : i32 to vector<16xi32>
          %add3A_508 = arith.addi %broadcast_in_dim3A_506, %add3A_507 : vector<16xi32>
          %gather3A = tpu.vector_load_idx %arg22[%add3A_508] : memref<3200xf32, #tpu.memory_space<vmem>>[vector<16xi32>], vector<16xf32>,
          %mul3A_509 = arith.constant 0.333333343 : f32
          %mul3A_510 = vector.broadcast %mul3A_509 : f32 to vector<16xf32>
          %mul3A_511 = arith.mulf %gather3A, %mul3A_510 : vector<16xf32>
          %get3A = arith.index_cast %scan3A_500 : i32 to index
          %get3A_512 = arith.constant 0 : index
          %get3A_513 = tpu.vector_load %arg21[%get3A, %get3A_512] {strides = array<i32>} : memref<64x32xf32, #tpu.memory_space<vmem>>, vector<16xf32>,
          %get3A_514 = arith.index_cast %scan3A_500 : i32 to index
          %get3A_515 = arith.constant 0 : index
          %get3A_516 = tpu.vector_load %arg17[%get3A_514, %get3A_515] {strides = array<i32>} : memref<128x32xf32, #tpu.memory_space<vmem>>, vector<16xf32>,
          %mul3A_517 = arith.mulf %get3A_513, %mul3A_511 : vector<16xf32>
          %add3A_518 = arith.addf %get3A_516, %mul3A_517 : vector<16xf32>
          %swap3A_519 = arith.index_cast %scan3A_500 : i32 to index
          %swap3A_520 = arith.constant 0 : index
          %swap3A_521 = tpu.vector_load %arg17[%swap3A_519, %swap3A_520] {strides = array<i32>} : memref<128x32xf32, #tpu.memory_space<vmem>>, vector<16xf32>,
          tpu.vector_store %arg17[%swap3A_519, %swap3A_520], %add3A_518 {strides = array<i32>} : memref<128x32xf32, #tpu.memory_space<vmem>>, vector<16xf32>,
          %get3A_522 = arith.index_cast %scan3A_500 : i32 to index
          %get3A_523 = arith.constant 16 : index
          %get3A_524 = tpu.vector_load %arg21[%get3A_522, %get3A_523] {strides = array<i32>} : memref<64x32xf32, #tpu.memory_space<vmem>>, vector<16xf32>,
          %get3A_525 = arith.index_cast %scan3A_500 : i32 to index
          %get3A_526 = arith.constant 16 : index
          %get3A_527 = tpu.vector_load %arg17[%get3A_525, %get3A_526] {strides = array<i32>} : memref<128x32xf32, #tpu.memory_space<vmem>>, vector<16xf32>,
          %mul3A_528 = arith.mulf %get3A_524, %mul3A_511 : vector<16xf32>
          %add3A_529 = arith.addf %get3A_527, %mul3A_528 : vector<16xf32>
          %swap3A_530 = arith.index_cast %scan3A_500 : i32 to index
          %swap3A_531 = arith.constant 16 : index
          %swap3A_532 = tpu.vector_load %arg17[%swap3A_530, %swap3A_531] {strides = array<i32>} : memref<128x32xf32, #tpu.memory_space<vmem>>, vector<16xf32>,
          tpu.vector_store %arg17[%swap3A_530, %swap3A_531], %add3A_529 {strides = array<i32>} : memref<128x32xf32, #tpu.memory_space<vmem>>, vector<16xf32>,
          %scan3A_533 = arith.constant 0 : i32
          scf.yield %scan3A_533 : i32
        }
        %scan3A_496 = arith.constant 64 : i32
        %mul3A_497 = arith.constant 25600 : i32
        %mul3A_498 = arith.muli %arg0, %mul3A_497 : i32
        %add3A_499 = arith.addi %mul3A_498, %add3A_471 : i32
        "tpu.region"() ({
          %run_scoped3A = tpu.sem_alloc : memref<!tpu.dma_semaphore, #tpu.memory_space<semaphore_mem>>
          %dma_start3A_500 = arith.constant 0 : i32
          %dma_start3A_501 = arith.constant 0 : i32
          %dma_start3A_502 = tpu.memref_slice %arg17[%dma_start3A_500, %dma_start3A_501] : memref<128x32xf32, #tpu.memory_space<vmem>> -> memref<64x32xf32, #tpu.memory_space<vmem>>
          %dma_start3A_503 = arith.constant 0 : i32
          %dma_start3A_504 = tpu.memref_slice %arg12[%add3A_499, %dma_start3A_503] : memref<51200x32xf32, #tpu.memory_space<hbm>> -> memref<64x32xf32, #tpu.memory_space<hbm>>
          %dma_start3A_505 = arith.constant 0 : i32
          %dma_start3A_506 = tpu.memref_slice %arg12[%add3A_499, %dma_start3A_505] : memref<51200x32xf32, #tpu.memory_space<hbm>> -> memref<64x32xf32, #tpu.memory_space<hbm>>
          %dma_start3A_507 = arith.constant 0 : i32
          %dma_start3A_508 = arith.constant 0 : i32
          %dma_start3A_509 = tpu.memref_slice %arg17[%dma_start3A_507, %dma_start3A_508] : memref<128x32xf32, #tpu.memory_space<vmem>> -> memref<64x32xf32, #tpu.memory_space<vmem>>
          tpu.enqueue_dma source(%dma_start3A_509 : memref<64x32xf32, #tpu.memory_space<vmem>>) target(%dma_start3A_506 : memref<64x32xf32, #tpu.memory_space<hbm>>) target_semaphore(%run_scoped3A : memref<!tpu.dma_semaphore, #tpu.memory_space<semaphore_mem>>)
          %dma_wait3A_510 = arith.constant 0 : i32
          %dma_wait3A_511 = arith.constant 0 : i32
          %dma_wait3A_512 = tpu.memref_slice %arg17[%dma_wait3A_510, %dma_wait3A_511] : memref<128x32xf32, #tpu.memory_space<vmem>> -> memref<64x32xf32, #tpu.memory_space<vmem>>
          %dma_wait3A_513 = arith.constant 0 : i32
          %dma_wait3A_514 = tpu.memref_slice %arg12[%add3A_499, %dma_wait3A_513] : memref<51200x32xf32, #tpu.memory_space<hbm>> -> memref<64x32xf32, #tpu.memory_space<hbm>>
          %dma_wait3A_515 = arith.constant 0 : i32
          %dma_wait3A_516 = tpu.memref_slice %arg12[%add3A_499, %dma_wait3A_515] : memref<51200x32xf32, #tpu.memory_space<hbm>> -> memref<64x32xf32, #tpu.memory_space<hbm>>
          %dma_wait3A_517 = arith.constant 0 : i32
          %dma_wait3A_518 = arith.constant 0 : i32
          %dma_wait3A_519 = tpu.memref_slice %arg17[%dma_wait3A_517, %dma_wait3A_518] : memref<128x32xf32, #tpu.memory_space<vmem>> -> memref<64x32xf32, #tpu.memory_space<vmem>>
          tpu.wait_dma2 semaphore(%run_scoped3A : memref<!tpu.dma_semaphore, #tpu.memory_space<semaphore_mem>>) src(%dma_wait3A_519 : memref<64x32xf32, #tpu.memory_space<vmem>>) dst(%dma_wait3A_516 : memref<64x32xf32, #tpu.memory_space<hbm>>)
          tpu.yield
        }) : () -> ()
      } else {
      }
      "tpu.region"() ({
        %run_scoped3A = tpu.sem_alloc : memref<!tpu.dma_semaphore, #tpu.memory_space<semaphore_mem>>
        %dma_start3A_487 = arith.constant 0 : i32
        %dma_start3A_488 = tpu.memref_slice %arg13[%add3A_471, %dma_start3A_487] : memref<51200x32xf32, #tpu.memory_space<vmem_shared>> -> memref<32x32xf32, #tpu.memory_space<vmem_shared>>
        %dma_start3A_489 = arith.constant 0 : i32
        %dma_start3A_490 = tpu.memref_slice %arg13[%add3A_471, %dma_start3A_489] : memref<51200x32xf32, #tpu.memory_space<vmem_shared>> -> memref<32x32xf32, #tpu.memory_space<vmem_shared>>
        tpu.enqueue_dma source(%arg25 : memref<32x32xf32, #tpu.memory_space<vmem>>) target(%dma_start3A_490 : memref<32x32xf32, #tpu.memory_space<vmem_shared>>) target_semaphore(%run_scoped3A : memref<!tpu.dma_semaphore, #tpu.memory_space<semaphore_mem>>)
        %dma_wait3A_491 = arith.constant 0 : i32
        %dma_wait3A_492 = tpu.memref_slice %arg13[%add3A_471, %dma_wait3A_491] : memref<51200x32xf32, #tpu.memory_space<vmem_shared>> -> memref<32x32xf32, #tpu.memory_space<vmem_shared>>
        %dma_wait3A_493 = arith.constant 0 : i32
        %dma_wait3A_494 = tpu.memref_slice %arg13[%add3A_471, %dma_wait3A_493] : memref<51200x32xf32, #tpu.memory_space<vmem_shared>> -> memref<32x32xf32, #tpu.memory_space<vmem_shared>>
        tpu.wait_dma2 semaphore(%run_scoped3A : memref<!tpu.dma_semaphore, #tpu.memory_space<semaphore_mem>>) src(%arg25 : memref<32x32xf32, #tpu.memory_space<vmem>>) dst(%dma_wait3A_494 : memref<32x32xf32, #tpu.memory_space<vmem_shared>>)
        tpu.yield
      }) : () -> ()
      %add3A_474 = arith.constant 32 : i32
      %add3A_475 = arith.addi %add3A_471, %add3A_474 : i32
      "tpu.region"() ({
        %run_scoped3A = tpu.sem_alloc : memref<!tpu.dma_semaphore, #tpu.memory_space<semaphore_mem>>
        %dma_start3A_487 = arith.constant 0 : i32
        %dma_start3A_488 = tpu.memref_slice %arg13[%add3A_475, %dma_start3A_487] : memref<51200x32xf32, #tpu.memory_space<vmem_shared>> -> memref<32x32xf32, #tpu.memory_space<vmem_shared>>
        %dma_start3A_489 = arith.constant 0 : i32
        %dma_start3A_490 = tpu.memref_slice %arg13[%add3A_475, %dma_start3A_489] : memref<51200x32xf32, #tpu.memory_space<vmem_shared>> -> memref<32x32xf32, #tpu.memory_space<vmem_shared>>
        tpu.enqueue_dma source(%arg25 : memref<32x32xf32, #tpu.memory_space<vmem>>) target(%dma_start3A_490 : memref<32x32xf32, #tpu.memory_space<vmem_shared>>) target_semaphore(%run_scoped3A : memref<!tpu.dma_semaphore, #tpu.memory_space<semaphore_mem>>)
        %dma_wait3A_491 = arith.constant 0 : i32
        %dma_wait3A_492 = tpu.memref_slice %arg13[%add3A_475, %dma_wait3A_491] : memref<51200x32xf32, #tpu.memory_space<vmem_shared>> -> memref<32x32xf32, #tpu.memory_space<vmem_shared>>
        %dma_wait3A_493 = arith.constant 0 : i32
        %dma_wait3A_494 = tpu.memref_slice %arg13[%add3A_475, %dma_wait3A_493] : memref<51200x32xf32, #tpu.memory_space<vmem_shared>> -> memref<32x32xf32, #tpu.memory_space<vmem_shared>>
        tpu.wait_dma2 semaphore(%run_scoped3A : memref<!tpu.dma_semaphore, #tpu.memory_space<semaphore_mem>>) src(%arg25 : memref<32x32xf32, #tpu.memory_space<vmem>>) dst(%dma_wait3A_494 : memref<32x32xf32, #tpu.memory_space<vmem_shared>>)
        tpu.yield
      }) : () -> ()
      %scan3A_476 = arith.constant 0 : i32
      %scan3A_477 = arith.constant 0 : i32
      %scan3A_478 = arith.constant 64 : i32
      %scan3A_479 = arith.addi %scan3A_477, %scan3A_478 : i32
      %scan3A_480 = arith.constant 1 : i32
      %scan3A_481 = scf.for %scan3A_487 = %scan3A_477 to %scan3A_479 step %scan3A_480 iter_args(%scan3A_488 = %scan3A_476) -> (i32)  : i32 {
        %mul3A_489 = arith.constant 64 : i32
        %mul3A_490 = arith.muli %scan3A_467, %mul3A_489 : i32
        %add3A_491 = arith.addi %mul3A_490, %scan3A_487 : i32
        %broadcast_in_dim3A_492 = arith.constant 0 : i32
        %broadcast_in_dim3A_493 = vector.broadcast %broadcast_in_dim3A_492 : i32 to vector<16xi32>
        %add3A_494 = vector.broadcast %add3A_491 : i32 to vector<16xi32>
        %add3A_495 = arith.addi %broadcast_in_dim3A_493, %add3A_494 : vector<16xi32>
        %gather3A = tpu.vector_load_idx %arg22[%add3A_495] : memref<3200xf32, #tpu.memory_space<vmem>>[vector<16xi32>], vector<16xf32>,
        %mul3A_496 = arith.mulf %gather3A, %gather3A : vector<16xf32>
        %get3A = arith.index_cast %scan3A_487 : i32 to index
        %get3A_497 = arith.constant 0 : index
        %get3A_498 = tpu.vector_load %arg21[%get3A, %get3A_497] {strides = array<i32>} : memref<64x32xf32, #tpu.memory_space<vmem>>, vector<16xf32>,
        %mul3A_499 = arith.mulf %get3A_498, %mul3A_496 : vector<16xf32>
        %swap3A_500 = arith.index_cast %scan3A_487 : i32 to index
        %swap3A_501 = arith.constant 0 : index
        %swap3A_502 = tpu.vector_load %arg21[%swap3A_500, %swap3A_501] {strides = array<i32>} : memref<64x32xf32, #tpu.memory_space<vmem>>, vector<16xf32>,
        tpu.vector_store %arg21[%swap3A_500, %swap3A_501], %mul3A_499 {strides = array<i32>} : memref<64x32xf32, #tpu.memory_space<vmem>>, vector<16xf32>,
        %get3A_503 = arith.index_cast %scan3A_487 : i32 to index
        %get3A_504 = arith.constant 16 : index
        %get3A_505 = tpu.vector_load %arg21[%get3A_503, %get3A_504] {strides = array<i32>} : memref<64x32xf32, #tpu.memory_space<vmem>>, vector<16xf32>,
        %mul3A_506 = arith.mulf %get3A_505, %mul3A_496 : vector<16xf32>
        %swap3A_507 = arith.index_cast %scan3A_487 : i32 to index
        %swap3A_508 = arith.constant 16 : index
        %swap3A_509 = tpu.vector_load %arg21[%swap3A_507, %swap3A_508] {strides = array<i32>} : memref<64x32xf32, #tpu.memory_space<vmem>>, vector<16xf32>,
        tpu.vector_store %arg21[%swap3A_507, %swap3A_508], %mul3A_506 {strides = array<i32>} : memref<64x32xf32, #tpu.memory_space<vmem>>, vector<16xf32>,
        %scan3A_510 = arith.constant 0 : i32
        scf.yield %scan3A_510 : i32
      }
      %scan3A_482 = arith.constant 64 : i32
      %mul3A_483 = arith.constant 51200 : i32
      %mul3A_484 = arith.muli %arg0, %mul3A_483 : i32
      %add3A_485 = arith.addi %mul3A_484, %add3A_471 : i32
      "tpu.region"() ({
        %run_scoped3A = tpu.sem_alloc : memref<!tpu.dma_semaphore, #tpu.memory_space<semaphore_mem>>
        %dma_start3A_487 = arith.constant 0 : i32
        %dma_start3A_488 = tpu.memref_slice %arg10[%add3A_485, %dma_start3A_487] : memref<102400x32xf32, #tpu.memory_space<hbm>> -> memref<64x32xf32, #tpu.memory_space<hbm>>
        %dma_start3A_489 = arith.constant 0 : i32
        %dma_start3A_490 = tpu.memref_slice %arg10[%add3A_485, %dma_start3A_489] : memref<102400x32xf32, #tpu.memory_space<hbm>> -> memref<64x32xf32, #tpu.memory_space<hbm>>
        tpu.enqueue_dma source(%arg21 : memref<64x32xf32, #tpu.memory_space<vmem>>) target(%dma_start3A_490 : memref<64x32xf32, #tpu.memory_space<hbm>>) target_semaphore(%run_scoped3A : memref<!tpu.dma_semaphore, #tpu.memory_space<semaphore_mem>>)
        %dma_wait3A_491 = arith.constant 0 : i32
        %dma_wait3A_492 = tpu.memref_slice %arg10[%add3A_485, %dma_wait3A_491] : memref<102400x32xf32, #tpu.memory_space<hbm>> -> memref<64x32xf32, #tpu.memory_space<hbm>>
        %dma_wait3A_493 = arith.constant 0 : i32
        %dma_wait3A_494 = tpu.memref_slice %arg10[%add3A_485, %dma_wait3A_493] : memref<102400x32xf32, #tpu.memory_space<hbm>> -> memref<64x32xf32, #tpu.memory_space<hbm>>
        tpu.wait_dma2 semaphore(%run_scoped3A : memref<!tpu.dma_semaphore, #tpu.memory_space<semaphore_mem>>) src(%arg21 : memref<64x32xf32, #tpu.memory_space<vmem>>) dst(%dma_wait3A_494 : memref<64x32xf32, #tpu.memory_space<hbm>>)
        tpu.yield
      }) : () -> ()
      %scan3A_486 = arith.constant 0 : i32
      scf.yield %scan3A_486 : i32
    }
    %scan3A_112 = arith.constant 50 : i32
    %barrier3A_113 = arith.constant 0 : index
    tpu.barrier barrier_id(%barrier3A_113)
    %scan3A_114 = arith.constant 0 : i32
    %scan3A_115 = arith.constant 0 : i32
    %scan3A_116 = arith.constant 49 : i32
    %scan3A_117 = arith.addi %scan3A_115, %scan3A_116 : i32
    %scan3A_118 = arith.constant 1 : i32
    %scan3A_119 = scf.for %scan3A_467 = %scan3A_115 to %scan3A_117 step %scan3A_118 iter_args(%scan3A_468 = %scan3A_114) -> (i32)  : i32 {
      %mul3A_469 = arith.constant 8 : i32
      %mul3A_470 = arith.muli %scan3A_467, %mul3A_469 : i32
      %add3A_471 = arith.addi %mul3A_2, %mul3A_470 : i32
      "tpu.region"() ({
        %run_scoped3A = tpu.sem_alloc : memref<!tpu.dma_semaphore, #tpu.memory_space<semaphore_mem>>
        %dma_start3A_699 = arith.constant 0 : i32
        %dma_start3A_700 = tpu.memref_slice %arg4[%add3A_471, %dma_start3A_699] : memref<6272x128xi32, #tpu.memory_space<hbm>> -> memref<8x128xi32, #tpu.memory_space<hbm>>
        %dma_start3A_701 = arith.constant 0 : i32
        %dma_start3A_702 = tpu.memref_slice %arg4[%add3A_471, %dma_start3A_701] : memref<6272x128xi32, #tpu.memory_space<hbm>> -> memref<8x128xi32, #tpu.memory_space<hbm>>
        tpu.enqueue_dma source(%dma_start3A_702 : memref<8x128xi32, #tpu.memory_space<hbm>>) target(%arg15 : memref<8x128xi32, #tpu.memory_space<vmem>>) target_semaphore(%run_scoped3A : memref<!tpu.dma_semaphore, #tpu.memory_space<semaphore_mem>>)
        %dma_wait3A_703 = arith.constant 0 : i32
        %dma_wait3A_704 = tpu.memref_slice %arg4[%add3A_471, %dma_wait3A_703] : memref<6272x128xi32, #tpu.memory_space<hbm>> -> memref<8x128xi32, #tpu.memory_space<hbm>>
        %dma_wait3A_705 = arith.constant 0 : i32
        %dma_wait3A_706 = tpu.memref_slice %arg4[%add3A_471, %dma_wait3A_705] : memref<6272x128xi32, #tpu.memory_space<hbm>> -> memref<8x128xi32, #tpu.memory_space<hbm>>
        tpu.wait_dma2 semaphore(%run_scoped3A : memref<!tpu.dma_semaphore, #tpu.memory_space<semaphore_mem>>) src(%dma_wait3A_706 : memref<8x128xi32, #tpu.memory_space<hbm>>) dst(%arg15 : memref<8x128xi32, #tpu.memory_space<vmem>>)
        tpu.yield
      }) : () -> ()
      "tpu.region"() ({
        %run_scoped3A = tpu.sem_alloc : memref<!tpu.dma_semaphore, #tpu.memory_space<semaphore_mem>>
        %dma_start3A_699 = arith.constant 0 : i32
        %dma_start3A_700 = tpu.memref_slice %arg5[%add3A_471, %dma_start3A_699] : memref<6272x128xi32, #tpu.memory_space<hbm>> -> memref<8x128xi32, #tpu.memory_space<hbm>>
        %dma_start3A_701 = arith.constant 0 : i32
        %dma_start3A_702 = tpu.memref_slice %arg5[%add3A_471, %dma_start3A_701] : memref<6272x128xi32, #tpu.memory_space<hbm>> -> memref<8x128xi32, #tpu.memory_space<hbm>>
        tpu.enqueue_dma source(%dma_start3A_702 : memref<8x128xi32, #tpu.memory_space<hbm>>) target(%arg16 : memref<8x128xi32, #tpu.memory_space<vmem>>) target_semaphore(%run_scoped3A : memref<!tpu.dma_semaphore, #tpu.memory_space<semaphore_mem>>)
        %dma_wait3A_703 = arith.constant 0 : i32
        %dma_wait3A_704 = tpu.memref_slice %arg5[%add3A_471, %dma_wait3A_703] : memref<6272x128xi32, #tpu.memory_space<hbm>> -> memref<8x128xi32, #tpu.memory_space<hbm>>
        %dma_wait3A_705 = arith.constant 0 : i32
        %dma_wait3A_706 = tpu.memref_slice %arg5[%add3A_471, %dma_wait3A_705] : memref<6272x128xi32, #tpu.memory_space<hbm>> -> memref<8x128xi32, #tpu.memory_space<hbm>>
        tpu.wait_dma2 semaphore(%run_scoped3A : memref<!tpu.dma_semaphore, #tpu.memory_space<semaphore_mem>>) src(%dma_wait3A_706 : memref<8x128xi32, #tpu.memory_space<hbm>>) dst(%arg16 : memref<8x128xi32, #tpu.memory_space<vmem>>)
        tpu.yield
      }) : () -> ()
      %gt3A = arith.constant 0 : i32
      %gt3A_472 = arith.cmpi sgt, %arg0, %gt3A : i32
      %convert_element_type3A = arith.extui %gt3A_472 : i1 to i32
      %cond3A = arith.constant 0 : i32
      %cond3A_473 = arith.cmpi ne, %convert_element_type3A, %cond3A : i32
      scf.if %cond3A_473 {
        %broadcast_in_dim3A_699 = arith.constant 0 : i32
        %broadcast_in_dim3A_700 = vector.broadcast %broadcast_in_dim3A_699 : i32 to vector<16xi32>
        %mul3A_701 = arith.constant 51200 : i32
        %mul3A_702 = arith.muli %arg0, %mul3A_701 : i32
        %add3A_703 = vector.broadcast %mul3A_702 : i32 to vector<16xi32>
        %add3A_704 = arith.addi %broadcast_in_dim3A_700, %add3A_703 : vector<16xi32>
        %scan3A_705 = arith.constant 0 : i32
        %scan3A_706 = arith.constant 0 : i32
        %scan3A_707 = arith.constant 8 : i32
        %scan3A_708 = arith.addi %scan3A_706, %scan3A_707 : i32
        %scan3A_709 = arith.constant 1 : i32
        %scan3A_710 = scf.for %scan3A_712 = %scan3A_706 to %scan3A_708 step %scan3A_709 iter_args(%scan3A_713 = %scan3A_705) -> (i32)  : i32 {
          %get3A = arith.index_cast %scan3A_712 : i32 to index
          %get3A_714 = arith.constant 0 : index
          %get3A_715 = tpu.vector_load %arg15[%get3A, %get3A_714] {strides = array<i32>} : memref<8x128xi32, #tpu.memory_space<vmem>>, vector<16xi32>,
          %add3A_716 = arith.addi %get3A_715, %add3A_704 : vector<16xi32>
          %swap3A_717 = arith.index_cast %scan3A_712 : i32 to index
          %swap3A_718 = arith.constant 0 : index
          %swap3A_719 = tpu.vector_load %arg15[%swap3A_717, %swap3A_718] {strides = array<i32>} : memref<8x128xi32, #tpu.memory_space<vmem>>, vector<16xi32>,
          tpu.vector_store %arg15[%swap3A_717, %swap3A_718], %add3A_716 {strides = array<i32>} : memref<8x128xi32, #tpu.memory_space<vmem>>, vector<16xi32>,
          %get3A_720 = arith.index_cast %scan3A_712 : i32 to index
          %get3A_721 = arith.constant 16 : index
          %get3A_722 = tpu.vector_load %arg15[%get3A_720, %get3A_721] {strides = array<i32>} : memref<8x128xi32, #tpu.memory_space<vmem>>, vector<16xi32>,
          %add3A_723 = arith.addi %get3A_722, %add3A_704 : vector<16xi32>
          %swap3A_724 = arith.index_cast %scan3A_712 : i32 to index
          %swap3A_725 = arith.constant 16 : index
          %swap3A_726 = tpu.vector_load %arg15[%swap3A_724, %swap3A_725] {strides = array<i32>} : memref<8x128xi32, #tpu.memory_space<vmem>>, vector<16xi32>,
          tpu.vector_store %arg15[%swap3A_724, %swap3A_725], %add3A_723 {strides = array<i32>} : memref<8x128xi32, #tpu.memory_space<vmem>>, vector<16xi32>,
          %get3A_727 = arith.index_cast %scan3A_712 : i32 to index
          %get3A_728 = arith.constant 32 : index
          %get3A_729 = tpu.vector_load %arg15[%get3A_727, %get3A_728] {strides = array<i32>} : memref<8x128xi32, #tpu.memory_space<vmem>>, vector<16xi32>,
          %add3A_730 = arith.addi %get3A_729, %add3A_704 : vector<16xi32>
          %swap3A_731 = arith.index_cast %scan3A_712 : i32 to index
          %swap3A_732 = arith.constant 32 : index
          %swap3A_733 = tpu.vector_load %arg15[%swap3A_731, %swap3A_732] {strides = array<i32>} : memref<8x128xi32, #tpu.memory_space<vmem>>, vector<16xi32>,
          tpu.vector_store %arg15[%swap3A_731, %swap3A_732], %add3A_730 {strides = array<i32>} : memref<8x128xi32, #tpu.memory_space<vmem>>, vector<16xi32>,
          %get3A_734 = arith.index_cast %scan3A_712 : i32 to index
          %get3A_735 = arith.constant 48 : index
          %get3A_736 = tpu.vector_load %arg15[%get3A_734, %get3A_735] {strides = array<i32>} : memref<8x128xi32, #tpu.memory_space<vmem>>, vector<16xi32>,
          %add3A_737 = arith.addi %get3A_736, %add3A_704 : vector<16xi32>
          %swap3A_738 = arith.index_cast %scan3A_712 : i32 to index
          %swap3A_739 = arith.constant 48 : index
          %swap3A_740 = tpu.vector_load %arg15[%swap3A_738, %swap3A_739] {strides = array<i32>} : memref<8x128xi32, #tpu.memory_space<vmem>>, vector<16xi32>,
          tpu.vector_store %arg15[%swap3A_738, %swap3A_739], %add3A_737 {strides = array<i32>} : memref<8x128xi32, #tpu.memory_space<vmem>>, vector<16xi32>,
          %get3A_741 = arith.index_cast %scan3A_712 : i32 to index
          %get3A_742 = arith.constant 64 : index
          %get3A_743 = tpu.vector_load %arg15[%get3A_741, %get3A_742] {strides = array<i32>} : memref<8x128xi32, #tpu.memory_space<vmem>>, vector<16xi32>,
          %add3A_744 = arith.addi %get3A_743, %add3A_704 : vector<16xi32>
          %swap3A_745 = arith.index_cast %scan3A_712 : i32 to index
          %swap3A_746 = arith.constant 64 : index
          %swap3A_747 = tpu.vector_load %arg15[%swap3A_745, %swap3A_746] {strides = array<i32>} : memref<8x128xi32, #tpu.memory_space<vmem>>, vector<16xi32>,
          tpu.vector_store %arg15[%swap3A_745, %swap3A_746], %add3A_744 {strides = array<i32>} : memref<8x128xi32, #tpu.memory_space<vmem>>, vector<16xi32>,
          %get3A_748 = arith.index_cast %scan3A_712 : i32 to index
          %get3A_749 = arith.constant 80 : index
          %get3A_750 = tpu.vector_load %arg15[%get3A_748, %get3A_749] {strides = array<i32>} : memref<8x128xi32, #tpu.memory_space<vmem>>, vector<16xi32>,
          %add3A_751 = arith.addi %get3A_750, %add3A_704 : vector<16xi32>
          %swap3A_752 = arith.index_cast %scan3A_712 : i32 to index
          %swap3A_753 = arith.constant 80 : index
          %swap3A_754 = tpu.vector_load %arg15[%swap3A_752, %swap3A_753] {strides = array<i32>} : memref<8x128xi32, #tpu.memory_space<vmem>>, vector<16xi32>,
          tpu.vector_store %arg15[%swap3A_752, %swap3A_753], %add3A_751 {strides = array<i32>} : memref<8x128xi32, #tpu.memory_space<vmem>>, vector<16xi32>,
          %get3A_755 = arith.index_cast %scan3A_712 : i32 to index
          %get3A_756 = arith.constant 96 : index
          %get3A_757 = tpu.vector_load %arg15[%get3A_755, %get3A_756] {strides = array<i32>} : memref<8x128xi32, #tpu.memory_space<vmem>>, vector<16xi32>,
          %add3A_758 = arith.addi %get3A_757, %add3A_704 : vector<16xi32>
          %swap3A_759 = arith.index_cast %scan3A_712 : i32 to index
          %swap3A_760 = arith.constant 96 : index
          %swap3A_761 = tpu.vector_load %arg15[%swap3A_759, %swap3A_760] {strides = array<i32>} : memref<8x128xi32, #tpu.memory_space<vmem>>, vector<16xi32>,
          tpu.vector_store %arg15[%swap3A_759, %swap3A_760], %add3A_758 {strides = array<i32>} : memref<8x128xi32, #tpu.memory_space<vmem>>, vector<16xi32>,
          %get3A_762 = arith.index_cast %scan3A_712 : i32 to index
          %get3A_763 = arith.constant 112 : index
          %get3A_764 = tpu.vector_load %arg15[%get3A_762, %get3A_763] {strides = array<i32>} : memref<8x128xi32, #tpu.memory_space<vmem>>, vector<16xi32>,
          %add3A_765 = arith.addi %get3A_764, %add3A_704 : vector<16xi32>
          %swap3A_766 = arith.index_cast %scan3A_712 : i32 to index
          %swap3A_767 = arith.constant 112 : index
          %swap3A_768 = tpu.vector_load %arg15[%swap3A_766, %swap3A_767] {strides = array<i32>} : memref<8x128xi32, #tpu.memory_space<vmem>>, vector<16xi32>,
          tpu.vector_store %arg15[%swap3A_766, %swap3A_767], %add3A_765 {strides = array<i32>} : memref<8x128xi32, #tpu.memory_space<vmem>>, vector<16xi32>,
          %scan3A_769 = arith.constant 0 : i32
          scf.yield %scan3A_769 : i32
        }
        %scan3A_711 = arith.constant 8 : i32
      } else {
      }
      %dma_start3A_474 = arith.constant 0 : i32
      %dma_start3A_475 = arith.constant 0 : i32
      %dma_start3A_476 = tpu.memref_slice %arg15[%dma_start3A_474, %dma_start3A_475] : memref<8x128xi32, #tpu.memory_space<vmem>> -> memref<1x128xi32, #tpu.memory_space<vmem>>
      %dma_start3A_477 = tpu.memref_squeeze %dma_start3A_476 : memref<1x128xi32, #tpu.memory_space<vmem>> -> memref<128xi32, #tpu.memory_space<vmem>>
      %dma_start3A_478 = arith.constant 0 : i32
      %dma_start3A_479 = arith.constant 0 : i32
      %dma_start3A_480 = tpu.memref_slice %arg10[%dma_start3A_478, %dma_start3A_479] : memref<102400x32xf32, #tpu.memory_space<hbm>> -> memref<102400x32xf32, #tpu.memory_space<hbm>>
      tpu.enqueue_indirect_dma source(%dma_start3A_480 : memref<102400x32xf32, #tpu.memory_space<hbm>>) target(%arg17 : memref<128x32xf32, #tpu.memory_space<vmem>>) offsets(%dma_start3A_477 : memref<128xi32, #tpu.memory_space<vmem>>) semaphore(%arg27 : memref<!tpu.dma_semaphore, #tpu.memory_space<semaphore_mem>>)
      %dma_start3A_481 = arith.constant 1 : i32
      %dma_start3A_482 = arith.constant 0 : i32
      %dma_start3A_483 = tpu.memref_slice %arg15[%dma_start3A_481, %dma_start3A_482] : memref<8x128xi32, #tpu.memory_space<vmem>> -> memref<1x128xi32, #tpu.memory_space<vmem>>
      %dma_start3A_484 = tpu.memref_squeeze %dma_start3A_483 : memref<1x128xi32, #tpu.memory_space<vmem>> -> memref<128xi32, #tpu.memory_space<vmem>>
      %dma_start3A_485 = arith.constant 0 : i32
      %dma_start3A_486 = arith.constant 0 : i32
      %dma_start3A_487 = tpu.memref_slice %arg10[%dma_start3A_485, %dma_start3A_486] : memref<102400x32xf32, #tpu.memory_space<hbm>> -> memref<102400x32xf32, #tpu.memory_space<hbm>>
      tpu.enqueue_indirect_dma source(%dma_start3A_487 : memref<102400x32xf32, #tpu.memory_space<hbm>>) target(%arg18 : memref<128x32xf32, #tpu.memory_space<vmem>>) offsets(%dma_start3A_484 : memref<128xi32, #tpu.memory_space<vmem>>) semaphore(%arg28 : memref<!tpu.dma_semaphore, #tpu.memory_space<semaphore_mem>>)
      %dma_start3A_488 = arith.constant 2 : i32
      %dma_start3A_489 = arith.constant 0 : i32
      %dma_start3A_490 = tpu.memref_slice %arg15[%dma_start3A_488, %dma_start3A_489] : memref<8x128xi32, #tpu.memory_space<vmem>> -> memref<1x128xi32, #tpu.memory_space<vmem>>
      %dma_start3A_491 = tpu.memref_squeeze %dma_start3A_490 : memref<1x128xi32, #tpu.memory_space<vmem>> -> memref<128xi32, #tpu.memory_space<vmem>>
      %dma_start3A_492 = arith.constant 0 : i32
      %dma_start3A_493 = arith.constant 0 : i32
      %dma_start3A_494 = tpu.memref_slice %arg10[%dma_start3A_492, %dma_start3A_493] : memref<102400x32xf32, #tpu.memory_space<hbm>> -> memref<102400x32xf32, #tpu.memory_space<hbm>>
      tpu.enqueue_indirect_dma source(%dma_start3A_494 : memref<102400x32xf32, #tpu.memory_space<hbm>>) target(%arg19 : memref<128x32xf32, #tpu.memory_space<vmem>>) offsets(%dma_start3A_491 : memref<128xi32, #tpu.memory_space<vmem>>) semaphore(%arg29 : memref<!tpu.dma_semaphore, #tpu.memory_space<semaphore_mem>>)
      %dma_wait3A_495 = arith.constant 0 : i32
      %dma_wait3A_496 = arith.constant 0 : i32
      %dma_wait3A_497 = tpu.memref_slice %arg15[%dma_wait3A_495, %dma_wait3A_496] : memref<8x128xi32, #tpu.memory_space<vmem>> -> memref<1x128xi32, #tpu.memory_space<vmem>>
      %dma_wait3A_498 = tpu.memref_squeeze %dma_wait3A_497 : memref<1x128xi32, #tpu.memory_space<vmem>> -> memref<128xi32, #tpu.memory_space<vmem>>
      %dma_wait3A_499 = arith.constant 0 : i32
      %dma_wait3A_500 = arith.constant 0 : i32
      %dma_wait3A_501 = tpu.memref_slice %arg10[%dma_wait3A_499, %dma_wait3A_500] : memref<102400x32xf32, #tpu.memory_space<hbm>> -> memref<102400x32xf32, #tpu.memory_space<hbm>>
      tpu.wait_indirect_dma semaphore(%arg27 : memref<!tpu.dma_semaphore, #tpu.memory_space<semaphore_mem>>) src(%dma_wait3A_501 : memref<102400x32xf32, #tpu.memory_space<hbm>>) dst(%arg17 : memref<128x32xf32, #tpu.memory_space<vmem>>)
      %dma_start3A_502 = arith.constant 0 : i32
      %dma_start3A_503 = arith.constant 0 : i32
      %dma_start3A_504 = tpu.memref_slice %arg16[%dma_start3A_502, %dma_start3A_503] : memref<8x128xi32, #tpu.memory_space<vmem>> -> memref<1x128xi32, #tpu.memory_space<vmem>>
      %dma_start3A_505 = tpu.memref_squeeze %dma_start3A_504 : memref<1x128xi32, #tpu.memory_space<vmem>> -> memref<128xi32, #tpu.memory_space<vmem>>
      %dma_start3A_506 = arith.constant 0 : i32
      %dma_start3A_507 = arith.constant 0 : i32
      %dma_start3A_508 = tpu.memref_slice %arg13[%dma_start3A_506, %dma_start3A_507] : memref<51200x32xf32, #tpu.memory_space<vmem_shared>> -> memref<51200x32xf32, #tpu.memory_space<vmem_shared>>
      tpu.enqueue_indirect_dma source(%arg17 : memref<128x32xf32, #tpu.memory_space<vmem>>) target(%dma_start3A_508 : memref<51200x32xf32, #tpu.memory_space<vmem_shared>>) offsets(%dma_start3A_505 : memref<128xi32, #tpu.memory_space<vmem>>) semaphore(%arg31 : memref<!tpu.dma_semaphore, #tpu.memory_space<semaphore_mem>>) {add = true}
      %dma_start3A_509 = arith.constant 3 : i32
      %dma_start3A_510 = arith.constant 0 : i32
      %dma_start3A_511 = tpu.memref_slice %arg15[%dma_start3A_509, %dma_start3A_510] : memref<8x128xi32, #tpu.memory_space<vmem>> -> memref<1x128xi32, #tpu.memory_space<vmem>>
      %dma_start3A_512 = tpu.memref_squeeze %dma_start3A_511 : memref<1x128xi32, #tpu.memory_space<vmem>> -> memref<128xi32, #tpu.memory_space<vmem>>
      %dma_start3A_513 = arith.constant 0 : i32
      %dma_start3A_514 = arith.constant 0 : i32
      %dma_start3A_515 = tpu.memref_slice %arg10[%dma_start3A_513, %dma_start3A_514] : memref<102400x32xf32, #tpu.memory_space<hbm>> -> memref<102400x32xf32, #tpu.memory_space<hbm>>
      tpu.enqueue_indirect_dma source(%dma_start3A_515 : memref<102400x32xf32, #tpu.memory_space<hbm>>) target(%arg20 : memref<128x32xf32, #tpu.memory_space<vmem>>) offsets(%dma_start3A_512 : memref<128xi32, #tpu.memory_space<vmem>>) semaphore(%arg30 : memref<!tpu.dma_semaphore, #tpu.memory_space<semaphore_mem>>)
      %dma_wait3A_516 = arith.constant 1 : i32
      %dma_wait3A_517 = arith.constant 0 : i32
      %dma_wait3A_518 = tpu.memref_slice %arg15[%dma_wait3A_516, %dma_wait3A_517] : memref<8x128xi32, #tpu.memory_space<vmem>> -> memref<1x128xi32, #tpu.memory_space<vmem>>
      %dma_wait3A_519 = tpu.memref_squeeze %dma_wait3A_518 : memref<1x128xi32, #tpu.memory_space<vmem>> -> memref<128xi32, #tpu.memory_space<vmem>>
      %dma_wait3A_520 = arith.constant 0 : i32
      %dma_wait3A_521 = arith.constant 0 : i32
      %dma_wait3A_522 = tpu.memref_slice %arg10[%dma_wait3A_520, %dma_wait3A_521] : memref<102400x32xf32, #tpu.memory_space<hbm>> -> memref<102400x32xf32, #tpu.memory_space<hbm>>
      tpu.wait_indirect_dma semaphore(%arg28 : memref<!tpu.dma_semaphore, #tpu.memory_space<semaphore_mem>>) src(%dma_wait3A_522 : memref<102400x32xf32, #tpu.memory_space<hbm>>) dst(%arg18 : memref<128x32xf32, #tpu.memory_space<vmem>>)
      %dma_start3A_523 = arith.constant 1 : i32
      %dma_start3A_524 = arith.constant 0 : i32
      %dma_start3A_525 = tpu.memref_slice %arg16[%dma_start3A_523, %dma_start3A_524] : memref<8x128xi32, #tpu.memory_space<vmem>> -> memref<1x128xi32, #tpu.memory_space<vmem>>
      %dma_start3A_526 = tpu.memref_squeeze %dma_start3A_525 : memref<1x128xi32, #tpu.memory_space<vmem>> -> memref<128xi32, #tpu.memory_space<vmem>>
      %dma_start3A_527 = arith.constant 0 : i32
      %dma_start3A_528 = arith.constant 0 : i32
      %dma_start3A_529 = tpu.memref_slice %arg13[%dma_start3A_527, %dma_start3A_528] : memref<51200x32xf32, #tpu.memory_space<vmem_shared>> -> memref<51200x32xf32, #tpu.memory_space<vmem_shared>>
      tpu.enqueue_indirect_dma source(%arg18 : memref<128x32xf32, #tpu.memory_space<vmem>>) target(%dma_start3A_529 : memref<51200x32xf32, #tpu.memory_space<vmem_shared>>) offsets(%dma_start3A_526 : memref<128xi32, #tpu.memory_space<vmem>>) semaphore(%arg32 : memref<!tpu.dma_semaphore, #tpu.memory_space<semaphore_mem>>) {add = true}
      %dma_wait3A_530 = arith.constant 0 : i32
      %dma_wait3A_531 = arith.constant 0 : i32
      %dma_wait3A_532 = tpu.memref_slice %arg16[%dma_wait3A_530, %dma_wait3A_531] : memref<8x128xi32, #tpu.memory_space<vmem>> -> memref<1x128xi32, #tpu.memory_space<vmem>>
      %dma_wait3A_533 = tpu.memref_squeeze %dma_wait3A_532 : memref<1x128xi32, #tpu.memory_space<vmem>> -> memref<128xi32, #tpu.memory_space<vmem>>
      %dma_wait3A_534 = arith.constant 0 : i32
      %dma_wait3A_535 = arith.constant 0 : i32
      %dma_wait3A_536 = tpu.memref_slice %arg13[%dma_wait3A_534, %dma_wait3A_535] : memref<51200x32xf32, #tpu.memory_space<vmem_shared>> -> memref<51200x32xf32, #tpu.memory_space<vmem_shared>>
      tpu.wait_indirect_dma semaphore(%arg31 : memref<!tpu.dma_semaphore, #tpu.memory_space<semaphore_mem>>) src(%arg17 : memref<128x32xf32, #tpu.memory_space<vmem>>) dst(%dma_wait3A_536 : memref<51200x32xf32, #tpu.memory_space<vmem_shared>>)
      %dma_start3A_537 = arith.constant 4 : i32
      %dma_start3A_538 = arith.constant 0 : i32
      %dma_start3A_539 = tpu.memref_slice %arg15[%dma_start3A_537, %dma_start3A_538] : memref<8x128xi32, #tpu.memory_space<vmem>> -> memref<1x128xi32, #tpu.memory_space<vmem>>
      %dma_start3A_540 = tpu.memref_squeeze %dma_start3A_539 : memref<1x128xi32, #tpu.memory_space<vmem>> -> memref<128xi32, #tpu.memory_space<vmem>>
      %dma_start3A_541 = arith.constant 0 : i32
      %dma_start3A_542 = arith.constant 0 : i32
      %dma_start3A_543 = tpu.memref_slice %arg10[%dma_start3A_541, %dma_start3A_542] : memref<102400x32xf32, #tpu.memory_space<hbm>> -> memref<102400x32xf32, #tpu.memory_space<hbm>>
      tpu.enqueue_indirect_dma source(%dma_start3A_543 : memref<102400x32xf32, #tpu.memory_space<hbm>>) target(%arg17 : memref<128x32xf32, #tpu.memory_space<vmem>>) offsets(%dma_start3A_540 : memref<128xi32, #tpu.memory_space<vmem>>) semaphore(%arg27 : memref<!tpu.dma_semaphore, #tpu.memory_space<semaphore_mem>>)
      %dma_wait3A_544 = arith.constant 2 : i32
      %dma_wait3A_545 = arith.constant 0 : i32
      %dma_wait3A_546 = tpu.memref_slice %arg15[%dma_wait3A_544, %dma_wait3A_545] : memref<8x128xi32, #tpu.memory_space<vmem>> -> memref<1x128xi32, #tpu.memory_space<vmem>>
      %dma_wait3A_547 = tpu.memref_squeeze %dma_wait3A_546 : memref<1x128xi32, #tpu.memory_space<vmem>> -> memref<128xi32, #tpu.memory_space<vmem>>
      %dma_wait3A_548 = arith.constant 0 : i32
      %dma_wait3A_549 = arith.constant 0 : i32
      %dma_wait3A_550 = tpu.memref_slice %arg10[%dma_wait3A_548, %dma_wait3A_549] : memref<102400x32xf32, #tpu.memory_space<hbm>> -> memref<102400x32xf32, #tpu.memory_space<hbm>>
      tpu.wait_indirect_dma semaphore(%arg29 : memref<!tpu.dma_semaphore, #tpu.memory_space<semaphore_mem>>) src(%dma_wait3A_550 : memref<102400x32xf32, #tpu.memory_space<hbm>>) dst(%arg19 : memref<128x32xf32, #tpu.memory_space<vmem>>)
      %dma_start3A_551 = arith.constant 2 : i32
      %dma_start3A_552 = arith.constant 0 : i32
      %dma_start3A_553 = tpu.memref_slice %arg16[%dma_start3A_551, %dma_start3A_552] : memref<8x128xi32, #tpu.memory_space<vmem>> -> memref<1x128xi32, #tpu.memory_space<vmem>>
      %dma_start3A_554 = tpu.memref_squeeze %dma_start3A_553 : memref<1x128xi32, #tpu.memory_space<vmem>> -> memref<128xi32, #tpu.memory_space<vmem>>
      %dma_start3A_555 = arith.constant 0 : i32
      %dma_start3A_556 = arith.constant 0 : i32
      %dma_start3A_557 = tpu.memref_slice %arg13[%dma_start3A_555, %dma_start3A_556] : memref<51200x32xf32, #tpu.memory_space<vmem_shared>> -> memref<51200x32xf32, #tpu.memory_space<vmem_shared>>
      tpu.enqueue_indirect_dma source(%arg19 : memref<128x32xf32, #tpu.memory_space<vmem>>) target(%dma_start3A_557 : memref<51200x32xf32, #tpu.memory_space<vmem_shared>>) offsets(%dma_start3A_554 : memref<128xi32, #tpu.memory_space<vmem>>) semaphore(%arg31 : memref<!tpu.dma_semaphore, #tpu.memory_space<semaphore_mem>>) {add = true}
      %dma_wait3A_558 = arith.constant 1 : i32
      %dma_wait3A_559 = arith.constant 0 : i32
      %dma_wait3A_560 = tpu.memref_slice %arg16[%dma_wait3A_558, %dma_wait3A_559] : memref<8x128xi32, #tpu.memory_space<vmem>> -> memref<1x128xi32, #tpu.memory_space<vmem>>
      %dma_wait3A_561 = tpu.memref_squeeze %dma_wait3A_560 : memref<1x128xi32, #tpu.memory_space<vmem>> -> memref<128xi32, #tpu.memory_space<vmem>>
      %dma_wait3A_562 = arith.constant 0 : i32
      %dma_wait3A_563 = arith.constant 0 : i32
      %dma_wait3A_564 = tpu.memref_slice %arg13[%dma_wait3A_562, %dma_wait3A_563] : memref<51200x32xf32, #tpu.memory_space<vmem_shared>> -> memref<51200x32xf32, #tpu.memory_space<vmem_shared>>
      tpu.wait_indirect_dma semaphore(%arg32 : memref<!tpu.dma_semaphore, #tpu.memory_space<semaphore_mem>>) src(%arg18 : memref<128x32xf32, #tpu.memory_space<vmem>>) dst(%dma_wait3A_564 : memref<51200x32xf32, #tpu.memory_space<vmem_shared>>)
      %dma_start3A_565 = arith.constant 5 : i32
      %dma_start3A_566 = arith.constant 0 : i32
      %dma_start3A_567 = tpu.memref_slice %arg15[%dma_start3A_565, %dma_start3A_566] : memref<8x128xi32, #tpu.memory_space<vmem>> -> memref<1x128xi32, #tpu.memory_space<vmem>>
      %dma_start3A_568 = tpu.memref_squeeze %dma_start3A_567 : memref<1x128xi32, #tpu.memory_space<vmem>> -> memref<128xi32, #tpu.memory_space<vmem>>
      %dma_start3A_569 = arith.constant 0 : i32
      %dma_start3A_570 = arith.constant 0 : i32
      %dma_start3A_571 = tpu.memref_slice %arg10[%dma_start3A_569, %dma_start3A_570] : memref<102400x32xf32, #tpu.memory_space<hbm>> -> memref<102400x32xf32, #tpu.memory_space<hbm>>
      tpu.enqueue_indirect_dma source(%dma_start3A_571 : memref<102400x32xf32, #tpu.memory_space<hbm>>) target(%arg18 : memref<128x32xf32, #tpu.memory_space<vmem>>) offsets(%dma_start3A_568 : memref<128xi32, #tpu.memory_space<vmem>>) semaphore(%arg28 : memref<!tpu.dma_semaphore, #tpu.memory_space<semaphore_mem>>)
      %dma_wait3A_572 = arith.constant 3 : i32
      %dma_wait3A_573 = arith.constant 0 : i32
      %dma_wait3A_574 = tpu.memref_slice %arg15[%dma_wait3A_572, %dma_wait3A_573] : memref<8x128xi32, #tpu.memory_space<vmem>> -> memref<1x128xi32, #tpu.memory_space<vmem>>
      %dma_wait3A_575 = tpu.memref_squeeze %dma_wait3A_574 : memref<1x128xi32, #tpu.memory_space<vmem>> -> memref<128xi32, #tpu.memory_space<vmem>>
      %dma_wait3A_576 = arith.constant 0 : i32
      %dma_wait3A_577 = arith.constant 0 : i32
      %dma_wait3A_578 = tpu.memref_slice %arg10[%dma_wait3A_576, %dma_wait3A_577] : memref<102400x32xf32, #tpu.memory_space<hbm>> -> memref<102400x32xf32, #tpu.memory_space<hbm>>
      tpu.wait_indirect_dma semaphore(%arg30 : memref<!tpu.dma_semaphore, #tpu.memory_space<semaphore_mem>>) src(%dma_wait3A_578 : memref<102400x32xf32, #tpu.memory_space<hbm>>) dst(%arg20 : memref<128x32xf32, #tpu.memory_space<vmem>>)
      %dma_start3A_579 = arith.constant 3 : i32
      %dma_start3A_580 = arith.constant 0 : i32
      %dma_start3A_581 = tpu.memref_slice %arg16[%dma_start3A_579, %dma_start3A_580] : memref<8x128xi32, #tpu.memory_space<vmem>> -> memref<1x128xi32, #tpu.memory_space<vmem>>
      %dma_start3A_582 = tpu.memref_squeeze %dma_start3A_581 : memref<1x128xi32, #tpu.memory_space<vmem>> -> memref<128xi32, #tpu.memory_space<vmem>>
      %dma_start3A_583 = arith.constant 0 : i32
      %dma_start3A_584 = arith.constant 0 : i32
      %dma_start3A_585 = tpu.memref_slice %arg13[%dma_start3A_583, %dma_start3A_584] : memref<51200x32xf32, #tpu.memory_space<vmem_shared>> -> memref<51200x32xf32, #tpu.memory_space<vmem_shared>>
      tpu.enqueue_indirect_dma source(%arg20 : memref<128x32xf32, #tpu.memory_space<vmem>>) target(%dma_start3A_585 : memref<51200x32xf32, #tpu.memory_space<vmem_shared>>) offsets(%dma_start3A_582 : memref<128xi32, #tpu.memory_space<vmem>>) semaphore(%arg32 : memref<!tpu.dma_semaphore, #tpu.memory_space<semaphore_mem>>) {add = true}
      %dma_wait3A_586 = arith.constant 2 : i32
      %dma_wait3A_587 = arith.constant 0 : i32
      %dma_wait3A_588 = tpu.memref_slice %arg16[%dma_wait3A_586, %dma_wait3A_587] : memref<8x128xi32, #tpu.memory_space<vmem>> -> memref<1x128xi32, #tpu.memory_space<vmem>>
      %dma_wait3A_589 = tpu.memref_squeeze %dma_wait3A_588 : memref<1x128xi32, #tpu.memory_space<vmem>> -> memref<128xi32, #tpu.memory_space<vmem>>
      %dma_wait3A_590 = arith.constant 0 : i32
      %dma_wait3A_591 = arith.constant 0 : i32
      %dma_wait3A_592 = tpu.memref_slice %arg13[%dma_wait3A_590, %dma_wait3A_591] : memref<51200x32xf32, #tpu.memory_space<vmem_shared>> -> memref<51200x32xf32, #tpu.memory_space<vmem_shared>>
      tpu.wait_indirect_dma semaphore(%arg31 : memref<!tpu.dma_semaphore, #tpu.memory_space<semaphore_mem>>) src(%arg19 : memref<128x32xf32, #tpu.memory_space<vmem>>) dst(%dma_wait3A_592 : memref<51200x32xf32, #tpu.memory_space<vmem_shared>>)
      %dma_start3A_593 = arith.constant 6 : i32
      %dma_start3A_594 = arith.constant 0 : i32
      %dma_start3A_595 = tpu.memref_slice %arg15[%dma_start3A_593, %dma_start3A_594] : memref<8x128xi32, #tpu.memory_space<vmem>> -> memref<1x128xi32, #tpu.memory_space<vmem>>
      %dma_start3A_596 = tpu.memref_squeeze %dma_start3A_595 : memref<1x128xi32, #tpu.memory_space<vmem>> -> memref<128xi32, #tpu.memory_space<vmem>>
      %dma_start3A_597 = arith.constant 0 : i32
      %dma_start3A_598 = arith.constant 0 : i32
      %dma_start3A_599 = tpu.memref_slice %arg10[%dma_start3A_597, %dma_start3A_598] : memref<102400x32xf32, #tpu.memory_space<hbm>> -> memref<102400x32xf32, #tpu.memory_space<hbm>>
      tpu.enqueue_indirect_dma source(%dma_start3A_599 : memref<102400x32xf32, #tpu.memory_space<hbm>>) target(%arg19 : memref<128x32xf32, #tpu.memory_space<vmem>>) offsets(%dma_start3A_596 : memref<128xi32, #tpu.memory_space<vmem>>) semaphore(%arg29 : memref<!tpu.dma_semaphore, #tpu.memory_space<semaphore_mem>>)
      %dma_wait3A_600 = arith.constant 4 : i32
      %dma_wait3A_601 = arith.constant 0 : i32
      %dma_wait3A_602 = tpu.memref_slice %arg15[%dma_wait3A_600, %dma_wait3A_601] : memref<8x128xi32, #tpu.memory_space<vmem>> -> memref<1x128xi32, #tpu.memory_space<vmem>>
      %dma_wait3A_603 = tpu.memref_squeeze %dma_wait3A_602 : memref<1x128xi32, #tpu.memory_space<vmem>> -> memref<128xi32, #tpu.memory_space<vmem>>
      %dma_wait3A_604 = arith.constant 0 : i32
      %dma_wait3A_605 = arith.constant 0 : i32
      %dma_wait3A_606 = tpu.memref_slice %arg10[%dma_wait3A_604, %dma_wait3A_605] : memref<102400x32xf32, #tpu.memory_space<hbm>> -> memref<102400x32xf32, #tpu.memory_space<hbm>>
      tpu.wait_indirect_dma semaphore(%arg27 : memref<!tpu.dma_semaphore, #tpu.memory_space<semaphore_mem>>) src(%dma_wait3A_606 : memref<102400x32xf32, #tpu.memory_space<hbm>>) dst(%arg17 : memref<128x32xf32, #tpu.memory_space<vmem>>)
      %dma_start3A_607 = arith.constant 4 : i32
      %dma_start3A_608 = arith.constant 0 : i32
      %dma_start3A_609 = tpu.memref_slice %arg16[%dma_start3A_607, %dma_start3A_608] : memref<8x128xi32, #tpu.memory_space<vmem>> -> memref<1x128xi32, #tpu.memory_space<vmem>>
      %dma_start3A_610 = tpu.memref_squeeze %dma_start3A_609 : memref<1x128xi32, #tpu.memory_space<vmem>> -> memref<128xi32, #tpu.memory_space<vmem>>
      %dma_start3A_611 = arith.constant 0 : i32
      %dma_start3A_612 = arith.constant 0 : i32
      %dma_start3A_613 = tpu.memref_slice %arg13[%dma_start3A_611, %dma_start3A_612] : memref<51200x32xf32, #tpu.memory_space<vmem_shared>> -> memref<51200x32xf32, #tpu.memory_space<vmem_shared>>
      tpu.enqueue_indirect_dma source(%arg17 : memref<128x32xf32, #tpu.memory_space<vmem>>) target(%dma_start3A_613 : memref<51200x32xf32, #tpu.memory_space<vmem_shared>>) offsets(%dma_start3A_610 : memref<128xi32, #tpu.memory_space<vmem>>) semaphore(%arg31 : memref<!tpu.dma_semaphore, #tpu.memory_space<semaphore_mem>>) {add = true}
      %dma_wait3A_614 = arith.constant 3 : i32
      %dma_wait3A_615 = arith.constant 0 : i32
      %dma_wait3A_616 = tpu.memref_slice %arg16[%dma_wait3A_614, %dma_wait3A_615] : memref<8x128xi32, #tpu.memory_space<vmem>> -> memref<1x128xi32, #tpu.memory_space<vmem>>
      %dma_wait3A_617 = tpu.memref_squeeze %dma_wait3A_616 : memref<1x128xi32, #tpu.memory_space<vmem>> -> memref<128xi32, #tpu.memory_space<vmem>>
      %dma_wait3A_618 = arith.constant 0 : i32
      %dma_wait3A_619 = arith.constant 0 : i32
      %dma_wait3A_620 = tpu.memref_slice %arg13[%dma_wait3A_618, %dma_wait3A_619] : memref<51200x32xf32, #tpu.memory_space<vmem_shared>> -> memref<51200x32xf32, #tpu.memory_space<vmem_shared>>
      tpu.wait_indirect_dma semaphore(%arg32 : memref<!tpu.dma_semaphore, #tpu.memory_space<semaphore_mem>>) src(%arg20 : memref<128x32xf32, #tpu.memory_space<vmem>>) dst(%dma_wait3A_620 : memref<51200x32xf32, #tpu.memory_space<vmem_shared>>)
      %dma_start3A_621 = arith.constant 7 : i32
      %dma_start3A_622 = arith.constant 0 : i32
      %dma_start3A_623 = tpu.memref_slice %arg15[%dma_start3A_621, %dma_start3A_622] : memref<8x128xi32, #tpu.memory_space<vmem>> -> memref<1x128xi32, #tpu.memory_space<vmem>>
      %dma_start3A_624 = tpu.memref_squeeze %dma_start3A_623 : memref<1x128xi32, #tpu.memory_space<vmem>> -> memref<128xi32, #tpu.memory_space<vmem>>
      %dma_start3A_625 = arith.constant 0 : i32
      %dma_start3A_626 = arith.constant 0 : i32
      %dma_start3A_627 = tpu.memref_slice %arg10[%dma_start3A_625, %dma_start3A_626] : memref<102400x32xf32, #tpu.memory_space<hbm>> -> memref<102400x32xf32, #tpu.memory_space<hbm>>
      tpu.enqueue_indirect_dma source(%dma_start3A_627 : memref<102400x32xf32, #tpu.memory_space<hbm>>) target(%arg20 : memref<128x32xf32, #tpu.memory_space<vmem>>) offsets(%dma_start3A_624 : memref<128xi32, #tpu.memory_space<vmem>>) semaphore(%arg30 : memref<!tpu.dma_semaphore, #tpu.memory_space<semaphore_mem>>)
      %dma_wait3A_628 = arith.constant 5 : i32
      %dma_wait3A_629 = arith.constant 0 : i32
      %dma_wait3A_630 = tpu.memref_slice %arg15[%dma_wait3A_628, %dma_wait3A_629] : memref<8x128xi32, #tpu.memory_space<vmem>> -> memref<1x128xi32, #tpu.memory_space<vmem>>
      %dma_wait3A_631 = tpu.memref_squeeze %dma_wait3A_630 : memref<1x128xi32, #tpu.memory_space<vmem>> -> memref<128xi32, #tpu.memory_space<vmem>>
      %dma_wait3A_632 = arith.constant 0 : i32
      %dma_wait3A_633 = arith.constant 0 : i32
      %dma_wait3A_634 = tpu.memref_slice %arg10[%dma_wait3A_632, %dma_wait3A_633] : memref<102400x32xf32, #tpu.memory_space<hbm>> -> memref<102400x32xf32, #tpu.memory_space<hbm>>
      tpu.wait_indirect_dma semaphore(%arg28 : memref<!tpu.dma_semaphore, #tpu.memory_space<semaphore_mem>>) src(%dma_wait3A_634 : memref<102400x32xf32, #tpu.memory_space<hbm>>) dst(%arg18 : memref<128x32xf32, #tpu.memory_space<vmem>>)
      %dma_start3A_635 = arith.constant 5 : i32
      %dma_start3A_636 = arith.constant 0 : i32
      %dma_start3A_637 = tpu.memref_slice %arg16[%dma_start3A_635, %dma_start3A_636] : memref<8x128xi32, #tpu.memory_space<vmem>> -> memref<1x128xi32, #tpu.memory_space<vmem>>
      %dma_start3A_638 = tpu.memref_squeeze %dma_start3A_637 : memref<1x128xi32, #tpu.memory_space<vmem>> -> memref<128xi32, #tpu.memory_space<vmem>>
      %dma_start3A_639 = arith.constant 0 : i32
      %dma_start3A_640 = arith.constant 0 : i32
      %dma_start3A_641 = tpu.memref_slice %arg13[%dma_start3A_639, %dma_start3A_640] : memref<51200x32xf32, #tpu.memory_space<vmem_shared>> -> memref<51200x32xf32, #tpu.memory_space<vmem_shared>>
      tpu.enqueue_indirect_dma source(%arg18 : memref<128x32xf32, #tpu.memory_space<vmem>>) target(%dma_start3A_641 : memref<51200x32xf32, #tpu.memory_space<vmem_shared>>) offsets(%dma_start3A_638 : memref<128xi32, #tpu.memory_space<vmem>>) semaphore(%arg32 : memref<!tpu.dma_semaphore, #tpu.memory_space<semaphore_mem>>) {add = true}
      %dma_wait3A_642 = arith.constant 6 : i32
      %dma_wait3A_643 = arith.constant 0 : i32
      %dma_wait3A_644 = tpu.memref_slice %arg15[%dma_wait3A_642, %dma_wait3A_643] : memref<8x128xi32, #tpu.memory_space<vmem>> -> memref<1x128xi32, #tpu.memory_space<vmem>>
      %dma_wait3A_645 = tpu.memref_squeeze %dma_wait3A_644 : memref<1x128xi32, #tpu.memory_space<vmem>> -> memref<128xi32, #tpu.memory_space<vmem>>
      %dma_wait3A_646 = arith.constant 0 : i32
      %dma_wait3A_647 = arith.constant 0 : i32
      %dma_wait3A_648 = tpu.memref_slice %arg10[%dma_wait3A_646, %dma_wait3A_647] : memref<102400x32xf32, #tpu.memory_space<hbm>> -> memref<102400x32xf32, #tpu.memory_space<hbm>>
      tpu.wait_indirect_dma semaphore(%arg29 : memref<!tpu.dma_semaphore, #tpu.memory_space<semaphore_mem>>) src(%dma_wait3A_648 : memref<102400x32xf32, #tpu.memory_space<hbm>>) dst(%arg19 : memref<128x32xf32, #tpu.memory_space<vmem>>)
      %dma_start3A_649 = arith.constant 6 : i32
      %dma_start3A_650 = arith.constant 0 : i32
      %dma_start3A_651 = tpu.memref_slice %arg16[%dma_start3A_649, %dma_start3A_650] : memref<8x128xi32, #tpu.memory_space<vmem>> -> memref<1x128xi32, #tpu.memory_space<vmem>>
      %dma_start3A_652 = tpu.memref_squeeze %dma_start3A_651 : memref<1x128xi32, #tpu.memory_space<vmem>> -> memref<128xi32, #tpu.memory_space<vmem>>
      %dma_start3A_653 = arith.constant 0 : i32
      %dma_start3A_654 = arith.constant 0 : i32
      %dma_start3A_655 = tpu.memref_slice %arg13[%dma_start3A_653, %dma_start3A_654] : memref<51200x32xf32, #tpu.memory_space<vmem_shared>> -> memref<51200x32xf32, #tpu.memory_space<vmem_shared>>
      tpu.enqueue_indirect_dma source(%arg19 : memref<128x32xf32, #tpu.memory_space<vmem>>) target(%dma_start3A_655 : memref<51200x32xf32, #tpu.memory_space<vmem_shared>>) offsets(%dma_start3A_652 : memref<128xi32, #tpu.memory_space<vmem>>) semaphore(%arg31 : memref<!tpu.dma_semaphore, #tpu.memory_space<semaphore_mem>>) {add = true}
      %dma_wait3A_656 = arith.constant 7 : i32
      %dma_wait3A_657 = arith.constant 0 : i32
      %dma_wait3A_658 = tpu.memref_slice %arg15[%dma_wait3A_656, %dma_wait3A_657] : memref<8x128xi32, #tpu.memory_space<vmem>> -> memref<1x128xi32, #tpu.memory_space<vmem>>
      %dma_wait3A_659 = tpu.memref_squeeze %dma_wait3A_658 : memref<1x128xi32, #tpu.memory_space<vmem>> -> memref<128xi32, #tpu.memory_space<vmem>>
      %dma_wait3A_660 = arith.constant 0 : i32
      %dma_wait3A_661 = arith.constant 0 : i32
      %dma_wait3A_662 = tpu.memref_slice %arg10[%dma_wait3A_660, %dma_wait3A_661] : memref<102400x32xf32, #tpu.memory_space<hbm>> -> memref<102400x32xf32, #tpu.memory_space<hbm>>
      tpu.wait_indirect_dma semaphore(%arg30 : memref<!tpu.dma_semaphore, #tpu.memory_space<semaphore_mem>>) src(%dma_wait3A_662 : memref<102400x32xf32, #tpu.memory_space<hbm>>) dst(%arg20 : memref<128x32xf32, #tpu.memory_space<vmem>>)
      %dma_start3A_663 = arith.constant 7 : i32
      %dma_start3A_664 = arith.constant 0 : i32
      %dma_start3A_665 = tpu.memref_slice %arg16[%dma_start3A_663, %dma_start3A_664] : memref<8x128xi32, #tpu.memory_space<vmem>> -> memref<1x128xi32, #tpu.memory_space<vmem>>
      %dma_start3A_666 = tpu.memref_squeeze %dma_start3A_665 : memref<1x128xi32, #tpu.memory_space<vmem>> -> memref<128xi32, #tpu.memory_space<vmem>>
      %dma_start3A_667 = arith.constant 0 : i32
      %dma_start3A_668 = arith.constant 0 : i32
      %dma_start3A_669 = tpu.memref_slice %arg13[%dma_start3A_667, %dma_start3A_668] : memref<51200x32xf32, #tpu.memory_space<vmem_shared>> -> memref<51200x32xf32, #tpu.memory_space<vmem_shared>>
      tpu.enqueue_indirect_dma source(%arg20 : memref<128x32xf32, #tpu.memory_space<vmem>>) target(%dma_start3A_669 : memref<51200x32xf32, #tpu.memory_space<vmem_shared>>) offsets(%dma_start3A_666 : memref<128xi32, #tpu.memory_space<vmem>>) semaphore(%arg32 : memref<!tpu.dma_semaphore, #tpu.memory_space<semaphore_mem>>) {add = true}
      %dma_wait3A_670 = arith.constant 4 : i32
      %dma_wait3A_671 = arith.constant 0 : i32
      %dma_wait3A_672 = tpu.memref_slice %arg16[%dma_wait3A_670, %dma_wait3A_671] : memref<8x128xi32, #tpu.memory_space<vmem>> -> memref<1x128xi32, #tpu.memory_space<vmem>>
      %dma_wait3A_673 = tpu.memref_squeeze %dma_wait3A_672 : memref<1x128xi32, #tpu.memory_space<vmem>> -> memref<128xi32, #tpu.memory_space<vmem>>
      %dma_wait3A_674 = arith.constant 0 : i32
      %dma_wait3A_675 = arith.constant 0 : i32
      %dma_wait3A_676 = tpu.memref_slice %arg13[%dma_wait3A_674, %dma_wait3A_675] : memref<51200x32xf32, #tpu.memory_space<vmem_shared>> -> memref<51200x32xf32, #tpu.memory_space<vmem_shared>>
      tpu.wait_indirect_dma semaphore(%arg31 : memref<!tpu.dma_semaphore, #tpu.memory_space<semaphore_mem>>) src(%arg17 : memref<128x32xf32, #tpu.memory_space<vmem>>) dst(%dma_wait3A_676 : memref<51200x32xf32, #tpu.memory_space<vmem_shared>>)
      %dma_wait3A_677 = arith.constant 5 : i32
      %dma_wait3A_678 = arith.constant 0 : i32
      %dma_wait3A_679 = tpu.memref_slice %arg16[%dma_wait3A_677, %dma_wait3A_678] : memref<8x128xi32, #tpu.memory_space<vmem>> -> memref<1x128xi32, #tpu.memory_space<vmem>>
      %dma_wait3A_680 = tpu.memref_squeeze %dma_wait3A_679 : memref<1x128xi32, #tpu.memory_space<vmem>> -> memref<128xi32, #tpu.memory_space<vmem>>
      %dma_wait3A_681 = arith.constant 0 : i32
      %dma_wait3A_682 = arith.constant 0 : i32
      %dma_wait3A_683 = tpu.memref_slice %arg13[%dma_wait3A_681, %dma_wait3A_682] : memref<51200x32xf32, #tpu.memory_space<vmem_shared>> -> memref<51200x32xf32, #tpu.memory_space<vmem_shared>>
      tpu.wait_indirect_dma semaphore(%arg32 : memref<!tpu.dma_semaphore, #tpu.memory_space<semaphore_mem>>) src(%arg18 : memref<128x32xf32, #tpu.memory_space<vmem>>) dst(%dma_wait3A_683 : memref<51200x32xf32, #tpu.memory_space<vmem_shared>>)
      %dma_wait3A_684 = arith.constant 6 : i32
      %dma_wait3A_685 = arith.constant 0 : i32
      %dma_wait3A_686 = tpu.memref_slice %arg16[%dma_wait3A_684, %dma_wait3A_685] : memref<8x128xi32, #tpu.memory_space<vmem>> -> memref<1x128xi32, #tpu.memory_space<vmem>>
      %dma_wait3A_687 = tpu.memref_squeeze %dma_wait3A_686 : memref<1x128xi32, #tpu.memory_space<vmem>> -> memref<128xi32, #tpu.memory_space<vmem>>
      %dma_wait3A_688 = arith.constant 0 : i32
      %dma_wait3A_689 = arith.constant 0 : i32
      %dma_wait3A_690 = tpu.memref_slice %arg13[%dma_wait3A_688, %dma_wait3A_689] : memref<51200x32xf32, #tpu.memory_space<vmem_shared>> -> memref<51200x32xf32, #tpu.memory_space<vmem_shared>>
      tpu.wait_indirect_dma semaphore(%arg31 : memref<!tpu.dma_semaphore, #tpu.memory_space<semaphore_mem>>) src(%arg19 : memref<128x32xf32, #tpu.memory_space<vmem>>) dst(%dma_wait3A_690 : memref<51200x32xf32, #tpu.memory_space<vmem_shared>>)
      %dma_wait3A_691 = arith.constant 7 : i32
      %dma_wait3A_692 = arith.constant 0 : i32
      %dma_wait3A_693 = tpu.memref_slice %arg16[%dma_wait3A_691, %dma_wait3A_692] : memref<8x128xi32, #tpu.memory_space<vmem>> -> memref<1x128xi32, #tpu.memory_space<vmem>>
      %dma_wait3A_694 = tpu.memref_squeeze %dma_wait3A_693 : memref<1x128xi32, #tpu.memory_space<vmem>> -> memref<128xi32, #tpu.memory_space<vmem>>
      %dma_wait3A_695 = arith.constant 0 : i32
      %dma_wait3A_696 = arith.constant 0 : i32
      %dma_wait3A_697 = tpu.memref_slice %arg13[%dma_wait3A_695, %dma_wait3A_696] : memref<51200x32xf32, #tpu.memory_space<vmem_shared>> -> memref<51200x32xf32, #tpu.memory_space<vmem_shared>>
      tpu.wait_indirect_dma semaphore(%arg32 : memref<!tpu.dma_semaphore, #tpu.memory_space<semaphore_mem>>) src(%arg20 : memref<128x32xf32, #tpu.memory_space<vmem>>) dst(%dma_wait3A_697 : memref<51200x32xf32, #tpu.memory_space<vmem_shared>>)
      %scan3A_698 = arith.constant 0 : i32
      scf.yield %scan3A_698 : i32
    }
    %scan3A_120 = arith.constant 49 : i32
    %barrier3A_121 = arith.constant 0 : index
    tpu.barrier barrier_id(%barrier3A_121)
    %scan3A_122 = arith.constant 0 : i32
    %scan3A_123 = arith.constant 0 : i32
    %scan3A_124 = arith.constant 50 : i32
    %scan3A_125 = arith.addi %scan3A_123, %scan3A_124 : i32
    %scan3A_126 = arith.constant 1 : i32
    %scan3A_127 = scf.for %scan3A_467 = %scan3A_123 to %scan3A_125 step %scan3A_126 iter_args(%scan3A_468 = %scan3A_122) -> (i32)  : i32 {
      %mul3A_469 = arith.constant 64 : i32
      %mul3A_470 = arith.muli %scan3A_467, %mul3A_469 : i32
      %add3A_471 = arith.addi %mul3A_0, %mul3A_470 : i32
      "tpu.region"() ({
        %run_scoped3A = tpu.sem_alloc : memref<!tpu.dma_semaphore, #tpu.memory_space<semaphore_mem>>
        %dma_start3A_475 = arith.constant 0 : i32
        %dma_start3A_476 = tpu.memref_slice %arg13[%add3A_471, %dma_start3A_475] : memref<51200x32xf32, #tpu.memory_space<vmem_shared>> -> memref<64x32xf32, #tpu.memory_space<vmem_shared>>
        %dma_start3A_477 = arith.constant 0 : i32
        %dma_start3A_478 = tpu.memref_slice %arg13[%add3A_471, %dma_start3A_477] : memref<51200x32xf32, #tpu.memory_space<vmem_shared>> -> memref<64x32xf32, #tpu.memory_space<vmem_shared>>
        tpu.enqueue_dma source(%dma_start3A_478 : memref<64x32xf32, #tpu.memory_space<vmem_shared>>) target(%arg21 : memref<64x32xf32, #tpu.memory_space<vmem>>) target_semaphore(%run_scoped3A : memref<!tpu.dma_semaphore, #tpu.memory_space<semaphore_mem>>)
        %dma_wait3A_479 = arith.constant 0 : i32
        %dma_wait3A_480 = tpu.memref_slice %arg13[%add3A_471, %dma_wait3A_479] : memref<51200x32xf32, #tpu.memory_space<vmem_shared>> -> memref<64x32xf32, #tpu.memory_space<vmem_shared>>
        %dma_wait3A_481 = arith.constant 0 : i32
        %dma_wait3A_482 = tpu.memref_slice %arg13[%add3A_471, %dma_wait3A_481] : memref<51200x32xf32, #tpu.memory_space<vmem_shared>> -> memref<64x32xf32, #tpu.memory_space<vmem_shared>>
        tpu.wait_dma2 semaphore(%run_scoped3A : memref<!tpu.dma_semaphore, #tpu.memory_space<semaphore_mem>>) src(%dma_wait3A_482 : memref<64x32xf32, #tpu.memory_space<vmem_shared>>) dst(%arg21 : memref<64x32xf32, #tpu.memory_space<vmem>>)
        tpu.yield
      }) : () -> ()
      %lt3A = arith.constant 8 : i32
      %lt3A_472 = arith.cmpi slt, %arg1, %lt3A : i32
      %convert_element_type3A = arith.extui %lt3A_472 : i1 to i32
      %cond3A = arith.constant 0 : i32
      %cond3A_473 = arith.cmpi ne, %convert_element_type3A, %cond3A : i32
      scf.if %cond3A_473 {
        %mul3A_475 = arith.constant 25600 : i32
        %mul3A_476 = arith.muli %arg0, %mul3A_475 : i32
        %add3A_477 = arith.addi %mul3A_476, %add3A_471 : i32
        "tpu.region"() ({
          %run_scoped3A = tpu.sem_alloc : memref<!tpu.dma_semaphore, #tpu.memory_space<semaphore_mem>>
          %dma_start3A_488 = arith.constant 0 : i32
          %dma_start3A_489 = arith.constant 0 : i32
          %dma_start3A_490 = tpu.memref_slice %arg17[%dma_start3A_488, %dma_start3A_489] : memref<128x32xf32, #tpu.memory_space<vmem>> -> memref<64x32xf32, #tpu.memory_space<vmem>>
          %dma_start3A_491 = arith.constant 0 : i32
          %dma_start3A_492 = tpu.memref_slice %arg12[%add3A_477, %dma_start3A_491] : memref<51200x32xf32, #tpu.memory_space<hbm>> -> memref<64x32xf32, #tpu.memory_space<hbm>>
          %dma_start3A_493 = arith.constant 0 : i32
          %dma_start3A_494 = arith.constant 0 : i32
          %dma_start3A_495 = tpu.memref_slice %arg17[%dma_start3A_493, %dma_start3A_494] : memref<128x32xf32, #tpu.memory_space<vmem>> -> memref<64x32xf32, #tpu.memory_space<vmem>>
          %dma_start3A_496 = arith.constant 0 : i32
          %dma_start3A_497 = tpu.memref_slice %arg12[%add3A_477, %dma_start3A_496] : memref<51200x32xf32, #tpu.memory_space<hbm>> -> memref<64x32xf32, #tpu.memory_space<hbm>>
          tpu.enqueue_dma source(%dma_start3A_497 : memref<64x32xf32, #tpu.memory_space<hbm>>) target(%dma_start3A_495 : memref<64x32xf32, #tpu.memory_space<vmem>>) target_semaphore(%run_scoped3A : memref<!tpu.dma_semaphore, #tpu.memory_space<semaphore_mem>>)
          %dma_wait3A_498 = arith.constant 0 : i32
          %dma_wait3A_499 = arith.constant 0 : i32
          %dma_wait3A_500 = tpu.memref_slice %arg17[%dma_wait3A_498, %dma_wait3A_499] : memref<128x32xf32, #tpu.memory_space<vmem>> -> memref<64x32xf32, #tpu.memory_space<vmem>>
          %dma_wait3A_501 = arith.constant 0 : i32
          %dma_wait3A_502 = tpu.memref_slice %arg12[%add3A_477, %dma_wait3A_501] : memref<51200x32xf32, #tpu.memory_space<hbm>> -> memref<64x32xf32, #tpu.memory_space<hbm>>
          %dma_wait3A_503 = arith.constant 0 : i32
          %dma_wait3A_504 = arith.constant 0 : i32
          %dma_wait3A_505 = tpu.memref_slice %arg17[%dma_wait3A_503, %dma_wait3A_504] : memref<128x32xf32, #tpu.memory_space<vmem>> -> memref<64x32xf32, #tpu.memory_space<vmem>>
          %dma_wait3A_506 = arith.constant 0 : i32
          %dma_wait3A_507 = tpu.memref_slice %arg12[%add3A_477, %dma_wait3A_506] : memref<51200x32xf32, #tpu.memory_space<hbm>> -> memref<64x32xf32, #tpu.memory_space<hbm>>
          tpu.wait_dma2 semaphore(%run_scoped3A : memref<!tpu.dma_semaphore, #tpu.memory_space<semaphore_mem>>) src(%dma_wait3A_507 : memref<64x32xf32, #tpu.memory_space<hbm>>) dst(%dma_wait3A_505 : memref<64x32xf32, #tpu.memory_space<vmem>>)
          tpu.yield
        }) : () -> ()
        %scan3A_478 = arith.constant 0 : i32
        %scan3A_479 = arith.constant 0 : i32
        %scan3A_480 = arith.constant 64 : i32
        %scan3A_481 = arith.addi %scan3A_479, %scan3A_480 : i32
        %scan3A_482 = arith.constant 1 : i32
        %scan3A_483 = scf.for %scan3A_488 = %scan3A_479 to %scan3A_481 step %scan3A_482 iter_args(%scan3A_489 = %scan3A_478) -> (i32)  : i32 {
          %mul3A_490 = arith.constant 64 : i32
          %mul3A_491 = arith.muli %scan3A_467, %mul3A_490 : i32
          %add3A_492 = arith.addi %mul3A_491, %scan3A_488 : i32
          %broadcast_in_dim3A_493 = arith.constant 0 : i32
          %broadcast_in_dim3A_494 = vector.broadcast %broadcast_in_dim3A_493 : i32 to vector<16xi32>
          %add3A_495 = vector.broadcast %add3A_492 : i32 to vector<16xi32>
          %add3A_496 = arith.addi %broadcast_in_dim3A_494, %add3A_495 : vector<16xi32>
          %gather3A = tpu.vector_load_idx %arg22[%add3A_496] : memref<3200xf32, #tpu.memory_space<vmem>>[vector<16xi32>], vector<16xf32>,
          %mul3A_497 = arith.constant 2.500000e-01 : f32
          %mul3A_498 = vector.broadcast %mul3A_497 : f32 to vector<16xf32>
          %mul3A_499 = arith.mulf %gather3A, %mul3A_498 : vector<16xf32>
          %get3A = arith.index_cast %scan3A_488 : i32 to index
          %get3A_500 = arith.constant 0 : index
          %get3A_501 = tpu.vector_load %arg21[%get3A, %get3A_500] {strides = array<i32>} : memref<64x32xf32, #tpu.memory_space<vmem>>, vector<16xf32>,
          %get3A_502 = arith.index_cast %scan3A_488 : i32 to index
          %get3A_503 = arith.constant 0 : index
          %get3A_504 = tpu.vector_load %arg17[%get3A_502, %get3A_503] {strides = array<i32>} : memref<128x32xf32, #tpu.memory_space<vmem>>, vector<16xf32>,
          %mul3A_505 = arith.mulf %get3A_501, %mul3A_499 : vector<16xf32>
          %add3A_506 = arith.addf %get3A_504, %mul3A_505 : vector<16xf32>
          %swap3A_507 = arith.index_cast %scan3A_488 : i32 to index
          %swap3A_508 = arith.constant 0 : index
          %swap3A_509 = tpu.vector_load %arg17[%swap3A_507, %swap3A_508] {strides = array<i32>} : memref<128x32xf32, #tpu.memory_space<vmem>>, vector<16xf32>,
          tpu.vector_store %arg17[%swap3A_507, %swap3A_508], %add3A_506 {strides = array<i32>} : memref<128x32xf32, #tpu.memory_space<vmem>>, vector<16xf32>,
          %get3A_510 = arith.index_cast %scan3A_488 : i32 to index
          %get3A_511 = arith.constant 16 : index
          %get3A_512 = tpu.vector_load %arg21[%get3A_510, %get3A_511] {strides = array<i32>} : memref<64x32xf32, #tpu.memory_space<vmem>>, vector<16xf32>,
          %get3A_513 = arith.index_cast %scan3A_488 : i32 to index
          %get3A_514 = arith.constant 16 : index
          %get3A_515 = tpu.vector_load %arg17[%get3A_513, %get3A_514] {strides = array<i32>} : memref<128x32xf32, #tpu.memory_space<vmem>>, vector<16xf32>,
          %mul3A_516 = arith.mulf %get3A_512, %mul3A_499 : vector<16xf32>
          %add3A_517 = arith.addf %get3A_515, %mul3A_516 : vector<16xf32>
          %swap3A_518 = arith.index_cast %scan3A_488 : i32 to index
          %swap3A_519 = arith.constant 16 : index
          %swap3A_520 = tpu.vector_load %arg17[%swap3A_518, %swap3A_519] {strides = array<i32>} : memref<128x32xf32, #tpu.memory_space<vmem>>, vector<16xf32>,
          tpu.vector_store %arg17[%swap3A_518, %swap3A_519], %add3A_517 {strides = array<i32>} : memref<128x32xf32, #tpu.memory_space<vmem>>, vector<16xf32>,
          %scan3A_521 = arith.constant 0 : i32
          scf.yield %scan3A_521 : i32
        }
        %scan3A_484 = arith.constant 64 : i32
        %mul3A_485 = arith.constant 25600 : i32
        %mul3A_486 = arith.muli %arg0, %mul3A_485 : i32
        %add3A_487 = arith.addi %mul3A_486, %add3A_471 : i32
        "tpu.region"() ({
          %run_scoped3A = tpu.sem_alloc : memref<!tpu.dma_semaphore, #tpu.memory_space<semaphore_mem>>
          %dma_start3A_488 = arith.constant 0 : i32
          %dma_start3A_489 = arith.constant 0 : i32
          %dma_start3A_490 = tpu.memref_slice %arg17[%dma_start3A_488, %dma_start3A_489] : memref<128x32xf32, #tpu.memory_space<vmem>> -> memref<64x32xf32, #tpu.memory_space<vmem>>
          %dma_start3A_491 = arith.constant 0 : i32
          %dma_start3A_492 = tpu.memref_slice %arg12[%add3A_487, %dma_start3A_491] : memref<51200x32xf32, #tpu.memory_space<hbm>> -> memref<64x32xf32, #tpu.memory_space<hbm>>
          %dma_start3A_493 = arith.constant 0 : i32
          %dma_start3A_494 = tpu.memref_slice %arg12[%add3A_487, %dma_start3A_493] : memref<51200x32xf32, #tpu.memory_space<hbm>> -> memref<64x32xf32, #tpu.memory_space<hbm>>
          %dma_start3A_495 = arith.constant 0 : i32
          %dma_start3A_496 = arith.constant 0 : i32
          %dma_start3A_497 = tpu.memref_slice %arg17[%dma_start3A_495, %dma_start3A_496] : memref<128x32xf32, #tpu.memory_space<vmem>> -> memref<64x32xf32, #tpu.memory_space<vmem>>
          tpu.enqueue_dma source(%dma_start3A_497 : memref<64x32xf32, #tpu.memory_space<vmem>>) target(%dma_start3A_494 : memref<64x32xf32, #tpu.memory_space<hbm>>) target_semaphore(%run_scoped3A : memref<!tpu.dma_semaphore, #tpu.memory_space<semaphore_mem>>)
          %dma_wait3A_498 = arith.constant 0 : i32
          %dma_wait3A_499 = arith.constant 0 : i32
          %dma_wait3A_500 = tpu.memref_slice %arg17[%dma_wait3A_498, %dma_wait3A_499] : memref<128x32xf32, #tpu.memory_space<vmem>> -> memref<64x32xf32, #tpu.memory_space<vmem>>
          %dma_wait3A_501 = arith.constant 0 : i32
          %dma_wait3A_502 = tpu.memref_slice %arg12[%add3A_487, %dma_wait3A_501] : memref<51200x32xf32, #tpu.memory_space<hbm>> -> memref<64x32xf32, #tpu.memory_space<hbm>>
          %dma_wait3A_503 = arith.constant 0 : i32
          %dma_wait3A_504 = tpu.memref_slice %arg12[%add3A_487, %dma_wait3A_503] : memref<51200x32xf32, #tpu.memory_space<hbm>> -> memref<64x32xf32, #tpu.memory_space<hbm>>
          %dma_wait3A_505 = arith.constant 0 : i32
          %dma_wait3A_506 = arith.constant 0 : i32
          %dma_wait3A_507 = tpu.memref_slice %arg17[%dma_wait3A_505, %dma_wait3A_506] : memref<128x32xf32, #tpu.memory_space<vmem>> -> memref<64x32xf32, #tpu.memory_space<vmem>>
          tpu.wait_dma2 semaphore(%run_scoped3A : memref<!tpu.dma_semaphore, #tpu.memory_space<semaphore_mem>>) src(%dma_wait3A_507 : memref<64x32xf32, #tpu.memory_space<vmem>>) dst(%dma_wait3A_504 : memref<64x32xf32, #tpu.memory_space<hbm>>)
          tpu.yield
        }) : () -> ()
      } else {
      }
      %scan3A_474 = arith.constant 0 : i32
      scf.yield %scan3A_474 : i32
    }
    %scan3A_128 = arith.constant 50 : i32
    %barrier3A_129 = arith.constant 0 : index
    tpu.barrier barrier_id(%barrier3A_129)
    %mul3A_130 = arith.constant 8 : i32
    %mul3A_131 = arith.muli %arg1, %mul3A_130 : i32
    "tpu.region"() ({
      %run_scoped3A = tpu.sem_alloc : memref<!tpu.dma_semaphore, #tpu.memory_space<semaphore_mem>>
      %dma_start3A_467 = arith.constant 0 : i32
      %dma_start3A_468 = arith.constant 0 : i32
      %dma_start3A_469 = tpu.memref_slice %arg7[%arg0, %dma_start3A_467, %dma_start3A_468] : memref<2x128x128xi32, #tpu.memory_space<hbm>> -> memref<1x128x128xi32, #tpu.memory_space<hbm>>
      %dma_start3A_470 = tpu.memref_squeeze %dma_start3A_469 : memref<1x128x128xi32, #tpu.memory_space<hbm>> -> memref<128x128xi32, #tpu.memory_space<hbm>>
      %dma_start3A_471 = arith.constant 0 : i32
      %dma_start3A_472 = tpu.memref_slice %dma_start3A_470[%mul3A_131, %dma_start3A_471] : memref<128x128xi32, #tpu.memory_space<hbm>> -> memref<8x128xi32, #tpu.memory_space<hbm>>
      %dma_start3A_473 = arith.constant 0 : i32
      %dma_start3A_474 = arith.constant 0 : i32
      %dma_start3A_475 = tpu.memref_slice %arg7[%arg0, %dma_start3A_473, %dma_start3A_474] : memref<2x128x128xi32, #tpu.memory_space<hbm>> -> memref<1x128x128xi32, #tpu.memory_space<hbm>>
      %dma_start3A_476 = tpu.memref_squeeze %dma_start3A_475 : memref<1x128x128xi32, #tpu.memory_space<hbm>> -> memref<128x128xi32, #tpu.memory_space<hbm>>
      %dma_start3A_477 = arith.constant 0 : i32
      %dma_start3A_478 = tpu.memref_slice %dma_start3A_476[%mul3A_131, %dma_start3A_477] : memref<128x128xi32, #tpu.memory_space<hbm>> -> memref<8x128xi32, #tpu.memory_space<hbm>>
      tpu.enqueue_dma source(%dma_start3A_478 : memref<8x128xi32, #tpu.memory_space<hbm>>) target(%arg15 : memref<8x128xi32, #tpu.memory_space<vmem>>) target_semaphore(%run_scoped3A : memref<!tpu.dma_semaphore, #tpu.memory_space<semaphore_mem>>)
      %dma_wait3A_479 = arith.constant 0 : i32
      %dma_wait3A_480 = arith.constant 0 : i32
      %dma_wait3A_481 = tpu.memref_slice %arg7[%arg0, %dma_wait3A_479, %dma_wait3A_480] : memref<2x128x128xi32, #tpu.memory_space<hbm>> -> memref<1x128x128xi32, #tpu.memory_space<hbm>>
      %dma_wait3A_482 = tpu.memref_squeeze %dma_wait3A_481 : memref<1x128x128xi32, #tpu.memory_space<hbm>> -> memref<128x128xi32, #tpu.memory_space<hbm>>
      %dma_wait3A_483 = arith.constant 0 : i32
      %dma_wait3A_484 = tpu.memref_slice %dma_wait3A_482[%mul3A_131, %dma_wait3A_483] : memref<128x128xi32, #tpu.memory_space<hbm>> -> memref<8x128xi32, #tpu.memory_space<hbm>>
      %dma_wait3A_485 = arith.constant 0 : i32
      %dma_wait3A_486 = arith.constant 0 : i32
      %dma_wait3A_487 = tpu.memref_slice %arg7[%arg0, %dma_wait3A_485, %dma_wait3A_486] : memref<2x128x128xi32, #tpu.memory_space<hbm>> -> memref<1x128x128xi32, #tpu.memory_space<hbm>>
      %dma_wait3A_488 = tpu.memref_squeeze %dma_wait3A_487 : memref<1x128x128xi32, #tpu.memory_space<hbm>> -> memref<128x128xi32, #tpu.memory_space<hbm>>
      %dma_wait3A_489 = arith.constant 0 : i32
      %dma_wait3A_490 = tpu.memref_slice %dma_wait3A_488[%mul3A_131, %dma_wait3A_489] : memref<128x128xi32, #tpu.memory_space<hbm>> -> memref<8x128xi32, #tpu.memory_space<hbm>>
      tpu.wait_dma2 semaphore(%run_scoped3A : memref<!tpu.dma_semaphore, #tpu.memory_space<semaphore_mem>>) src(%dma_wait3A_490 : memref<8x128xi32, #tpu.memory_space<hbm>>) dst(%arg15 : memref<8x128xi32, #tpu.memory_space<vmem>>)
      tpu.yield
    }) : () -> ()
    %mul3A_132 = arith.constant 8 : i32
    %mul3A_133 = arith.muli %arg1, %mul3A_132 : i32
    "tpu.region"() ({
      %run_scoped3A = tpu.sem_alloc : memref<!tpu.dma_semaphore, #tpu.memory_space<semaphore_mem>>
      %dma_start3A_467 = arith.constant 0 : i32
      %dma_start3A_468 = arith.constant 0 : i32
      %dma_start3A_469 = tpu.memref_slice %arg8[%arg0, %dma_start3A_467, %dma_start3A_468] : memref<2x128x128xi32, #tpu.memory_space<hbm>> -> memref<1x128x128xi32, #tpu.memory_space<hbm>>
      %dma_start3A_470 = tpu.memref_squeeze %dma_start3A_469 : memref<1x128x128xi32, #tpu.memory_space<hbm>> -> memref<128x128xi32, #tpu.memory_space<hbm>>
      %dma_start3A_471 = arith.constant 0 : i32
      %dma_start3A_472 = tpu.memref_slice %dma_start3A_470[%mul3A_133, %dma_start3A_471] : memref<128x128xi32, #tpu.memory_space<hbm>> -> memref<8x128xi32, #tpu.memory_space<hbm>>
      %dma_start3A_473 = arith.constant 0 : i32
      %dma_start3A_474 = arith.constant 0 : i32
      %dma_start3A_475 = tpu.memref_slice %arg8[%arg0, %dma_start3A_473, %dma_start3A_474] : memref<2x128x128xi32, #tpu.memory_space<hbm>> -> memref<1x128x128xi32, #tpu.memory_space<hbm>>
      %dma_start3A_476 = tpu.memref_squeeze %dma_start3A_475 : memref<1x128x128xi32, #tpu.memory_space<hbm>> -> memref<128x128xi32, #tpu.memory_space<hbm>>
      %dma_start3A_477 = arith.constant 0 : i32
      %dma_start3A_478 = tpu.memref_slice %dma_start3A_476[%mul3A_133, %dma_start3A_477] : memref<128x128xi32, #tpu.memory_space<hbm>> -> memref<8x128xi32, #tpu.memory_space<hbm>>
      tpu.enqueue_dma source(%dma_start3A_478 : memref<8x128xi32, #tpu.memory_space<hbm>>) target(%arg16 : memref<8x128xi32, #tpu.memory_space<vmem>>) target_semaphore(%run_scoped3A : memref<!tpu.dma_semaphore, #tpu.memory_space<semaphore_mem>>)
      %dma_wait3A_479 = arith.constant 0 : i32
      %dma_wait3A_480 = arith.constant 0 : i32
      %dma_wait3A_481 = tpu.memref_slice %arg8[%arg0, %dma_wait3A_479, %dma_wait3A_480] : memref<2x128x128xi32, #tpu.memory_space<hbm>> -> memref<1x128x128xi32, #tpu.memory_space<hbm>>
      %dma_wait3A_482 = tpu.memref_squeeze %dma_wait3A_481 : memref<1x128x128xi32, #tpu.memory_space<hbm>> -> memref<128x128xi32, #tpu.memory_space<hbm>>
      %dma_wait3A_483 = arith.constant 0 : i32
      %dma_wait3A_484 = tpu.memref_slice %dma_wait3A_482[%mul3A_133, %dma_wait3A_483] : memref<128x128xi32, #tpu.memory_space<hbm>> -> memref<8x128xi32, #tpu.memory_space<hbm>>
      %dma_wait3A_485 = arith.constant 0 : i32
      %dma_wait3A_486 = arith.constant 0 : i32
      %dma_wait3A_487 = tpu.memref_slice %arg8[%arg0, %dma_wait3A_485, %dma_wait3A_486] : memref<2x128x128xi32, #tpu.memory_space<hbm>> -> memref<1x128x128xi32, #tpu.memory_space<hbm>>
      %dma_wait3A_488 = tpu.memref_squeeze %dma_wait3A_487 : memref<1x128x128xi32, #tpu.memory_space<hbm>> -> memref<128x128xi32, #tpu.memory_space<hbm>>
      %dma_wait3A_489 = arith.constant 0 : i32
      %dma_wait3A_490 = tpu.memref_slice %dma_wait3A_488[%mul3A_133, %dma_wait3A_489] : memref<128x128xi32, #tpu.memory_space<hbm>> -> memref<8x128xi32, #tpu.memory_space<hbm>>
      tpu.wait_dma2 semaphore(%run_scoped3A : memref<!tpu.dma_semaphore, #tpu.memory_space<semaphore_mem>>) src(%dma_wait3A_490 : memref<8x128xi32, #tpu.memory_space<hbm>>) dst(%arg16 : memref<8x128xi32, #tpu.memory_space<vmem>>)
      tpu.yield
    }) : () -> ()
    %dma_start3A = arith.constant 0 : i32
    %dma_start3A_134 = arith.constant 0 : i32
    %dma_start3A_135 = tpu.memref_slice %arg15[%dma_start3A, %dma_start3A_134] : memref<8x128xi32, #tpu.memory_space<vmem>> -> memref<1x128xi32, #tpu.memory_space<vmem>>
    %dma_start3A_136 = tpu.memref_squeeze %dma_start3A_135 : memref<1x128xi32, #tpu.memory_space<vmem>> -> memref<128xi32, #tpu.memory_space<vmem>>
    %dma_start3A_137 = arith.constant 0 : i32
    %dma_start3A_138 = arith.constant 0 : i32
    %dma_start3A_139 = tpu.memref_slice %arg12[%dma_start3A_137, %dma_start3A_138] : memref<51200x32xf32, #tpu.memory_space<hbm>> -> memref<51200x32xf32, #tpu.memory_space<hbm>>
    tpu.enqueue_indirect_dma source(%dma_start3A_139 : memref<51200x32xf32, #tpu.memory_space<hbm>>) target(%arg17 : memref<128x32xf32, #tpu.memory_space<vmem>>) offsets(%dma_start3A_136 : memref<128xi32, #tpu.memory_space<vmem>>) semaphore(%arg27 : memref<!tpu.dma_semaphore, #tpu.memory_space<semaphore_mem>>)
    %dma_start3A_140 = arith.constant 0 : i32
    %dma_start3A_141 = arith.constant 0 : i32
    %dma_start3A_142 = tpu.memref_slice %arg16[%dma_start3A_140, %dma_start3A_141] : memref<8x128xi32, #tpu.memory_space<vmem>> -> memref<1x128xi32, #tpu.memory_space<vmem>>
    %dma_start3A_143 = tpu.memref_squeeze %dma_start3A_142 : memref<1x128xi32, #tpu.memory_space<vmem>> -> memref<128xi32, #tpu.memory_space<vmem>>
    %dma_start3A_144 = arith.constant 0 : i32
    %dma_start3A_145 = arith.constant 0 : i32
    %dma_start3A_146 = tpu.memref_slice %arg6[%dma_start3A_144, %dma_start3A_145] : memref<50000x32xf32, #tpu.memory_space<hbm>> -> memref<50000x32xf32, #tpu.memory_space<hbm>>
    tpu.enqueue_indirect_dma source(%dma_start3A_146 : memref<50000x32xf32, #tpu.memory_space<hbm>>) target(%arg18 : memref<128x32xf32, #tpu.memory_space<vmem>>) offsets(%dma_start3A_143 : memref<128xi32, #tpu.memory_space<vmem>>) semaphore(%arg28 : memref<!tpu.dma_semaphore, #tpu.memory_space<semaphore_mem>>)
    %dma_wait3A = arith.constant 0 : i32
    %dma_wait3A_147 = arith.constant 0 : i32
    %dma_wait3A_148 = tpu.memref_slice %arg15[%dma_wait3A, %dma_wait3A_147] : memref<8x128xi32, #tpu.memory_space<vmem>> -> memref<1x128xi32, #tpu.memory_space<vmem>>
    %dma_wait3A_149 = tpu.memref_squeeze %dma_wait3A_148 : memref<1x128xi32, #tpu.memory_space<vmem>> -> memref<128xi32, #tpu.memory_space<vmem>>
    %dma_wait3A_150 = arith.constant 0 : i32
    %dma_wait3A_151 = arith.constant 0 : i32
    %dma_wait3A_152 = tpu.memref_slice %arg12[%dma_wait3A_150, %dma_wait3A_151] : memref<51200x32xf32, #tpu.memory_space<hbm>> -> memref<51200x32xf32, #tpu.memory_space<hbm>>
    tpu.wait_indirect_dma semaphore(%arg27 : memref<!tpu.dma_semaphore, #tpu.memory_space<semaphore_mem>>) src(%dma_wait3A_152 : memref<51200x32xf32, #tpu.memory_space<hbm>>) dst(%arg17 : memref<128x32xf32, #tpu.memory_space<vmem>>)
    %dma_wait3A_153 = arith.constant 0 : i32
    %dma_wait3A_154 = arith.constant 0 : i32
    %dma_wait3A_155 = tpu.memref_slice %arg16[%dma_wait3A_153, %dma_wait3A_154] : memref<8x128xi32, #tpu.memory_space<vmem>> -> memref<1x128xi32, #tpu.memory_space<vmem>>
    %dma_wait3A_156 = tpu.memref_squeeze %dma_wait3A_155 : memref<1x128xi32, #tpu.memory_space<vmem>> -> memref<128xi32, #tpu.memory_space<vmem>>
    %dma_wait3A_157 = arith.constant 0 : i32
    %dma_wait3A_158 = arith.constant 0 : i32
    %dma_wait3A_159 = tpu.memref_slice %arg6[%dma_wait3A_157, %dma_wait3A_158] : memref<50000x32xf32, #tpu.memory_space<hbm>> -> memref<50000x32xf32, #tpu.memory_space<hbm>>
    tpu.wait_indirect_dma semaphore(%arg28 : memref<!tpu.dma_semaphore, #tpu.memory_space<semaphore_mem>>) src(%dma_wait3A_159 : memref<50000x32xf32, #tpu.memory_space<hbm>>) dst(%arg18 : memref<128x32xf32, #tpu.memory_space<vmem>>)
    %scan3A_160 = arith.constant 0 : i32
    %scan3A_161 = arith.constant 0 : i32
    %scan3A_162 = arith.constant 128 : i32
    %scan3A_163 = arith.addi %scan3A_161, %scan3A_162 : i32
    %scan3A_164 = arith.constant 1 : i32
    %scan3A_165 = scf.for %scan3A_467 = %scan3A_161 to %scan3A_163 step %scan3A_164 iter_args(%scan3A_468 = %scan3A_160) -> (i32)  : i32 {
      %broadcast_in_dim3A_469 = arith.constant 0.000000e+00 : f32
      %broadcast_in_dim3A_470 = vector.broadcast %broadcast_in_dim3A_469 : f32 to vector<16xf32>
      %get3A = arith.index_cast %scan3A_467 : i32 to index
      %get3A_471 = arith.constant 0 : index
      %get3A_472 = tpu.vector_load %arg17[%get3A, %get3A_471] {strides = array<i32>} : memref<128x32xf32, #tpu.memory_space<vmem>>, vector<16xf32>,
      %get3A_473 = arith.index_cast %scan3A_467 : i32 to index
      %get3A_474 = arith.constant 0 : index
      %get3A_475 = tpu.vector_load %arg18[%get3A_473, %get3A_474] {strides = array<i32>} : memref<128x32xf32, #tpu.memory_space<vmem>>, vector<16xf32>,
      %mul3A_476 = arith.mulf %get3A_472, %get3A_475 : vector<16xf32>
      %add3A_477 = arith.addf %broadcast_in_dim3A_470, %mul3A_476 : vector<16xf32>
      %get3A_478 = arith.index_cast %scan3A_467 : i32 to index
      %get3A_479 = arith.constant 16 : index
      %get3A_480 = tpu.vector_load %arg17[%get3A_478, %get3A_479] {strides = array<i32>} : memref<128x32xf32, #tpu.memory_space<vmem>>, vector<16xf32>,
      %get3A_481 = arith.index_cast %scan3A_467 : i32 to index
      %get3A_482 = arith.constant 16 : index
      %get3A_483 = tpu.vector_load %arg18[%get3A_481, %get3A_482] {strides = array<i32>} : memref<128x32xf32, #tpu.memory_space<vmem>>, vector<16xf32>,
      %mul3A_484 = arith.mulf %get3A_480, %get3A_483 : vector<16xf32>
      %add3A_485 = arith.addf %add3A_477, %mul3A_484 : vector<16xf32>
      %reduce_sum3A = arith.constant true
      %reduce_sum3A_486 = vector.broadcast %reduce_sum3A : i1 to vector<16xi1>
      %reduce_sum3A_487 = tpu.scan <sum>, %add3A_485 masked %reduce_sum3A_486 : vector<16xf32>, vector<16xi1> -> vector<16xf32>
      %reduce_sum3A_488 = vector.extract %reduce_sum3A_487[15] : f32 from vector<16xf32>
      %broadcast_in_dim3A_489 = arith.constant 0 : i32
      %broadcast_in_dim3A_490 = vector.broadcast %broadcast_in_dim3A_489 : i32 to vector<16xi32>
      %add3A_491 = vector.broadcast %scan3A_467 : i32 to vector<16xi32>
      %add3A_492 = arith.addi %broadcast_in_dim3A_490, %add3A_491 : vector<16xi32>
      %broadcast_in_dim3A_493 = arith.constant 0.000000e+00 : f32
      %broadcast_in_dim3A_494 = vector.broadcast %broadcast_in_dim3A_493 : f32 to vector<16xf32>
      %add3A_495 = vector.broadcast %reduce_sum3A_488 : f32 to vector<16xf32>
      %add3A_496 = arith.addf %broadcast_in_dim3A_494, %add3A_495 : vector<16xf32>
      tpu.vector_store_idx %arg26[%add3A_492], %add3A_496 masked %eq3A_73 : memref<128xf32, #tpu.memory_space<vmem>>[vector<16xi32>], vector<16xf32>, vector<16xi1>
      %scan3A_497 = arith.constant 0 : i32
      scf.yield %scan3A_497 : i32
    }
    %scan3A_166 = arith.constant 128 : i32
    %mul3A_167 = arith.constant 16384 : i32
    %mul3A_168 = arith.muli %arg0, %mul3A_167 : i32
    %mul3A_169 = arith.constant 1024 : i32
    %mul3A_170 = arith.muli %arg1, %mul3A_169 : i32
    %add3A = arith.addi %mul3A_168, %mul3A_170 : i32
    %add3A_171 = arith.constant 0 : i32
    %add3A_172 = arith.addi %add3A, %add3A_171 : i32
    "tpu.region"() ({
      %run_scoped3A = tpu.sem_alloc : memref<!tpu.dma_semaphore, #tpu.memory_space<semaphore_mem>>
      %dma_start3A_467 = tpu.memref_slice %arg9[%add3A_172] : memref<32768xf32, #tpu.memory_space<hbm>> -> memref<128xf32, #tpu.memory_space<hbm>>
      %dma_start3A_468 = tpu.memref_slice %arg9[%add3A_172] : memref<32768xf32, #tpu.memory_space<hbm>> -> memref<128xf32, #tpu.memory_space<hbm>>
      tpu.enqueue_dma source(%arg26 : memref<128xf32, #tpu.memory_space<vmem>>) target(%dma_start3A_468 : memref<128xf32, #tpu.memory_space<hbm>>) target_semaphore(%run_scoped3A : memref<!tpu.dma_semaphore, #tpu.memory_space<semaphore_mem>>)
      %dma_wait3A_469 = tpu.memref_slice %arg9[%add3A_172] : memref<32768xf32, #tpu.memory_space<hbm>> -> memref<128xf32, #tpu.memory_space<hbm>>
      %dma_wait3A_470 = tpu.memref_slice %arg9[%add3A_172] : memref<32768xf32, #tpu.memory_space<hbm>> -> memref<128xf32, #tpu.memory_space<hbm>>
      tpu.wait_dma2 semaphore(%run_scoped3A : memref<!tpu.dma_semaphore, #tpu.memory_space<semaphore_mem>>) src(%arg26 : memref<128xf32, #tpu.memory_space<vmem>>) dst(%dma_wait3A_470 : memref<128xf32, #tpu.memory_space<hbm>>)
      tpu.yield
    }) : () -> ()
    %dma_start3A_173 = arith.constant 1 : i32
    %dma_start3A_174 = arith.constant 0 : i32
    %dma_start3A_175 = tpu.memref_slice %arg15[%dma_start3A_173, %dma_start3A_174] : memref<8x128xi32, #tpu.memory_space<vmem>> -> memref<1x128xi32, #tpu.memory_space<vmem>>
    %dma_start3A_176 = tpu.memref_squeeze %dma_start3A_175 : memref<1x128xi32, #tpu.memory_space<vmem>> -> memref<128xi32, #tpu.memory_space<vmem>>
    %dma_start3A_177 = arith.constant 0 : i32
    %dma_start3A_178 = arith.constant 0 : i32
    %dma_start3A_179 = tpu.memref_slice %arg12[%dma_start3A_177, %dma_start3A_178] : memref<51200x32xf32, #tpu.memory_space<hbm>> -> memref<51200x32xf32, #tpu.memory_space<hbm>>
    tpu.enqueue_indirect_dma source(%dma_start3A_179 : memref<51200x32xf32, #tpu.memory_space<hbm>>) target(%arg17 : memref<128x32xf32, #tpu.memory_space<vmem>>) offsets(%dma_start3A_176 : memref<128xi32, #tpu.memory_space<vmem>>) semaphore(%arg27 : memref<!tpu.dma_semaphore, #tpu.memory_space<semaphore_mem>>)
    %dma_start3A_180 = arith.constant 1 : i32
    %dma_start3A_181 = arith.constant 0 : i32
    %dma_start3A_182 = tpu.memref_slice %arg16[%dma_start3A_180, %dma_start3A_181] : memref<8x128xi32, #tpu.memory_space<vmem>> -> memref<1x128xi32, #tpu.memory_space<vmem>>
    %dma_start3A_183 = tpu.memref_squeeze %dma_start3A_182 : memref<1x128xi32, #tpu.memory_space<vmem>> -> memref<128xi32, #tpu.memory_space<vmem>>
    %dma_start3A_184 = arith.constant 0 : i32
    %dma_start3A_185 = arith.constant 0 : i32
    %dma_start3A_186 = tpu.memref_slice %arg6[%dma_start3A_184, %dma_start3A_185] : memref<50000x32xf32, #tpu.memory_space<hbm>> -> memref<50000x32xf32, #tpu.memory_space<hbm>>
    tpu.enqueue_indirect_dma source(%dma_start3A_186 : memref<50000x32xf32, #tpu.memory_space<hbm>>) target(%arg18 : memref<128x32xf32, #tpu.memory_space<vmem>>) offsets(%dma_start3A_183 : memref<128xi32, #tpu.memory_space<vmem>>) semaphore(%arg28 : memref<!tpu.dma_semaphore, #tpu.memory_space<semaphore_mem>>)
    %dma_wait3A_187 = arith.constant 1 : i32
    %dma_wait3A_188 = arith.constant 0 : i32
    %dma_wait3A_189 = tpu.memref_slice %arg15[%dma_wait3A_187, %dma_wait3A_188] : memref<8x128xi32, #tpu.memory_space<vmem>> -> memref<1x128xi32, #tpu.memory_space<vmem>>
    %dma_wait3A_190 = tpu.memref_squeeze %dma_wait3A_189 : memref<1x128xi32, #tpu.memory_space<vmem>> -> memref<128xi32, #tpu.memory_space<vmem>>
    %dma_wait3A_191 = arith.constant 0 : i32
    %dma_wait3A_192 = arith.constant 0 : i32
    %dma_wait3A_193 = tpu.memref_slice %arg12[%dma_wait3A_191, %dma_wait3A_192] : memref<51200x32xf32, #tpu.memory_space<hbm>> -> memref<51200x32xf32, #tpu.memory_space<hbm>>
    tpu.wait_indirect_dma semaphore(%arg27 : memref<!tpu.dma_semaphore, #tpu.memory_space<semaphore_mem>>) src(%dma_wait3A_193 : memref<51200x32xf32, #tpu.memory_space<hbm>>) dst(%arg17 : memref<128x32xf32, #tpu.memory_space<vmem>>)
    %dma_wait3A_194 = arith.constant 1 : i32
    %dma_wait3A_195 = arith.constant 0 : i32
    %dma_wait3A_196 = tpu.memref_slice %arg16[%dma_wait3A_194, %dma_wait3A_195] : memref<8x128xi32, #tpu.memory_space<vmem>> -> memref<1x128xi32, #tpu.memory_space<vmem>>
    %dma_wait3A_197 = tpu.memref_squeeze %dma_wait3A_196 : memref<1x128xi32, #tpu.memory_space<vmem>> -> memref<128xi32, #tpu.memory_space<vmem>>
    %dma_wait3A_198 = arith.constant 0 : i32
    %dma_wait3A_199 = arith.constant 0 : i32
    %dma_wait3A_200 = tpu.memref_slice %arg6[%dma_wait3A_198, %dma_wait3A_199] : memref<50000x32xf32, #tpu.memory_space<hbm>> -> memref<50000x32xf32, #tpu.memory_space<hbm>>
    tpu.wait_indirect_dma semaphore(%arg28 : memref<!tpu.dma_semaphore, #tpu.memory_space<semaphore_mem>>) src(%dma_wait3A_200 : memref<50000x32xf32, #tpu.memory_space<hbm>>) dst(%arg18 : memref<128x32xf32, #tpu.memory_space<vmem>>)
    %scan3A_201 = arith.constant 0 : i32
    %scan3A_202 = arith.constant 0 : i32
    %scan3A_203 = arith.constant 128 : i32
    %scan3A_204 = arith.addi %scan3A_202, %scan3A_203 : i32
    %scan3A_205 = arith.constant 1 : i32
    %scan3A_206 = scf.for %scan3A_467 = %scan3A_202 to %scan3A_204 step %scan3A_205 iter_args(%scan3A_468 = %scan3A_201) -> (i32)  : i32 {
      %broadcast_in_dim3A_469 = arith.constant 0.000000e+00 : f32
      %broadcast_in_dim3A_470 = vector.broadcast %broadcast_in_dim3A_469 : f32 to vector<16xf32>
      %get3A = arith.index_cast %scan3A_467 : i32 to index
      %get3A_471 = arith.constant 0 : index
      %get3A_472 = tpu.vector_load %arg17[%get3A, %get3A_471] {strides = array<i32>} : memref<128x32xf32, #tpu.memory_space<vmem>>, vector<16xf32>,
      %get3A_473 = arith.index_cast %scan3A_467 : i32 to index
      %get3A_474 = arith.constant 0 : index
      %get3A_475 = tpu.vector_load %arg18[%get3A_473, %get3A_474] {strides = array<i32>} : memref<128x32xf32, #tpu.memory_space<vmem>>, vector<16xf32>,
      %mul3A_476 = arith.mulf %get3A_472, %get3A_475 : vector<16xf32>
      %add3A_477 = arith.addf %broadcast_in_dim3A_470, %mul3A_476 : vector<16xf32>
      %get3A_478 = arith.index_cast %scan3A_467 : i32 to index
      %get3A_479 = arith.constant 16 : index
      %get3A_480 = tpu.vector_load %arg17[%get3A_478, %get3A_479] {strides = array<i32>} : memref<128x32xf32, #tpu.memory_space<vmem>>, vector<16xf32>,
      %get3A_481 = arith.index_cast %scan3A_467 : i32 to index
      %get3A_482 = arith.constant 16 : index
      %get3A_483 = tpu.vector_load %arg18[%get3A_481, %get3A_482] {strides = array<i32>} : memref<128x32xf32, #tpu.memory_space<vmem>>, vector<16xf32>,
      %mul3A_484 = arith.mulf %get3A_480, %get3A_483 : vector<16xf32>
      %add3A_485 = arith.addf %add3A_477, %mul3A_484 : vector<16xf32>
      %reduce_sum3A = arith.constant true
      %reduce_sum3A_486 = vector.broadcast %reduce_sum3A : i1 to vector<16xi1>
      %reduce_sum3A_487 = tpu.scan <sum>, %add3A_485 masked %reduce_sum3A_486 : vector<16xf32>, vector<16xi1> -> vector<16xf32>
      %reduce_sum3A_488 = vector.extract %reduce_sum3A_487[15] : f32 from vector<16xf32>
      %broadcast_in_dim3A_489 = arith.constant 0 : i32
      %broadcast_in_dim3A_490 = vector.broadcast %broadcast_in_dim3A_489 : i32 to vector<16xi32>
      %add3A_491 = vector.broadcast %scan3A_467 : i32 to vector<16xi32>
      %add3A_492 = arith.addi %broadcast_in_dim3A_490, %add3A_491 : vector<16xi32>
      %broadcast_in_dim3A_493 = arith.constant 0.000000e+00 : f32
      %broadcast_in_dim3A_494 = vector.broadcast %broadcast_in_dim3A_493 : f32 to vector<16xf32>
      %add3A_495 = vector.broadcast %reduce_sum3A_488 : f32 to vector<16xf32>
      %add3A_496 = arith.addf %broadcast_in_dim3A_494, %add3A_495 : vector<16xf32>
      tpu.vector_store_idx %arg26[%add3A_492], %add3A_496 masked %eq3A_73 : memref<128xf32, #tpu.memory_space<vmem>>[vector<16xi32>], vector<16xf32>, vector<16xi1>
      %scan3A_497 = arith.constant 0 : i32
      scf.yield %scan3A_497 : i32
    }
    %scan3A_207 = arith.constant 128 : i32
    %mul3A_208 = arith.constant 16384 : i32
    %mul3A_209 = arith.muli %arg0, %mul3A_208 : i32
    %mul3A_210 = arith.constant 1024 : i32
    %mul3A_211 = arith.muli %arg1, %mul3A_210 : i32
    %add3A_212 = arith.addi %mul3A_209, %mul3A_211 : i32
    %add3A_213 = arith.constant 128 : i32
    %add3A_214 = arith.addi %add3A_212, %add3A_213 : i32
    "tpu.region"() ({
      %run_scoped3A = tpu.sem_alloc : memref<!tpu.dma_semaphore, #tpu.memory_space<semaphore_mem>>
      %dma_start3A_467 = tpu.memref_slice %arg9[%add3A_214] : memref<32768xf32, #tpu.memory_space<hbm>> -> memref<128xf32, #tpu.memory_space<hbm>>
      %dma_start3A_468 = tpu.memref_slice %arg9[%add3A_214] : memref<32768xf32, #tpu.memory_space<hbm>> -> memref<128xf32, #tpu.memory_space<hbm>>
      tpu.enqueue_dma source(%arg26 : memref<128xf32, #tpu.memory_space<vmem>>) target(%dma_start3A_468 : memref<128xf32, #tpu.memory_space<hbm>>) target_semaphore(%run_scoped3A : memref<!tpu.dma_semaphore, #tpu.memory_space<semaphore_mem>>)
      %dma_wait3A_469 = tpu.memref_slice %arg9[%add3A_214] : memref<32768xf32, #tpu.memory_space<hbm>> -> memref<128xf32, #tpu.memory_space<hbm>>
      %dma_wait3A_470 = tpu.memref_slice %arg9[%add3A_214] : memref<32768xf32, #tpu.memory_space<hbm>> -> memref<128xf32, #tpu.memory_space<hbm>>
      tpu.wait_dma2 semaphore(%run_scoped3A : memref<!tpu.dma_semaphore, #tpu.memory_space<semaphore_mem>>) src(%arg26 : memref<128xf32, #tpu.memory_space<vmem>>) dst(%dma_wait3A_470 : memref<128xf32, #tpu.memory_space<hbm>>)
      tpu.yield
    }) : () -> ()
    %dma_start3A_215 = arith.constant 2 : i32
    %dma_start3A_216 = arith.constant 0 : i32
    %dma_start3A_217 = tpu.memref_slice %arg15[%dma_start3A_215, %dma_start3A_216] : memref<8x128xi32, #tpu.memory_space<vmem>> -> memref<1x128xi32, #tpu.memory_space<vmem>>
    %dma_start3A_218 = tpu.memref_squeeze %dma_start3A_217 : memref<1x128xi32, #tpu.memory_space<vmem>> -> memref<128xi32, #tpu.memory_space<vmem>>
    %dma_start3A_219 = arith.constant 0 : i32
    %dma_start3A_220 = arith.constant 0 : i32
    %dma_start3A_221 = tpu.memref_slice %arg12[%dma_start3A_219, %dma_start3A_220] : memref<51200x32xf32, #tpu.memory_space<hbm>> -> memref<51200x32xf32, #tpu.memory_space<hbm>>
    tpu.enqueue_indirect_dma source(%dma_start3A_221 : memref<51200x32xf32, #tpu.memory_space<hbm>>) target(%arg17 : memref<128x32xf32, #tpu.memory_space<vmem>>) offsets(%dma_start3A_218 : memref<128xi32, #tpu.memory_space<vmem>>) semaphore(%arg27 : memref<!tpu.dma_semaphore, #tpu.memory_space<semaphore_mem>>)
    %dma_start3A_222 = arith.constant 2 : i32
    %dma_start3A_223 = arith.constant 0 : i32
    %dma_start3A_224 = tpu.memref_slice %arg16[%dma_start3A_222, %dma_start3A_223] : memref<8x128xi32, #tpu.memory_space<vmem>> -> memref<1x128xi32, #tpu.memory_space<vmem>>
    %dma_start3A_225 = tpu.memref_squeeze %dma_start3A_224 : memref<1x128xi32, #tpu.memory_space<vmem>> -> memref<128xi32, #tpu.memory_space<vmem>>
    %dma_start3A_226 = arith.constant 0 : i32
    %dma_start3A_227 = arith.constant 0 : i32
    %dma_start3A_228 = tpu.memref_slice %arg6[%dma_start3A_226, %dma_start3A_227] : memref<50000x32xf32, #tpu.memory_space<hbm>> -> memref<50000x32xf32, #tpu.memory_space<hbm>>
    tpu.enqueue_indirect_dma source(%dma_start3A_228 : memref<50000x32xf32, #tpu.memory_space<hbm>>) target(%arg18 : memref<128x32xf32, #tpu.memory_space<vmem>>) offsets(%dma_start3A_225 : memref<128xi32, #tpu.memory_space<vmem>>) semaphore(%arg28 : memref<!tpu.dma_semaphore, #tpu.memory_space<semaphore_mem>>)
    %dma_wait3A_229 = arith.constant 2 : i32
    %dma_wait3A_230 = arith.constant 0 : i32
    %dma_wait3A_231 = tpu.memref_slice %arg15[%dma_wait3A_229, %dma_wait3A_230] : memref<8x128xi32, #tpu.memory_space<vmem>> -> memref<1x128xi32, #tpu.memory_space<vmem>>
    %dma_wait3A_232 = tpu.memref_squeeze %dma_wait3A_231 : memref<1x128xi32, #tpu.memory_space<vmem>> -> memref<128xi32, #tpu.memory_space<vmem>>
    %dma_wait3A_233 = arith.constant 0 : i32
    %dma_wait3A_234 = arith.constant 0 : i32
    %dma_wait3A_235 = tpu.memref_slice %arg12[%dma_wait3A_233, %dma_wait3A_234] : memref<51200x32xf32, #tpu.memory_space<hbm>> -> memref<51200x32xf32, #tpu.memory_space<hbm>>
    tpu.wait_indirect_dma semaphore(%arg27 : memref<!tpu.dma_semaphore, #tpu.memory_space<semaphore_mem>>) src(%dma_wait3A_235 : memref<51200x32xf32, #tpu.memory_space<hbm>>) dst(%arg17 : memref<128x32xf32, #tpu.memory_space<vmem>>)
    %dma_wait3A_236 = arith.constant 2 : i32
    %dma_wait3A_237 = arith.constant 0 : i32
    %dma_wait3A_238 = tpu.memref_slice %arg16[%dma_wait3A_236, %dma_wait3A_237] : memref<8x128xi32, #tpu.memory_space<vmem>> -> memref<1x128xi32, #tpu.memory_space<vmem>>
    %dma_wait3A_239 = tpu.memref_squeeze %dma_wait3A_238 : memref<1x128xi32, #tpu.memory_space<vmem>> -> memref<128xi32, #tpu.memory_space<vmem>>
    %dma_wait3A_240 = arith.constant 0 : i32
    %dma_wait3A_241 = arith.constant 0 : i32
    %dma_wait3A_242 = tpu.memref_slice %arg6[%dma_wait3A_240, %dma_wait3A_241] : memref<50000x32xf32, #tpu.memory_space<hbm>> -> memref<50000x32xf32, #tpu.memory_space<hbm>>
    tpu.wait_indirect_dma semaphore(%arg28 : memref<!tpu.dma_semaphore, #tpu.memory_space<semaphore_mem>>) src(%dma_wait3A_242 : memref<50000x32xf32, #tpu.memory_space<hbm>>) dst(%arg18 : memref<128x32xf32, #tpu.memory_space<vmem>>)
    %scan3A_243 = arith.constant 0 : i32
    %scan3A_244 = arith.constant 0 : i32
    %scan3A_245 = arith.constant 128 : i32
    %scan3A_246 = arith.addi %scan3A_244, %scan3A_245 : i32
    %scan3A_247 = arith.constant 1 : i32
    %scan3A_248 = scf.for %scan3A_467 = %scan3A_244 to %scan3A_246 step %scan3A_247 iter_args(%scan3A_468 = %scan3A_243) -> (i32)  : i32 {
      %broadcast_in_dim3A_469 = arith.constant 0.000000e+00 : f32
      %broadcast_in_dim3A_470 = vector.broadcast %broadcast_in_dim3A_469 : f32 to vector<16xf32>
      %get3A = arith.index_cast %scan3A_467 : i32 to index
      %get3A_471 = arith.constant 0 : index
      %get3A_472 = tpu.vector_load %arg17[%get3A, %get3A_471] {strides = array<i32>} : memref<128x32xf32, #tpu.memory_space<vmem>>, vector<16xf32>,
      %get3A_473 = arith.index_cast %scan3A_467 : i32 to index
      %get3A_474 = arith.constant 0 : index
      %get3A_475 = tpu.vector_load %arg18[%get3A_473, %get3A_474] {strides = array<i32>} : memref<128x32xf32, #tpu.memory_space<vmem>>, vector<16xf32>,
      %mul3A_476 = arith.mulf %get3A_472, %get3A_475 : vector<16xf32>
      %add3A_477 = arith.addf %broadcast_in_dim3A_470, %mul3A_476 : vector<16xf32>
      %get3A_478 = arith.index_cast %scan3A_467 : i32 to index
      %get3A_479 = arith.constant 16 : index
      %get3A_480 = tpu.vector_load %arg17[%get3A_478, %get3A_479] {strides = array<i32>} : memref<128x32xf32, #tpu.memory_space<vmem>>, vector<16xf32>,
      %get3A_481 = arith.index_cast %scan3A_467 : i32 to index
      %get3A_482 = arith.constant 16 : index
      %get3A_483 = tpu.vector_load %arg18[%get3A_481, %get3A_482] {strides = array<i32>} : memref<128x32xf32, #tpu.memory_space<vmem>>, vector<16xf32>,
      %mul3A_484 = arith.mulf %get3A_480, %get3A_483 : vector<16xf32>
      %add3A_485 = arith.addf %add3A_477, %mul3A_484 : vector<16xf32>
      %reduce_sum3A = arith.constant true
      %reduce_sum3A_486 = vector.broadcast %reduce_sum3A : i1 to vector<16xi1>
      %reduce_sum3A_487 = tpu.scan <sum>, %add3A_485 masked %reduce_sum3A_486 : vector<16xf32>, vector<16xi1> -> vector<16xf32>
      %reduce_sum3A_488 = vector.extract %reduce_sum3A_487[15] : f32 from vector<16xf32>
      %broadcast_in_dim3A_489 = arith.constant 0 : i32
      %broadcast_in_dim3A_490 = vector.broadcast %broadcast_in_dim3A_489 : i32 to vector<16xi32>
      %add3A_491 = vector.broadcast %scan3A_467 : i32 to vector<16xi32>
      %add3A_492 = arith.addi %broadcast_in_dim3A_490, %add3A_491 : vector<16xi32>
      %broadcast_in_dim3A_493 = arith.constant 0.000000e+00 : f32
      %broadcast_in_dim3A_494 = vector.broadcast %broadcast_in_dim3A_493 : f32 to vector<16xf32>
      %add3A_495 = vector.broadcast %reduce_sum3A_488 : f32 to vector<16xf32>
      %add3A_496 = arith.addf %broadcast_in_dim3A_494, %add3A_495 : vector<16xf32>
      tpu.vector_store_idx %arg26[%add3A_492], %add3A_496 masked %eq3A_73 : memref<128xf32, #tpu.memory_space<vmem>>[vector<16xi32>], vector<16xf32>, vector<16xi1>
      %scan3A_497 = arith.constant 0 : i32
      scf.yield %scan3A_497 : i32
    }
    %scan3A_249 = arith.constant 128 : i32
    %mul3A_250 = arith.constant 16384 : i32
    %mul3A_251 = arith.muli %arg0, %mul3A_250 : i32
    %mul3A_252 = arith.constant 1024 : i32
    %mul3A_253 = arith.muli %arg1, %mul3A_252 : i32
    %add3A_254 = arith.addi %mul3A_251, %mul3A_253 : i32
    %add3A_255 = arith.constant 256 : i32
    %add3A_256 = arith.addi %add3A_254, %add3A_255 : i32
    "tpu.region"() ({
      %run_scoped3A = tpu.sem_alloc : memref<!tpu.dma_semaphore, #tpu.memory_space<semaphore_mem>>
      %dma_start3A_467 = tpu.memref_slice %arg9[%add3A_256] : memref<32768xf32, #tpu.memory_space<hbm>> -> memref<128xf32, #tpu.memory_space<hbm>>
      %dma_start3A_468 = tpu.memref_slice %arg9[%add3A_256] : memref<32768xf32, #tpu.memory_space<hbm>> -> memref<128xf32, #tpu.memory_space<hbm>>
      tpu.enqueue_dma source(%arg26 : memref<128xf32, #tpu.memory_space<vmem>>) target(%dma_start3A_468 : memref<128xf32, #tpu.memory_space<hbm>>) target_semaphore(%run_scoped3A : memref<!tpu.dma_semaphore, #tpu.memory_space<semaphore_mem>>)
      %dma_wait3A_469 = tpu.memref_slice %arg9[%add3A_256] : memref<32768xf32, #tpu.memory_space<hbm>> -> memref<128xf32, #tpu.memory_space<hbm>>
      %dma_wait3A_470 = tpu.memref_slice %arg9[%add3A_256] : memref<32768xf32, #tpu.memory_space<hbm>> -> memref<128xf32, #tpu.memory_space<hbm>>
      tpu.wait_dma2 semaphore(%run_scoped3A : memref<!tpu.dma_semaphore, #tpu.memory_space<semaphore_mem>>) src(%arg26 : memref<128xf32, #tpu.memory_space<vmem>>) dst(%dma_wait3A_470 : memref<128xf32, #tpu.memory_space<hbm>>)
      tpu.yield
    }) : () -> ()
    %dma_start3A_257 = arith.constant 3 : i32
    %dma_start3A_258 = arith.constant 0 : i32
    %dma_start3A_259 = tpu.memref_slice %arg15[%dma_start3A_257, %dma_start3A_258] : memref<8x128xi32, #tpu.memory_space<vmem>> -> memref<1x128xi32, #tpu.memory_space<vmem>>
    %dma_start3A_260 = tpu.memref_squeeze %dma_start3A_259 : memref<1x128xi32, #tpu.memory_space<vmem>> -> memref<128xi32, #tpu.memory_space<vmem>>
    %dma_start3A_261 = arith.constant 0 : i32
    %dma_start3A_262 = arith.constant 0 : i32
    %dma_start3A_263 = tpu.memref_slice %arg12[%dma_start3A_261, %dma_start3A_262] : memref<51200x32xf32, #tpu.memory_space<hbm>> -> memref<51200x32xf32, #tpu.memory_space<hbm>>
    tpu.enqueue_indirect_dma source(%dma_start3A_263 : memref<51200x32xf32, #tpu.memory_space<hbm>>) target(%arg17 : memref<128x32xf32, #tpu.memory_space<vmem>>) offsets(%dma_start3A_260 : memref<128xi32, #tpu.memory_space<vmem>>) semaphore(%arg27 : memref<!tpu.dma_semaphore, #tpu.memory_space<semaphore_mem>>)
    %dma_start3A_264 = arith.constant 3 : i32
    %dma_start3A_265 = arith.constant 0 : i32
    %dma_start3A_266 = tpu.memref_slice %arg16[%dma_start3A_264, %dma_start3A_265] : memref<8x128xi32, #tpu.memory_space<vmem>> -> memref<1x128xi32, #tpu.memory_space<vmem>>
    %dma_start3A_267 = tpu.memref_squeeze %dma_start3A_266 : memref<1x128xi32, #tpu.memory_space<vmem>> -> memref<128xi32, #tpu.memory_space<vmem>>
    %dma_start3A_268 = arith.constant 0 : i32
    %dma_start3A_269 = arith.constant 0 : i32
    %dma_start3A_270 = tpu.memref_slice %arg6[%dma_start3A_268, %dma_start3A_269] : memref<50000x32xf32, #tpu.memory_space<hbm>> -> memref<50000x32xf32, #tpu.memory_space<hbm>>
    tpu.enqueue_indirect_dma source(%dma_start3A_270 : memref<50000x32xf32, #tpu.memory_space<hbm>>) target(%arg18 : memref<128x32xf32, #tpu.memory_space<vmem>>) offsets(%dma_start3A_267 : memref<128xi32, #tpu.memory_space<vmem>>) semaphore(%arg28 : memref<!tpu.dma_semaphore, #tpu.memory_space<semaphore_mem>>)
    %dma_wait3A_271 = arith.constant 3 : i32
    %dma_wait3A_272 = arith.constant 0 : i32
    %dma_wait3A_273 = tpu.memref_slice %arg15[%dma_wait3A_271, %dma_wait3A_272] : memref<8x128xi32, #tpu.memory_space<vmem>> -> memref<1x128xi32, #tpu.memory_space<vmem>>
    %dma_wait3A_274 = tpu.memref_squeeze %dma_wait3A_273 : memref<1x128xi32, #tpu.memory_space<vmem>> -> memref<128xi32, #tpu.memory_space<vmem>>
    %dma_wait3A_275 = arith.constant 0 : i32
    %dma_wait3A_276 = arith.constant 0 : i32
    %dma_wait3A_277 = tpu.memref_slice %arg12[%dma_wait3A_275, %dma_wait3A_276] : memref<51200x32xf32, #tpu.memory_space<hbm>> -> memref<51200x32xf32, #tpu.memory_space<hbm>>
    tpu.wait_indirect_dma semaphore(%arg27 : memref<!tpu.dma_semaphore, #tpu.memory_space<semaphore_mem>>) src(%dma_wait3A_277 : memref<51200x32xf32, #tpu.memory_space<hbm>>) dst(%arg17 : memref<128x32xf32, #tpu.memory_space<vmem>>)
    %dma_wait3A_278 = arith.constant 3 : i32
    %dma_wait3A_279 = arith.constant 0 : i32
    %dma_wait3A_280 = tpu.memref_slice %arg16[%dma_wait3A_278, %dma_wait3A_279] : memref<8x128xi32, #tpu.memory_space<vmem>> -> memref<1x128xi32, #tpu.memory_space<vmem>>
    %dma_wait3A_281 = tpu.memref_squeeze %dma_wait3A_280 : memref<1x128xi32, #tpu.memory_space<vmem>> -> memref<128xi32, #tpu.memory_space<vmem>>
    %dma_wait3A_282 = arith.constant 0 : i32
    %dma_wait3A_283 = arith.constant 0 : i32
    %dma_wait3A_284 = tpu.memref_slice %arg6[%dma_wait3A_282, %dma_wait3A_283] : memref<50000x32xf32, #tpu.memory_space<hbm>> -> memref<50000x32xf32, #tpu.memory_space<hbm>>
    tpu.wait_indirect_dma semaphore(%arg28 : memref<!tpu.dma_semaphore, #tpu.memory_space<semaphore_mem>>) src(%dma_wait3A_284 : memref<50000x32xf32, #tpu.memory_space<hbm>>) dst(%arg18 : memref<128x32xf32, #tpu.memory_space<vmem>>)
    %scan3A_285 = arith.constant 0 : i32
    %scan3A_286 = arith.constant 0 : i32
    %scan3A_287 = arith.constant 128 : i32
    %scan3A_288 = arith.addi %scan3A_286, %scan3A_287 : i32
    %scan3A_289 = arith.constant 1 : i32
    %scan3A_290 = scf.for %scan3A_467 = %scan3A_286 to %scan3A_288 step %scan3A_289 iter_args(%scan3A_468 = %scan3A_285) -> (i32)  : i32 {
      %broadcast_in_dim3A_469 = arith.constant 0.000000e+00 : f32
      %broadcast_in_dim3A_470 = vector.broadcast %broadcast_in_dim3A_469 : f32 to vector<16xf32>
      %get3A = arith.index_cast %scan3A_467 : i32 to index
      %get3A_471 = arith.constant 0 : index
      %get3A_472 = tpu.vector_load %arg17[%get3A, %get3A_471] {strides = array<i32>} : memref<128x32xf32, #tpu.memory_space<vmem>>, vector<16xf32>,
      %get3A_473 = arith.index_cast %scan3A_467 : i32 to index
      %get3A_474 = arith.constant 0 : index
      %get3A_475 = tpu.vector_load %arg18[%get3A_473, %get3A_474] {strides = array<i32>} : memref<128x32xf32, #tpu.memory_space<vmem>>, vector<16xf32>,
      %mul3A_476 = arith.mulf %get3A_472, %get3A_475 : vector<16xf32>
      %add3A_477 = arith.addf %broadcast_in_dim3A_470, %mul3A_476 : vector<16xf32>
      %get3A_478 = arith.index_cast %scan3A_467 : i32 to index
      %get3A_479 = arith.constant 16 : index
      %get3A_480 = tpu.vector_load %arg17[%get3A_478, %get3A_479] {strides = array<i32>} : memref<128x32xf32, #tpu.memory_space<vmem>>, vector<16xf32>,
      %get3A_481 = arith.index_cast %scan3A_467 : i32 to index
      %get3A_482 = arith.constant 16 : index
      %get3A_483 = tpu.vector_load %arg18[%get3A_481, %get3A_482] {strides = array<i32>} : memref<128x32xf32, #tpu.memory_space<vmem>>, vector<16xf32>,
      %mul3A_484 = arith.mulf %get3A_480, %get3A_483 : vector<16xf32>
      %add3A_485 = arith.addf %add3A_477, %mul3A_484 : vector<16xf32>
      %reduce_sum3A = arith.constant true
      %reduce_sum3A_486 = vector.broadcast %reduce_sum3A : i1 to vector<16xi1>
      %reduce_sum3A_487 = tpu.scan <sum>, %add3A_485 masked %reduce_sum3A_486 : vector<16xf32>, vector<16xi1> -> vector<16xf32>
      %reduce_sum3A_488 = vector.extract %reduce_sum3A_487[15] : f32 from vector<16xf32>
      %broadcast_in_dim3A_489 = arith.constant 0 : i32
      %broadcast_in_dim3A_490 = vector.broadcast %broadcast_in_dim3A_489 : i32 to vector<16xi32>
      %add3A_491 = vector.broadcast %scan3A_467 : i32 to vector<16xi32>
      %add3A_492 = arith.addi %broadcast_in_dim3A_490, %add3A_491 : vector<16xi32>
      %broadcast_in_dim3A_493 = arith.constant 0.000000e+00 : f32
      %broadcast_in_dim3A_494 = vector.broadcast %broadcast_in_dim3A_493 : f32 to vector<16xf32>
      %add3A_495 = vector.broadcast %reduce_sum3A_488 : f32 to vector<16xf32>
      %add3A_496 = arith.addf %broadcast_in_dim3A_494, %add3A_495 : vector<16xf32>
      tpu.vector_store_idx %arg26[%add3A_492], %add3A_496 masked %eq3A_73 : memref<128xf32, #tpu.memory_space<vmem>>[vector<16xi32>], vector<16xf32>, vector<16xi1>
      %scan3A_497 = arith.constant 0 : i32
      scf.yield %scan3A_497 : i32
    }
    %scan3A_291 = arith.constant 128 : i32
    %mul3A_292 = arith.constant 16384 : i32
    %mul3A_293 = arith.muli %arg0, %mul3A_292 : i32
    %mul3A_294 = arith.constant 1024 : i32
    %mul3A_295 = arith.muli %arg1, %mul3A_294 : i32
    %add3A_296 = arith.addi %mul3A_293, %mul3A_295 : i32
    %add3A_297 = arith.constant 384 : i32
    %add3A_298 = arith.addi %add3A_296, %add3A_297 : i32
    "tpu.region"() ({
      %run_scoped3A = tpu.sem_alloc : memref<!tpu.dma_semaphore, #tpu.memory_space<semaphore_mem>>
      %dma_start3A_467 = tpu.memref_slice %arg9[%add3A_298] : memref<32768xf32, #tpu.memory_space<hbm>> -> memref<128xf32, #tpu.memory_space<hbm>>
      %dma_start3A_468 = tpu.memref_slice %arg9[%add3A_298] : memref<32768xf32, #tpu.memory_space<hbm>> -> memref<128xf32, #tpu.memory_space<hbm>>
      tpu.enqueue_dma source(%arg26 : memref<128xf32, #tpu.memory_space<vmem>>) target(%dma_start3A_468 : memref<128xf32, #tpu.memory_space<hbm>>) target_semaphore(%run_scoped3A : memref<!tpu.dma_semaphore, #tpu.memory_space<semaphore_mem>>)
      %dma_wait3A_469 = tpu.memref_slice %arg9[%add3A_298] : memref<32768xf32, #tpu.memory_space<hbm>> -> memref<128xf32, #tpu.memory_space<hbm>>
      %dma_wait3A_470 = tpu.memref_slice %arg9[%add3A_298] : memref<32768xf32, #tpu.memory_space<hbm>> -> memref<128xf32, #tpu.memory_space<hbm>>
      tpu.wait_dma2 semaphore(%run_scoped3A : memref<!tpu.dma_semaphore, #tpu.memory_space<semaphore_mem>>) src(%arg26 : memref<128xf32, #tpu.memory_space<vmem>>) dst(%dma_wait3A_470 : memref<128xf32, #tpu.memory_space<hbm>>)
      tpu.yield
    }) : () -> ()
    %dma_start3A_299 = arith.constant 4 : i32
    %dma_start3A_300 = arith.constant 0 : i32
    %dma_start3A_301 = tpu.memref_slice %arg15[%dma_start3A_299, %dma_start3A_300] : memref<8x128xi32, #tpu.memory_space<vmem>> -> memref<1x128xi32, #tpu.memory_space<vmem>>
    %dma_start3A_302 = tpu.memref_squeeze %dma_start3A_301 : memref<1x128xi32, #tpu.memory_space<vmem>> -> memref<128xi32, #tpu.memory_space<vmem>>
    %dma_start3A_303 = arith.constant 0 : i32
    %dma_start3A_304 = arith.constant 0 : i32
    %dma_start3A_305 = tpu.memref_slice %arg12[%dma_start3A_303, %dma_start3A_304] : memref<51200x32xf32, #tpu.memory_space<hbm>> -> memref<51200x32xf32, #tpu.memory_space<hbm>>
    tpu.enqueue_indirect_dma source(%dma_start3A_305 : memref<51200x32xf32, #tpu.memory_space<hbm>>) target(%arg17 : memref<128x32xf32, #tpu.memory_space<vmem>>) offsets(%dma_start3A_302 : memref<128xi32, #tpu.memory_space<vmem>>) semaphore(%arg27 : memref<!tpu.dma_semaphore, #tpu.memory_space<semaphore_mem>>)
    %dma_start3A_306 = arith.constant 4 : i32
    %dma_start3A_307 = arith.constant 0 : i32
    %dma_start3A_308 = tpu.memref_slice %arg16[%dma_start3A_306, %dma_start3A_307] : memref<8x128xi32, #tpu.memory_space<vmem>> -> memref<1x128xi32, #tpu.memory_space<vmem>>
    %dma_start3A_309 = tpu.memref_squeeze %dma_start3A_308 : memref<1x128xi32, #tpu.memory_space<vmem>> -> memref<128xi32, #tpu.memory_space<vmem>>
    %dma_start3A_310 = arith.constant 0 : i32
    %dma_start3A_311 = arith.constant 0 : i32
    %dma_start3A_312 = tpu.memref_slice %arg6[%dma_start3A_310, %dma_start3A_311] : memref<50000x32xf32, #tpu.memory_space<hbm>> -> memref<50000x32xf32, #tpu.memory_space<hbm>>
    tpu.enqueue_indirect_dma source(%dma_start3A_312 : memref<50000x32xf32, #tpu.memory_space<hbm>>) target(%arg18 : memref<128x32xf32, #tpu.memory_space<vmem>>) offsets(%dma_start3A_309 : memref<128xi32, #tpu.memory_space<vmem>>) semaphore(%arg28 : memref<!tpu.dma_semaphore, #tpu.memory_space<semaphore_mem>>)
    %dma_wait3A_313 = arith.constant 4 : i32
    %dma_wait3A_314 = arith.constant 0 : i32
    %dma_wait3A_315 = tpu.memref_slice %arg15[%dma_wait3A_313, %dma_wait3A_314] : memref<8x128xi32, #tpu.memory_space<vmem>> -> memref<1x128xi32, #tpu.memory_space<vmem>>
    %dma_wait3A_316 = tpu.memref_squeeze %dma_wait3A_315 : memref<1x128xi32, #tpu.memory_space<vmem>> -> memref<128xi32, #tpu.memory_space<vmem>>
    %dma_wait3A_317 = arith.constant 0 : i32
    %dma_wait3A_318 = arith.constant 0 : i32
    %dma_wait3A_319 = tpu.memref_slice %arg12[%dma_wait3A_317, %dma_wait3A_318] : memref<51200x32xf32, #tpu.memory_space<hbm>> -> memref<51200x32xf32, #tpu.memory_space<hbm>>
    tpu.wait_indirect_dma semaphore(%arg27 : memref<!tpu.dma_semaphore, #tpu.memory_space<semaphore_mem>>) src(%dma_wait3A_319 : memref<51200x32xf32, #tpu.memory_space<hbm>>) dst(%arg17 : memref<128x32xf32, #tpu.memory_space<vmem>>)
    %dma_wait3A_320 = arith.constant 4 : i32
    %dma_wait3A_321 = arith.constant 0 : i32
    %dma_wait3A_322 = tpu.memref_slice %arg16[%dma_wait3A_320, %dma_wait3A_321] : memref<8x128xi32, #tpu.memory_space<vmem>> -> memref<1x128xi32, #tpu.memory_space<vmem>>
    %dma_wait3A_323 = tpu.memref_squeeze %dma_wait3A_322 : memref<1x128xi32, #tpu.memory_space<vmem>> -> memref<128xi32, #tpu.memory_space<vmem>>
    %dma_wait3A_324 = arith.constant 0 : i32
    %dma_wait3A_325 = arith.constant 0 : i32
    %dma_wait3A_326 = tpu.memref_slice %arg6[%dma_wait3A_324, %dma_wait3A_325] : memref<50000x32xf32, #tpu.memory_space<hbm>> -> memref<50000x32xf32, #tpu.memory_space<hbm>>
    tpu.wait_indirect_dma semaphore(%arg28 : memref<!tpu.dma_semaphore, #tpu.memory_space<semaphore_mem>>) src(%dma_wait3A_326 : memref<50000x32xf32, #tpu.memory_space<hbm>>) dst(%arg18 : memref<128x32xf32, #tpu.memory_space<vmem>>)
    %scan3A_327 = arith.constant 0 : i32
    %scan3A_328 = arith.constant 0 : i32
    %scan3A_329 = arith.constant 128 : i32
    %scan3A_330 = arith.addi %scan3A_328, %scan3A_329 : i32
    %scan3A_331 = arith.constant 1 : i32
    %scan3A_332 = scf.for %scan3A_467 = %scan3A_328 to %scan3A_330 step %scan3A_331 iter_args(%scan3A_468 = %scan3A_327) -> (i32)  : i32 {
      %broadcast_in_dim3A_469 = arith.constant 0.000000e+00 : f32
      %broadcast_in_dim3A_470 = vector.broadcast %broadcast_in_dim3A_469 : f32 to vector<16xf32>
      %get3A = arith.index_cast %scan3A_467 : i32 to index
      %get3A_471 = arith.constant 0 : index
      %get3A_472 = tpu.vector_load %arg17[%get3A, %get3A_471] {strides = array<i32>} : memref<128x32xf32, #tpu.memory_space<vmem>>, vector<16xf32>,
      %get3A_473 = arith.index_cast %scan3A_467 : i32 to index
      %get3A_474 = arith.constant 0 : index
      %get3A_475 = tpu.vector_load %arg18[%get3A_473, %get3A_474] {strides = array<i32>} : memref<128x32xf32, #tpu.memory_space<vmem>>, vector<16xf32>,
      %mul3A_476 = arith.mulf %get3A_472, %get3A_475 : vector<16xf32>
      %add3A_477 = arith.addf %broadcast_in_dim3A_470, %mul3A_476 : vector<16xf32>
      %get3A_478 = arith.index_cast %scan3A_467 : i32 to index
      %get3A_479 = arith.constant 16 : index
      %get3A_480 = tpu.vector_load %arg17[%get3A_478, %get3A_479] {strides = array<i32>} : memref<128x32xf32, #tpu.memory_space<vmem>>, vector<16xf32>,
      %get3A_481 = arith.index_cast %scan3A_467 : i32 to index
      %get3A_482 = arith.constant 16 : index
      %get3A_483 = tpu.vector_load %arg18[%get3A_481, %get3A_482] {strides = array<i32>} : memref<128x32xf32, #tpu.memory_space<vmem>>, vector<16xf32>,
      %mul3A_484 = arith.mulf %get3A_480, %get3A_483 : vector<16xf32>
      %add3A_485 = arith.addf %add3A_477, %mul3A_484 : vector<16xf32>
      %reduce_sum3A = arith.constant true
      %reduce_sum3A_486 = vector.broadcast %reduce_sum3A : i1 to vector<16xi1>
      %reduce_sum3A_487 = tpu.scan <sum>, %add3A_485 masked %reduce_sum3A_486 : vector<16xf32>, vector<16xi1> -> vector<16xf32>
      %reduce_sum3A_488 = vector.extract %reduce_sum3A_487[15] : f32 from vector<16xf32>
      %broadcast_in_dim3A_489 = arith.constant 0 : i32
      %broadcast_in_dim3A_490 = vector.broadcast %broadcast_in_dim3A_489 : i32 to vector<16xi32>
      %add3A_491 = vector.broadcast %scan3A_467 : i32 to vector<16xi32>
      %add3A_492 = arith.addi %broadcast_in_dim3A_490, %add3A_491 : vector<16xi32>
      %broadcast_in_dim3A_493 = arith.constant 0.000000e+00 : f32
      %broadcast_in_dim3A_494 = vector.broadcast %broadcast_in_dim3A_493 : f32 to vector<16xf32>
      %add3A_495 = vector.broadcast %reduce_sum3A_488 : f32 to vector<16xf32>
      %add3A_496 = arith.addf %broadcast_in_dim3A_494, %add3A_495 : vector<16xf32>
      tpu.vector_store_idx %arg26[%add3A_492], %add3A_496 masked %eq3A_73 : memref<128xf32, #tpu.memory_space<vmem>>[vector<16xi32>], vector<16xf32>, vector<16xi1>
      %scan3A_497 = arith.constant 0 : i32
      scf.yield %scan3A_497 : i32
    }
    %scan3A_333 = arith.constant 128 : i32
    %mul3A_334 = arith.constant 16384 : i32
    %mul3A_335 = arith.muli %arg0, %mul3A_334 : i32
    %mul3A_336 = arith.constant 1024 : i32
    %mul3A_337 = arith.muli %arg1, %mul3A_336 : i32
    %add3A_338 = arith.addi %mul3A_335, %mul3A_337 : i32
    %add3A_339 = arith.constant 512 : i32
    %add3A_340 = arith.addi %add3A_338, %add3A_339 : i32
    "tpu.region"() ({
      %run_scoped3A = tpu.sem_alloc : memref<!tpu.dma_semaphore, #tpu.memory_space<semaphore_mem>>
      %dma_start3A_467 = tpu.memref_slice %arg9[%add3A_340] : memref<32768xf32, #tpu.memory_space<hbm>> -> memref<128xf32, #tpu.memory_space<hbm>>
      %dma_start3A_468 = tpu.memref_slice %arg9[%add3A_340] : memref<32768xf32, #tpu.memory_space<hbm>> -> memref<128xf32, #tpu.memory_space<hbm>>
      tpu.enqueue_dma source(%arg26 : memref<128xf32, #tpu.memory_space<vmem>>) target(%dma_start3A_468 : memref<128xf32, #tpu.memory_space<hbm>>) target_semaphore(%run_scoped3A : memref<!tpu.dma_semaphore, #tpu.memory_space<semaphore_mem>>)
      %dma_wait3A_469 = tpu.memref_slice %arg9[%add3A_340] : memref<32768xf32, #tpu.memory_space<hbm>> -> memref<128xf32, #tpu.memory_space<hbm>>
      %dma_wait3A_470 = tpu.memref_slice %arg9[%add3A_340] : memref<32768xf32, #tpu.memory_space<hbm>> -> memref<128xf32, #tpu.memory_space<hbm>>
      tpu.wait_dma2 semaphore(%run_scoped3A : memref<!tpu.dma_semaphore, #tpu.memory_space<semaphore_mem>>) src(%arg26 : memref<128xf32, #tpu.memory_space<vmem>>) dst(%dma_wait3A_470 : memref<128xf32, #tpu.memory_space<hbm>>)
      tpu.yield
    }) : () -> ()
    %dma_start3A_341 = arith.constant 5 : i32
    %dma_start3A_342 = arith.constant 0 : i32
    %dma_start3A_343 = tpu.memref_slice %arg15[%dma_start3A_341, %dma_start3A_342] : memref<8x128xi32, #tpu.memory_space<vmem>> -> memref<1x128xi32, #tpu.memory_space<vmem>>
    %dma_start3A_344 = tpu.memref_squeeze %dma_start3A_343 : memref<1x128xi32, #tpu.memory_space<vmem>> -> memref<128xi32, #tpu.memory_space<vmem>>
    %dma_start3A_345 = arith.constant 0 : i32
    %dma_start3A_346 = arith.constant 0 : i32
    %dma_start3A_347 = tpu.memref_slice %arg12[%dma_start3A_345, %dma_start3A_346] : memref<51200x32xf32, #tpu.memory_space<hbm>> -> memref<51200x32xf32, #tpu.memory_space<hbm>>
    tpu.enqueue_indirect_dma source(%dma_start3A_347 : memref<51200x32xf32, #tpu.memory_space<hbm>>) target(%arg17 : memref<128x32xf32, #tpu.memory_space<vmem>>) offsets(%dma_start3A_344 : memref<128xi32, #tpu.memory_space<vmem>>) semaphore(%arg27 : memref<!tpu.dma_semaphore, #tpu.memory_space<semaphore_mem>>)
    %dma_start3A_348 = arith.constant 5 : i32
    %dma_start3A_349 = arith.constant 0 : i32
    %dma_start3A_350 = tpu.memref_slice %arg16[%dma_start3A_348, %dma_start3A_349] : memref<8x128xi32, #tpu.memory_space<vmem>> -> memref<1x128xi32, #tpu.memory_space<vmem>>
    %dma_start3A_351 = tpu.memref_squeeze %dma_start3A_350 : memref<1x128xi32, #tpu.memory_space<vmem>> -> memref<128xi32, #tpu.memory_space<vmem>>
    %dma_start3A_352 = arith.constant 0 : i32
    %dma_start3A_353 = arith.constant 0 : i32
    %dma_start3A_354 = tpu.memref_slice %arg6[%dma_start3A_352, %dma_start3A_353] : memref<50000x32xf32, #tpu.memory_space<hbm>> -> memref<50000x32xf32, #tpu.memory_space<hbm>>
    tpu.enqueue_indirect_dma source(%dma_start3A_354 : memref<50000x32xf32, #tpu.memory_space<hbm>>) target(%arg18 : memref<128x32xf32, #tpu.memory_space<vmem>>) offsets(%dma_start3A_351 : memref<128xi32, #tpu.memory_space<vmem>>) semaphore(%arg28 : memref<!tpu.dma_semaphore, #tpu.memory_space<semaphore_mem>>)
    %dma_wait3A_355 = arith.constant 5 : i32
    %dma_wait3A_356 = arith.constant 0 : i32
    %dma_wait3A_357 = tpu.memref_slice %arg15[%dma_wait3A_355, %dma_wait3A_356] : memref<8x128xi32, #tpu.memory_space<vmem>> -> memref<1x128xi32, #tpu.memory_space<vmem>>
    %dma_wait3A_358 = tpu.memref_squeeze %dma_wait3A_357 : memref<1x128xi32, #tpu.memory_space<vmem>> -> memref<128xi32, #tpu.memory_space<vmem>>
    %dma_wait3A_359 = arith.constant 0 : i32
    %dma_wait3A_360 = arith.constant 0 : i32
    %dma_wait3A_361 = tpu.memref_slice %arg12[%dma_wait3A_359, %dma_wait3A_360] : memref<51200x32xf32, #tpu.memory_space<hbm>> -> memref<51200x32xf32, #tpu.memory_space<hbm>>
    tpu.wait_indirect_dma semaphore(%arg27 : memref<!tpu.dma_semaphore, #tpu.memory_space<semaphore_mem>>) src(%dma_wait3A_361 : memref<51200x32xf32, #tpu.memory_space<hbm>>) dst(%arg17 : memref<128x32xf32, #tpu.memory_space<vmem>>)
    %dma_wait3A_362 = arith.constant 5 : i32
    %dma_wait3A_363 = arith.constant 0 : i32
    %dma_wait3A_364 = tpu.memref_slice %arg16[%dma_wait3A_362, %dma_wait3A_363] : memref<8x128xi32, #tpu.memory_space<vmem>> -> memref<1x128xi32, #tpu.memory_space<vmem>>
    %dma_wait3A_365 = tpu.memref_squeeze %dma_wait3A_364 : memref<1x128xi32, #tpu.memory_space<vmem>> -> memref<128xi32, #tpu.memory_space<vmem>>
    %dma_wait3A_366 = arith.constant 0 : i32
    %dma_wait3A_367 = arith.constant 0 : i32
    %dma_wait3A_368 = tpu.memref_slice %arg6[%dma_wait3A_366, %dma_wait3A_367] : memref<50000x32xf32, #tpu.memory_space<hbm>> -> memref<50000x32xf32, #tpu.memory_space<hbm>>
    tpu.wait_indirect_dma semaphore(%arg28 : memref<!tpu.dma_semaphore, #tpu.memory_space<semaphore_mem>>) src(%dma_wait3A_368 : memref<50000x32xf32, #tpu.memory_space<hbm>>) dst(%arg18 : memref<128x32xf32, #tpu.memory_space<vmem>>)
    %scan3A_369 = arith.constant 0 : i32
    %scan3A_370 = arith.constant 0 : i32
    %scan3A_371 = arith.constant 128 : i32
    %scan3A_372 = arith.addi %scan3A_370, %scan3A_371 : i32
    %scan3A_373 = arith.constant 1 : i32
    %scan3A_374 = scf.for %scan3A_467 = %scan3A_370 to %scan3A_372 step %scan3A_373 iter_args(%scan3A_468 = %scan3A_369) -> (i32)  : i32 {
      %broadcast_in_dim3A_469 = arith.constant 0.000000e+00 : f32
      %broadcast_in_dim3A_470 = vector.broadcast %broadcast_in_dim3A_469 : f32 to vector<16xf32>
      %get3A = arith.index_cast %scan3A_467 : i32 to index
      %get3A_471 = arith.constant 0 : index
      %get3A_472 = tpu.vector_load %arg17[%get3A, %get3A_471] {strides = array<i32>} : memref<128x32xf32, #tpu.memory_space<vmem>>, vector<16xf32>,
      %get3A_473 = arith.index_cast %scan3A_467 : i32 to index
      %get3A_474 = arith.constant 0 : index
      %get3A_475 = tpu.vector_load %arg18[%get3A_473, %get3A_474] {strides = array<i32>} : memref<128x32xf32, #tpu.memory_space<vmem>>, vector<16xf32>,
      %mul3A_476 = arith.mulf %get3A_472, %get3A_475 : vector<16xf32>
      %add3A_477 = arith.addf %broadcast_in_dim3A_470, %mul3A_476 : vector<16xf32>
      %get3A_478 = arith.index_cast %scan3A_467 : i32 to index
      %get3A_479 = arith.constant 16 : index
      %get3A_480 = tpu.vector_load %arg17[%get3A_478, %get3A_479] {strides = array<i32>} : memref<128x32xf32, #tpu.memory_space<vmem>>, vector<16xf32>,
      %get3A_481 = arith.index_cast %scan3A_467 : i32 to index
      %get3A_482 = arith.constant 16 : index
      %get3A_483 = tpu.vector_load %arg18[%get3A_481, %get3A_482] {strides = array<i32>} : memref<128x32xf32, #tpu.memory_space<vmem>>, vector<16xf32>,
      %mul3A_484 = arith.mulf %get3A_480, %get3A_483 : vector<16xf32>
      %add3A_485 = arith.addf %add3A_477, %mul3A_484 : vector<16xf32>
      %reduce_sum3A = arith.constant true
      %reduce_sum3A_486 = vector.broadcast %reduce_sum3A : i1 to vector<16xi1>
      %reduce_sum3A_487 = tpu.scan <sum>, %add3A_485 masked %reduce_sum3A_486 : vector<16xf32>, vector<16xi1> -> vector<16xf32>
      %reduce_sum3A_488 = vector.extract %reduce_sum3A_487[15] : f32 from vector<16xf32>
      %broadcast_in_dim3A_489 = arith.constant 0 : i32
      %broadcast_in_dim3A_490 = vector.broadcast %broadcast_in_dim3A_489 : i32 to vector<16xi32>
      %add3A_491 = vector.broadcast %scan3A_467 : i32 to vector<16xi32>
      %add3A_492 = arith.addi %broadcast_in_dim3A_490, %add3A_491 : vector<16xi32>
      %broadcast_in_dim3A_493 = arith.constant 0.000000e+00 : f32
      %broadcast_in_dim3A_494 = vector.broadcast %broadcast_in_dim3A_493 : f32 to vector<16xf32>
      %add3A_495 = vector.broadcast %reduce_sum3A_488 : f32 to vector<16xf32>
      %add3A_496 = arith.addf %broadcast_in_dim3A_494, %add3A_495 : vector<16xf32>
      tpu.vector_store_idx %arg26[%add3A_492], %add3A_496 masked %eq3A_73 : memref<128xf32, #tpu.memory_space<vmem>>[vector<16xi32>], vector<16xf32>, vector<16xi1>
      %scan3A_497 = arith.constant 0 : i32
      scf.yield %scan3A_497 : i32
    }
    %scan3A_375 = arith.constant 128 : i32
    %mul3A_376 = arith.constant 16384 : i32
    %mul3A_377 = arith.muli %arg0, %mul3A_376 : i32
    %mul3A_378 = arith.constant 1024 : i32
    %mul3A_379 = arith.muli %arg1, %mul3A_378 : i32
    %add3A_380 = arith.addi %mul3A_377, %mul3A_379 : i32
    %add3A_381 = arith.constant 640 : i32
    %add3A_382 = arith.addi %add3A_380, %add3A_381 : i32
    "tpu.region"() ({
      %run_scoped3A = tpu.sem_alloc : memref<!tpu.dma_semaphore, #tpu.memory_space<semaphore_mem>>
      %dma_start3A_467 = tpu.memref_slice %arg9[%add3A_382] : memref<32768xf32, #tpu.memory_space<hbm>> -> memref<128xf32, #tpu.memory_space<hbm>>
      %dma_start3A_468 = tpu.memref_slice %arg9[%add3A_382] : memref<32768xf32, #tpu.memory_space<hbm>> -> memref<128xf32, #tpu.memory_space<hbm>>
      tpu.enqueue_dma source(%arg26 : memref<128xf32, #tpu.memory_space<vmem>>) target(%dma_start3A_468 : memref<128xf32, #tpu.memory_space<hbm>>) target_semaphore(%run_scoped3A : memref<!tpu.dma_semaphore, #tpu.memory_space<semaphore_mem>>)
      %dma_wait3A_469 = tpu.memref_slice %arg9[%add3A_382] : memref<32768xf32, #tpu.memory_space<hbm>> -> memref<128xf32, #tpu.memory_space<hbm>>
      %dma_wait3A_470 = tpu.memref_slice %arg9[%add3A_382] : memref<32768xf32, #tpu.memory_space<hbm>> -> memref<128xf32, #tpu.memory_space<hbm>>
      tpu.wait_dma2 semaphore(%run_scoped3A : memref<!tpu.dma_semaphore, #tpu.memory_space<semaphore_mem>>) src(%arg26 : memref<128xf32, #tpu.memory_space<vmem>>) dst(%dma_wait3A_470 : memref<128xf32, #tpu.memory_space<hbm>>)
      tpu.yield
    }) : () -> ()
    %dma_start3A_383 = arith.constant 6 : i32
    %dma_start3A_384 = arith.constant 0 : i32
    %dma_start3A_385 = tpu.memref_slice %arg15[%dma_start3A_383, %dma_start3A_384] : memref<8x128xi32, #tpu.memory_space<vmem>> -> memref<1x128xi32, #tpu.memory_space<vmem>>
    %dma_start3A_386 = tpu.memref_squeeze %dma_start3A_385 : memref<1x128xi32, #tpu.memory_space<vmem>> -> memref<128xi32, #tpu.memory_space<vmem>>
    %dma_start3A_387 = arith.constant 0 : i32
    %dma_start3A_388 = arith.constant 0 : i32
    %dma_start3A_389 = tpu.memref_slice %arg12[%dma_start3A_387, %dma_start3A_388] : memref<51200x32xf32, #tpu.memory_space<hbm>> -> memref<51200x32xf32, #tpu.memory_space<hbm>>
    tpu.enqueue_indirect_dma source(%dma_start3A_389 : memref<51200x32xf32, #tpu.memory_space<hbm>>) target(%arg17 : memref<128x32xf32, #tpu.memory_space<vmem>>) offsets(%dma_start3A_386 : memref<128xi32, #tpu.memory_space<vmem>>) semaphore(%arg27 : memref<!tpu.dma_semaphore, #tpu.memory_space<semaphore_mem>>)
    %dma_start3A_390 = arith.constant 6 : i32
    %dma_start3A_391 = arith.constant 0 : i32
    %dma_start3A_392 = tpu.memref_slice %arg16[%dma_start3A_390, %dma_start3A_391] : memref<8x128xi32, #tpu.memory_space<vmem>> -> memref<1x128xi32, #tpu.memory_space<vmem>>
    %dma_start3A_393 = tpu.memref_squeeze %dma_start3A_392 : memref<1x128xi32, #tpu.memory_space<vmem>> -> memref<128xi32, #tpu.memory_space<vmem>>
    %dma_start3A_394 = arith.constant 0 : i32
    %dma_start3A_395 = arith.constant 0 : i32
    %dma_start3A_396 = tpu.memref_slice %arg6[%dma_start3A_394, %dma_start3A_395] : memref<50000x32xf32, #tpu.memory_space<hbm>> -> memref<50000x32xf32, #tpu.memory_space<hbm>>
    tpu.enqueue_indirect_dma source(%dma_start3A_396 : memref<50000x32xf32, #tpu.memory_space<hbm>>) target(%arg18 : memref<128x32xf32, #tpu.memory_space<vmem>>) offsets(%dma_start3A_393 : memref<128xi32, #tpu.memory_space<vmem>>) semaphore(%arg28 : memref<!tpu.dma_semaphore, #tpu.memory_space<semaphore_mem>>)
    %dma_wait3A_397 = arith.constant 6 : i32
    %dma_wait3A_398 = arith.constant 0 : i32
    %dma_wait3A_399 = tpu.memref_slice %arg15[%dma_wait3A_397, %dma_wait3A_398] : memref<8x128xi32, #tpu.memory_space<vmem>> -> memref<1x128xi32, #tpu.memory_space<vmem>>
    %dma_wait3A_400 = tpu.memref_squeeze %dma_wait3A_399 : memref<1x128xi32, #tpu.memory_space<vmem>> -> memref<128xi32, #tpu.memory_space<vmem>>
    %dma_wait3A_401 = arith.constant 0 : i32
    %dma_wait3A_402 = arith.constant 0 : i32
    %dma_wait3A_403 = tpu.memref_slice %arg12[%dma_wait3A_401, %dma_wait3A_402] : memref<51200x32xf32, #tpu.memory_space<hbm>> -> memref<51200x32xf32, #tpu.memory_space<hbm>>
    tpu.wait_indirect_dma semaphore(%arg27 : memref<!tpu.dma_semaphore, #tpu.memory_space<semaphore_mem>>) src(%dma_wait3A_403 : memref<51200x32xf32, #tpu.memory_space<hbm>>) dst(%arg17 : memref<128x32xf32, #tpu.memory_space<vmem>>)
    %dma_wait3A_404 = arith.constant 6 : i32
    %dma_wait3A_405 = arith.constant 0 : i32
    %dma_wait3A_406 = tpu.memref_slice %arg16[%dma_wait3A_404, %dma_wait3A_405] : memref<8x128xi32, #tpu.memory_space<vmem>> -> memref<1x128xi32, #tpu.memory_space<vmem>>
    %dma_wait3A_407 = tpu.memref_squeeze %dma_wait3A_406 : memref<1x128xi32, #tpu.memory_space<vmem>> -> memref<128xi32, #tpu.memory_space<vmem>>
    %dma_wait3A_408 = arith.constant 0 : i32
    %dma_wait3A_409 = arith.constant 0 : i32
    %dma_wait3A_410 = tpu.memref_slice %arg6[%dma_wait3A_408, %dma_wait3A_409] : memref<50000x32xf32, #tpu.memory_space<hbm>> -> memref<50000x32xf32, #tpu.memory_space<hbm>>
    tpu.wait_indirect_dma semaphore(%arg28 : memref<!tpu.dma_semaphore, #tpu.memory_space<semaphore_mem>>) src(%dma_wait3A_410 : memref<50000x32xf32, #tpu.memory_space<hbm>>) dst(%arg18 : memref<128x32xf32, #tpu.memory_space<vmem>>)
    %scan3A_411 = arith.constant 0 : i32
    %scan3A_412 = arith.constant 0 : i32
    %scan3A_413 = arith.constant 128 : i32
    %scan3A_414 = arith.addi %scan3A_412, %scan3A_413 : i32
    %scan3A_415 = arith.constant 1 : i32
    %scan3A_416 = scf.for %scan3A_467 = %scan3A_412 to %scan3A_414 step %scan3A_415 iter_args(%scan3A_468 = %scan3A_411) -> (i32)  : i32 {
      %broadcast_in_dim3A_469 = arith.constant 0.000000e+00 : f32
      %broadcast_in_dim3A_470 = vector.broadcast %broadcast_in_dim3A_469 : f32 to vector<16xf32>
      %get3A = arith.index_cast %scan3A_467 : i32 to index
      %get3A_471 = arith.constant 0 : index
      %get3A_472 = tpu.vector_load %arg17[%get3A, %get3A_471] {strides = array<i32>} : memref<128x32xf32, #tpu.memory_space<vmem>>, vector<16xf32>,
      %get3A_473 = arith.index_cast %scan3A_467 : i32 to index
      %get3A_474 = arith.constant 0 : index
      %get3A_475 = tpu.vector_load %arg18[%get3A_473, %get3A_474] {strides = array<i32>} : memref<128x32xf32, #tpu.memory_space<vmem>>, vector<16xf32>,
      %mul3A_476 = arith.mulf %get3A_472, %get3A_475 : vector<16xf32>
      %add3A_477 = arith.addf %broadcast_in_dim3A_470, %mul3A_476 : vector<16xf32>
      %get3A_478 = arith.index_cast %scan3A_467 : i32 to index
      %get3A_479 = arith.constant 16 : index
      %get3A_480 = tpu.vector_load %arg17[%get3A_478, %get3A_479] {strides = array<i32>} : memref<128x32xf32, #tpu.memory_space<vmem>>, vector<16xf32>,
      %get3A_481 = arith.index_cast %scan3A_467 : i32 to index
      %get3A_482 = arith.constant 16 : index
      %get3A_483 = tpu.vector_load %arg18[%get3A_481, %get3A_482] {strides = array<i32>} : memref<128x32xf32, #tpu.memory_space<vmem>>, vector<16xf32>,
      %mul3A_484 = arith.mulf %get3A_480, %get3A_483 : vector<16xf32>
      %add3A_485 = arith.addf %add3A_477, %mul3A_484 : vector<16xf32>
      %reduce_sum3A = arith.constant true
      %reduce_sum3A_486 = vector.broadcast %reduce_sum3A : i1 to vector<16xi1>
      %reduce_sum3A_487 = tpu.scan <sum>, %add3A_485 masked %reduce_sum3A_486 : vector<16xf32>, vector<16xi1> -> vector<16xf32>
      %reduce_sum3A_488 = vector.extract %reduce_sum3A_487[15] : f32 from vector<16xf32>
      %broadcast_in_dim3A_489 = arith.constant 0 : i32
      %broadcast_in_dim3A_490 = vector.broadcast %broadcast_in_dim3A_489 : i32 to vector<16xi32>
      %add3A_491 = vector.broadcast %scan3A_467 : i32 to vector<16xi32>
      %add3A_492 = arith.addi %broadcast_in_dim3A_490, %add3A_491 : vector<16xi32>
      %broadcast_in_dim3A_493 = arith.constant 0.000000e+00 : f32
      %broadcast_in_dim3A_494 = vector.broadcast %broadcast_in_dim3A_493 : f32 to vector<16xf32>
      %add3A_495 = vector.broadcast %reduce_sum3A_488 : f32 to vector<16xf32>
      %add3A_496 = arith.addf %broadcast_in_dim3A_494, %add3A_495 : vector<16xf32>
      tpu.vector_store_idx %arg26[%add3A_492], %add3A_496 masked %eq3A_73 : memref<128xf32, #tpu.memory_space<vmem>>[vector<16xi32>], vector<16xf32>, vector<16xi1>
      %scan3A_497 = arith.constant 0 : i32
      scf.yield %scan3A_497 : i32
    }
    %scan3A_417 = arith.constant 128 : i32
    %mul3A_418 = arith.constant 16384 : i32
    %mul3A_419 = arith.muli %arg0, %mul3A_418 : i32
    %mul3A_420 = arith.constant 1024 : i32
    %mul3A_421 = arith.muli %arg1, %mul3A_420 : i32
    %add3A_422 = arith.addi %mul3A_419, %mul3A_421 : i32
    %add3A_423 = arith.constant 768 : i32
    %add3A_424 = arith.addi %add3A_422, %add3A_423 : i32
    "tpu.region"() ({
      %run_scoped3A = tpu.sem_alloc : memref<!tpu.dma_semaphore, #tpu.memory_space<semaphore_mem>>
      %dma_start3A_467 = tpu.memref_slice %arg9[%add3A_424] : memref<32768xf32, #tpu.memory_space<hbm>> -> memref<128xf32, #tpu.memory_space<hbm>>
      %dma_start3A_468 = tpu.memref_slice %arg9[%add3A_424] : memref<32768xf32, #tpu.memory_space<hbm>> -> memref<128xf32, #tpu.memory_space<hbm>>
      tpu.enqueue_dma source(%arg26 : memref<128xf32, #tpu.memory_space<vmem>>) target(%dma_start3A_468 : memref<128xf32, #tpu.memory_space<hbm>>) target_semaphore(%run_scoped3A : memref<!tpu.dma_semaphore, #tpu.memory_space<semaphore_mem>>)
      %dma_wait3A_469 = tpu.memref_slice %arg9[%add3A_424] : memref<32768xf32, #tpu.memory_space<hbm>> -> memref<128xf32, #tpu.memory_space<hbm>>
      %dma_wait3A_470 = tpu.memref_slice %arg9[%add3A_424] : memref<32768xf32, #tpu.memory_space<hbm>> -> memref<128xf32, #tpu.memory_space<hbm>>
      tpu.wait_dma2 semaphore(%run_scoped3A : memref<!tpu.dma_semaphore, #tpu.memory_space<semaphore_mem>>) src(%arg26 : memref<128xf32, #tpu.memory_space<vmem>>) dst(%dma_wait3A_470 : memref<128xf32, #tpu.memory_space<hbm>>)
      tpu.yield
    }) : () -> ()
    %dma_start3A_425 = arith.constant 7 : i32
    %dma_start3A_426 = arith.constant 0 : i32
    %dma_start3A_427 = tpu.memref_slice %arg15[%dma_start3A_425, %dma_start3A_426] : memref<8x128xi32, #tpu.memory_space<vmem>> -> memref<1x128xi32, #tpu.memory_space<vmem>>
    %dma_start3A_428 = tpu.memref_squeeze %dma_start3A_427 : memref<1x128xi32, #tpu.memory_space<vmem>> -> memref<128xi32, #tpu.memory_space<vmem>>
    %dma_start3A_429 = arith.constant 0 : i32
    %dma_start3A_430 = arith.constant 0 : i32
    %dma_start3A_431 = tpu.memref_slice %arg12[%dma_start3A_429, %dma_start3A_430] : memref<51200x32xf32, #tpu.memory_space<hbm>> -> memref<51200x32xf32, #tpu.memory_space<hbm>>
    tpu.enqueue_indirect_dma source(%dma_start3A_431 : memref<51200x32xf32, #tpu.memory_space<hbm>>) target(%arg17 : memref<128x32xf32, #tpu.memory_space<vmem>>) offsets(%dma_start3A_428 : memref<128xi32, #tpu.memory_space<vmem>>) semaphore(%arg27 : memref<!tpu.dma_semaphore, #tpu.memory_space<semaphore_mem>>)
    %dma_start3A_432 = arith.constant 7 : i32
    %dma_start3A_433 = arith.constant 0 : i32
    %dma_start3A_434 = tpu.memref_slice %arg16[%dma_start3A_432, %dma_start3A_433] : memref<8x128xi32, #tpu.memory_space<vmem>> -> memref<1x128xi32, #tpu.memory_space<vmem>>
    %dma_start3A_435 = tpu.memref_squeeze %dma_start3A_434 : memref<1x128xi32, #tpu.memory_space<vmem>> -> memref<128xi32, #tpu.memory_space<vmem>>
    %dma_start3A_436 = arith.constant 0 : i32
    %dma_start3A_437 = arith.constant 0 : i32
    %dma_start3A_438 = tpu.memref_slice %arg6[%dma_start3A_436, %dma_start3A_437] : memref<50000x32xf32, #tpu.memory_space<hbm>> -> memref<50000x32xf32, #tpu.memory_space<hbm>>
    tpu.enqueue_indirect_dma source(%dma_start3A_438 : memref<50000x32xf32, #tpu.memory_space<hbm>>) target(%arg18 : memref<128x32xf32, #tpu.memory_space<vmem>>) offsets(%dma_start3A_435 : memref<128xi32, #tpu.memory_space<vmem>>) semaphore(%arg28 : memref<!tpu.dma_semaphore, #tpu.memory_space<semaphore_mem>>)
    %dma_wait3A_439 = arith.constant 7 : i32
    %dma_wait3A_440 = arith.constant 0 : i32
    %dma_wait3A_441 = tpu.memref_slice %arg15[%dma_wait3A_439, %dma_wait3A_440] : memref<8x128xi32, #tpu.memory_space<vmem>> -> memref<1x128xi32, #tpu.memory_space<vmem>>
    %dma_wait3A_442 = tpu.memref_squeeze %dma_wait3A_441 : memref<1x128xi32, #tpu.memory_space<vmem>> -> memref<128xi32, #tpu.memory_space<vmem>>
    %dma_wait3A_443 = arith.constant 0 : i32
    %dma_wait3A_444 = arith.constant 0 : i32
    %dma_wait3A_445 = tpu.memref_slice %arg12[%dma_wait3A_443, %dma_wait3A_444] : memref<51200x32xf32, #tpu.memory_space<hbm>> -> memref<51200x32xf32, #tpu.memory_space<hbm>>
    tpu.wait_indirect_dma semaphore(%arg27 : memref<!tpu.dma_semaphore, #tpu.memory_space<semaphore_mem>>) src(%dma_wait3A_445 : memref<51200x32xf32, #tpu.memory_space<hbm>>) dst(%arg17 : memref<128x32xf32, #tpu.memory_space<vmem>>)
    %dma_wait3A_446 = arith.constant 7 : i32
    %dma_wait3A_447 = arith.constant 0 : i32
    %dma_wait3A_448 = tpu.memref_slice %arg16[%dma_wait3A_446, %dma_wait3A_447] : memref<8x128xi32, #tpu.memory_space<vmem>> -> memref<1x128xi32, #tpu.memory_space<vmem>>
    %dma_wait3A_449 = tpu.memref_squeeze %dma_wait3A_448 : memref<1x128xi32, #tpu.memory_space<vmem>> -> memref<128xi32, #tpu.memory_space<vmem>>
    %dma_wait3A_450 = arith.constant 0 : i32
    %dma_wait3A_451 = arith.constant 0 : i32
    %dma_wait3A_452 = tpu.memref_slice %arg6[%dma_wait3A_450, %dma_wait3A_451] : memref<50000x32xf32, #tpu.memory_space<hbm>> -> memref<50000x32xf32, #tpu.memory_space<hbm>>
    tpu.wait_indirect_dma semaphore(%arg28 : memref<!tpu.dma_semaphore, #tpu.memory_space<semaphore_mem>>) src(%dma_wait3A_452 : memref<50000x32xf32, #tpu.memory_space<hbm>>) dst(%arg18 : memref<128x32xf32, #tpu.memory_space<vmem>>)
    %scan3A_453 = arith.constant 0 : i32
    %scan3A_454 = arith.constant 0 : i32
    %scan3A_455 = arith.constant 128 : i32
    %scan3A_456 = arith.addi %scan3A_454, %scan3A_455 : i32
    %scan3A_457 = arith.constant 1 : i32
    %scan3A_458 = scf.for %scan3A_467 = %scan3A_454 to %scan3A_456 step %scan3A_457 iter_args(%scan3A_468 = %scan3A_453) -> (i32)  : i32 {
      %broadcast_in_dim3A_469 = arith.constant 0.000000e+00 : f32
      %broadcast_in_dim3A_470 = vector.broadcast %broadcast_in_dim3A_469 : f32 to vector<16xf32>
      %get3A = arith.index_cast %scan3A_467 : i32 to index
      %get3A_471 = arith.constant 0 : index
      %get3A_472 = tpu.vector_load %arg17[%get3A, %get3A_471] {strides = array<i32>} : memref<128x32xf32, #tpu.memory_space<vmem>>, vector<16xf32>,
      %get3A_473 = arith.index_cast %scan3A_467 : i32 to index
      %get3A_474 = arith.constant 0 : index
      %get3A_475 = tpu.vector_load %arg18[%get3A_473, %get3A_474] {strides = array<i32>} : memref<128x32xf32, #tpu.memory_space<vmem>>, vector<16xf32>,
      %mul3A_476 = arith.mulf %get3A_472, %get3A_475 : vector<16xf32>
      %add3A_477 = arith.addf %broadcast_in_dim3A_470, %mul3A_476 : vector<16xf32>
      %get3A_478 = arith.index_cast %scan3A_467 : i32 to index
      %get3A_479 = arith.constant 16 : index
      %get3A_480 = tpu.vector_load %arg17[%get3A_478, %get3A_479] {strides = array<i32>} : memref<128x32xf32, #tpu.memory_space<vmem>>, vector<16xf32>,
      %get3A_481 = arith.index_cast %scan3A_467 : i32 to index
      %get3A_482 = arith.constant 16 : index
      %get3A_483 = tpu.vector_load %arg18[%get3A_481, %get3A_482] {strides = array<i32>} : memref<128x32xf32, #tpu.memory_space<vmem>>, vector<16xf32>,
      %mul3A_484 = arith.mulf %get3A_480, %get3A_483 : vector<16xf32>
      %add3A_485 = arith.addf %add3A_477, %mul3A_484 : vector<16xf32>
      %reduce_sum3A = arith.constant true
      %reduce_sum3A_486 = vector.broadcast %reduce_sum3A : i1 to vector<16xi1>
      %reduce_sum3A_487 = tpu.scan <sum>, %add3A_485 masked %reduce_sum3A_486 : vector<16xf32>, vector<16xi1> -> vector<16xf32>
      %reduce_sum3A_488 = vector.extract %reduce_sum3A_487[15] : f32 from vector<16xf32>
      %broadcast_in_dim3A_489 = arith.constant 0 : i32
      %broadcast_in_dim3A_490 = vector.broadcast %broadcast_in_dim3A_489 : i32 to vector<16xi32>
      %add3A_491 = vector.broadcast %scan3A_467 : i32 to vector<16xi32>
      %add3A_492 = arith.addi %broadcast_in_dim3A_490, %add3A_491 : vector<16xi32>
      %broadcast_in_dim3A_493 = arith.constant 0.000000e+00 : f32
      %broadcast_in_dim3A_494 = vector.broadcast %broadcast_in_dim3A_493 : f32 to vector<16xf32>
      %add3A_495 = vector.broadcast %reduce_sum3A_488 : f32 to vector<16xf32>
      %add3A_496 = arith.addf %broadcast_in_dim3A_494, %add3A_495 : vector<16xf32>
      tpu.vector_store_idx %arg26[%add3A_492], %add3A_496 masked %eq3A_73 : memref<128xf32, #tpu.memory_space<vmem>>[vector<16xi32>], vector<16xf32>, vector<16xi1>
      %scan3A_497 = arith.constant 0 : i32
      scf.yield %scan3A_497 : i32
    }
    %scan3A_459 = arith.constant 128 : i32
    %mul3A_460 = arith.constant 16384 : i32
    %mul3A_461 = arith.muli %arg0, %mul3A_460 : i32
    %mul3A_462 = arith.constant 1024 : i32
    %mul3A_463 = arith.muli %arg1, %mul3A_462 : i32
    %add3A_464 = arith.addi %mul3A_461, %mul3A_463 : i32
    %add3A_465 = arith.constant 896 : i32
    %add3A_466 = arith.addi %add3A_464, %add3A_465 : i32
    "tpu.region"() ({
      %run_scoped3A = tpu.sem_alloc : memref<!tpu.dma_semaphore, #tpu.memory_space<semaphore_mem>>
      %dma_start3A_467 = tpu.memref_slice %arg9[%add3A_466] : memref<32768xf32, #tpu.memory_space<hbm>> -> memref<128xf32, #tpu.memory_space<hbm>>
      %dma_start3A_468 = tpu.memref_slice %arg9[%add3A_466] : memref<32768xf32, #tpu.memory_space<hbm>> -> memref<128xf32, #tpu.memory_space<hbm>>
      tpu.enqueue_dma source(%arg26 : memref<128xf32, #tpu.memory_space<vmem>>) target(%dma_start3A_468 : memref<128xf32, #tpu.memory_space<hbm>>) target_semaphore(%run_scoped3A : memref<!tpu.dma_semaphore, #tpu.memory_space<semaphore_mem>>)
      %dma_wait3A_469 = tpu.memref_slice %arg9[%add3A_466] : memref<32768xf32, #tpu.memory_space<hbm>> -> memref<128xf32, #tpu.memory_space<hbm>>
      %dma_wait3A_470 = tpu.memref_slice %arg9[%add3A_466] : memref<32768xf32, #tpu.memory_space<hbm>> -> memref<128xf32, #tpu.memory_space<hbm>>
      tpu.wait_dma2 semaphore(%run_scoped3A : memref<!tpu.dma_semaphore, #tpu.memory_space<semaphore_mem>>) src(%arg26 : memref<128xf32, #tpu.memory_space<vmem>>) dst(%dma_wait3A_470 : memref<128xf32, #tpu.memory_space<hbm>>)
      tpu.yield
    }) : () -> ()
    return
  }
}

module attributes {stable_mosaic.version = 14 : i64} {
  func.func @body(%arg0: i32, %arg1: memref<1000x64xf32, #tpu.memory_space<vmem>>, %arg2: memref<64x64xf32, #tpu.memory_space<vmem>>, %arg3: memref<1000x64xf32, #tpu.memory_space<vmem>>) attributes {dimension_semantics = [#tpu.dimension_semantics<arbitrary>], iteration_bounds = array<i64: 25>, scalar_prefetch = 0 : i64, scratch_operands = 0 : i64, tpu.core_type = #tpu.core_type<tc>, window_params = [{transform_indices = @transform_0, window_bounds = array<i64: 1000, 64>}, {pipeline_mode = #tpu.pipeline_mode<synchronous>, transform_indices = @transform_1, window_bounds = array<i64: 64, 64>}, {transform_indices = @transform_2, window_bounds = array<i64: 1000, 64>}]} {
    %get3A = arith.constant 0 : index
    %get3A_0 = arith.constant 0 : index
    %get3A_1 = vector.load %arg1[%get3A, %get3A_0] : memref<1000x64xf32, #tpu.memory_space<vmem>>, vector<1000x64xf32>
    %logistic3A = arith.negf %get3A_1 : vector<1000x64xf32>
    %logistic3A_2 = math.exp %logistic3A : vector<1000x64xf32>
    %logistic3A_3 = arith.constant 1.000000e+00 : f32
    %logistic3A_4 = vector.broadcast %logistic3A_3 : f32 to vector<1000x64xf32>
    %logistic3A_5 = arith.addf %logistic3A_4, %logistic3A_2 : vector<1000x64xf32>
    %logistic3A_6 = arith.divf %logistic3A_4, %logistic3A_5 : vector<1000x64xf32>
    %get3A_7 = arith.constant 0 : index
    %get3A_8 = arith.constant 0 : index
    %get3A_9 = vector.load %arg2[%get3A_7, %get3A_8] : memref<64x64xf32, #tpu.memory_space<vmem>>, vector<64x64xf32>
    %dot_general3A = arith.constant dense<0.000000e+00> : vector<1000x64xf32>
    %dot_general3A_10 = tpu.matmul %logistic3A_6, %get3A_9, %dot_general3A {dimension_numbers = #tpu.dot_dimension_numbers<[1], [0], [0], [1], [0, 0, 1, 1], [], []>, transpose_lhs_hint = false} : vector<1000x64xf32>, vector<64x64xf32>, vector<1000x64xf32> -> vector<1000x64xf32>
    %swap3A = arith.constant 0 : index
    %swap3A_11 = arith.constant 0 : index
    %swap3A_12 = vector.load %arg3[%swap3A, %swap3A_11] : memref<1000x64xf32, #tpu.memory_space<vmem>>, vector<1000x64xf32>
    tpu.vector_store %arg3[%swap3A, %swap3A_11], %dot_general3A_10 {strides = array<i32>} : memref<1000x64xf32, #tpu.memory_space<vmem>>, vector<1000x64xf32>,
    return
  }
  func.func @transform_0(%arg0: i32) -> (i32, i32) {
    %c0_i32 = arith.constant 0 : i32
    %c0_i32_0 = arith.constant 0 : i32
    return %arg0, %c0_i32 : i32, i32
  }
  func.func @transform_1(%arg0: i32) -> (i32, i32) {
    %c0_i32 = arith.constant 0 : i32
    %c0_i32_0 = arith.constant 0 : i32
    %c0_i32_1 = arith.constant 0 : i32
    return %c0_i32, %c0_i32_0 : i32, i32
  }
  func.func @transform_2(%arg0: i32) -> (i32, i32) {
    %c0_i32 = arith.constant 0 : i32
    %c0_i32_0 = arith.constant 0 : i32
    return %arg0, %c0_i32 : i32, i32
  }
}

</mosaic_0001>

<sc_bundles>
// kernel: kernel.4.cloned.1.call-start
scs
__scs_entry_jumppad:
0x0: {  	(pc) =	sbr.rel $0x88, $3  }
0x1: {  	(tag) =	ssettag $0x0;
	lr =	simm.s32 $0x1  }
0x2: {  	[smem:$0x3F9B] =	sst lr;
	_ =	strace $0xD0000000  }
0x3: {  	_ = 	snop  }
0x4: {  	_ = 	snop  }
0x5: {  	_ = 	snop  }
0x6: {  	_ = 	snop  }
0x7: {  	_ = 	snop  }
__scs_overlays_trampoline_lowered:
0x8: {  	[smem:$0x3FAA] =	sst s0  }
0x9: {  	[smem:$0x3FAB] =	sst s1  }
0xa: {  	[smem:$0x3FAC] =	sst s2  }
0xb: {  	[smem:$0x3FAD] =	sst s3  }
0xc: {  	[smem:$0x3FAE] =	sst s4  }
0xd: {  	[smem:$0x3FAF] =	sst s5  }
0xe: {  	[smem:$0x3FB0] =	sst s6  }
0xf: {  	[smem:$0x3FB1] =	sst s7  }
0x10: {  	[smem:$0x3FB2] =	sst s8  }
0x11: {  	[smem:$0x3FB3] =	sst s9;
	s0 =	simm.s32 @!p0 $0x0  }
0x12: {  	s1 =	sld [smem:$0x3F99];
	s0 =	simm.s32 @p0 $0x1  }
0x13: {  	[smem:$0x3FB4] =	sst s0;
	s0 =	simm.s32 @!p1 $0x0  }
0x14: {  	s2 =	sld [smem:$0x3F98];
	s0 =	simm.s32 @p1 $0x1  }
0x15: {  	[smem:$0x3FB5] =	sst s0;
	s0 =	simm.s32 @!p2 $0x0  }
0x16: {  	s3 =	sld [smem:$0x3FDB];
	s0 =	simm.s32 @p2 $0x1  }
0x17: {  	s4 =	simm.s32 $0x1BF5;
	[smem:$0x3FB7] =	sst s0  }
0x18: {  	s0 =	sld [smem:$0x3F9A];
	_ =	swait.ge [sflag:s4], $0x0  }
0x19: {  	s7 =	sld [smem:$0x3F9B]  }
0x1a: {  	s8 =	sadd.s32 $0xFFFFE003, lr  }
0x1b: {  	s9 =	sadd.s32 $0xFFFFFEF7, lr;
	s5 =	simm.s32 $0xFFFFFFFF;
	p2 =	slt.u32 s8, $0xFFFFF086  }
0x1c: {  	p1 =	slt.u32 s9, $0xF7A;
	s5 =	simm.s32 @!p2 $0x0  }
0x1d: {  	s5 =	simm.s32 @p1 $0x1;
	p0 =	seq.s32 s7, s2  }
0x1e: {  	s7 =	smul.u32 @!p0 $0xF7A, s2;
	p2 =	seq.s32 @!p0 s5, $0x0  }
0x1f: {  	s9 =	smul.u32 $0xF7A, s1;
	s8 =	simm.s32 @!p0 $0x1BF5;
	p2 =	por !p2, p0  }
0x20: {  	[sflag:s8] =	ssyncset.s32 @!p0 $0xFFFFF086;
	s6 =	sadd.s32 @!p0 s3, s7;
	s7 =	simm.s32 @!p0 $0x108  }
0x21: {  	s3 =	sadd.s32 s3, s9;
	s6 =	sadd.s32 @!p0 $0x88, s6;
	s7 =	simm.s32 @p2 $0x1082  }
0x22: {  	[simem:s7], [sflag:s8] =	dma.local @!p0 [hbm:s6], $0xF7A  }
0x23: {  	s9 =	sor.u32 $0xD0000000, s2;
	s6 =	simm.s32 $0x108;
	_ =	swait.ge @!p0 [sflag:s8], $0x0  }
0x24: {  	s3 =	sadd.s32 $0x88, s3;
	s6 =	simm.s32 @!p1 $0x1082;
	[sflag:s4] =	ssyncset.s32 $0xFFFFF086  }
0x25: {  	[simem:s6], [sflag:s4] =	dma.local [hbm:s3], $0xF7A  }
0x26: {  	[smem:$0x3F9B] =	sst s1;
	(tag) =	ssettag s2;
	_ =	strace s9  }
0x27: {  	s1 =	sld [smem:$0x3FAB]  }
0x28: {  	s2 =	sld [smem:$0x3FAC]  }
0x29: {  	s4 =	sld [smem:$0x3FAE]  }
0x2a: {  	p0 =	seq.s32 s5, $0x0;
	s5 =	sld [smem:$0x3FAF]  }
0x2b: {  	s6 =	sld [smem:$0x3FB0]  }
0x2c: {  	s7 =	sld [smem:$0x3FB1]  }
0x2d: {  	s3 =	simm.s32 $0x108;
	s8 =	sld [smem:$0x3FB2]  }
0x2e: {  	s3 =	simm.s32 @!p0 $0x1082;
	s9 =	sld [smem:$0x3FB3]  }
0x2f: {  	lr =	sadd.s32 s0, s3;
	s0 =	sld [smem:$0x3FAA]  }
0x30: {  	s3 =	sld [smem:$0x3FAD]  }
0x31: {  	[smem:$0x3FB6] =	sst s10  }
0x32: {  	s10 =	sld [smem:$0x3FB4];
	_ =	sdelay $0x3  }
0x33: {  	p0 =	seq.s32 s10, $0x1;
	s10 =	sld [smem:$0x3FB6];
	_ =	sdelay $0x3  }
0x34: {  	[smem:$0x3FB6] =	sst s10  }
0x35: {  	s10 =	sld [smem:$0x3FB5];
	_ =	sdelay $0x3  }
0x36: {  	p1 =	seq.s32 s10, $0x1;
	s10 =	sld [smem:$0x3FB6];
	_ =	sdelay $0x3  }
0x37: {  	[smem:$0x3FB6] =	sst s10  }
0x38: {  	s10 =	sld [smem:$0x3FB7]  }
0x39: {  	_ = 	snop;
	(pc) =	sbr.ind lr, $3  }
0x3a: {  	_ = 	snop  }
0x3b: {  	_ = 	snop  }
0x3c: {  	p2 =	seq.s32 s10, $0x1;
	s10 =	sld [smem:$0x3FB6]  }
0x3d: {  	_ =	shalt  }
0x3e: {  	_ =	shalt  }
0x3f: {  	_ =	shalt  }
0x40: {  	_ =	shalt  }
0x41: {  	_ =	shalt  }
0x42: {  	_ =	shalt  }
0x43: {  	_ =	shalt  }
0x44: {  	_ =	shalt  }
0x45: {  	_ =	shalt  }
0x46: {  	_ =	shalt  }
0x47: {  	_ =	shalt  }
0x48: {  	_ =	shalt  }
0x49: {  	_ =	shalt  }
0x4a: {  	_ =	shalt  }
0x4b: {  	_ =	shalt  }
0x4c: {  	_ =	shalt  }
0x4d: {  	_ =	shalt  }
0x4e: {  	_ =	shalt  }
0x4f: {  	_ =	shalt  }
0x50: {  	_ =	shalt  }
0x51: {  	_ =	shalt  }
0x52: {  	_ =	shalt  }
0x53: {  	_ =	shalt  }
0x54: {  	_ =	shalt  }
0x55: {  	_ =	shalt  }
0x56: {  	_ =	shalt  }
0x57: {  	_ =	shalt  }
0x58: {  	_ =	shalt  }
0x59: {  	_ =	shalt  }
0x5a: {  	_ =	shalt  }
0x5b: {  	_ =	shalt  }
0x5c: {  	_ =	shalt  }
0x5d: {  	_ =	shalt  }
0x5e: {  	_ =	shalt  }
0x5f: {  	_ =	shalt  }
0x60: {  	_ =	shalt  }
0x61: {  	_ =	shalt  }
0x62: {  	_ =	shalt  }
0x63: {  	_ =	shalt  }
0x64: {  	_ =	shalt  }
0x65: {  	_ =	shalt  }
0x66: {  	_ =	shalt  }
0x67: {  	_ =	shalt  }
0x68: {  	_ =	shalt  }
0x69: {  	_ =	shalt  }
0x6a: {  	_ =	shalt  }
0x6b: {  	_ =	shalt  }
0x6c: {  	_ =	shalt  }
0x6d: {  	_ =	shalt  }
0x6e: {  	_ =	shalt  }
0x6f: {  	_ =	shalt  }
0x70: {  	_ =	shalt  }
0x71: {  	_ =	shalt  }
0x72: {  	_ =	shalt  }
0x73: {  	_ =	shalt  }
0x74: {  	_ =	shalt  }
0x75: {  	_ =	shalt  }
0x76: {  	_ =	shalt  }
0x77: {  	_ =	shalt  }
0x78: {  	_ =	shalt  }
0x79: {  	_ =	shalt  }
0x7a: {  	_ =	shalt  }
0x7b: {  	_ =	shalt  }
0x7c: {  	_ =	shalt  }
0x7d: {  	_ =	shalt  }
0x7e: {  	_ =	shalt  }
0x7f: {  	_ =	shalt  }
0x80: {  	_ =	shalt  }
0x81: {  	_ =	shalt  }
0x82: {  	_ =	shalt  }
0x83: {  	_ =	shalt  }
0x84: {  	_ =	shalt  }
0x85: {  	_ =	shalt  }
0x86: {  	_ =	shalt  }
0x87: {  	_ =	shalt  }
.Lfunc_end0:
.L_simem_size_0:
called_computation_lowered:
.L_overlay_start_0:
0x88: {  	s2 =	sld [smem:$0x3FD9]  }
0x89: {  	s3 =	sld [smem:$0x3FFE];
	_ =	sdelay $0x1  }
0x8a: {  	s1 =	srdreg.scid  }
0x8b: {  	s0 =	sand.u32 $0x1, s1  }
0x8c: {  	s16 =	sshll.u32 s0, $0xA;
	s2 =	sadd.s32 s3, s2  }
0x8d: {  	s2 =	sadd.s32 s2, s16  }
0x8e: {  	[smem:$0x3FC2] =	sst s2  }
0x8f: {  	_ = 	snop  }
0x90: {  	(tm) =	ssettm $0x1  }
0x91: {  	s17 =	sld [smem:$0x3FFB];
	_ =	sdelay $0x3  }
0x92: {  	_ =	strace s17  }
0x93: {  	s2 =	sld [smem:$0x3FFC];
	_ =	sdelay $0x3  }
0x94: {  	_ =	strace s2  }
0x95: {  	s2 =	sld [smem:$0x3FFD];
	_ =	sdelay $0x3  }
0x96: {  	_ =	strace s2  }
0x97: {  	_ =	strace $0x8FFFFFFF  }
0x98: {  	s18 =	sld [smem:$0x3FDB];
	_ =	sdelay $0x1  }
0x99: {  	s19 =	simm.s32 $_scs_section_size  }
0x9a: {  	s4 =	simm.s32 $_size__tile_overlayer_lowered;
	s5 =	simm.s32 $_tile_overlayer_lowered  }
0x9b: {  	s22 =	simm.s32 $0x1BFF;
	s21 =	sshll.u32 s5, $0x1;
	s2 =	sadd.s32 s19, s18  }
0x9c: {  	s6 =	simm.s32 $0x0;
	s20 =	sshll.u32 s4, $0x1;
	s4 =	sadd.s32 s21, s2  }
0x9d: {  	[timem:s6], [sflag:s22] =	dma.local [hbm:s4], s20  }
0x9e: {  	_ =	swait.ge [sflag:s22], s20  }
0x9f: {  	s3 =	ssub.s32 $0x0, s20;
	[sflag:s22] =	ssyncset.done $0x0  }
0xa0: {  	[sflag:s22] =	ssyncadd.s32 s3;
	_ =	sdelay $0x1  }
0xa1: {  	s23 =	simm.s32 $0x1B8B  }
0xa2: {  	_ =	swait.ge [sflag:s23], $0x1  }
0xa3: {  	[sflag:s23] =	ssyncset.done $0x0  }
0xa4: {  	s25 =	simm.s32 $0x1B8E;
	s24 =	sld [smem:$0x3FFE];
	[sflag:s23] =	ssyncadd.s32 $0xFFFFFFFF  }
0xa5: {  	s26 =	simm.s32 $execute0_lowered;
	[smem:$0x3FD2] =	sst s25  }
0xa6: {  	s4 =	sshll.u32 s26, $0x1;
	_ =	strace $0x80000046;
	[dreg:$0x1] =	wrdreg $0xFFFFFFFF  }
0xa7: {  	s28 =	simm.s32 $_size_execute0_lowered;
	s2 =	sadd.s32 s2, s4;
	[dreg:$0x0] =	wrdreg $0x0  }
0xa8: {  	s4 =	sshll.u32 s28, $0x1;
	[dreg:$0x2] =	wrdreg s2  }
0xa9: {  	[dreg:$0x3] =	wrdreg s4  }
0xaa: {  	[dreg:$0x4] =	wrdreg $0xC0  }
0xab: {  	_ =	task [dreg:s6], $0x5FFFF  }
0xac: {  	[dreg:$0x1] =	wrdreg $0xFFFFFFFF  }
0xad: {  	[dreg:$0x0] =	wrdreg $0x60  }
0xae: {  	[dreg:$0x2] =	wrdreg s24  }
0xaf: {  	[dreg:$0x3] =	wrdreg $0x0  }
0xb0: {  	[dreg:$0x4] =	wrdreg $0x190000  }
0xb1: {  	[dreg:$0x5] =	wrdreg $0x9  }
0xb2: {  	_ =	task.clear_ibuf [dreg:s6], $0x6FFFF;
	_ =	strace $0x90000046  }
0xb3: {  	s29 =	simm.s32 $0x9;
	_ =	strace $0x80000048  }
0xb4: {  	_ =	swait.ge [sflag:s29], $0x1  }
0xb5: {  	[sflag:s29] =	ssyncadd.s32 $0xFFFFFFFF  }
0xb6: {  	_ =	strace $0x90000048  }
0xb7: {  	_ =	sfence  }
0xb8: {  	s30 =	sld [smem:$0x0];
	_ =	sdelay $0x2  }
0xb9: {  	s31 =	sshll.u32 s1, $0xD;
	s1 =	sshrl.u32 s1, $0x2  }
0xba: {  	s3 =	sand.u32 $0x4000, s31;
	s1 =	sadd.s32 s1, s30  }
0xbb: {  	s0 =	sor.u32 s3, s0;
	s1 =	sshll.u32 s1, $0x11  }
0xbc: {  	s0 =	sor.u32 s1, s0  }
0xbd: {  	s0 =	sadd.s32 $0x8F2B, s0  }
0xbe: {  	[sflag:s0] =	ssyncadd.remote.s32 $0x1  }
0xbf: {  	_ =	sfence.sel $0xFFFF  }
0xc0: {  	[dreg:$0x0] =	wrdreg $0xFFFFFFFF;
	(pc) =	sbr.abs _section_cstart, $3  }
0xc1: {  	[dreg:$0x1] =	wrdreg $0xFFFFFFFF  }
0xc2: {  	_ =	task.clear_ibuf [dreg:s6], $0x2FFFF;
	_ =	strace $0x9FFFFFFF  }
0xc3: {  	(tm) =	ssettm $0x7FFFFFFF  }
tec
execute0_lowered:
.L_overlay_start_1:
0x0: {  	(tag) =	ssettag $0x1  }
0x1: {  	s0 =	rddreg [dreg:$0x0]  }
0x2: {  	s24 =	rddreg [dreg:$0x1]  }
0x3: {  	s2 =	rddreg [dreg:$0x2];
	s3 =	simm.s32 $0x0  }
0x4: {  	s1 =	srdreg.scid;
	s11 =	stileid.u32;
	s28 =	simm.s32 $0x1F900  }
0x5: {  	s29 =	simm.s32 $0x1A100;
	s30 =	simm.s32 $0x1A180;
	[smem:$0x7FF] =	sst s3  }
0x6: {  	s12 =	sadd.s32 $0x32000, s0;
	s4 =	sadd.s32 $0xC4A00, s0;
	s1 =	sand.u32 $0x1, s1  }
0x7: {  	s15 =	sadd.s32 $0x64E00, s0;
	s5 =	sshll.u32 s11, $0x7;
	s13 =	sadd.s32 $0x7D600, s0  }
0x8: {  	s6 =	sadd.s32 $0x1200, s0;
	_ =	strace $0x80000047;
	[dreg:$0x5] =	wrdreg s4  }
0x9: {  	s10 =	sadd.s32 $0xF5800, s0;
	s9 =	smul.u32 $0x64000, s11;
	[dreg:$0x6] =	wrdreg s15  }
0xa: {  	s14 =	sadd.s32 $0x159800, s0;
	p1 =	sgt.u32 s11, $0x7;
	[dreg:$0x8] =	wrdreg s6  }
0xb: {  	s16 =	sshll.u32 s1, $0xB;
	s7 =	ssub.s32 $0x2, s1;
	[dreg:$0x9] =	wrdreg s14  }
0xc: {  	s15 =	smul.u32 $0xC80, s11;
	s19 =	sshll.u32 s1, $0x2;
	[dreg:$0x4] =	wrdreg s12  }
0xd: {  	s21 =	smul.u32 $0x6400, s1;
	[dreg:$0x7] =	wrdreg s13;
	s20 =	sadd.s32 s12, s19  }
0xe: {  	s22 =	smul.u32 $0xC800, s1;
	p0 =	seq.s32 s1, $0x0;
	[dreg:$0xc] =	wrdreg s20  }
0xf: {  	s17 =	sor.u32 s5, s16;
	s4 =	sadd.s32 s16, s0;
	[dreg:$0xd] =	wrdreg s21  }
0x10: {  	s8 =	sshrl.u32 s7, $0x1;
	s18 =	sshrl.u32 s9, $0x2;
	[dreg:$0xe] =	wrdreg s22  }
0x11: {  	s6 =	sadd.s32 s17, s0;
	s0 =	sadd.s32 $0x1BD800, s0;
	[dreg:$0xb] =	wrdreg s15  }
0x12: {  	s23 =	sadd.s32 $0x63E00, s4;
	[dreg:$0xa] =	wrdreg s0;
	s25 =	sadd.s32 $0x95E00, s6  }
0x13: {  	s4 =	sadd.s32 $0x62E00, s4;
	s26 =	sadd.s32 $0x95E10, s6;
	[dreg:$0x10] =	wrdreg s25  }
0x14: {  	s0 =	ssub.s32 s7, s8;
	s7 =	sadd.s32 s5, s23;
	[dreg:$0x11] =	wrdreg s26  }
0x15: {  	s14 =	sadd.s32 s18, s24;
	s9 =	sadd.s32 s5, s4;
	[dreg:$0x12] =	wrdreg s7  }
0x16: {  	s17 =	smul.u32 $0x1880, s11;
	s12 =	sadd.s32 $0x95E20, s6;
	[dreg:$0x13] =	wrdreg s9  }
0x17: {  	s22 =	smul.u32 $0xC400, s11;
	s16 =	sadd.s32 $0x95E30, s6;
	[dreg:$0x14] =	wrdreg s12  }
0x18: {  	s11 =	simm.s32 $0x1F980;
	s18 =	sadd.s32 $0x95E40, s6;
	[dreg:$0x15] =	wrdreg s16  }
0x19: {  	s8 =	sshll.u32 s1, $0x5;
	s19 =	sadd.s32 $0x95E50, s6;
	[dreg:$0x16] =	wrdreg s18  }
0x1a: {  	s20 =	sadd.s32 $0x95E60, s6;
	s21 =	sadd.s32 $0x95E70, s6;
	[dreg:$0x17] =	wrdreg s19  }
0x1b: {  	s5 =	simm.s32 $0x1A300;
	s6 =	simm.s32 $0x6;
	[dreg:$0x18] =	wrdreg s20  }
0x1c: {  	s4 =	simm.s32 $0x0;
	[dreg:$0x19] =	wrdreg s21;
	s0 =	smax.u32 s0, $0x1  }
0x1d: {  	s31 =	sadd.s32 s17, s13;
	[dreg:$0x1b] =	wrdreg s22;
	s23 =	sor.u32 $0xFFE7A000, s8  }
0x1e: {  	[dreg:$0xf] =	wrdreg s8;
	s25 =	sor.u32 $0xFFE79600, s8;
	s26 =	ssub.s32 $0xC350, s15  }
0x1f: {  	s22 =	simm.s32 $0x1FA00;
	s21 =	simm.s32 $0x1A200;
	s9 =	simm.s32 $0x1A280  }
0x20: {  	s17 =	simm.s32 $0x1A380;
	s19 =	simm.s32 $0x1A400;
	[dreg:$0x1a] =	wrdreg s0  }
0x21: {  	s20 =	simm.s32 $0x5;
	s13 =	simm.s32 $0x1E480;
	[dreg:$0x1c] =	wrdreg s23  }
0x22: {  	s16 =	simm.s32 $0x1FE00;
	s18 =	simm.s32 $0x1E980;
	[dreg:$0x1d] =	wrdreg s25  }
0x23: {  	s0 =	sadd.s32 s15, s2;
	[dreg:$0x1e] =	wrdreg s26;
	s23 =	simm.s32 $0x7  }
0x24: {  	v0 =	vimm.f32 $1.000000000e+00;
	v1 =	vimm.f32 $0.0e+00;
	s25 =	simm.s32 $0x1A080;
	s26 =	simm.s32 $0x80;
	s15 =	simm.s32 $0x1EC80  }
.LBB2_1:
0x25: {  	[tilespmem:$0x1F900] =	vst v0  }
0x26: {  	[tilespmem:$0x1F980] =	vst v1  }
0x27: {  	[tilespmem:$0x1F910] =	vst v0  }
0x28: {  	[tilespmem:$0x1F990] =	vst v1  }
0x29: {  	[tilespmem:$0x1F920] =	vst v0  }
0x2a: {  	[tilespmem:$0x1F9A0] =	vst v1  }
0x2b: {  	[tilespmem:$0x1F930] =	vst v0  }
0x2c: {  	[tilespmem:$0x1F9B0] =	vst v1  }
0x2d: {  	[tilespmem:$0x1F940] =	vst v0  }
0x2e: {  	[tilespmem:$0x1F9C0] =	vst v1  }
0x2f: {  	[tilespmem:$0x1F950] =	vst v0  }
0x30: {  	[tilespmem:$0x1F9D0] =	vst v1  }
0x31: {  	[tilespmem:$0x1F960] =	vst v0  }
0x32: {  	[tilespmem:$0x1F9E0] =	vst v1  }
0x33: {  	[tilespmem:$0x1F970] =	vst v0  }
0x34: {  	[tilespmem:$0x1F9F0] =	vst v1  }
0x35: {  	[tilespmem:$0x1FA00] =	vst v1  }
0x36: {  	[tilespmem:$0x1FA10] =	vst v1  }
0x37: {  	[tilespmem:$0x1FA20] =	vst v1  }
0x38: {  	[tilespmem:$0x1FA30] =	vst v1  }
0x39: {  	[tilespmem:$0x1FA40] =	vst v1  }
0x3a: {  	[tilespmem:$0x1FA50] =	vst v1  }
0x3b: {  	[tilespmem:$0x1FA60] =	vst v1  }
0x3c: {  	[tilespmem:$0x1FA70] =	vst v1  }
0x3d: {  	[tilespmem:$0x1FA80] =	vst v1  }
0x3e: {  	[tilespmem:$0x1FA90] =	vst v1  }
0x3f: {  	[tilespmem:$0x1FAA0] =	vst v1  }
0x40: {  	[tilespmem:$0x1FAB0] =	vst v1  }
0x41: {  	[tilespmem:$0x1FAC0] =	vst v1  }
0x42: {  	[tilespmem:$0x1FAD0] =	vst v1  }
0x43: {  	[tilespmem:$0x1FAE0] =	vst v1  }
0x44: {  	[tilespmem:$0x1FAF0] =	vst v1  }
0x45: {  	[tilespmem:$0x1FB00] =	vst v1  }
0x46: {  	[tilespmem:$0x1FB10] =	vst v1  }
0x47: {  	[tilespmem:$0x1FB20] =	vst v1  }
0x48: {  	[tilespmem:$0x1FB30] =	vst v1  }
0x49: {  	[tilespmem:$0x1FB40] =	vst v1  }
0x4a: {  	[tilespmem:$0x1FB50] =	vst v1  }
0x4b: {  	[tilespmem:$0x1FB60] =	vst v1  }
0x4c: {  	[tilespmem:$0x1FB70] =	vst v1  }
0x4d: {  	[tilespmem:$0x1FB80] =	vst v1  }
0x4e: {  	[tilespmem:$0x1FB90] =	vst v1  }
0x4f: {  	[tilespmem:$0x1FBA0] =	vst v1  }
0x50: {  	[tilespmem:$0x1FBB0] =	vst v1  }
0x51: {  	[tilespmem:$0x1FBC0] =	vst v1  }
0x52: {  	[tilespmem:$0x1FBD0] =	vst v1  }
0x53: {  	[tilespmem:$0x1FBE0] =	vst v1  }
0x54: {  	[tilespmem:$0x1FBF0] =	vst v1  }
0x55: {  	[tilespmem:$0x1FC00] =	vst v1  }
0x56: {  	[tilespmem:$0x1FC10] =	vst v1  }
0x57: {  	[tilespmem:$0x1FC20] =	vst v1  }
0x58: {  	[tilespmem:$0x1FC30] =	vst v1  }
0x59: {  	[tilespmem:$0x1FC40] =	vst v1  }
0x5a: {  	[tilespmem:$0x1FC50] =	vst v1  }
0x5b: {  	[tilespmem:$0x1FC60] =	vst v1  }
0x5c: {  	[tilespmem:$0x1FC70] =	vst v1  }
0x5d: {  	[tilespmem:$0x1FC80] =	vst v1  }
0x5e: {  	[tilespmem:$0x1FC90] =	vst v1  }
0x5f: {  	[tilespmem:$0x1FCA0] =	vst v1  }
0x60: {  	[tilespmem:$0x1FCB0] =	vst v1  }
0x61: {  	[tilespmem:$0x1FCC0] =	vst v1  }
0x62: {  	[tilespmem:$0x1FCD0] =	vst v1  }
0x63: {  	[tilespmem:$0x1FCE0] =	vst v1  }
0x64: {  	[tilespmem:$0x1FCF0] =	vst v1  }
0x65: {  	[tilespmem:$0x1FD00] =	vst v1  }
0x66: {  	[tilespmem:$0x1FD10] =	vst v1  }
0x67: {  	[tilespmem:$0x1FD20] =	vst v1  }
0x68: {  	[tilespmem:$0x1FD30] =	vst v1  }
0x69: {  	[tilespmem:$0x1FD40] =	vst v1  }
0x6a: {  	[tilespmem:$0x1FD50] =	vst v1  }
0x6b: {  	[tilespmem:$0x1FD60] =	vst v1  }
0x6c: {  	[tilespmem:$0x1FD70] =	vst v1  }
0x6d: {  	[tilespmem:$0x1FD80] =	vst v1  }
0x6e: {  	[tilespmem:$0x1FD90] =	vst v1  }
0x6f: {  	[tilespmem:$0x1FDA0] =	vst v1  }
0x70: {  	[tilespmem:$0x1FDB0] =	vst v1  }
0x71: {  	[tilespmem:$0x1FDC0] =	vst v1  }
0x72: {  	[tilespmem:$0x1FDD0] =	vst v1  }
0x73: {  	[tilespmem:$0x1FDE0] =	vst v1  }
0x74: {  	[dreg:$0x1f] =	wrdreg s4;
	[tilespmem:$0x1FDF0] =	vst v1;
	s1 =	sadd.s32 $0x0, s14  }
0x75: {  	[spmem:s1] =	stream.linear.scatter [tilespmem:s22], [sflag:$0x7], $0x400, $0x38;
	[tilespmem:$0x1FE80] =	vst v63  }
0x76: {  	_ =	swait.ge [sflag:s23], $0x400  }
0x77: {  	[sflag:s23] =	ssyncset.done $0x0  }
0x78: {  	s1 =	sadd.s32 $0x400, s1;
	[sflag:s23] =	ssyncadd.s32 $0xFFFFFC00  }
0x79: {  	[spmem:s1] =	stream.linear.scatter [tilespmem:s22], [sflag:$0x7], $0x400, $0x38;
	[tilespmem:$0x1FE80] =	vst v63  }
0x7a: {  	_ =	swait.ge [sflag:s23], $0x400  }
0x7b: {  	s4 =	simm.s32 $0x800;
	s1 =	simm.s32 $0x4000;
	[sflag:s23] =	ssyncset.done $0x0  }
.LBB2_2:
0x7c: {  	s4 =	sadd.s32 s4, s14  }
0x7d: {  	[sflag:s23] =	ssyncadd.s32 $0xFFFFFC00;
	s7 =	smov.u32 s1;
	s8 =	sadd.s32 $0x2000, s1  }
0x7e: {  	[spmem:s4] =	stream.linear.scatter [tilespmem:s22], [sflag:$0x7], $0x400, $0x38;
	[tilespmem:$0x1FE80] =	vst v63  }
0x7f: {  	p2 =	sne.s32 s1, $0x62000;
	_ =	swait.ge [sflag:s23], $0x400  }
.Ltmp0:
0x80: {  	[sflag:s23] =	ssyncset.done $0x0;
	(pc) =	sbr.rel @p2 .LBB2_2-.Ltmp0, $4  }
0x81: {  	s1 =	sadd.s32 $0x400, s4;
	[sflag:s23] =	ssyncadd.s32 $0xFFFFFC00  }
0x82: {  	[spmem:s1] =	stream.linear.scatter [tilespmem:s22], [sflag:$0x7], $0x400, $0x38;
	[tilespmem:$0x1FE80] =	vst v63  }
0x83: {  	_ =	swait.ge [sflag:s23], $0x400  }
0x84: {  	s4 =	sshra.s32 s7, $0x2;
	s1 =	smov.u32 s8;
	[sflag:s23] =	ssyncset.done $0x0  }
0x85: {  	s1 =	sadd.s32 s4, s14;
	[sflag:s23] =	ssyncadd.s32 $0xFFFFFC00  }
0x86: {  	[spmem:s1] =	stream.linear.scatter [tilespmem:s22], [sflag:$0x7], $0x400, $0x38;
	[tilespmem:$0x1FE80] =	vst v63  }
0x87: {  	_ =	swait.ge [sflag:s23], $0x400  }
0x88: {  	[sflag:s23] =	ssyncset.done $0x0  }
0x89: {  	s1 =	sadd.s32 $0x400, s1;
	[sflag:s23] =	ssyncadd.s32 $0xFFFFFC00  }
0x8a: {  	[spmem:s1] =	stream.linear.scatter [tilespmem:s22], [sflag:$0x7], $0x400, $0x38;
	[tilespmem:$0x1FE80] =	vst v63  }
0x8b: {  	_ =	swait.ge [sflag:s23], $0x400  }
0x8c: {  	[sflag:s23] =	ssyncset.done $0x0  }
0x8d: {  	s12 =	sadd.s32 $0x0, s0;
	[sflag:s23] =	ssyncadd.s32 $0xFFFFFC00  }
0x8e: {  	[spmem:s12] =	stream.linear.scatter [tilespmem:s11], [sflag:$0x7], $0x80, $0x38;
	[tilespmem:$0x1FE80] =	vst v63  }
0x8f: {  	s1 =	simm.s32 $0x200;
	_ =	swait.ge [sflag:s23], $0x80  }
.LBB2_4:
0x90: {  	s4 =	sshra.s32 s1, $0x2;
	[sflag:s23] =	ssyncset.done $0x0;
	p2 =	sne.s32 s1, $0x3000  }
.Ltmp1:
0x91: {  	s4 =	sadd.s32 s4, s0;
	[sflag:s23] =	ssyncadd.s32 $0xFFFFFF80;
	(pc) =	sbr.rel @p2 .LBB2_4-.Ltmp1, $3  }
0x92: {  	[spmem:s4] =	stream.linear.scatter [tilespmem:s11], [sflag:$0x7], $0x80, $0x38;
	[tilespmem:$0x1FE80] =	vst v63  }
0x93: {  	s1 =	sadd.s32 $0x200, s1;
	_ =	sdelay $0x1  }
0x94: {  	_ =	swait.ge [sflag:s23], $0x80  }
0x95: {  	[sflag:s23] =	ssyncset.done $0x0  }
0x96: {  	[sflag:s23] =	ssyncadd.s32 $0xFFFFFF80  }
0x97: {  	s1 =	sadd.s32 $0x0, s31;
	[bflag:$0x0] =	sbarrier.arrive $0xFFFF  }
0x98: {  	[tilespmem:s25], [sflag:$0x7] =	stream.linear.gather [hbm4b:s1+s3], $0x400, $0x38;
	[tilespmem:$0x1FE80] =	vst v63  }
0x99: {  	_ =	swait.ge [sflag:s23], $0x400  }
0x9a: {  	[sflag:s23] =	ssyncset.done $0x0  }
0x9b: {  	[sflag:s23] =	ssyncadd.s32 $0xFFFFFC00  }
0x9c: {  	[spmem:s2] =	stream.indirect.scatter.add.f32 [tilespmem:s28], [sflag:$0x5], $0x1, s25, s26, $0xb8;
	[tilespmem:$0x1FE80] =	vst v63  }
0x9d: {  	_ = 	snop  }
0x9e: {  	[spmem:s2] =	stream.indirect.scatter.add.f32 [tilespmem:s28], [sflag:$0x6], $0x1, s29, s26, $0xb8;
	[tilespmem:$0x1FE80] =	vst v63  }
0x9f: {  	_ = 	snop  }
0xa0: {  	[spmem:s2] =	stream.indirect.scatter.add.f32 [tilespmem:s28], [sflag:$0x5], $0x1, s30, s26, $0xb8;
	[tilespmem:$0x1FE80] =	vst v63  }
0xa1: {  	_ = 	snop  }
0xa2: {  	[spmem:s2] =	stream.indirect.scatter.add.f32 [tilespmem:s28], [sflag:$0x6], $0x1, s21, s26, $0xb8;
	[tilespmem:$0x1FE80] =	vst v63  }
0xa3: {  	_ = 	snop  }
0xa4: {  	[spmem:s2] =	stream.indirect.scatter.add.f32 [tilespmem:s28], [sflag:$0x5], $0x1, s9, s26, $0xb8;
	[tilespmem:$0x1FE80] =	vst v63  }
0xa5: {  	_ = 	snop  }
0xa6: {  	[spmem:s2] =	stream.indirect.scatter.add.f32 [tilespmem:s28], [sflag:$0x6], $0x1, s5, s26, $0xb8;
	[tilespmem:$0x1FE80] =	vst v63  }
0xa7: {  	_ = 	snop  }
0xa8: {  	[spmem:s2] =	stream.indirect.scatter.add.f32 [tilespmem:s28], [sflag:$0x5], $0x1, s17, s26, $0xb8;
	[tilespmem:$0x1FE80] =	vst v63  }
0xa9: {  	_ = 	snop  }
0xaa: {  	[spmem:s2] =	stream.indirect.scatter.add.f32 [tilespmem:s28], [sflag:$0x6], $0x1, s19, s26, $0xb8;
	[tilespmem:$0x1FE80] =	vst v63  }
0xab: {  	_ =	swait.ge [sflag:s20], $0x80  }
0xac: {  	[sflag:s20] =	ssyncset.done $0x0  }
0xad: {  	[sflag:s20] =	ssyncadd.s32 $0xFFFFFF80  }
0xae: {  	_ =	swait.ge [sflag:s6], $0x80  }
0xaf: {  	[sflag:s6] =	ssyncset.done $0x0  }
0xb0: {  	[sflag:s6] =	ssyncadd.s32 $0xFFFFFF80  }
0xb1: {  	_ =	swait.ge [sflag:s20], $0x80  }
0xb2: {  	[sflag:s20] =	ssyncset.done $0x0  }
0xb3: {  	[sflag:s20] =	ssyncadd.s32 $0xFFFFFF80  }
0xb4: {  	_ =	swait.ge [sflag:s6], $0x80  }
0xb5: {  	[sflag:s6] =	ssyncset.done $0x0  }
0xb6: {  	[sflag:s6] =	ssyncadd.s32 $0xFFFFFF80  }
0xb7: {  	_ =	swait.ge [sflag:s20], $0x80  }
0xb8: {  	[sflag:s20] =	ssyncset.done $0x0  }
0xb9: {  	[sflag:s20] =	ssyncadd.s32 $0xFFFFFF80  }
0xba: {  	_ =	swait.ge [sflag:s6], $0x80  }
0xbb: {  	[sflag:s6] =	ssyncset.done $0x0  }
0xbc: {  	[sflag:s6] =	ssyncadd.s32 $0xFFFFFF80  }
0xbd: {  	_ =	swait.ge [sflag:s20], $0x80  }
0xbe: {  	[sflag:s20] =	ssyncset.done $0x0  }
0xbf: {  	[sflag:s20] =	ssyncadd.s32 $0xFFFFFF80  }
0xc0: {  	_ =	swait.ge [sflag:s6], $0x80  }
0xc1: {  	s8 =	simm.s32 $0x80;
	s1 =	simm.s32 $0x100;
	[sflag:s6] =	ssyncset.done $0x0  }
.LBB2_6:
0xc2: {  	s4 =	sadd.s32 s8, s31  }
0xc3: {  	[sflag:s6] =	ssyncadd.s32 $0xFFFFFF80;
	s8 =	smov.u32 s1;
	s11 =	sadd.s32 $0x80, s1  }
0xc4: {  	[tilespmem:s25], [sflag:$0x7] =	stream.linear.gather [hbm4b:s4+s3], $0x400, $0x38;
	[tilespmem:$0x1FE80] =	vst v63  }
0xc5: {  	p2 =	sne.s32 s1, $0x1800;
	_ =	swait.ge [sflag:s23], $0x400  }
0xc6: {  	[sflag:s23] =	ssyncset.done $0x0  }
0xc7: {  	[sflag:s23] =	ssyncadd.s32 $0xFFFFFC00  }
0xc8: {  	[spmem:s2] =	stream.indirect.scatter.add.f32 [tilespmem:s28], [sflag:$0x5], $0x1, s25, s26, $0xb8;
	[tilespmem:$0x1FE80] =	vst v63  }
0xc9: {  	_ = 	snop  }
0xca: {  	[spmem:s2] =	stream.indirect.scatter.add.f32 [tilespmem:s28], [sflag:$0x6], $0x1, s29, s26, $0xb8;
	[tilespmem:$0x1FE80] =	vst v63  }
0xcb: {  	_ = 	snop  }
0xcc: {  	[spmem:s2] =	stream.indirect.scatter.add.f32 [tilespmem:s28], [sflag:$0x5], $0x1, s30, s26, $0xb8;
	[tilespmem:$0x1FE80] =	vst v63  }
0xcd: {  	_ = 	snop  }
0xce: {  	[spmem:s2] =	stream.indirect.scatter.add.f32 [tilespmem:s28], [sflag:$0x6], $0x1, s21, s26, $0xb8;
	[tilespmem:$0x1FE80] =	vst v63  }
0xcf: {  	_ = 	snop  }
0xd0: {  	[spmem:s2] =	stream.indirect.scatter.add.f32 [tilespmem:s28], [sflag:$0x5], $0x1, s9, s26, $0xb8;
	[tilespmem:$0x1FE80] =	vst v63  }
0xd1: {  	_ = 	snop  }
0xd2: {  	[spmem:s2] =	stream.indirect.scatter.add.f32 [tilespmem:s28], [sflag:$0x6], $0x1, s5, s26, $0xb8;
	[tilespmem:$0x1FE80] =	vst v63  }
0xd3: {  	_ = 	snop  }
0xd4: {  	[spmem:s2] =	stream.indirect.scatter.add.f32 [tilespmem:s28], [sflag:$0x5], $0x1, s17, s26, $0xb8;
	[tilespmem:$0x1FE80] =	vst v63  }
0xd5: {  	_ = 	snop  }
0xd6: {  	[spmem:s2] =	stream.indirect.scatter.add.f32 [tilespmem:s28], [sflag:$0x6], $0x1, s19, s26, $0xb8;
	[tilespmem:$0x1FE80] =	vst v63  }
0xd7: {  	_ =	swait.ge [sflag:s20], $0x80  }
0xd8: {  	[sflag:s20] =	ssyncset.done $0x0  }
0xd9: {  	[sflag:s20] =	ssyncadd.s32 $0xFFFFFF80  }
0xda: {  	_ =	swait.ge [sflag:s6], $0x80  }
0xdb: {  	[sflag:s6] =	ssyncset.done $0x0  }
0xdc: {  	[sflag:s6] =	ssyncadd.s32 $0xFFFFFF80  }
0xdd: {  	_ =	swait.ge [sflag:s20], $0x80  }
0xde: {  	[sflag:s20] =	ssyncset.done $0x0  }
0xdf: {  	[sflag:s20] =	ssyncadd.s32 $0xFFFFFF80  }
0xe0: {  	_ =	swait.ge [sflag:s6], $0x80  }
0xe1: {  	[sflag:s6] =	ssyncset.done $0x0  }
0xe2: {  	[sflag:s6] =	ssyncadd.s32 $0xFFFFFF80  }
0xe3: {  	_ =	swait.ge [sflag:s20], $0x80  }
0xe4: {  	[sflag:s20] =	ssyncset.done $0x0  }
0xe5: {  	[sflag:s20] =	ssyncadd.s32 $0xFFFFFF80  }
0xe6: {  	_ =	swait.ge [sflag:s6], $0x80  }
0xe7: {  	[sflag:s6] =	ssyncset.done $0x0  }
0xe8: {  	[sflag:s6] =	ssyncadd.s32 $0xFFFFFF80  }
.Ltmp2:
0xe9: {  	_ =	swait.ge [sflag:s20], $0x80;
	(pc) =	sbr.rel @p2 .LBB2_6-.Ltmp2, $4  }
0xea: {  	[sflag:s20] =	ssyncset.done $0x0  }
0xeb: {  	[sflag:s20] =	ssyncadd.s32 $0xFFFFFF80  }
0xec: {  	_ =	swait.ge [sflag:s6], $0x80  }
0xed: {  	s1 =	smov.u32 s11;
	[sflag:s6] =	ssyncset.done $0x0  }
0xee: {  	s1 =	sadd.s32 s8, s31;
	[sflag:s6] =	ssyncadd.s32 $0xFFFFFF80  }
0xef: {  	[tilespmem:s25], [sflag:$0x7] =	stream.linear.gather [hbm4b:s1+s3], $0x400, $0x38;
	[tilespmem:$0x1FE80] =	vst v63  }
0xf0: {  	_ =	swait.ge [sflag:s23], $0x400  }
0xf1: {  	[sflag:s23] =	ssyncset.done $0x0  }
0xf2: {  	[sflag:s23] =	ssyncadd.s32 $0xFFFFFC00  }
0xf3: {  	[spmem:s2] =	stream.indirect.scatter.add.f32 [tilespmem:s28], [sflag:$0x5], $0x1, s25, s26, $0xb8;
	[tilespmem:$0x1FE80] =	vst v63  }
0xf4: {  	_ = 	snop  }
0xf5: {  	[spmem:s2] =	stream.indirect.scatter.add.f32 [tilespmem:s28], [sflag:$0x6], $0x1, s29, s26, $0xb8;
	[tilespmem:$0x1FE80] =	vst v63  }
0xf6: {  	_ = 	snop  }
0xf7: {  	[spmem:s2] =	stream.indirect.scatter.add.f32 [tilespmem:s28], [sflag:$0x5], $0x1, s30, s26, $0xb8;
	[tilespmem:$0x1FE80] =	vst v63  }
0xf8: {  	_ = 	snop  }
0xf9: {  	[spmem:s2] =	stream.indirect.scatter.add.f32 [tilespmem:s28], [sflag:$0x6], $0x1, s21, s26, $0xb8;
	[tilespmem:$0x1FE80] =	vst v63  }
0xfa: {  	_ = 	snop  }
0xfb: {  	[spmem:s2] =	stream.indirect.scatter.add.f32 [tilespmem:s28], [sflag:$0x5], $0x1, s9, s26, $0xb8;
	[tilespmem:$0x1FE80] =	vst v63  }
0xfc: {  	_ = 	snop  }
0xfd: {  	[spmem:s2] =	stream.indirect.scatter.add.f32 [tilespmem:s28], [sflag:$0x6], $0x1, s5, s26, $0xb8;
	[tilespmem:$0x1FE80] =	vst v63  }
0xfe: {  	_ = 	snop  }
0xff: {  	[spmem:s2] =	stream.indirect.scatter.add.f32 [tilespmem:s28], [sflag:$0x5], $0x1, s17, s26, $0xb8;
	[tilespmem:$0x1FE80] =	vst v63  }
0x100: {  	_ = 	snop  }
0x101: {  	[spmem:s2] =	stream.indirect.scatter.add.f32 [tilespmem:s28], [sflag:$0x6], $0x1, s19, s26, $0xb8;
	[tilespmem:$0x1FE80] =	vst v63  }
0x102: {  	_ =	swait.ge [sflag:s20], $0x80  }
0x103: {  	[sflag:s20] =	ssyncset.done $0x0  }
0x104: {  	[sflag:s20] =	ssyncadd.s32 $0xFFFFFF80  }
0x105: {  	_ =	swait.ge [sflag:s6], $0x80  }
0x106: {  	[sflag:s6] =	ssyncset.done $0x0  }
0x107: {  	[sflag:s6] =	ssyncadd.s32 $0xFFFFFF80  }
0x108: {  	_ =	swait.ge [sflag:s20], $0x80  }
0x109: {  	[sflag:s20] =	ssyncset.done $0x0  }
0x10a: {  	[sflag:s20] =	ssyncadd.s32 $0xFFFFFF80  }
0x10b: {  	_ =	swait.ge [sflag:s6], $0x80  }
0x10c: {  	[sflag:s6] =	ssyncset.done $0x0  }
0x10d: {  	[sflag:s6] =	ssyncadd.s32 $0xFFFFFF80  }
0x10e: {  	_ =	swait.ge [sflag:s20], $0x80  }
0x10f: {  	[sflag:s20] =	ssyncset.done $0x0  }
0x110: {  	[sflag:s20] =	ssyncadd.s32 $0xFFFFFF80  }
0x111: {  	_ =	swait.ge [sflag:s6], $0x80  }
0x112: {  	[sflag:s6] =	ssyncset.done $0x0  }
0x113: {  	[sflag:s6] =	ssyncadd.s32 $0xFFFFFF80  }
0x114: {  	_ =	swait.ge [sflag:s20], $0x80  }
0x115: {  	[sflag:s20] =	ssyncset.done $0x0  }
0x116: {  	[sflag:s20] =	ssyncadd.s32 $0xFFFFFF80  }
0x117: {  	_ =	swait.ge [sflag:s6], $0x80  }
0x118: {  	[sflag:s6] =	ssyncset.done $0x0  }
0x119: {  	[sflag:s6] =	ssyncadd.s32 $0xFFFFFF80  }
0x11a: {  	[bflag:$0x0] =	sbarrier.arrive $0xFFFF  }
0x11b: {  	[tilespmem:s15], [sflag:$0x7] =	stream.linear.gather [spmem:s0], $0xC80, $0x38;
	[tilespmem:$0x1FE80] =	vst v63  }
0x11c: {  	_ =	swait.ge [sflag:s23], $0xC80  }
0x11d: {  	s8 =	simm.s32 $0x0;
	[sflag:s23] =	ssyncset.done $0x0  }
0x11e: {  	s4 =	simm.s32 $0x40;
	s17 =	simm.s32 $0x0;
	[sflag:s23] =	ssyncadd.s32 $0xFFFFF380  }
.LBB2_8:
0x11f: {  	p2 =	sne.s32 s4, $0x31C0;
	v2 =	vld [tilespmem:s8+$0x1EC80];
	_ =	sdelay $0x4  }
0x120: {  	v3 =	vshra.s32 v2, $0x1;
	v4 =	vmul.f32 $5.000000000e-01, v2  }
0x121: {  	v3 =	vsub.s32 $0x5F3759DF, v3  }
0x122: {  	v5 =	vmul.f32 v3, v4;
	_ =	sdelay $0x1  }
0x123: {  	v5 =	vmul.f32 v3, v5;
	_ =	sdelay $0x1  }
0x124: {  	v5 =	vsub.f32 $1.500000000e+00, v5;
	_ =	sdelay $0x1  }
0x125: {  	v3 =	vmul.f32 v3, v5;
	_ =	sdelay $0x1  }
0x126: {  	v5 =	vmul.f32 v3, v4;
	_ =	sdelay $0x1  }
0x127: {  	v5 =	vmul.f32 v5, v3;
	_ =	sdelay $0x1  }
0x128: {  	v5 =	vsub.f32 $1.500000000e+00, v5;
	_ =	sdelay $0x1  }
0x129: {  	v3 =	vmul.f32 v5, v3;
	_ =	sdelay $0x1  }
0x12a: {  	v4 =	vmul.f32 v3, v4;
	_ =	sdelay $0x1  }
0x12b: {  	v4 =	vmul.f32 v4, v3;
	_ =	sdelay $0x1  }
0x12c: {  	v4 =	vsub.f32 $1.500000000e+00, v4  }
.Ltmp3:
0x12d: {  	(pc) =	sbr.rel @p2 .LBB2_8-.Ltmp3, $4  }
0x12e: {  	v3 =	vmul.f32 v4, v3  }
0x12f: {  	vm0 =	vgt.f32 v2, $0.0e+00  }
0x130: {  	v2 =	vnsel vm0, $0x0, v3  }
0x131: {  	[tilespmem:s8+$0x1EC80] =	vst v2;
	s8 =	sshra.s32 s4, $0x2;
	s4 =	sadd.s32 $0x40, s4  }
0x132: {  	v2 =	vld [tilespmem:s8+$0x1EC80];
	_ =	sdelay $0x4  }
0x133: {  	v3 =	vshra.s32 v2, $0x1;
	v4 =	vmul.f32 $5.000000000e-01, v2  }
0x134: {  	v3 =	vsub.s32 $0x5F3759DF, v3  }
0x135: {  	v5 =	vmul.f32 v3, v4;
	_ =	sdelay $0x1  }
0x136: {  	v5 =	vmul.f32 v3, v5;
	_ =	sdelay $0x1  }
0x137: {  	v5 =	vsub.f32 $1.500000000e+00, v5;
	_ =	sdelay $0x1  }
0x138: {  	v3 =	vmul.f32 v3, v5;
	_ =	sdelay $0x1  }
0x139: {  	v5 =	vmul.f32 v3, v4;
	_ =	sdelay $0x1  }
0x13a: {  	v5 =	vmul.f32 v5, v3;
	_ =	sdelay $0x1  }
0x13b: {  	v5 =	vsub.f32 $1.500000000e+00, v5;
	_ =	sdelay $0x1  }
0x13c: {  	v3 =	vmul.f32 v5, v3;
	_ =	sdelay $0x1  }
0x13d: {  	v4 =	vmul.f32 v3, v4;
	_ =	sdelay $0x1  }
0x13e: {  	v4 =	vmul.f32 v4, v3;
	_ =	sdelay $0x1  }
0x13f: {  	v4 =	vsub.f32 $1.500000000e+00, v4  }
.Ltmp4:
0x140: {  	_ = 	snop;
	(pc) =	sbr.rel .LBB2_10-.Ltmp4, $4  }
0x141: {  	v3 =	vmul.f32 v4, v3  }
0x142: {  	vm0 =	vgt.f32 v2, $0.0e+00  }
0x143: {  	v2 =	vnsel vm0, $0x0, v3  }
0x144: {  	s11 =	simm.s32 $0x0;
	[tilespmem:s8+$0x1EC80] =	vst v2;
	s8 =	rddreg [dreg:$0x1e]  }
.LBB2_12:
0x145: {  	_ = 	snop  }
.LBB2_17:
0x146: {  	_ =	sdelay $0x1  }
0x147: {  	[tilespmem:s7+$0x1E480] =	vst @p2 v4  }
0x148: {  	v4 =	vld [tilespmem:s4+$0x1E480];
	[tilespmem:s7+$0x1E490] =	vst @p2 v3  }
0x149: {  	v2 =	vld.idx.msk [tilespmem:v2+s15+$0x0], $0xffff  }
0x14a: {  	v3 =	vld [tilespmem:s4+$0x1E490];
	_ =	sdelay $0x3  }
0x14b: {  	v4 =	vmul.f32 v4, v2  }
0x14c: {  	v2 =	vmul.f32 v3, v2  }
0x14d: {  	[tilespmem:s4+$0x1E480] =	vst v4  }
0x14e: {  	s1 =	simm.s32 $0x8;
	[tilespmem:s4+$0x1E490] =	vst v2  }
.LBB2_39:
0x14f: {  	s4 =	rddreg [dreg:$0xe]  }
0x150: {  	s11 =	sadd.s32 $0x1, s11;
	s4 =	sadd.s32 s4, s12  }
0x151: {  	p2 =	sne.s32 s11, $0x32;
	s4 =	sshll.u32 s4, $0x2  }
.Ltmp5:
0x152: {  	s4 =	sadd.s32 s10, s4;
	(pc) =	sbr.rel @!p2 .LBB2_40-.Ltmp5, $4  }
0x153: {  	[hbm4b:s4+s3] =	stream.linear.scatter [tilespmem:s13], [sflag:s1], $0x800, $0x38;
	[tilespmem:$0x1FE80] =	vst v63  }
0x154: {  	_ =	swait.ge [sflag:s1], $0x800  }
0x155: {  	s8 =	sadd.s32 $0xFFFFFFC0, s8;
	[sflag:s1] =	ssyncset.done $0x0  }
0x156: {  	s17 =	sadd.s32 $0x40, s17;
	s7 =	simm.s32 $0x19C80;
	[sflag:s1] =	ssyncadd.s32 $0xFFFFF800  }
.LBB2_10:
0x157: {  	s1 =	sshll.u32 s11, $0x6;
	s4 =	rddreg [dreg:$0xb]  }
0x158: {  	s12 =	sadd.s32 s4, s1  }
0x159: {  	p2 =	sgt.u32 s12, $0x6168  }
.Ltmp6:
0x15a: {  	_ = 	snop;
	(pc) =	sbr.rel @p2 .LBB2_18-.Ltmp6, $1  }
0x15b: {  	_ =	sdelay $0x3  }
0x15c: {  	s1 =	sshll.u32 s12, $0x3;
	s4 =	rddreg [dreg:$0xc]  }
0x15d: {  	s30 =	simm.s32 $0x20;
	s7 =	simm.s32 $0x40;
	s1 =	sadd.s32 s1, s4  }
0x15e: {  	[tilespmem:s13], [sflag:$0x8] =	stream.strided.gather [hbm4b:s1+s30], $0x800, s7, s30, $0x38;
	[tilespmem:$0x1FE80] =	vst v63  }
0x15f: {  	s7 =	simm.s32 $0x8  }
0x160: {  	_ =	swait.ge [sflag:s7], $0x800  }
0x161: {  	s4 =	rddreg [dreg:$0xd]  }
0x162: {  	p3 =	por $0x0, $0x0;
	s30 =	simm.s32 $0x0;
	s1 =	sadd.s32 s4, s12  }
0x163: {  	[sflag:s7] =	ssyncset.done $0x0;
	s5 =	rddreg [dreg:$0xa];
	s1 =	sshll.u32 s1, $0x2  }
.Ltmp7:
0x164: {  	[sflag:s7] =	ssyncadd.s32 $0xFFFFF800;
	s1 =	sadd.s32 s5, s1;
	(pc) =	sbr.rel @p3 .LBB2_12-.Ltmp7, $4  }
0x165: {  	[hbm4b:s1+s30] =	stream.linear.scatter [tilespmem:s13], [sflag:$0x8], $0x800, $0x38;
	[tilespmem:$0x1FE80] =	vst v63  }
0x166: {  	_ =	swait.ge [sflag:s7], $0x800  }
0x167: {  	[sflag:s7] =	ssyncset.done $0x0  }
0x168: {  	v2 =	vmov s17;
	p2 =	por $0x0, $0x0;
	s4 =	simm.s32 $0x0;
	[sflag:s7] =	ssyncadd.s32 $0xFFFFF800  }
0x169: {  	_ =	sdelay $0x2  }
0x16a: {  	v3 =	vld [tilespmem:s4+$0x1E480]  }
0x16b: {  	v5 =	vld.idx.msk [tilespmem:v2+s15+$0x0], $0xffff  }
0x16c: {  	v6 =	vld [tilespmem:s4+$0x1E490];
	p3 =	por $0x0, $0x0  }
.Ltmp8:
0x16d: {  	_ = 	snop;
	(pc) =	sbr.rel @p3 .LBB2_14-.Ltmp8, $4  }
0x16e: {  	_ = 	snop  }
0x16f: {  	s7 =	sadd.s32 $0x1, s17  }
0x170: {  	v2 =	vmov s7  }
0x171: {  	s1 =	simm.s32 $0x20;
	s13 =	simm.s32 $0x100;
	p2 =	por $0x1, $0x1;
	v4 =	vmul.f32 v3, v5;
	v3 =	vmul.f32 v6, v5  }
.LBB2_15:
0x172: {  	_ = 	snop  }
0x173: {  	s24 =	sshra.s32 s13, $0x2;
	p3 =	seq.s32 s13, $0x1F80;
	s13 =	sadd.s32 $0x80, s13;
	[tilespmem:s4+$0x1E480] =	vst v4  }
0x174: {  	v4 =	vld [tilespmem:s1+$0x1E480];
	[tilespmem:s4+$0x1E490] =	vst v3;
	s4 =	smov.u32 s1;
	s1 =	smov.u32 s24  }
0x175: {  	v3 =	vld.idx.msk [tilespmem:v2+s15+$0x0], $0xffff  }
0x176: {  	v5 =	vld [tilespmem:s4+$0x1E490]  }
.Ltmp9:
0x177: {  	(pc) =	sbr.rel @!p3 .LBB2_15-.Ltmp9, $4  }
0x178: {  	_ = 	snop  }
0x179: {  	s7 =	sadd.s32 $0x1, s7  }
0x17a: {  	v2 =	vmov s7  }
0x17b: {  	v4 =	vmul.f32 v4, v3;
	v3 =	vmul.f32 v5, v3  }
.Ltmp10:
0x17c: {  	(pc) =	sbr.rel .LBB2_17-.Ltmp10, $3  }
0x17d: {  	_ =	sdelay $0x1  }
0x17e: {  	s7 =	smov.u32 s4  }
0x17f: {  	s4 =	smov.u32 s1;
	s24 =	rddreg [dreg:$0x1];
	s13 =	simm.s32 $0x1E480  }
.LBB2_18:
0x180: {  	s1 =	sadd.s32 $0xFFFF9E97, s12  }
0x181: {  	p2 =	sgt.u32 s1, $0x3E  }
.Ltmp11:
0x182: {  	_ = 	snop;
	(pc) =	sbr.rel @p2 .LBB2_26-.Ltmp11, $2  }
0x183: {  	_ =	sdelay $0x2  }
0x184: {  	s29 =	simm.s32 $0x1E480  }
0x185: {  	s1 =	sshll.u32 s12, $0x6;
	s4 =	rddreg [dreg:$0xf]  }
0x186: {  	s4 =	sor.u32 s4, s1  }
0x187: {  	s7 =	rddreg [dreg:$0x4];
	s4 =	sshrl.u32 s4, $0x3  }
0x188: {  	s13 =	simm.s32 $0x40;
	s4 =	sadd.s32 s7, s4;
	s7 =	simm.s32 $0x20  }
0x189: {  	[tilespmem:s29], [sflag:$0x8] =	stream.strided.gather [hbm4b:s4+s7], $0x500, s13, s7, $0x38;
	[tilespmem:$0x1FE80] =	vst v63  }
0x18a: {  	s29 =	simm.s32 $0x8  }
0x18b: {  	_ =	swait.ge [sflag:s29], $0x500  }
0x18c: {  	s5 =	rddreg [dreg:$0x1c]  }
0x18d: {  	s1 =	sadd.s32 s5, s1  }
0x18e: {  	[sflag:s29] =	ssyncset.done $0x0;
	s30 =	rddreg [dreg:$0x5];
	s1 =	sshrl.u32 s1, $0x3  }
0x18f: {  	[sflag:s29] =	ssyncadd.s32 $0xFFFFFB00;
	s1 =	sadd.s32 s30, s1  }
0x190: {  	[tilespmem:s18], [sflag:$0x8] =	stream.strided.gather [hbm4b:s1+s7], $0x300, s13, s7, $0x38;
	[tilespmem:$0x1FE80] =	vst v63  }
0x191: {  	_ =	swait.ge [sflag:s29], $0x300  }
0x192: {  	s1 =	rddreg [dreg:$0xd]  }
0x193: {  	p3 =	por $0x0, $0x0;
	s7 =	simm.s32 @!p1 $0x1E480;
	s1 =	sadd.s32 @!p1 s1, s12  }
0x194: {  	[sflag:s29] =	ssyncset.done $0x0;
	s4 =	rddreg [dreg:$0xa];
	s1 =	sshll.u32 @!p1 s1, $0x2  }
0x195: {  	[sflag:s29] =	ssyncadd.s32 $0xFFFFFD00;
	s1 =	sadd.s32 @!p1 s4, s1;
	s4 =	simm.s32 @!p1 $0x0  }
0x196: {  	[hbm4b:s1+s4] =	stream.linear.scatter @!p1 [tilespmem:s7], [sflag:$0x8], $0x800, $0x38;
	[tilespmem:$0x1FE80] =	vst v63  }
.Ltmp12:
0x197: {  	_ = 	snop;
	(pc) =	sbr.rel @p3 .LBB2_20-.Ltmp12, $4  }
0x198: {  	s1 =	simm.s32 @!p1 $0x8  }
0x199: {  	_ =	swait.ge @!p1 [sflag:s1], $0x800  }
0x19a: {  	[sflag:s1] =	ssyncset.done @!p1 $0x0  }
0x19b: {  	v2 =	vmov s17;
	p2 =	por $0x0, $0x0;
	s4 =	simm.s32 $0x0;
	[sflag:s1] =	ssyncadd.s32 @!p1 $0xFFFFF800  }
0x19c: {  	_ =	sdelay $0x2  }
0x19d: {  	v3 =	vld [tilespmem:s4+$0x1E480]  }
0x19e: {  	v5 =	vld.idx.msk [tilespmem:v2+s15+$0x0], $0xffff  }
0x19f: {  	v6 =	vld [tilespmem:s4+$0x1E490];
	p3 =	por $0x0, $0x0  }
.Ltmp13:
0x1a0: {  	_ = 	snop;
	(pc) =	sbr.rel @p3 .LBB2_22-.Ltmp13, $4  }
0x1a1: {  	_ = 	snop  }
0x1a2: {  	s7 =	sadd.s32 $0x1, s17  }
0x1a3: {  	s1 =	simm.s32 $0x20;
	v2 =	vmov s7  }
0x1a4: {  	s13 =	simm.s32 $0x100;
	p2 =	por $0x1, $0x1;
	s29 =	simm.s32 $0x1A100;
	v4 =	vmul.f32 v3, v5;
	v3 =	vmul.f32 v6, v5  }
.LBB2_23:
0x1a5: {  	_ = 	snop  }
0x1a6: {  	s24 =	sshra.s32 s13, $0x2;
	p3 =	seq.s32 s13, $0x1F80;
	s13 =	sadd.s32 $0x80, s13;
	[tilespmem:s4+$0x1E480] =	vst v4  }
0x1a7: {  	v4 =	vld [tilespmem:s1+$0x1E480];
	[tilespmem:s4+$0x1E490] =	vst v3;
	s4 =	smov.u32 s1;
	s1 =	smov.u32 s24  }
0x1a8: {  	v3 =	vld.idx.msk [tilespmem:v2+s15+$0x0], $0xffff  }
0x1a9: {  	v5 =	vld [tilespmem:s4+$0x1E490]  }
.Ltmp14:
0x1aa: {  	(pc) =	sbr.rel @!p3 .LBB2_23-.Ltmp14, $4  }
0x1ab: {  	_ = 	snop  }
0x1ac: {  	s7 =	sadd.s32 $0x1, s7  }
0x1ad: {  	v2 =	vmov s7  }
0x1ae: {  	v4 =	vmul.f32 v4, v3;
	v3 =	vmul.f32 v5, v3  }
0x1af: {  	s7 =	smov.u32 s4;
	s4 =	smov.u32 s1;
	s24 =	rddreg [dreg:$0x1]  }
.LBB2_25:
0x1b0: {  	_ =	sdelay $0x1  }
0x1b1: {  	[tilespmem:s7+$0x1E480] =	vst @p2 v4  }
0x1b2: {  	v4 =	vld [tilespmem:s4+$0x1E480];
	[tilespmem:s7+$0x1E490] =	vst @p2 v3  }
0x1b3: {  	v2 =	vld.idx.msk [tilespmem:v2+s15+$0x0], $0xffff  }
0x1b4: {  	v3 =	vld [tilespmem:s4+$0x1E490];
	_ =	sdelay $0x2  }
.Ltmp15:
0x1b5: {  	_ = 	snop;
	(pc) =	sbr.rel .LBB2_39-.Ltmp15, $4  }
0x1b6: {  	v4 =	vmul.f32 v4, v2  }
0x1b7: {  	v2 =	vmul.f32 v3, v2  }
0x1b8: {  	[tilespmem:s4+$0x1E480] =	vst v4  }
0x1b9: {  	s1 =	simm.s32 $0x8;
	s13 =	simm.s32 $0x1E480;
	[tilespmem:s4+$0x1E490] =	vst v2  }
.LBB2_26:
0x1ba: {  	s1 =	sadd.s32 $0xFFFF9E58, s12  }
0x1bb: {  	p2 =	sgt.u32 s1, $0x6168  }
.Ltmp16:
0x1bc: {  	_ = 	snop;
	(pc) =	sbr.rel @p2 .LBB2_34-.Ltmp16, $1  }
0x1bd: {  	_ =	sdelay $0x3  }
0x1be: {  	s1 =	sshll.u32 s12, $0x6;
	s4 =	rddreg [dreg:$0x1d]  }
0x1bf: {  	s30 =	rddreg [dreg:$0x5];
	s1 =	sadd.s32 s4, s1  }
0x1c0: {  	s5 =	simm.s32 $0x20;
	s7 =	simm.s32 $0x40;
	s1 =	sshrl.u32 s1, $0x3  }
0x1c1: {  	s13 =	simm.s32 $0x1E480;
	s1 =	sadd.s32 s30, s1;
	s30 =	simm.s32 $0x8  }
0x1c2: {  	[tilespmem:s13], [sflag:$0x8] =	stream.strided.gather [hbm4b:s1+s5], $0x800, s7, s5, $0x38;
	[tilespmem:$0x1FE80] =	vst v63  }
0x1c3: {  	_ =	swait.ge [sflag:s30], $0x800  }
0x1c4: {  	s1 =	rddreg [dreg:$0xd]  }
0x1c5: {  	p3 =	por $0x0, $0x0;
	s7 =	simm.s32 @!p1 $0x1E480;
	s1 =	sadd.s32 @!p1 s1, s12  }
0x1c6: {  	[sflag:s30] =	ssyncset.done $0x0;
	s4 =	rddreg [dreg:$0xa];
	s1 =	sshll.u32 @!p1 s1, $0x2  }
0x1c7: {  	[sflag:s30] =	ssyncadd.s32 $0xFFFFF800;
	s1 =	sadd.s32 @!p1 s4, s1;
	s4 =	simm.s32 @!p1 $0x0  }
0x1c8: {  	[hbm4b:s1+s4] =	stream.linear.scatter @!p1 [tilespmem:s7], [sflag:$0x8], $0x800, $0x38;
	[tilespmem:$0x1FE80] =	vst v63  }
.Ltmp17:
0x1c9: {  	_ = 	snop;
	(pc) =	sbr.rel @p3 .LBB2_28-.Ltmp17, $4  }
0x1ca: {  	s1 =	simm.s32 @!p1 $0x8  }
0x1cb: {  	_ =	swait.ge @!p1 [sflag:s1], $0x800  }
0x1cc: {  	p2 =	por $0x0, $0x0;
	[sflag:s1] =	ssyncset.done @!p1 $0x0  }
0x1cd: {  	v2 =	vmov s17;
	s29 =	simm.s32 $0x1A100;
	s4 =	simm.s32 $0x0;
	[sflag:s1] =	ssyncadd.s32 @!p1 $0xFFFFF800  }
0x1ce: {  	_ =	sdelay $0x2  }
0x1cf: {  	v3 =	vld [tilespmem:s4+$0x1E480]  }
0x1d0: {  	v5 =	vld.idx.msk [tilespmem:v2+s15+$0x0], $0xffff  }
0x1d1: {  	v6 =	vld [tilespmem:s4+$0x1E490];
	p3 =	por $0x0, $0x0  }
.Ltmp18:
0x1d2: {  	_ = 	snop;
	(pc) =	sbr.rel @p3 .LBB2_30-.Ltmp18, $4  }
0x1d3: {  	_ = 	snop  }
0x1d4: {  	s7 =	sadd.s32 $0x1, s17  }
0x1d5: {  	v2 =	vmov s7  }
0x1d6: {  	s1 =	simm.s32 $0x20;
	s13 =	simm.s32 $0x100;
	p2 =	por $0x1, $0x1;
	v4 =	vmul.f32 v3, v5;
	v3 =	vmul.f32 v6, v5  }
.LBB2_31:
0x1d7: {  	_ = 	snop  }
0x1d8: {  	s24 =	sshra.s32 s13, $0x2;
	p3 =	seq.s32 s13, $0x1F80;
	s13 =	sadd.s32 $0x80, s13;
	[tilespmem:s4+$0x1E480] =	vst v4  }
0x1d9: {  	v4 =	vld [tilespmem:s1+$0x1E480];
	[tilespmem:s4+$0x1E490] =	vst v3;
	s4 =	smov.u32 s1;
	s1 =	smov.u32 s24  }
0x1da: {  	v3 =	vld.idx.msk [tilespmem:v2+s15+$0x0], $0xffff  }
0x1db: {  	v5 =	vld [tilespmem:s4+$0x1E490]  }
.Ltmp19:
0x1dc: {  	(pc) =	sbr.rel @!p3 .LBB2_31-.Ltmp19, $4  }
0x1dd: {  	_ = 	snop  }
0x1de: {  	s7 =	sadd.s32 $0x1, s7  }
0x1df: {  	v2 =	vmov s7  }
0x1e0: {  	v4 =	vmul.f32 v4, v3;
	v3 =	vmul.f32 v5, v3  }
0x1e1: {  	s7 =	smov.u32 s4  }
0x1e2: {  	s4 =	smov.u32 s1;
	s24 =	rddreg [dreg:$0x1];
	s13 =	simm.s32 $0x1E480  }
.LBB2_33:
0x1e3: {  	_ =	sdelay $0x1  }
0x1e4: {  	[tilespmem:s7+$0x1E480] =	vst @p2 v4  }
0x1e5: {  	v4 =	vld [tilespmem:s4+$0x1E480];
	[tilespmem:s7+$0x1E490] =	vst @p2 v3  }
0x1e6: {  	v2 =	vld.idx.msk [tilespmem:v2+s15+$0x0], $0xffff  }
0x1e7: {  	v3 =	vld [tilespmem:s4+$0x1E490];
	_ =	sdelay $0x2  }
.Ltmp20:
0x1e8: {  	_ = 	snop;
	(pc) =	sbr.rel .LBB2_39-.Ltmp20, $4  }
0x1e9: {  	v4 =	vmul.f32 v4, v2  }
0x1ea: {  	v2 =	vmul.f32 v3, v2  }
0x1eb: {  	[tilespmem:s4+$0x1E480] =	vst v4  }
0x1ec: {  	s1 =	simm.s32 $0x8;
	[tilespmem:s4+$0x1E490] =	vst v2  }
.LBB2_34:
0x1ed: {  	p2 =	sgt.u32 s12, $0xC34F  }
0x1ee: {  	s4 =	rddreg [dreg:$0x1d];
	s1 =	sshll.u32 @!p2 s12, $0x6  }
0x1ef: {  	p3 =	sgt.s32 s8, $0x0;
	s24 =	smov.u32 s8;
	s1 =	sadd.s32 @!p2 s4, s1  }
0x1f0: {  	s7 =	simm.s32 @!p2 $0x40;
	s4 =	rddreg [dreg:$0x5];
	s1 =	sshrl.u32 @!p2 s1, $0x3  }
0x1f1: {  	s13 =	simm.s32 @!p2 $0x1E480;
	s1 =	sadd.s32 @!p2 s4, s1;
	s4 =	simm.s32 @!p2 $0x20  }
0x1f2: {  	[tilespmem:s13], [sflag:$0x8] =	stream.strided.gather @!p2 [hbm4b:s1+s4], $0x200, s7, s4, $0x38;
	[tilespmem:$0x1FE80] =	vst v63  }
0x1f3: {  	s24 =	simm.s32 @!p3 $0x0;
	s7 =	simm.s32 @!p2 $0x8  }
0x1f4: {  	s13 =	sadd.s32 $0xFFFFFFFF, s24;
	_ =	swait.ge @!p2 [sflag:s7], $0x200  }
0x1f5: {  	s4 =	sadd.s32 $0x1, s13;
	[sflag:s7] =	ssyncset.done @!p2 $0x0  }
0x1f6: {  	[sflag:s7] =	ssyncadd.s32 @!p2 $0xFFFFFE00;
	p2 =	slt.u32 s4, $0x3F  }
.Ltmp21:
0x1f7: {  	_ = 	snop;
	(pc) =	sbr.rel @!p2 .LBB2_36-.Ltmp21, $4  }
0x1f8: {  	s24 =	sshll.u32 s24, $0x5  }
0x1f9: {  	s30 =	sand.u32 $0x3FFFFFE0, s24  }
0x1fa: {  	s1 =	sadd.s32 $0x1E490, s30  }
0x1fb: {  	s29 =	simm.s32 $0x1A100;
	[tilespmem:s1+$0xFFFFFFF0] =	vst v1  }
.LBB2_35:
0x1fc: {  	s4 =	sadd.s32 $0x1, s4  }
0x1fd: {  	p2 =	slt.u32 s4, $0x3F  }
.Ltmp22:
0x1fe: {  	_ = 	snop;
	(pc) =	sbr.rel @p2 .LBB2_35-.Ltmp22, $3  }
0x1ff: {  	_ =	sdelay $0x1  }
0x200: {  	[tilespmem:s1+$0x0] =	vst v1;
	s1 =	sadd.s32 $0x20, s1  }
0x201: {  	[tilespmem:s1+$0xFFFFFFF0] =	vst v1  }
.LBB2_36:
0x202: {  	v2 =	vmov s17;
	_ =	sdelay $0x1  }
0x203: {  	[tilespmem:s1+$0x0] =	vst v1;
	s4 =	simm.s32 $0x0  }
0x204: {  	v3 =	vld [tilespmem:s4+$0x1E480]  }
0x205: {  	v6 =	vld [tilespmem:s4+$0x1E490]  }
0x206: {  	v5 =	vld.idx.msk [tilespmem:v2+s15+$0x0], $0xffff;
	_ =	sdelay $0x2  }
0x207: {  	s7 =	sadd.s32 $0x1, s17  }
0x208: {  	v2 =	vmov s7  }
0x209: {  	s1 =	simm.s32 $0x20;
	s13 =	simm.s32 $0x100;
	v4 =	vmul.f32 v3, v5;
	v3 =	vmul.f32 v6, v5  }
.LBB2_37:
0x20a: {  	_ = 	snop  }
0x20b: {  	s24 =	sshra.s32 s13, $0x2;
	p2 =	sne.s32 s13, $0x1F80;
	s13 =	sadd.s32 $0x80, s13;
	[tilespmem:s4+$0x1E480] =	vst v4  }
0x20c: {  	v4 =	vld [tilespmem:s1+$0x1E480];
	[tilespmem:s4+$0x1E490] =	vst v3;
	s4 =	smov.u32 s1;
	s1 =	smov.u32 s24  }
0x20d: {  	v3 =	vld.idx.msk [tilespmem:v2+s15+$0x0], $0xffff  }
0x20e: {  	v5 =	vld [tilespmem:s4+$0x1E490]  }
.Ltmp23:
0x20f: {  	(pc) =	sbr.rel @p2 .LBB2_37-.Ltmp23, $4  }
0x210: {  	_ = 	snop  }
0x211: {  	s7 =	sadd.s32 $0x1, s7  }
0x212: {  	v2 =	vmov s7  }
0x213: {  	v4 =	vmul.f32 v4, v3;
	v3 =	vmul.f32 v5, v3  }
0x214: {  	_ =	sdelay $0x1  }
0x215: {  	[tilespmem:s4+$0x1E480] =	vst v4  }
0x216: {  	v4 =	vld [tilespmem:s1+$0x1E480];
	[tilespmem:s4+$0x1E490] =	vst v3  }
0x217: {  	v2 =	vld.idx.msk [tilespmem:v2+s15+$0x0], $0xffff  }
0x218: {  	v3 =	vld [tilespmem:s1+$0x1E490];
	_ =	sdelay $0x2  }
.Ltmp24:
0x219: {  	_ = 	snop;
	(pc) =	sbr.rel .LBB2_39-.Ltmp24, $4  }
0x21a: {  	v4 =	vmul.f32 v4, v2  }
0x21b: {  	v2 =	vmul.f32 v3, v2  }
0x21c: {  	[tilespmem:s1+$0x1E480] =	vst v4  }
0x21d: {  	s24 =	rddreg [dreg:$0x1];
	s13 =	simm.s32 $0x1E480;
	[tilespmem:s1+$0x1E490] =	vst v2;
	s1 =	simm.s32 $0x7  }
.LBB2_14:
.Ltmp25:
0x21e: {  	(pc) =	sbr.rel .LBB2_17-.Ltmp25, $3  }
0x21f: {  	_ =	sdelay $0x1  }
0x220: {  	s7 =	simm.s32 $0x0  }
0x221: {  	s4 =	simm.s32 $0x20;
	s24 =	rddreg [dreg:$0x1];
	s13 =	simm.s32 $0x1E480  }
.LBB2_20:
.Ltmp26:
0x222: {  	(pc) =	sbr.rel .LBB2_25-.Ltmp26, $2  }
0x223: {  	_ =	sdelay $0x2  }
0x224: {  	s29 =	simm.s32 $0x1A100  }
.LBB2_22:
.Ltmp27:
0x225: {  	(pc) =	sbr.rel .LBB2_25-.Ltmp27, $2  }
0x226: {  	_ =	sdelay $0x2  }
0x227: {  	s7 =	simm.s32 $0x0;
	s4 =	simm.s32 $0x20;
	s24 =	rddreg [dreg:$0x1]  }
.LBB2_28:
.Ltmp28:
0x228: {  	(pc) =	sbr.rel .LBB2_33-.Ltmp28, $2  }
0x229: {  	_ =	sdelay $0x2  }
0x22a: {  	_ = 	snop  }
.LBB2_30:
.Ltmp29:
0x22b: {  	(pc) =	sbr.rel .LBB2_33-.Ltmp29, $3  }
0x22c: {  	_ =	sdelay $0x1  }
0x22d: {  	s7 =	simm.s32 $0x0  }
0x22e: {  	s4 =	simm.s32 $0x20;
	s24 =	rddreg [dreg:$0x1];
	s13 =	simm.s32 $0x1E480  }
.LBB2_40:
.Ltmp30:
0x22f: {  	(pc) =	sbr.rel .LBB2_41-.Ltmp30, $3  }
0x230: {  	_ =	sdelay $0x1  }
0x231: {  	[bflag:$0x0] =	sbarrier.arrive $0xFFFF  }
0x232: {  	s11 =	simm.s32 $0x0  }
.LBB2_45:
0x233: {  	s1 =	simm.s32 $0x1A480  }
0x234: {  	[tilespmem:s1], [sflag:$0x1] =	stream.indirect.gather [hbm4b:s10+s26], $0x20, s7, s26, $0xb8;
	[tilespmem:$0x1FE80] =	vst v63  }
0x235: {  	s4 =	simm.s32 $0x19D00;
	s8 =	simm.s32 $0x1B480  }
0x236: {  	[tilespmem:s8], [sflag:$0x2] =	stream.indirect.gather [hbm4b:s10+s26], $0x20, s4, s26, $0xb8;
	[tilespmem:$0x1FE80] =	vst v63  }
0x237: {  	s18 =	simm.s32 $0x19D80;
	s12 =	simm.s32 $0x1C480;
	s4 =	simm.s32 $0x1  }
0x238: {  	[tilespmem:s12], [sflag:$0x3] =	stream.indirect.gather [hbm4b:s10+s26], $0x20, s18, s26, $0xb8;
	[tilespmem:$0x1FE80] =	vst v63  }
0x239: {  	_ =	swait.ge [sflag:s4], $0x1000  }
0x23a: {  	[sflag:s4] =	ssyncset.done $0x0  }
0x23b: {  	[sflag:s4] =	ssyncadd.s32 $0xFFFFF000  }
0x23c: {  	[spmem:s24] =	stream.indirect.scatter.add.f32 [tilespmem:s1], [sflag:$0x5], $0x20, s25, s26, $0xb8;
	[tilespmem:$0x1FE80] =	vst v63  }
0x23d: {  	s13 =	simm.s32 $0x19E00;
	s17 =	simm.s32 $0x1D480  }
0x23e: {  	[tilespmem:s17], [sflag:$0x4] =	stream.indirect.gather [hbm4b:s10+s26], $0x20, s13, s26, $0xb8;
	[tilespmem:$0x1FE80] =	vst v63  }
0x23f: {  	s13 =	simm.s32 $0x2  }
0x240: {  	_ =	swait.ge [sflag:s13], $0x1000  }
0x241: {  	[sflag:s13] =	ssyncset.done $0x0  }
0x242: {  	[sflag:s13] =	ssyncadd.s32 $0xFFFFF000  }
0x243: {  	[spmem:s24] =	stream.indirect.scatter.add.f32 [tilespmem:s8], [sflag:$0x6], $0x20, s29, s26, $0xb8;
	[tilespmem:$0x1FE80] =	vst v63  }
0x244: {  	_ =	swait.ge [sflag:s20], $0x1000  }
0x245: {  	[sflag:s20] =	ssyncset.done $0x0  }
0x246: {  	s5 =	simm.s32 $0x19E80;
	[sflag:s20] =	ssyncadd.s32 $0xFFFFF000  }
0x247: {  	[tilespmem:s1], [sflag:$0x1] =	stream.indirect.gather [hbm4b:s10+s26], $0x20, s5, s26, $0xb8;
	[tilespmem:$0x1FE80] =	vst v63  }
0x248: {  	s5 =	simm.s32 $0x3  }
0x249: {  	_ =	swait.ge [sflag:s5], $0x1000  }
0x24a: {  	[sflag:s5] =	ssyncset.done $0x0  }
0x24b: {  	[sflag:s5] =	ssyncadd.s32 $0xFFFFF000  }
0x24c: {  	[spmem:s24] =	stream.indirect.scatter.add.f32 [tilespmem:s12], [sflag:$0x5], $0x20, s30, s26, $0xb8;
	[tilespmem:$0x1FE80] =	vst v63  }
0x24d: {  	_ =	swait.ge [sflag:s6], $0x1000  }
0x24e: {  	[sflag:s6] =	ssyncset.done $0x0  }
0x24f: {  	s18 =	simm.s32 $0x4;
	s30 =	simm.s32 $0x19F00;
	[sflag:s6] =	ssyncadd.s32 $0xFFFFF000  }
0x250: {  	[tilespmem:s8], [sflag:$0x2] =	stream.indirect.gather [hbm4b:s10+s26], $0x20, s30, s26, $0xb8;
	[tilespmem:$0x1FE80] =	vst v63  }
0x251: {  	_ =	swait.ge [sflag:s18], $0x1000  }
0x252: {  	[sflag:s18] =	ssyncset.done $0x0  }
0x253: {  	[sflag:s18] =	ssyncadd.s32 $0xFFFFF000  }
0x254: {  	[spmem:s24] =	stream.indirect.scatter.add.f32 [tilespmem:s17], [sflag:$0x6], $0x20, s21, s26, $0xb8;
	[tilespmem:$0x1FE80] =	vst v63  }
0x255: {  	_ =	swait.ge [sflag:s20], $0x1000  }
0x256: {  	[sflag:s20] =	ssyncset.done $0x0  }
0x257: {  	s30 =	simm.s32 $0x19F80;
	[sflag:s20] =	ssyncadd.s32 $0xFFFFF000  }
0x258: {  	[tilespmem:s12], [sflag:$0x3] =	stream.indirect.gather [hbm4b:s10+s26], $0x20, s30, s26, $0xb8;
	[tilespmem:$0x1FE80] =	vst v63  }
0x259: {  	_ =	swait.ge [sflag:s4], $0x1000  }
0x25a: {  	[sflag:s4] =	ssyncset.done $0x0  }
0x25b: {  	[sflag:s4] =	ssyncadd.s32 $0xFFFFF000  }
0x25c: {  	[spmem:s24] =	stream.indirect.scatter.add.f32 [tilespmem:s1], [sflag:$0x5], $0x20, s9, s26, $0xb8;
	[tilespmem:$0x1FE80] =	vst v63  }
0x25d: {  	_ =	swait.ge [sflag:s6], $0x1000  }
0x25e: {  	[sflag:s6] =	ssyncset.done $0x0  }
0x25f: {  	s4 =	simm.s32 $0x1A000;
	[sflag:s6] =	ssyncadd.s32 $0xFFFFF000  }
0x260: {  	[tilespmem:s17], [sflag:$0x4] =	stream.indirect.gather [hbm4b:s10+s26], $0x20, s4, s26, $0xb8;
	[tilespmem:$0x1FE80] =	vst v63  }
0x261: {  	_ =	swait.ge [sflag:s13], $0x1000  }
0x262: {  	[sflag:s13] =	ssyncset.done $0x0  }
0x263: {  	s4 =	simm.s32 $0x1A300;
	[sflag:s13] =	ssyncadd.s32 $0xFFFFF000  }
0x264: {  	[spmem:s24] =	stream.indirect.scatter.add.f32 [tilespmem:s8], [sflag:$0x6], $0x20, s4, s26, $0xb8;
	[tilespmem:$0x1FE80] =	vst v63  }
0x265: {  	_ =	swait.ge [sflag:s5], $0x1000  }
0x266: {  	[sflag:s5] =	ssyncset.done $0x0  }
0x267: {  	s13 =	simm.s32 $0x1A380;
	[sflag:s5] =	ssyncadd.s32 $0xFFFFF000  }
0x268: {  	[spmem:s24] =	stream.indirect.scatter.add.f32 [tilespmem:s12], [sflag:$0x5], $0x20, s13, s26, $0xb8;
	[tilespmem:$0x1FE80] =	vst v63  }
0x269: {  	_ =	swait.ge [sflag:s18], $0x1000  }
0x26a: {  	[sflag:s18] =	ssyncset.done $0x0  }
0x26b: {  	[sflag:s18] =	ssyncadd.s32 $0xFFFFF000  }
0x26c: {  	[spmem:s24] =	stream.indirect.scatter.add.f32 [tilespmem:s17], [sflag:$0x6], $0x20, s19, s26, $0xb8;
	[tilespmem:$0x1FE80] =	vst v63  }
0x26d: {  	_ =	swait.ge [sflag:s20], $0x1000  }
0x26e: {  	[sflag:s20] =	ssyncset.done $0x0  }
0x26f: {  	[sflag:s20] =	ssyncadd.s32 $0xFFFFF000  }
0x270: {  	_ =	swait.ge [sflag:s6], $0x1000  }
0x271: {  	[sflag:s6] =	ssyncset.done $0x0  }
0x272: {  	s11 =	sadd.s32 $0x1, s11;
	[sflag:s6] =	ssyncadd.s32 $0xFFFFF000  }
0x273: {  	p2 =	sne.s32 s11, $0x31;
	_ =	swait.ge [sflag:s20], $0x1000  }
.Ltmp31:
0x274: {  	[sflag:s20] =	ssyncset.done $0x0;
	(pc) =	sbr.rel @!p2 .LBB2_46-.Ltmp31, $4  }
0x275: {  	[sflag:s20] =	ssyncadd.s32 $0xFFFFF000  }
0x276: {  	_ =	swait.ge [sflag:s6], $0x1000  }
0x277: {  	[sflag:s6] =	ssyncset.done $0x0  }
0x278: {  	s30 =	simm.s32 $0x1A480;
	[sflag:s6] =	ssyncadd.s32 $0xFFFFF000  }
.LBB2_41:
0x279: {  	s1 =	sshll.u32 s11, $0xA;
	s4 =	rddreg [dreg:$0x1b]  }
0x27a: {  	s1 =	sadd.s32 s4, s1  }
0x27b: {  	s17 =	rddreg [dreg:$0x6];
	s1 =	sshrl.u32 s1, $0x3  }
0x27c: {  	s5 =	simm.s32 $0x0;
	s4 =	sadd.s32 s17, s1  }
0x27d: {  	[tilespmem:s7], [sflag:$0x7] =	stream.linear.gather [hbm4b:s4+s5], $0x400, $0x38;
	[tilespmem:$0x1FE80] =	vst v63  }
0x27e: {  	_ =	swait.ge [sflag:s23], $0x400  }
0x27f: {  	[sflag:s23] =	ssyncset.done $0x0;
	s18 =	rddreg [dreg:$0x7]  }
.Ltmp32:
0x280: {  	[sflag:s23] =	ssyncadd.s32 $0xFFFFFC00;
	s1 =	sadd.s32 s18, s1;
	(pc) =	sbr.rel @p0 .LBB2_45-.Ltmp32, $4  }
0x281: {  	[tilespmem:s25], [sflag:$0x7] =	stream.linear.gather [hbm4b:s1+s5], $0x400, $0x38;
	[tilespmem:$0x1FE80] =	vst v63  }
0x282: {  	_ =	swait.ge [sflag:s23], $0x400  }
0x283: {  	[sflag:s23] =	ssyncset.done $0x0  }
0x284: {  	s30 =	simm.s32 $0x1A180;
	[sflag:s23] =	ssyncadd.s32 $0xFFFFFC00  }
0x285: {  	s4 =	simm.s32 $0x0  }
0x286: {  	v4 =	vld [tilespmem:s4+$0x19C80]  }
0x287: {  	v6 =	vld [tilespmem:s4+$0x19C90]  }
0x288: {  	v5 =	vld [tilespmem:s4+$0x19CA0]  }
0x289: {  	v3 =	vld [tilespmem:s4+$0x19CB0]  }
0x28a: {  	v2 =	vld [tilespmem:s4+$0x19CC0]  }
0x28b: {  	v7 =	vadd.s32 $0xC800, v4;
	v4 =	vld [tilespmem:s4+$0x19CD0]  }
0x28c: {  	s1 =	simm.s32 $0x200;
	[tilespmem:s4+$0x19C80] =	vst v7;
	v7 =	vadd.s32 $0xC800, v6;
	v6 =	vld [tilespmem:s4+$0x19CE0]  }
.LBB2_43:
0x28d: {  	s7 =	sshra.s32 s1, $0x2;
	p2 =	sne.s32 s1, $0xE00;
	[tilespmem:s4+$0x19C90] =	vst v7;
	v5 =	vadd.s32 $0xC800, v5;
	v7 =	vld [tilespmem:s4+$0x19CF0]  }
0x28e: {  	v8 =	vld [tilespmem:s7+$0x19C80];
	[tilespmem:s4+$0x19CA0] =	vst v5;
	v3 =	vadd.s32 $0xC800, v3  }
0x28f: {  	v9 =	vld [tilespmem:s7+$0x19C90];
	[tilespmem:s4+$0x19CB0] =	vst v3;
	v2 =	vadd.s32 $0xC800, v2  }
.Ltmp33:
0x290: {  	v5 =	vld [tilespmem:s7+$0x19CA0];
	[tilespmem:s4+$0x19CC0] =	vst v2;
	v2 =	vadd.s32 $0xC800, v4;
	(pc) =	sbr.rel @p2 .LBB2_43-.Ltmp33, $4  }
0x291: {  	v3 =	vld [tilespmem:s7+$0x19CB0];
	[tilespmem:s4+$0x19CD0] =	vst v2;
	v4 =	vadd.s32 $0xC800, v6  }
0x292: {  	v2 =	vld [tilespmem:s7+$0x19CC0];
	[tilespmem:s4+$0x19CE0] =	vst v4;
	v6 =	vadd.s32 $0xC800, v7  }
0x293: {  	v7 =	vadd.s32 $0xC800, v8;
	v4 =	vld [tilespmem:s7+$0x19CD0];
	[tilespmem:s4+$0x19CF0] =	vst v6;
	s4 =	smov.u32 s7  }
0x294: {  	s1 =	sadd.s32 $0x200, s1;
	[tilespmem:s4+$0x19C80] =	vst v7;
	v7 =	vadd.s32 $0xC800, v9;
	v6 =	vld [tilespmem:s4+$0x19CE0]  }
0x295: {  	[tilespmem:s4+$0x19C90] =	vst v7;
	v5 =	vadd.s32 $0xC800, v5;
	v63 =	vld [tilespmem:s4+$0x19CF0]  }
0x296: {  	[tilespmem:s4+$0x19CA0] =	vst v5;
	v3 =	vadd.s32 $0xC800, v3  }
.Ltmp34:
0x297: {  	[tilespmem:s4+$0x19CB0] =	vst v3;
	v2 =	vadd.s32 $0xC800, v2;
	(pc) =	sbr.rel .LBB2_45-.Ltmp34, $4  }
0x298: {  	[tilespmem:s4+$0x19CC0] =	vst v2;
	v2 =	vadd.s32 $0xC800, v4  }
0x299: {  	[tilespmem:s4+$0x19CD0] =	vst v2;
	v2 =	vadd.s32 $0xC800, v6  }
0x29a: {  	[tilespmem:s4+$0x19CE0] =	vst v2;
	v2 =	vadd.s32 $0xC800, v63  }
0x29b: {  	s7 =	simm.s32 $0x19C80;
	[tilespmem:s4+$0x19CF0] =	vst v2  }
.LBB2_46:
0x29c: {  	[bflag:$0x0] =	sbarrier.arrive $0xFFFF  }
0x29d: {  	s8 =	simm.s32 $0x0;
	s11 =	simm.s32 $0x0;
	s7 =	simm.s32 $0x1E480  }
.LBB2_47:
0x29e: {  	s1 =	sshll.u32 s11, $0x6;
	s4 =	rddreg [dreg:$0xb]  }
0x29f: {  	s12 =	sadd.s32 s4, s1  }
0x2a0: {  	s1 =	sshll.u32 s12, $0x5  }
0x2a1: {  	s1 =	sand.u32 $0x3FFFFFE0, s1  }
.Ltmp35:
0x2a2: {  	s17 =	sadd.s32 s1, s24;
	(pc) =	sbr.rel @p1 .LBB2_51-.Ltmp35, $4  }
0x2a3: {  	[tilespmem:s7], [sflag:$0x7] =	stream.linear.gather [spmem:s17], $0x800, $0x38;
	[tilespmem:$0x1FE80] =	vst v63  }
0x2a4: {  	_ =	swait.ge [sflag:s23], $0x800  }
0x2a5: {  	[sflag:s23] =	ssyncset.done $0x0  }
0x2a6: {  	[sflag:s23] =	ssyncadd.s32 $0xFFFFF800  }
0x2a7: {  	s1 =	rddreg [dreg:$0xd]  }
0x2a8: {  	s1 =	sadd.s32 s1, s12  }
0x2a9: {  	s4 =	rddreg [dreg:$0xa];
	s1 =	sshll.u32 s1, $0x2  }
0x2aa: {  	s24 =	simm.s32 $0x0;
	v2 =	vmov s8;
	s4 =	sadd.s32 s4, s1  }
0x2ab: {  	[tilespmem:s30], [sflag:$0x7] =	stream.linear.gather [hbm4b:s4+s24], $0x800, $0x38;
	[tilespmem:$0x1FE80] =	vst v63  }
0x2ac: {  	_ =	swait.ge [sflag:s23], $0x800  }
0x2ad: {  	[sflag:s23] =	ssyncset.done $0x0  }
0x2ae: {  	[sflag:s23] =	ssyncadd.s32 $0xFFFFF800  }
0x2af: {  	v2 =	vld.idx.msk [tilespmem:v2+s15+$0x0], $0xffff  }
0x2b0: {  	s7 =	simm.s32 $0x0  }
0x2b1: {  	v4 =	vld [tilespmem:s7+$0x1E480]  }
0x2b2: {  	v6 =	vld [tilespmem:s7+$0x1E490]  }
0x2b3: {  	v3 =	vld [tilespmem:s7+$0x1A480]  }
0x2b4: {  	v7 =	vmul.f32 $5.000000000e-01, v2;
	v2 =	vld [tilespmem:s7+$0x1A490];
	_ =	sdelay $0x2  }
0x2b5: {  	s1 =	sadd.s32 $0x1, s8;
	v5 =	vmul.f32 v7, v4;
	v6 =	vmul.f32 v6, v7  }
0x2b6: {  	s13 =	simm.s32 $0x80;
	s24 =	simm.s32 $0x100;
	v4 =	vmov s1  }
.LBB2_49:
0x2b7: {  	p2 =	sne.s32 s24, $0x1F80;
	v3 =	vadd.f32 v5, v3;
	v2 =	vadd.f32 v6, v2;
	_ =	sdelay $0x1  }
0x2b8: {  	[tilespmem:s7+$0x1A480] =	vst v3  }
0x2b9: {  	[tilespmem:s7+$0x1A490] =	vst v2  }
0x2ba: {  	v4 =	vld.idx.msk [tilespmem:v4+s15+$0x0], $0xffff  }
0x2bb: {  	s7 =	sshra.s32 s13, $0x2;
	s13 =	smov.u32 s24  }
0x2bc: {  	v5 =	vld [tilespmem:s7+$0x1E480]  }
0x2bd: {  	v6 =	vld [tilespmem:s7+$0x1E490]  }
0x2be: {  	v2 =	vld [tilespmem:s7+$0x1A490]  }
.Ltmp36:
0x2bf: {  	v3 =	vld [tilespmem:s7+$0x1A480];
	(pc) =	sbr.rel @p2 .LBB2_49-.Ltmp36, $3  }
0x2c0: {  	v4 =	vmul.f32 $5.000000000e-01, v4;
	_ =	sdelay $0x1  }
0x2c1: {  	s1 =	sadd.s32 $0x1, s1;
	v5 =	vmul.f32 v4, v5;
	v6 =	vmul.f32 v6, v4  }
0x2c2: {  	s24 =	sadd.s32 $0x80, s24;
	v4 =	vmov s1  }
0x2c3: {  	v3 =	vadd.f32 v5, v3  }
0x2c4: {  	v2 =	vadd.f32 v6, v2  }
0x2c5: {  	[tilespmem:s7+$0x1A480] =	vst v3  }
0x2c6: {  	[tilespmem:s7+$0x1A490] =	vst v2  }
0x2c7: {  	v2 =	vld.idx.msk [tilespmem:v4+s15+$0x0], $0xffff  }
0x2c8: {  	s1 =	sshra.s32 s13, $0x2  }
0x2c9: {  	v3 =	vld [tilespmem:s1+$0x1E480]  }
0x2ca: {  	v61 =	vld [tilespmem:s1+$0x1E490]  }
0x2cb: {  	v62 =	vld [tilespmem:s1+$0x1A480]  }
0x2cc: {  	v63 =	vld [tilespmem:s1+$0x1A490];
	v2 =	vmul.f32 $5.000000000e-01, v2;
	_ =	sdelay $0x1  }
0x2cd: {  	v3 =	vmul.f32 v2, v3  }
0x2ce: {  	v2 =	vmul.f32 v61, v2  }
0x2cf: {  	v3 =	vadd.f32 v3, v62  }
0x2d0: {  	v2 =	vadd.f32 v2, v63  }
0x2d1: {  	[tilespmem:s1+$0x1A480] =	vst v3  }
0x2d2: {  	[tilespmem:s1+$0x1A490] =	vst v2  }
0x2d3: {  	[hbm4b:s4+s3] =	stream.linear.scatter [tilespmem:s30], [sflag:$0x7], $0x800, $0x38;
	[tilespmem:$0x1FE80] =	vst v63  }
0x2d4: {  	_ =	swait.ge [sflag:s23], $0x800  }
0x2d5: {  	[sflag:s23] =	ssyncset.done $0x0  }
0x2d6: {  	[sflag:s23] =	ssyncadd.s32 $0xFFFFF800  }
0x2d7: {  	s24 =	rddreg [dreg:$0x1]  }
.LBB2_51:
0x2d8: {  	[spmem:s17] =	stream.linear.scatter [tilespmem:s22], [sflag:$0x7], $0x400, $0x38;
	[tilespmem:$0x1FE80] =	vst v63  }
0x2d9: {  	_ =	swait.ge [sflag:s23], $0x400  }
0x2da: {  	[sflag:s23] =	ssyncset.done $0x0  }
0x2db: {  	s1 =	sadd.s32 $0x400, s17;
	v2 =	vmov s8;
	[sflag:s23] =	ssyncadd.s32 $0xFFFFFC00  }
0x2dc: {  	[spmem:s1] =	stream.linear.scatter [tilespmem:s22], [sflag:$0x7], $0x400, $0x38;
	[tilespmem:$0x1FE80] =	vst v63  }
0x2dd: {  	_ =	swait.ge [sflag:s23], $0x400  }
0x2de: {  	[sflag:s23] =	ssyncset.done $0x0  }
0x2df: {  	[sflag:s23] =	ssyncadd.s32 $0xFFFFFC00  }
0x2e0: {  	s4 =	simm.s32 $0x0;
	v3 =	vld.idx.msk [tilespmem:v2+s15+$0x0], $0xffff  }
0x2e1: {  	v2 =	vld [tilespmem:s4+$0x1E490]  }
0x2e2: {  	v4 =	vld [tilespmem:s4+$0x1E480];
	_ =	sdelay $0x2  }
0x2e3: {  	s7 =	sadd.s32 $0x1, s8;
	v5 =	vmul.f32 v3, v3  }
0x2e4: {  	s13 =	simm.s32 $0x100;
	s1 =	simm.s32 $0x80;
	v3 =	vmov s7  }
.LBB2_52:
0x2e5: {  	p2 =	sne.s32 s13, $0x1F80;
	v4 =	vmul.f32 v5, v4;
	v2 =	vmul.f32 v2, v5;
	_ =	sdelay $0x1  }
0x2e6: {  	[tilespmem:s4+$0x1E480] =	vst v4  }
0x2e7: {  	[tilespmem:s4+$0x1E490] =	vst v2  }
0x2e8: {  	v3 =	vld.idx.msk [tilespmem:v3+s15+$0x0], $0xffff  }
0x2e9: {  	s4 =	sshra.s32 s1, $0x2;
	s1 =	smov.u32 s13  }
0x2ea: {  	v2 =	vld [tilespmem:s4+$0x1E490]  }
.Ltmp37:
0x2eb: {  	v4 =	vld [tilespmem:s4+$0x1E480];
	(pc) =	sbr.rel @p2 .LBB2_52-.Ltmp37, $3  }
0x2ec: {  	_ =	sdelay $0x1  }
0x2ed: {  	s7 =	sadd.s32 $0x1, s7;
	v5 =	vmul.f32 v3, v3  }
0x2ee: {  	s13 =	sadd.s32 $0x80, s13;
	v3 =	vmov s7  }
0x2ef: {  	v4 =	vmul.f32 v5, v4  }
0x2f0: {  	v2 =	vmul.f32 v2, v5  }
0x2f1: {  	[tilespmem:s4+$0x1E480] =	vst v4  }
0x2f2: {  	[tilespmem:s4+$0x1E490] =	vst v2  }
0x2f3: {  	v2 =	vld.idx.msk [tilespmem:v3+s15+$0x0], $0xffff  }
0x2f4: {  	s1 =	sshra.s32 s1, $0x2  }
0x2f5: {  	v3 =	vld [tilespmem:s1+$0x1E480]  }
0x2f6: {  	v4 =	vld [tilespmem:s1+$0x1E490];
	_ =	sdelay $0x1  }
0x2f7: {  	v2 =	vmul.f32 v2, v2;
	_ =	sdelay $0x1  }
0x2f8: {  	s18 =	rddreg [dreg:$0xe];
	v3 =	vmul.f32 v2, v3  }
0x2f9: {  	s11 =	sadd.s32 $0x1, s11;
	s4 =	sadd.s32 s18, s12;
	v2 =	vmul.f32 v4, v2  }
0x2fa: {  	s21 =	rddreg [dreg:$0x9];
	p2 =	sne.s32 s11, $0x32;
	s4 =	sshll.u32 s4, $0x2;
	[tilespmem:s1+$0x1E480] =	vst v3  }
.Ltmp38:
0x2fb: {  	s7 =	simm.s32 $0x1E480;
	[tilespmem:s1+$0x1E490] =	vst v2;
	s1 =	sadd.s32 s21, s4;
	(pc) =	sbr.rel @p2 .LBB2_47-.Ltmp38, $4  }
0x2fc: {  	[hbm4b:s1+s3] =	stream.linear.scatter [tilespmem:s7], [sflag:$0x7], $0x800, $0x38;
	[tilespmem:$0x1FE80] =	vst v63  }
0x2fd: {  	_ =	swait.ge [sflag:s23], $0x800  }
0x2fe: {  	[sflag:s23] =	ssyncset.done $0x0  }
0x2ff: {  	s8 =	sadd.s32 $0x40, s8;
	[sflag:s23] =	ssyncadd.s32 $0xFFFFF800  }
.Ltmp39:
0x300: {  	(pc) =	sbr.rel .LBB2_55-.Ltmp39, $3  }
0x301: {  	_ =	sdelay $0x1  }
0x302: {  	[bflag:$0x0] =	sbarrier.arrive $0xFFFF  }
0x303: {  	s11 =	simm.s32 $0x0;
	s7 =	simm.s32 $0x19C80  }
.LBB2_59:
0x304: {  	s1 =	rddreg [dreg:$0x9];
	s4 =	simm.s32 $0x1A480  }
0x305: {  	[tilespmem:s4], [sflag:$0x1] =	stream.indirect.gather [hbm4b:s1+s26], $0x20, s7, s26, $0xb8;
	[tilespmem:$0x1FE80] =	vst v63  }
0x306: {  	s8 =	simm.s32 $0x19D00;
	s12 =	simm.s32 $0x1B480  }
0x307: {  	[tilespmem:s12], [sflag:$0x2] =	stream.indirect.gather [hbm4b:s1+s26], $0x20, s8, s26, $0xb8;
	[tilespmem:$0x1FE80] =	vst v63  }
0x308: {  	s17 =	simm.s32 $0x19D80;
	s13 =	simm.s32 $0x1C480;
	s8 =	simm.s32 $0x1  }
0x309: {  	[tilespmem:s13], [sflag:$0x3] =	stream.indirect.gather [hbm4b:s1+s26], $0x20, s17, s26, $0xb8;
	[tilespmem:$0x1FE80] =	vst v63  }
0x30a: {  	_ =	swait.ge [sflag:s8], $0x1000  }
0x30b: {  	[sflag:s8] =	ssyncset.done $0x0  }
0x30c: {  	[sflag:s8] =	ssyncadd.s32 $0xFFFFF000  }
0x30d: {  	[spmem:s24] =	stream.indirect.scatter.add.f32 [tilespmem:s4], [sflag:$0x5], $0x20, s25, s26, $0xb8;
	[tilespmem:$0x1FE80] =	vst v63  }
0x30e: {  	s21 =	simm.s32 $0x1D480;
	s9 =	simm.s32 $0x2;
	s17 =	simm.s32 $0x19E00  }
0x30f: {  	[tilespmem:s21], [sflag:$0x4] =	stream.indirect.gather [hbm4b:s1+s26], $0x20, s17, s26, $0xb8;
	[tilespmem:$0x1FE80] =	vst v63  }
0x310: {  	_ =	swait.ge [sflag:s9], $0x1000  }
0x311: {  	[sflag:s9] =	ssyncset.done $0x0  }
0x312: {  	[sflag:s9] =	ssyncadd.s32 $0xFFFFF000  }
0x313: {  	[spmem:s24] =	stream.indirect.scatter.add.f32 [tilespmem:s12], [sflag:$0x6], $0x20, s29, s26, $0xb8;
	[tilespmem:$0x1FE80] =	vst v63  }
0x314: {  	_ =	swait.ge [sflag:s20], $0x1000  }
0x315: {  	[sflag:s20] =	ssyncset.done $0x0  }
0x316: {  	s5 =	simm.s32 $0x19E80;
	[sflag:s20] =	ssyncadd.s32 $0xFFFFF000  }
0x317: {  	[tilespmem:s4], [sflag:$0x1] =	stream.indirect.gather [hbm4b:s1+s26], $0x20, s5, s26, $0xb8;
	[tilespmem:$0x1FE80] =	vst v63  }
0x318: {  	s5 =	simm.s32 $0x3  }
0x319: {  	_ =	swait.ge [sflag:s5], $0x1000  }
0x31a: {  	[sflag:s5] =	ssyncset.done $0x0  }
0x31b: {  	[sflag:s5] =	ssyncadd.s32 $0xFFFFF000  }
0x31c: {  	[spmem:s24] =	stream.indirect.scatter.add.f32 [tilespmem:s13], [sflag:$0x5], $0x20, s30, s26, $0xb8;
	[tilespmem:$0x1FE80] =	vst v63  }
0x31d: {  	_ =	swait.ge [sflag:s6], $0x1000  }
0x31e: {  	[sflag:s6] =	ssyncset.done $0x0  }
0x31f: {  	s18 =	simm.s32 $0x19F00;
	[sflag:s6] =	ssyncadd.s32 $0xFFFFF000  }
0x320: {  	[tilespmem:s12], [sflag:$0x2] =	stream.indirect.gather [hbm4b:s1+s26], $0x20, s18, s26, $0xb8;
	[tilespmem:$0x1FE80] =	vst v63  }
0x321: {  	s18 =	simm.s32 $0x4  }
0x322: {  	_ =	swait.ge [sflag:s18], $0x1000  }
0x323: {  	[sflag:s18] =	ssyncset.done $0x0  }
0x324: {  	s17 =	simm.s32 $0x1A200;
	[sflag:s18] =	ssyncadd.s32 $0xFFFFF000  }
0x325: {  	[spmem:s24] =	stream.indirect.scatter.add.f32 [tilespmem:s21], [sflag:$0x6], $0x20, s17, s26, $0xb8;
	[tilespmem:$0x1FE80] =	vst v63  }
0x326: {  	_ =	swait.ge [sflag:s20], $0x1000  }
0x327: {  	[sflag:s20] =	ssyncset.done $0x0  }
0x328: {  	s17 =	simm.s32 $0x19F80;
	[sflag:s20] =	ssyncadd.s32 $0xFFFFF000  }
0x329: {  	[tilespmem:s13], [sflag:$0x3] =	stream.indirect.gather [hbm4b:s1+s26], $0x20, s17, s26, $0xb8;
	[tilespmem:$0x1FE80] =	vst v63  }
0x32a: {  	_ =	swait.ge [sflag:s8], $0x1000  }
0x32b: {  	[sflag:s8] =	ssyncset.done $0x0  }
0x32c: {  	s17 =	simm.s32 $0x1A280;
	[sflag:s8] =	ssyncadd.s32 $0xFFFFF000  }
0x32d: {  	[spmem:s24] =	stream.indirect.scatter.add.f32 [tilespmem:s4], [sflag:$0x5], $0x20, s17, s26, $0xb8;
	[tilespmem:$0x1FE80] =	vst v63  }
0x32e: {  	_ =	swait.ge [sflag:s6], $0x1000  }
0x32f: {  	[sflag:s6] =	ssyncset.done $0x0  }
0x330: {  	s8 =	simm.s32 $0x1A000;
	[sflag:s6] =	ssyncadd.s32 $0xFFFFF000  }
0x331: {  	[tilespmem:s21], [sflag:$0x4] =	stream.indirect.gather [hbm4b:s1+s26], $0x20, s8, s26, $0xb8;
	[tilespmem:$0x1FE80] =	vst v63  }
0x332: {  	_ =	swait.ge [sflag:s9], $0x1000  }
0x333: {  	[sflag:s9] =	ssyncset.done $0x0  }
0x334: {  	[sflag:s9] =	ssyncadd.s32 $0xFFFFF000;
	s9 =	simm.s32 $0x1A300  }
0x335: {  	[spmem:s24] =	stream.indirect.scatter.add.f32 [tilespmem:s12], [sflag:$0x6], $0x20, s9, s26, $0xb8;
	[tilespmem:$0x1FE80] =	vst v63  }
0x336: {  	_ =	swait.ge [sflag:s5], $0x1000  }
0x337: {  	[sflag:s5] =	ssyncset.done $0x0  }
0x338: {  	s17 =	simm.s32 $0x1A380;
	[sflag:s5] =	ssyncadd.s32 $0xFFFFF000  }
0x339: {  	[spmem:s24] =	stream.indirect.scatter.add.f32 [tilespmem:s13], [sflag:$0x5], $0x20, s17, s26, $0xb8;
	[tilespmem:$0x1FE80] =	vst v63  }
0x33a: {  	_ =	swait.ge [sflag:s18], $0x1000  }
0x33b: {  	[sflag:s18] =	ssyncset.done $0x0  }
0x33c: {  	[sflag:s18] =	ssyncadd.s32 $0xFFFFF000  }
0x33d: {  	[spmem:s24] =	stream.indirect.scatter.add.f32 [tilespmem:s21], [sflag:$0x6], $0x20, s19, s26, $0xb8;
	[tilespmem:$0x1FE80] =	vst v63  }
0x33e: {  	_ =	swait.ge [sflag:s20], $0x1000  }
0x33f: {  	[sflag:s20] =	ssyncset.done $0x0  }
0x340: {  	[sflag:s20] =	ssyncadd.s32 $0xFFFFF000  }
0x341: {  	_ =	swait.ge [sflag:s6], $0x1000  }
0x342: {  	[sflag:s6] =	ssyncset.done $0x0  }
0x343: {  	s11 =	sadd.s32 $0x1, s11;
	[sflag:s6] =	ssyncadd.s32 $0xFFFFF000  }
0x344: {  	p2 =	sne.s32 s11, $0x31;
	_ =	swait.ge [sflag:s20], $0x1000  }
.Ltmp40:
0x345: {  	[sflag:s20] =	ssyncset.done $0x0;
	(pc) =	sbr.rel @!p2 .LBB2_60-.Ltmp40, $4  }
0x346: {  	[sflag:s20] =	ssyncadd.s32 $0xFFFFF000  }
0x347: {  	_ =	swait.ge [sflag:s6], $0x1000  }
0x348: {  	[sflag:s6] =	ssyncset.done $0x0  }
0x349: {  	s30 =	simm.s32 $0x1A480;
	[sflag:s6] =	ssyncadd.s32 $0xFFFFF000  }
.LBB2_55:
0x34a: {  	s1 =	sshll.u32 s11, $0xA;
	s4 =	rddreg [dreg:$0x1b]  }
0x34b: {  	s1 =	sadd.s32 s4, s1  }
0x34c: {  	s18 =	rddreg [dreg:$0x6];
	s1 =	sshrl.u32 s1, $0x3  }
0x34d: {  	s5 =	simm.s32 $0x0;
	s4 =	sadd.s32 s18, s1  }
0x34e: {  	[tilespmem:s7], [sflag:$0x7] =	stream.linear.gather [hbm4b:s4+s5], $0x400, $0x38;
	[tilespmem:$0x1FE80] =	vst v63  }
0x34f: {  	_ =	swait.ge [sflag:s23], $0x400  }
0x350: {  	[sflag:s23] =	ssyncset.done $0x0;
	s21 =	rddreg [dreg:$0x7]  }
.Ltmp41:
0x351: {  	[sflag:s23] =	ssyncadd.s32 $0xFFFFFC00;
	s1 =	sadd.s32 s21, s1;
	(pc) =	sbr.rel @p0 .LBB2_59-.Ltmp41, $4  }
0x352: {  	[tilespmem:s25], [sflag:$0x7] =	stream.linear.gather [hbm4b:s1+s5], $0x400, $0x38;
	[tilespmem:$0x1FE80] =	vst v63  }
0x353: {  	_ =	swait.ge [sflag:s23], $0x400  }
0x354: {  	[sflag:s23] =	ssyncset.done $0x0  }
0x355: {  	s30 =	simm.s32 $0x1A180;
	[sflag:s23] =	ssyncadd.s32 $0xFFFFFC00  }
0x356: {  	s4 =	simm.s32 $0x0  }
0x357: {  	v4 =	vld [tilespmem:s4+$0x19C80]  }
0x358: {  	v6 =	vld [tilespmem:s4+$0x19C90]  }
0x359: {  	v5 =	vld [tilespmem:s4+$0x19CA0]  }
0x35a: {  	v3 =	vld [tilespmem:s4+$0x19CB0]  }
0x35b: {  	v2 =	vld [tilespmem:s4+$0x19CC0]  }
0x35c: {  	v7 =	vadd.s32 $0xC800, v4;
	v4 =	vld [tilespmem:s4+$0x19CD0]  }
0x35d: {  	s1 =	simm.s32 $0x200;
	[tilespmem:s4+$0x19C80] =	vst v7;
	v7 =	vadd.s32 $0xC800, v6;
	v6 =	vld [tilespmem:s4+$0x19CE0]  }
.LBB2_57:
0x35e: {  	s7 =	sshra.s32 s1, $0x2;
	p2 =	sne.s32 s1, $0xE00;
	[tilespmem:s4+$0x19C90] =	vst v7;
	v5 =	vadd.s32 $0xC800, v5;
	v7 =	vld [tilespmem:s4+$0x19CF0]  }
0x35f: {  	v8 =	vld [tilespmem:s7+$0x19C80];
	[tilespmem:s4+$0x19CA0] =	vst v5;
	v3 =	vadd.s32 $0xC800, v3  }
0x360: {  	v9 =	vld [tilespmem:s7+$0x19C90];
	[tilespmem:s4+$0x19CB0] =	vst v3;
	v2 =	vadd.s32 $0xC800, v2  }
.Ltmp42:
0x361: {  	v5 =	vld [tilespmem:s7+$0x19CA0];
	[tilespmem:s4+$0x19CC0] =	vst v2;
	v2 =	vadd.s32 $0xC800, v4;
	(pc) =	sbr.rel @p2 .LBB2_57-.Ltmp42, $4  }
0x362: {  	v3 =	vld [tilespmem:s7+$0x19CB0];
	[tilespmem:s4+$0x19CD0] =	vst v2;
	v4 =	vadd.s32 $0xC800, v6  }
0x363: {  	v2 =	vld [tilespmem:s7+$0x19CC0];
	[tilespmem:s4+$0x19CE0] =	vst v4;
	v6 =	vadd.s32 $0xC800, v7  }
0x364: {  	v7 =	vadd.s32 $0xC800, v8;
	v4 =	vld [tilespmem:s7+$0x19CD0];
	[tilespmem:s4+$0x19CF0] =	vst v6;
	s4 =	smov.u32 s7  }
0x365: {  	s1 =	sadd.s32 $0x200, s1;
	[tilespmem:s4+$0x19C80] =	vst v7;
	v7 =	vadd.s32 $0xC800, v9;
	v6 =	vld [tilespmem:s4+$0x19CE0]  }
0x366: {  	[tilespmem:s4+$0x19C90] =	vst v7;
	v5 =	vadd.s32 $0xC800, v5;
	v63 =	vld [tilespmem:s4+$0x19CF0]  }
0x367: {  	[tilespmem:s4+$0x19CA0] =	vst v5;
	v3 =	vadd.s32 $0xC800, v3  }
.Ltmp43:
0x368: {  	[tilespmem:s4+$0x19CB0] =	vst v3;
	v2 =	vadd.s32 $0xC800, v2;
	(pc) =	sbr.rel .LBB2_59-.Ltmp43, $4  }
0x369: {  	[tilespmem:s4+$0x19CC0] =	vst v2;
	v2 =	vadd.s32 $0xC800, v4  }
0x36a: {  	[tilespmem:s4+$0x19CD0] =	vst v2;
	v2 =	vadd.s32 $0xC800, v6  }
0x36b: {  	[tilespmem:s4+$0x19CE0] =	vst v2;
	v2 =	vadd.s32 $0xC800, v63  }
0x36c: {  	s7 =	simm.s32 $0x19C80;
	[tilespmem:s4+$0x19CF0] =	vst v2  }
.LBB2_60:
0x36d: {  	[bflag:$0x0] =	sbarrier.arrive $0xFFFF  }
0x36e: {  	s8 =	simm.s32 $0x0;
	s11 =	simm.s32 $0x0;
	s13 =	simm.s32 $0x1E480  }
.LBB2_61:
0x36f: {  	s1 =	sshll.u32 s11, $0x6;
	s4 =	rddreg [dreg:$0xb]  }
0x370: {  	s12 =	sadd.s32 s4, s1  }
0x371: {  	s1 =	sshll.u32 s12, $0x5  }
0x372: {  	s1 =	sand.u32 $0x3FFFFFE0, s1  }
.Ltmp44:
0x373: {  	s17 =	sadd.s32 s1, s24;
	(pc) =	sbr.rel @p1 .LBB2_65-.Ltmp44, $4  }
0x374: {  	[tilespmem:s13], [sflag:$0x7] =	stream.linear.gather [spmem:s17], $0x800, $0x38;
	[tilespmem:$0x1FE80] =	vst v63  }
0x375: {  	_ =	swait.ge [sflag:s23], $0x800  }
0x376: {  	[sflag:s23] =	ssyncset.done $0x0  }
0x377: {  	[sflag:s23] =	ssyncadd.s32 $0xFFFFF800  }
0x378: {  	s1 =	rddreg [dreg:$0xd]  }
0x379: {  	s1 =	sadd.s32 s1, s12  }
0x37a: {  	s4 =	rddreg [dreg:$0xa];
	s1 =	sshll.u32 s1, $0x2  }
0x37b: {  	s24 =	simm.s32 $0x0;
	v2 =	vmov s8;
	s4 =	sadd.s32 s4, s1  }
0x37c: {  	[tilespmem:s30], [sflag:$0x7] =	stream.linear.gather [hbm4b:s4+s24], $0x800, $0x38;
	[tilespmem:$0x1FE80] =	vst v63  }
0x37d: {  	_ =	swait.ge [sflag:s23], $0x800  }
0x37e: {  	[sflag:s23] =	ssyncset.done $0x0  }
0x37f: {  	[sflag:s23] =	ssyncadd.s32 $0xFFFFF800  }
0x380: {  	v2 =	vld.idx.msk [tilespmem:v2+s15+$0x0], $0xffff  }
0x381: {  	s7 =	simm.s32 $0x0  }
0x382: {  	v4 =	vld [tilespmem:s7+$0x1E480]  }
0x383: {  	v6 =	vld [tilespmem:s7+$0x1E490]  }
0x384: {  	v3 =	vld [tilespmem:s7+$0x1A480]  }
0x385: {  	v7 =	vmul.f32 $3.333333430e-01, v2;
	v2 =	vld [tilespmem:s7+$0x1A490];
	_ =	sdelay $0x2  }
0x386: {  	s1 =	sadd.s32 $0x1, s8;
	v5 =	vmul.f32 v7, v4;
	v6 =	vmul.f32 v6, v7  }
0x387: {  	s13 =	simm.s32 $0x80;
	s24 =	simm.s32 $0x100;
	v4 =	vmov s1  }
.LBB2_63:
0x388: {  	p2 =	sne.s32 s24, $0x1F80;
	v3 =	vadd.f32 v5, v3;
	v2 =	vadd.f32 v6, v2;
	_ =	sdelay $0x1  }
0x389: {  	[tilespmem:s7+$0x1A480] =	vst v3  }
0x38a: {  	[tilespmem:s7+$0x1A490] =	vst v2  }
0x38b: {  	v4 =	vld.idx.msk [tilespmem:v4+s15+$0x0], $0xffff  }
0x38c: {  	s7 =	sshra.s32 s13, $0x2;
	s13 =	smov.u32 s24  }
0x38d: {  	v5 =	vld [tilespmem:s7+$0x1E480]  }
0x38e: {  	v6 =	vld [tilespmem:s7+$0x1E490]  }
0x38f: {  	v2 =	vld [tilespmem:s7+$0x1A490]  }
.Ltmp45:
0x390: {  	v3 =	vld [tilespmem:s7+$0x1A480];
	(pc) =	sbr.rel @p2 .LBB2_63-.Ltmp45, $3  }
0x391: {  	v4 =	vmul.f32 $3.333333430e-01, v4;
	_ =	sdelay $0x1  }
0x392: {  	s1 =	sadd.s32 $0x1, s1;
	v5 =	vmul.f32 v4, v5;
	v6 =	vmul.f32 v6, v4  }
0x393: {  	s24 =	sadd.s32 $0x80, s24;
	v4 =	vmov s1  }
0x394: {  	v3 =	vadd.f32 v5, v3  }
0x395: {  	v2 =	vadd.f32 v6, v2  }
0x396: {  	[tilespmem:s7+$0x1A480] =	vst v3  }
0x397: {  	[tilespmem:s7+$0x1A490] =	vst v2  }
0x398: {  	v2 =	vld.idx.msk [tilespmem:v4+s15+$0x0], $0xffff  }
0x399: {  	s1 =	sshra.s32 s13, $0x2  }
0x39a: {  	v3 =	vld [tilespmem:s1+$0x1E480]  }
0x39b: {  	v61 =	vld [tilespmem:s1+$0x1E490]  }
0x39c: {  	v62 =	vld [tilespmem:s1+$0x1A480]  }
0x39d: {  	v63 =	vld [tilespmem:s1+$0x1A490];
	v2 =	vmul.f32 $3.333333430e-01, v2;
	_ =	sdelay $0x1  }
0x39e: {  	v3 =	vmul.f32 v2, v3  }
0x39f: {  	v2 =	vmul.f32 v61, v2  }
0x3a0: {  	v3 =	vadd.f32 v3, v62  }
0x3a1: {  	v2 =	vadd.f32 v2, v63  }
0x3a2: {  	[tilespmem:s1+$0x1A480] =	vst v3  }
0x3a3: {  	[tilespmem:s1+$0x1A490] =	vst v2  }
0x3a4: {  	[hbm4b:s4+s3] =	stream.linear.scatter [tilespmem:s30], [sflag:$0x7], $0x800, $0x38;
	[tilespmem:$0x1FE80] =	vst v63  }
0x3a5: {  	_ =	swait.ge [sflag:s23], $0x800  }
0x3a6: {  	[sflag:s23] =	ssyncset.done $0x0  }
0x3a7: {  	[sflag:s23] =	ssyncadd.s32 $0xFFFFF800  }
0x3a8: {  	s24 =	rddreg [dreg:$0x1]  }
.LBB2_65:
0x3a9: {  	[spmem:s17] =	stream.linear.scatter [tilespmem:s22], [sflag:$0x7], $0x400, $0x38;
	[tilespmem:$0x1FE80] =	vst v63  }
0x3aa: {  	_ =	swait.ge [sflag:s23], $0x400  }
0x3ab: {  	[sflag:s23] =	ssyncset.done $0x0  }
0x3ac: {  	s1 =	sadd.s32 $0x400, s17;
	v2 =	vmov s8;
	[sflag:s23] =	ssyncadd.s32 $0xFFFFFC00  }
0x3ad: {  	[spmem:s1] =	stream.linear.scatter [tilespmem:s22], [sflag:$0x7], $0x400, $0x38;
	[tilespmem:$0x1FE80] =	vst v63  }
0x3ae: {  	_ =	swait.ge [sflag:s23], $0x400  }
0x3af: {  	[sflag:s23] =	ssyncset.done $0x0  }
0x3b0: {  	[sflag:s23] =	ssyncadd.s32 $0xFFFFFC00  }
0x3b1: {  	s4 =	simm.s32 $0x0;
	v3 =	vld.idx.msk [tilespmem:v2+s15+$0x0], $0xffff  }
0x3b2: {  	v2 =	vld [tilespmem:s4+$0x1E490]  }
0x3b3: {  	v4 =	vld [tilespmem:s4+$0x1E480];
	_ =	sdelay $0x2  }
0x3b4: {  	s7 =	sadd.s32 $0x1, s8;
	v5 =	vmul.f32 v3, v3  }
0x3b5: {  	s13 =	simm.s32 $0x100;
	s1 =	simm.s32 $0x80;
	v3 =	vmov s7  }
.LBB2_66:
0x3b6: {  	p2 =	sne.s32 s13, $0x1F80;
	v4 =	vmul.f32 v5, v4;
	v2 =	vmul.f32 v2, v5;
	_ =	sdelay $0x1  }
0x3b7: {  	[tilespmem:s4+$0x1E480] =	vst v4  }
0x3b8: {  	[tilespmem:s4+$0x1E490] =	vst v2  }
0x3b9: {  	v3 =	vld.idx.msk [tilespmem:v3+s15+$0x0], $0xffff  }
0x3ba: {  	s4 =	sshra.s32 s1, $0x2;
	s1 =	smov.u32 s13  }
0x3bb: {  	v2 =	vld [tilespmem:s4+$0x1E490]  }
.Ltmp46:
0x3bc: {  	v4 =	vld [tilespmem:s4+$0x1E480];
	(pc) =	sbr.rel @p2 .LBB2_66-.Ltmp46, $3  }
0x3bd: {  	_ =	sdelay $0x1  }
0x3be: {  	s7 =	sadd.s32 $0x1, s7;
	v5 =	vmul.f32 v3, v3  }
0x3bf: {  	s13 =	sadd.s32 $0x80, s13;
	v3 =	vmov s7  }
0x3c0: {  	v4 =	vmul.f32 v5, v4  }
0x3c1: {  	v2 =	vmul.f32 v2, v5  }
0x3c2: {  	[tilespmem:s4+$0x1E480] =	vst v4  }
0x3c3: {  	[tilespmem:s4+$0x1E490] =	vst v2  }
0x3c4: {  	v2 =	vld.idx.msk [tilespmem:v3+s15+$0x0], $0xffff  }
0x3c5: {  	s1 =	sshra.s32 s1, $0x2  }
0x3c6: {  	v3 =	vld [tilespmem:s1+$0x1E480]  }
0x3c7: {  	v4 =	vld [tilespmem:s1+$0x1E490];
	_ =	sdelay $0x1  }
0x3c8: {  	v2 =	vmul.f32 v2, v2;
	_ =	sdelay $0x1  }
0x3c9: {  	s18 =	rddreg [dreg:$0xe];
	v3 =	vmul.f32 v2, v3  }
0x3ca: {  	s11 =	sadd.s32 $0x1, s11;
	s4 =	sadd.s32 s18, s12;
	v2 =	vmul.f32 v4, v2  }
0x3cb: {  	p2 =	sne.s32 s11, $0x32;
	s4 =	sshll.u32 s4, $0x2;
	[tilespmem:s1+$0x1E480] =	vst v3  }
.Ltmp47:
0x3cc: {  	s13 =	simm.s32 $0x1E480;
	s21 =	sadd.s32 s10, s4;
	[tilespmem:s1+$0x1E490] =	vst v2;
	(pc) =	sbr.rel @p2 .LBB2_61-.Ltmp47, $4  }
0x3cd: {  	[hbm4b:s21+s3] =	stream.linear.scatter [tilespmem:s13], [sflag:$0x7], $0x800, $0x38;
	[tilespmem:$0x1FE80] =	vst v63  }
0x3ce: {  	_ =	swait.ge [sflag:s23], $0x800  }
0x3cf: {  	[sflag:s23] =	ssyncset.done $0x0  }
0x3d0: {  	s8 =	sadd.s32 $0x40, s8;
	[sflag:s23] =	ssyncadd.s32 $0xFFFFF800  }
.Ltmp48:
0x3d1: {  	(pc) =	sbr.rel .LBB2_69-.Ltmp48, $3  }
0x3d2: {  	_ =	sdelay $0x1  }
0x3d3: {  	[bflag:$0x0] =	sbarrier.arrive $0xFFFF  }
0x3d4: {  	s11 =	simm.s32 $0x0;
	s7 =	simm.s32 $0x19C80;
	s30 =	simm.s32 $0x1A180  }
.LBB2_73:
0x3d5: {  	s1 =	simm.s32 $0x1A480  }
0x3d6: {  	[tilespmem:s1], [sflag:$0x1] =	stream.indirect.gather [hbm4b:s10+s26], $0x20, s7, s26, $0xb8;
	[tilespmem:$0x1FE80] =	vst v63  }
0x3d7: {  	s4 =	simm.s32 $0x19D00;
	s12 =	simm.s32 $0x1B480  }
0x3d8: {  	[tilespmem:s12], [sflag:$0x2] =	stream.indirect.gather [hbm4b:s10+s26], $0x20, s4, s26, $0xb8;
	[tilespmem:$0x1FE80] =	vst v63  }
0x3d9: {  	s9 =	simm.s32 $0x19D80;
	s17 =	simm.s32 $0x1C480;
	s4 =	simm.s32 $0x1  }
0x3da: {  	[tilespmem:s17], [sflag:$0x3] =	stream.indirect.gather [hbm4b:s10+s26], $0x20, s9, s26, $0xb8;
	[tilespmem:$0x1FE80] =	vst v63  }
0x3db: {  	_ =	swait.ge [sflag:s4], $0x1000  }
0x3dc: {  	[sflag:s4] =	ssyncset.done $0x0  }
0x3dd: {  	[sflag:s4] =	ssyncadd.s32 $0xFFFFF000  }
0x3de: {  	[spmem:s24] =	stream.indirect.scatter.add.f32 [tilespmem:s1], [sflag:$0x5], $0x20, s25, s26, $0xb8;
	[tilespmem:$0x1FE80] =	vst v63  }
0x3df: {  	s8 =	simm.s32 $0x19E00;
	s21 =	simm.s32 $0x1D480;
	s9 =	simm.s32 $0x2  }
0x3e0: {  	[tilespmem:s21], [sflag:$0x4] =	stream.indirect.gather [hbm4b:s10+s26], $0x20, s8, s26, $0xb8;
	[tilespmem:$0x1FE80] =	vst v63  }
0x3e1: {  	_ =	swait.ge [sflag:s9], $0x1000  }
0x3e2: {  	[sflag:s9] =	ssyncset.done $0x0  }
0x3e3: {  	[sflag:s9] =	ssyncadd.s32 $0xFFFFF000  }
0x3e4: {  	[spmem:s24] =	stream.indirect.scatter.add.f32 [tilespmem:s12], [sflag:$0x6], $0x20, s29, s26, $0xb8;
	[tilespmem:$0x1FE80] =	vst v63  }
0x3e5: {  	_ =	swait.ge [sflag:s20], $0x1000  }
0x3e6: {  	[sflag:s20] =	ssyncset.done $0x0  }
0x3e7: {  	s5 =	simm.s32 $0x19E80;
	[sflag:s20] =	ssyncadd.s32 $0xFFFFF000  }
0x3e8: {  	[tilespmem:s1], [sflag:$0x1] =	stream.indirect.gather [hbm4b:s10+s26], $0x20, s5, s26, $0xb8;
	[tilespmem:$0x1FE80] =	vst v63  }
0x3e9: {  	s5 =	simm.s32 $0x3  }
0x3ea: {  	_ =	swait.ge [sflag:s5], $0x1000  }
0x3eb: {  	[sflag:s5] =	ssyncset.done $0x0  }
0x3ec: {  	[sflag:s5] =	ssyncadd.s32 $0xFFFFF000  }
0x3ed: {  	[spmem:s24] =	stream.indirect.scatter.add.f32 [tilespmem:s17], [sflag:$0x5], $0x20, s30, s26, $0xb8;
	[tilespmem:$0x1FE80] =	vst v63  }
0x3ee: {  	_ =	swait.ge [sflag:s6], $0x1000  }
0x3ef: {  	[sflag:s6] =	ssyncset.done $0x0  }
0x3f0: {  	s18 =	simm.s32 $0x19F00;
	[sflag:s6] =	ssyncadd.s32 $0xFFFFF000  }
0x3f1: {  	[tilespmem:s12], [sflag:$0x2] =	stream.indirect.gather [hbm4b:s10+s26], $0x20, s18, s26, $0xb8;
	[tilespmem:$0x1FE80] =	vst v63  }
0x3f2: {  	s18 =	simm.s32 $0x4  }
0x3f3: {  	_ =	swait.ge [sflag:s18], $0x1000  }
0x3f4: {  	[sflag:s18] =	ssyncset.done $0x0  }
0x3f5: {  	s8 =	simm.s32 $0x1A200;
	[sflag:s18] =	ssyncadd.s32 $0xFFFFF000  }
0x3f6: {  	[spmem:s24] =	stream.indirect.scatter.add.f32 [tilespmem:s21], [sflag:$0x6], $0x20, s8, s26, $0xb8;
	[tilespmem:$0x1FE80] =	vst v63  }
0x3f7: {  	_ =	swait.ge [sflag:s20], $0x1000  }
0x3f8: {  	[sflag:s20] =	ssyncset.done $0x0  }
0x3f9: {  	s8 =	simm.s32 $0x19F80;
	[sflag:s20] =	ssyncadd.s32 $0xFFFFF000  }
0x3fa: {  	[tilespmem:s17], [sflag:$0x3] =	stream.indirect.gather [hbm4b:s10+s26], $0x20, s8, s26, $0xb8;
	[tilespmem:$0x1FE80] =	vst v63  }
0x3fb: {  	_ =	swait.ge [sflag:s4], $0x1000  }
0x3fc: {  	[sflag:s4] =	ssyncset.done $0x0  }
0x3fd: {  	s8 =	simm.s32 $0x1A280;
	[sflag:s4] =	ssyncadd.s32 $0xFFFFF000  }
0x3fe: {  	[spmem:s24] =	stream.indirect.scatter.add.f32 [tilespmem:s1], [sflag:$0x5], $0x20, s8, s26, $0xb8;
	[tilespmem:$0x1FE80] =	vst v63  }
0x3ff: {  	_ =	swait.ge [sflag:s6], $0x1000  }
0x400: {  	[sflag:s6] =	ssyncset.done $0x0  }
0x401: {  	s8 =	simm.s32 $0x1A000;
	[sflag:s6] =	ssyncadd.s32 $0xFFFFF000  }
0x402: {  	[tilespmem:s21], [sflag:$0x4] =	stream.indirect.gather [hbm4b:s10+s26], $0x20, s8, s26, $0xb8;
	[tilespmem:$0x1FE80] =	vst v63  }
0x403: {  	_ =	swait.ge [sflag:s9], $0x1000  }
0x404: {  	[sflag:s9] =	ssyncset.done $0x0  }
0x405: {  	[sflag:s9] =	ssyncadd.s32 $0xFFFFF000;
	s9 =	simm.s32 $0x1A300  }
0x406: {  	[spmem:s24] =	stream.indirect.scatter.add.f32 [tilespmem:s12], [sflag:$0x6], $0x20, s9, s26, $0xb8;
	[tilespmem:$0x1FE80] =	vst v63  }
0x407: {  	_ =	swait.ge [sflag:s5], $0x1000  }
0x408: {  	[sflag:s5] =	ssyncset.done $0x0  }
0x409: {  	s12 =	simm.s32 $0x1A380;
	[sflag:s5] =	ssyncadd.s32 $0xFFFFF000  }
0x40a: {  	[spmem:s24] =	stream.indirect.scatter.add.f32 [tilespmem:s17], [sflag:$0x5], $0x20, s12, s26, $0xb8;
	[tilespmem:$0x1FE80] =	vst v63  }
0x40b: {  	_ =	swait.ge [sflag:s18], $0x1000  }
0x40c: {  	[sflag:s18] =	ssyncset.done $0x0  }
0x40d: {  	[sflag:s18] =	ssyncadd.s32 $0xFFFFF000  }
0x40e: {  	[spmem:s24] =	stream.indirect.scatter.add.f32 [tilespmem:s21], [sflag:$0x6], $0x20, s19, s26, $0xb8;
	[tilespmem:$0x1FE80] =	vst v63  }
0x40f: {  	_ =	swait.ge [sflag:s20], $0x1000  }
0x410: {  	[sflag:s20] =	ssyncset.done $0x0  }
0x411: {  	[sflag:s20] =	ssyncadd.s32 $0xFFFFF000  }
0x412: {  	_ =	swait.ge [sflag:s6], $0x1000  }
0x413: {  	[sflag:s6] =	ssyncset.done $0x0  }
0x414: {  	s11 =	sadd.s32 $0x1, s11;
	[sflag:s6] =	ssyncadd.s32 $0xFFFFF000  }
0x415: {  	p2 =	sne.s32 s11, $0x31;
	_ =	swait.ge [sflag:s20], $0x1000  }
.Ltmp49:
0x416: {  	[sflag:s20] =	ssyncset.done $0x0;
	(pc) =	sbr.rel @!p2 .LBB2_74-.Ltmp49, $4  }
0x417: {  	[sflag:s20] =	ssyncadd.s32 $0xFFFFF000  }
0x418: {  	_ =	swait.ge [sflag:s6], $0x1000  }
0x419: {  	[sflag:s6] =	ssyncset.done $0x0  }
0x41a: {  	[sflag:s6] =	ssyncadd.s32 $0xFFFFF000  }
.LBB2_69:
0x41b: {  	s1 =	sshll.u32 s11, $0xA;
	s4 =	rddreg [dreg:$0x1b]  }
0x41c: {  	s1 =	sadd.s32 s4, s1  }
0x41d: {  	s18 =	rddreg [dreg:$0x6];
	s1 =	sshrl.u32 s1, $0x3  }
0x41e: {  	s5 =	simm.s32 $0x0;
	s4 =	sadd.s32 s18, s1  }
0x41f: {  	[tilespmem:s7], [sflag:$0x7] =	stream.linear.gather [hbm4b:s4+s5], $0x400, $0x38;
	[tilespmem:$0x1FE80] =	vst v63  }
0x420: {  	_ =	swait.ge [sflag:s23], $0x400  }
0x421: {  	[sflag:s23] =	ssyncset.done $0x0;
	s21 =	rddreg [dreg:$0x7]  }
.Ltmp50:
0x422: {  	[sflag:s23] =	ssyncadd.s32 $0xFFFFFC00;
	s1 =	sadd.s32 s21, s1;
	(pc) =	sbr.rel @p0 .LBB2_73-.Ltmp50, $4  }
0x423: {  	[tilespmem:s25], [sflag:$0x7] =	stream.linear.gather [hbm4b:s1+s5], $0x400, $0x38;
	[tilespmem:$0x1FE80] =	vst v63  }
0x424: {  	_ =	swait.ge [sflag:s23], $0x400  }
0x425: {  	[sflag:s23] =	ssyncset.done $0x0  }
0x426: {  	[sflag:s23] =	ssyncadd.s32 $0xFFFFFC00  }
0x427: {  	s4 =	simm.s32 $0x0  }
0x428: {  	v4 =	vld [tilespmem:s4+$0x19C80]  }
0x429: {  	v6 =	vld [tilespmem:s4+$0x19C90]  }
0x42a: {  	v5 =	vld [tilespmem:s4+$0x19CA0]  }
0x42b: {  	v3 =	vld [tilespmem:s4+$0x19CB0]  }
0x42c: {  	v2 =	vld [tilespmem:s4+$0x19CC0]  }
0x42d: {  	v7 =	vadd.s32 $0xC800, v4;
	v4 =	vld [tilespmem:s4+$0x19CD0]  }
0x42e: {  	s1 =	simm.s32 $0x200;
	[tilespmem:s4+$0x19C80] =	vst v7;
	v7 =	vadd.s32 $0xC800, v6;
	v6 =	vld [tilespmem:s4+$0x19CE0]  }
.LBB2_71:
0x42f: {  	s7 =	sshra.s32 s1, $0x2;
	p2 =	sne.s32 s1, $0xE00;
	[tilespmem:s4+$0x19C90] =	vst v7;
	v5 =	vadd.s32 $0xC800, v5;
	v7 =	vld [tilespmem:s4+$0x19CF0]  }
0x430: {  	v8 =	vld [tilespmem:s7+$0x19C80];
	[tilespmem:s4+$0x19CA0] =	vst v5;
	v3 =	vadd.s32 $0xC800, v3  }
0x431: {  	v9 =	vld [tilespmem:s7+$0x19C90];
	[tilespmem:s4+$0x19CB0] =	vst v3;
	v2 =	vadd.s32 $0xC800, v2  }
.Ltmp51:
0x432: {  	v5 =	vld [tilespmem:s7+$0x19CA0];
	[tilespmem:s4+$0x19CC0] =	vst v2;
	v2 =	vadd.s32 $0xC800, v4;
	(pc) =	sbr.rel @p2 .LBB2_71-.Ltmp51, $4  }
0x433: {  	v3 =	vld [tilespmem:s7+$0x19CB0];
	[tilespmem:s4+$0x19CD0] =	vst v2;
	v4 =	vadd.s32 $0xC800, v6  }
0x434: {  	v2 =	vld [tilespmem:s7+$0x19CC0];
	[tilespmem:s4+$0x19CE0] =	vst v4;
	v6 =	vadd.s32 $0xC800, v7  }
0x435: {  	v7 =	vadd.s32 $0xC800, v8;
	v4 =	vld [tilespmem:s7+$0x19CD0];
	[tilespmem:s4+$0x19CF0] =	vst v6;
	s4 =	smov.u32 s7  }
0x436: {  	s1 =	sadd.s32 $0x200, s1;
	[tilespmem:s4+$0x19C80] =	vst v7;
	v7 =	vadd.s32 $0xC800, v9;
	v6 =	vld [tilespmem:s4+$0x19CE0]  }
0x437: {  	[tilespmem:s4+$0x19C90] =	vst v7;
	v5 =	vadd.s32 $0xC800, v5;
	v63 =	vld [tilespmem:s4+$0x19CF0]  }
0x438: {  	[tilespmem:s4+$0x19CA0] =	vst v5;
	v3 =	vadd.s32 $0xC800, v3  }
.Ltmp52:
0x439: {  	[tilespmem:s4+$0x19CB0] =	vst v3;
	v2 =	vadd.s32 $0xC800, v2;
	(pc) =	sbr.rel .LBB2_73-.Ltmp52, $4  }
0x43a: {  	[tilespmem:s4+$0x19CC0] =	vst v2;
	v2 =	vadd.s32 $0xC800, v4  }
0x43b: {  	[tilespmem:s4+$0x19CD0] =	vst v2;
	v2 =	vadd.s32 $0xC800, v6  }
0x43c: {  	[tilespmem:s4+$0x19CE0] =	vst v2;
	v2 =	vadd.s32 $0xC800, v63  }
0x43d: {  	s7 =	simm.s32 $0x19C80;
	[tilespmem:s4+$0x19CF0] =	vst v2  }
.LBB2_74:
.Ltmp53:
0x43e: {  	(pc) =	sbr.rel .LBB2_75-.Ltmp53, $4  }
0x43f: {  	_ = 	snop  }
0x440: {  	[bflag:$0x0] =	sbarrier.arrive $0xFFFF  }
0x441: {  	s8 =	simm.s32 $0x0;
	s11 =	simm.s32 $0x0;
	s21 =	simm.s32 $0x1A200  }
0x442: {  	s9 =	simm.s32 $0x1A280;
	s17 =	simm.s32 $0x1A380;
	s18 =	simm.s32 $0x1E980  }
.LBB2_79:
0x443: {  	s11 =	sadd.s32 $0x1, s11  }
0x444: {  	p2 =	sne.s32 s11, $0x32  }
.Ltmp54:
0x445: {  	_ = 	snop;
	(pc) =	sbr.rel @!p2 .LBB2_80-.Ltmp54, $2  }
0x446: {  	_ =	sdelay $0x2  }
0x447: {  	s8 =	sadd.s32 $0x40, s8  }
.LBB2_75:
0x448: {  	s1 =	sshll.u32 s11, $0x6;
	s4 =	rddreg [dreg:$0xb]  }
0x449: {  	s1 =	sadd.s32 s4, s1  }
0x44a: {  	s4 =	sshll.u32 s1, $0x5  }
0x44b: {  	s4 =	sand.u32 $0x3FFFFFE0, s4  }
.Ltmp55:
0x44c: {  	s12 =	simm.s32 $0x8;
	s4 =	sadd.s32 s4, s24;
	(pc) =	sbr.rel @p1 .LBB2_79-.Ltmp55, $4  }
0x44d: {  	[tilespmem:s13], [sflag:$0x8] =	stream.linear.gather [spmem:s4], $0x800, $0x38;
	[tilespmem:$0x1FE80] =	vst v63  }
0x44e: {  	_ =	swait.ge [sflag:s12], $0x800  }
0x44f: {  	[sflag:s12] =	ssyncset.done $0x0  }
0x450: {  	[sflag:s12] =	ssyncadd.s32 $0xFFFFF800  }
0x451: {  	s4 =	rddreg [dreg:$0xd]  }
0x452: {  	s1 =	sadd.s32 s4, s1  }
0x453: {  	s7 =	rddreg [dreg:$0xa];
	s12 =	simm.s32 $0x0;
	s1 =	sshll.u32 s1, $0x2  }
0x454: {  	v2 =	vmov s8;
	s13 =	simm.s32 $0x8;
	s4 =	sadd.s32 s7, s1;
	s7 =	simm.s32 $0x1A480  }
0x455: {  	[tilespmem:s7], [sflag:$0x8] =	stream.linear.gather [hbm4b:s4+s12], $0x800, $0x38;
	[tilespmem:$0x1FE80] =	vst v63  }
0x456: {  	_ =	swait.ge [sflag:s13], $0x800  }
0x457: {  	[sflag:s13] =	ssyncset.done $0x0  }
0x458: {  	[sflag:s13] =	ssyncadd.s32 $0xFFFFF800  }
0x459: {  	v2 =	vld.idx.msk [tilespmem:v2+s15+$0x0], $0xffff  }
0x45a: {  	s7 =	simm.s32 $0x0  }
0x45b: {  	v4 =	vld [tilespmem:s7+$0x1E480]  }
0x45c: {  	v6 =	vld [tilespmem:s7+$0x1E490]  }
0x45d: {  	v3 =	vld [tilespmem:s7+$0x1A480]  }
0x45e: {  	v7 =	vmul.f32 $2.500000000e-01, v2;
	v2 =	vld [tilespmem:s7+$0x1A490];
	_ =	sdelay $0x2  }
0x45f: {  	s1 =	sadd.s32 $0x1, s8;
	v5 =	vmul.f32 v7, v4;
	v6 =	vmul.f32 v6, v7  }
0x460: {  	s12 =	simm.s32 $0x80;
	s13 =	simm.s32 $0x100;
	v4 =	vmov s1  }
.LBB2_77:
0x461: {  	p2 =	sne.s32 s13, $0x1F80;
	v3 =	vadd.f32 v5, v3;
	v2 =	vadd.f32 v6, v2;
	_ =	sdelay $0x1  }
0x462: {  	[tilespmem:s7+$0x1A480] =	vst v3  }
0x463: {  	[tilespmem:s7+$0x1A490] =	vst v2  }
0x464: {  	v4 =	vld.idx.msk [tilespmem:v4+s15+$0x0], $0xffff  }
0x465: {  	s7 =	sshra.s32 s12, $0x2;
	s12 =	smov.u32 s13  }
0x466: {  	v5 =	vld [tilespmem:s7+$0x1E480]  }
0x467: {  	v6 =	vld [tilespmem:s7+$0x1E490]  }
0x468: {  	v2 =	vld [tilespmem:s7+$0x1A490]  }
.Ltmp56:
0x469: {  	v3 =	vld [tilespmem:s7+$0x1A480];
	(pc) =	sbr.rel @p2 .LBB2_77-.Ltmp56, $3  }
0x46a: {  	v4 =	vmul.f32 $2.500000000e-01, v4;
	_ =	sdelay $0x1  }
0x46b: {  	s1 =	sadd.s32 $0x1, s1;
	v5 =	vmul.f32 v4, v5;
	v6 =	vmul.f32 v6, v4  }
0x46c: {  	s13 =	sadd.s32 $0x80, s13;
	v4 =	vmov s1  }
0x46d: {  	v3 =	vadd.f32 v5, v3  }
0x46e: {  	v2 =	vadd.f32 v6, v2  }
0x46f: {  	[tilespmem:s7+$0x1A480] =	vst v3  }
0x470: {  	[tilespmem:s7+$0x1A490] =	vst v2  }
0x471: {  	v2 =	vld.idx.msk [tilespmem:v4+s15+$0x0], $0xffff  }
0x472: {  	s1 =	sshra.s32 s12, $0x2  }
0x473: {  	v3 =	vld [tilespmem:s1+$0x1E480]  }
0x474: {  	v61 =	vld [tilespmem:s1+$0x1E490]  }
0x475: {  	v62 =	vld [tilespmem:s1+$0x1A480]  }
0x476: {  	v63 =	vld [tilespmem:s1+$0x1A490];
	v2 =	vmul.f32 $2.500000000e-01, v2;
	_ =	sdelay $0x1  }
0x477: {  	v3 =	vmul.f32 v2, v3  }
0x478: {  	v2 =	vmul.f32 v61, v2  }
0x479: {  	v3 =	vadd.f32 v3, v62  }
0x47a: {  	v2 =	vadd.f32 v2, v63  }
0x47b: {  	[tilespmem:s1+$0x1A480] =	vst v3  }
.Ltmp57:
0x47c: {  	s13 =	simm.s32 $0x1A480;
	[tilespmem:s1+$0x1A490] =	vst v2;
	(pc) =	sbr.rel .LBB2_79-.Ltmp57, $4  }
0x47d: {  	[hbm4b:s4+s3] =	stream.linear.scatter [tilespmem:s13], [sflag:$0x7], $0x800, $0x38;
	[tilespmem:$0x1FE80] =	vst v63  }
0x47e: {  	_ =	swait.ge [sflag:s23], $0x800  }
0x47f: {  	[sflag:s23] =	ssyncset.done $0x0  }
0x480: {  	s7 =	simm.s32 $0x19C80;
	s13 =	simm.s32 $0x1E480;
	[sflag:s23] =	ssyncadd.s32 $0xFFFFF800  }
.LBB2_80:
0x481: {  	[bflag:$0x0] =	sbarrier.arrive $0xFFFF  }
0x482: {  	s8 =	simm.s32 $0x0;
	s1 =	rddreg [dreg:$0x12]  }
0x483: {  	[tilespmem:s7], [sflag:$0x7] =	stream.linear.gather [hbm4b:s1+s8], $0x400, $0x38;
	[tilespmem:$0x1FE80] =	vst v63  }
0x484: {  	_ =	swait.ge [sflag:s23], $0x400  }
0x485: {  	[sflag:s23] =	ssyncset.done $0x0  }
0x486: {  	s4 =	rddreg [dreg:$0x13];
	[sflag:s23] =	ssyncadd.s32 $0xFFFFFC00  }
0x487: {  	[tilespmem:s25], [sflag:$0x7] =	stream.linear.gather [hbm4b:s4+s8], $0x400, $0x38;
	[tilespmem:$0x1FE80] =	vst v63  }
0x488: {  	_ =	swait.ge [sflag:s23], $0x400  }
0x489: {  	[sflag:s23] =	ssyncset.done $0x0  }
0x48a: {  	s4 =	simm.s32 $0x1A480;
	s5 =	rddreg [dreg:$0xa];
	[sflag:s23] =	ssyncadd.s32 $0xFFFFFC00  }
0x48b: {  	[tilespmem:s4], [sflag:$0x1] =	stream.indirect.gather [hbm4b:s5+s26], $0x20, s7, s26, $0xb8;
	[tilespmem:$0x1FE80] =	vst v63  }
0x48c: {  	s11 =	simm.s32 $0x1;
	s1 =	rddreg [dreg:$0x8];
	s7 =	simm.s32 $0x1B480  }
0x48d: {  	[tilespmem:s7], [sflag:$0x2] =	stream.indirect.gather [hbm4b:s1+s26], $0x20, s25, s26, $0xb8;
	[tilespmem:$0x1FE80] =	vst v63  }
0x48e: {  	_ =	swait.ge [sflag:s11], $0x1000  }
0x48f: {  	[sflag:s11] =	ssyncset.done $0x0  }
0x490: {  	s12 =	simm.s32 $0x2;
	[sflag:s11] =	ssyncadd.s32 $0xFFFFF000  }
0x491: {  	_ =	swait.ge [sflag:s12], $0x1000  }
0x492: {  	[sflag:s12] =	ssyncset.done $0x0  }
0x493: {  	s4 =	simm.s32 $0x1B490;
	[sflag:s12] =	ssyncadd.s32 $0xFFFFF000  }
0x494: {  	s11 =	simm.s32 $0x1A490;
	v2 =	vld [tilespmem:s4+$0xFFFFFFF0]  }
0x495: {  	s12 =	simm.s32 $0x1;
	v3 =	vld [tilespmem:s11+$0xFFFFFFF0]  }
.LBB2_81:
0x496: {  	p2 =	sne.s32 s12, $0x7F;
	v4 =	vld [tilespmem:s11+$0x0]  }
0x497: {  	v5 =	vld [tilespmem:s4+$0x0];
	_ =	sdelay $0x2  }
0x498: {  	v2 =	vmul.f32 v2, v3;
	_ =	sdelay $0x1  }
0x499: {  	v2 =	vadd.f32 $0.0e+00, v2;
	v3 =	vmul.f32 v5, v4;
	_ =	sdelay $0x1  }
0x49a: {  	v2 =	vadd.f32 v3, v2;
	_ =	sdelay $0x1  }
0x49b: {  	(xrf2) =	vadd.scan.msk.f32 $0xffff, v2;
	_ =	sdelay $0x9  }
0x49c: {  	v2 =	vmov s8;
	s8 =	smov.u32 s12;
	v3, _, _ =	vpop (xrf2)  }
0x49d: {  	v3 =	vadd.f32 $0.0e+00, v3;
	_ =	sdelay $0x1  }
.Ltmp58:
0x49e: {  	v3 =	vbroadcast v3, $0xF;
	(pc) =	sbr.rel @p2 .LBB2_81-.Ltmp58, $4  }
0x49f: {  	_ = 	snop  }
0x4a0: {  	s4 =	sadd.s32 $0x20, s4;
	[tilespmem:v2+s16+$0x0] =	vst.idx.msk $0x1, v3  }
0x4a1: {  	s11 =	sadd.s32 $0x20, s11;
	v2 =	vld [tilespmem:s4+$0xFFFFFFF0]  }
0x4a2: {  	s12 =	sadd.s32 $0x1, s12;
	v3 =	vld [tilespmem:s11+$0xFFFFFFF0]  }
0x4a3: {  	v4 =	vld [tilespmem:s11+$0x0]  }
0x4a4: {  	v5 =	vld [tilespmem:s4+$0x0];
	_ =	sdelay $0x2  }
0x4a5: {  	v2 =	vmul.f32 v2, v3;
	_ =	sdelay $0x1  }
0x4a6: {  	v3 =	vmul.f32 v5, v4;
	v2 =	vadd.f32 $0.0e+00, v2;
	_ =	sdelay $0x1  }
0x4a7: {  	v2 =	vadd.f32 v3, v2;
	_ =	sdelay $0x1  }
0x4a8: {  	(xrf2) =	vadd.scan.msk.f32 $0xffff, v2;
	_ =	sdelay $0x9  }
0x4a9: {  	v2 =	vmov s8;
	v3, _, _ =	vpop (xrf2)  }
0x4aa: {  	v3 =	vadd.f32 $0.0e+00, v3;
	_ =	sdelay $0x1  }
0x4ab: {  	v3 =	vbroadcast v3, $0xF;
	_ =	sdelay $0x1  }
0x4ac: {  	s11 =	rddreg [dreg:$0x10];
	s8 =	simm.s32 $0x0;
	[tilespmem:v2+s16+$0x0] =	vst.idx.msk $0x1, v3  }
0x4ad: {  	[hbm4b:s11+s8] =	stream.linear.scatter [tilespmem:s16], [sflag:$0x7], $0x80, $0x38;
	[tilespmem:$0x1FE80] =	vst v63  }
0x4ae: {  	_ =	swait.ge [sflag:s23], $0x80  }
0x4af: {  	s7 =	simm.s32 $0x19D00;
	[sflag:s23] =	ssyncset.done $0x0  }
0x4b0: {  	s5 =	simm.s32 $0x1A480;
	s12 =	rddreg [dreg:$0xa];
	[sflag:s23] =	ssyncadd.s32 $0xFFFFFF80  }
0x4b1: {  	[tilespmem:s5], [sflag:$0x1] =	stream.indirect.gather [hbm4b:s12+s26], $0x20, s7, s26, $0xb8;
	[tilespmem:$0x1FE80] =	vst v63  }
0x4b2: {  	s11 =	simm.s32 $0x1;
	s7 =	simm.s32 $0x1B480  }
0x4b3: {  	[tilespmem:s7], [sflag:$0x2] =	stream.indirect.gather [hbm4b:s1+s26], $0x20, s29, s26, $0xb8;
	[tilespmem:$0x1FE80] =	vst v63  }
0x4b4: {  	_ =	swait.ge [sflag:s11], $0x1000  }
0x4b5: {  	[sflag:s11] =	ssyncset.done $0x0  }
0x4b6: {  	s12 =	simm.s32 $0x2;
	[sflag:s11] =	ssyncadd.s32 $0xFFFFF000  }
0x4b7: {  	_ =	swait.ge [sflag:s12], $0x1000  }
0x4b8: {  	[sflag:s12] =	ssyncset.done $0x0  }
0x4b9: {  	s4 =	simm.s32 $0x1B490;
	[sflag:s12] =	ssyncadd.s32 $0xFFFFF000  }
0x4ba: {  	s11 =	simm.s32 $0x1A490;
	v2 =	vld [tilespmem:s4+$0xFFFFFFF0]  }
0x4bb: {  	s12 =	simm.s32 $0x1;
	v3 =	vld [tilespmem:s11+$0xFFFFFFF0]  }
.LBB2_83:
0x4bc: {  	p2 =	sne.s32 s12, $0x7F;
	v4 =	vld [tilespmem:s11+$0x0]  }
0x4bd: {  	v5 =	vld [tilespmem:s4+$0x0];
	_ =	sdelay $0x2  }
0x4be: {  	v2 =	vmul.f32 v2, v3;
	_ =	sdelay $0x1  }
0x4bf: {  	v2 =	vadd.f32 $0.0e+00, v2;
	v3 =	vmul.f32 v5, v4;
	_ =	sdelay $0x1  }
0x4c0: {  	v2 =	vadd.f32 v3, v2;
	_ =	sdelay $0x1  }
0x4c1: {  	(xrf2) =	vadd.scan.msk.f32 $0xffff, v2;
	_ =	sdelay $0x9  }
0x4c2: {  	v2 =	vmov s8;
	s8 =	smov.u32 s12;
	v3, _, _ =	vpop (xrf2)  }
0x4c3: {  	v3 =	vadd.f32 $0.0e+00, v3;
	_ =	sdelay $0x1  }
.Ltmp59:
0x4c4: {  	v3 =	vbroadcast v3, $0xF;
	(pc) =	sbr.rel @p2 .LBB2_83-.Ltmp59, $4  }
0x4c5: {  	_ = 	snop  }
0x4c6: {  	s4 =	sadd.s32 $0x20, s4;
	[tilespmem:v2+s16+$0x0] =	vst.idx.msk $0x1, v3  }
0x4c7: {  	s11 =	sadd.s32 $0x20, s11;
	v2 =	vld [tilespmem:s4+$0xFFFFFFF0]  }
0x4c8: {  	s12 =	sadd.s32 $0x1, s12;
	v3 =	vld [tilespmem:s11+$0xFFFFFFF0]  }
0x4c9: {  	v4 =	vld [tilespmem:s11+$0x0]  }
0x4ca: {  	v5 =	vld [tilespmem:s4+$0x0];
	_ =	sdelay $0x2  }
0x4cb: {  	v2 =	vmul.f32 v2, v3;
	_ =	sdelay $0x1  }
0x4cc: {  	v3 =	vmul.f32 v5, v4;
	v2 =	vadd.f32 $0.0e+00, v2;
	_ =	sdelay $0x1  }
0x4cd: {  	v2 =	vadd.f32 v3, v2;
	_ =	sdelay $0x1  }
0x4ce: {  	(xrf2) =	vadd.scan.msk.f32 $0xffff, v2;
	_ =	sdelay $0x9  }
0x4cf: {  	v2 =	vmov s8;
	v3, _, _ =	vpop (xrf2)  }
0x4d0: {  	v3 =	vadd.f32 $0.0e+00, v3;
	_ =	sdelay $0x1  }
0x4d1: {  	v3 =	vbroadcast v3, $0xF;
	_ =	sdelay $0x1  }
0x4d2: {  	s11 =	rddreg [dreg:$0x11];
	s8 =	simm.s32 $0x0;
	[tilespmem:v2+s16+$0x0] =	vst.idx.msk $0x1, v3  }
0x4d3: {  	[hbm4b:s11+s8] =	stream.linear.scatter [tilespmem:s16], [sflag:$0x7], $0x80, $0x38;
	[tilespmem:$0x1FE80] =	vst v63  }
0x4d4: {  	_ =	swait.ge [sflag:s23], $0x80  }
0x4d5: {  	s7 =	simm.s32 $0x19D80;
	[sflag:s23] =	ssyncset.done $0x0  }
0x4d6: {  	s5 =	simm.s32 $0x1A480;
	s12 =	rddreg [dreg:$0xa];
	[sflag:s23] =	ssyncadd.s32 $0xFFFFFF80  }
0x4d7: {  	[tilespmem:s5], [sflag:$0x1] =	stream.indirect.gather [hbm4b:s12+s26], $0x20, s7, s26, $0xb8;
	[tilespmem:$0x1FE80] =	vst v63  }
0x4d8: {  	s11 =	simm.s32 $0x1;
	s7 =	simm.s32 $0x1B480  }
0x4d9: {  	[tilespmem:s7], [sflag:$0x2] =	stream.indirect.gather [hbm4b:s1+s26], $0x20, s30, s26, $0xb8;
	[tilespmem:$0x1FE80] =	vst v63  }
0x4da: {  	_ =	swait.ge [sflag:s11], $0x1000  }
0x4db: {  	[sflag:s11] =	ssyncset.done $0x0  }
0x4dc: {  	s12 =	simm.s32 $0x2;
	[sflag:s11] =	ssyncadd.s32 $0xFFFFF000  }
0x4dd: {  	_ =	swait.ge [sflag:s12], $0x1000  }
0x4de: {  	[sflag:s12] =	ssyncset.done $0x0  }
0x4df: {  	s4 =	simm.s32 $0x1B490;
	[sflag:s12] =	ssyncadd.s32 $0xFFFFF000  }
0x4e0: {  	s11 =	simm.s32 $0x1A490;
	v2 =	vld [tilespmem:s4+$0xFFFFFFF0]  }
0x4e1: {  	s12 =	simm.s32 $0x1;
	v3 =	vld [tilespmem:s11+$0xFFFFFFF0]  }
.LBB2_85:
0x4e2: {  	p2 =	sne.s32 s12, $0x7F;
	v4 =	vld [tilespmem:s11+$0x0]  }
0x4e3: {  	v5 =	vld [tilespmem:s4+$0x0];
	_ =	sdelay $0x2  }
0x4e4: {  	v2 =	vmul.f32 v2, v3;
	_ =	sdelay $0x1  }
0x4e5: {  	v2 =	vadd.f32 $0.0e+00, v2;
	v3 =	vmul.f32 v5, v4;
	_ =	sdelay $0x1  }
0x4e6: {  	v2 =	vadd.f32 v3, v2;
	_ =	sdelay $0x1  }
0x4e7: {  	(xrf2) =	vadd.scan.msk.f32 $0xffff, v2;
	_ =	sdelay $0x9  }
0x4e8: {  	v2 =	vmov s8;
	s8 =	smov.u32 s12;
	v3, _, _ =	vpop (xrf2)  }
0x4e9: {  	v3 =	vadd.f32 $0.0e+00, v3;
	_ =	sdelay $0x1  }
.Ltmp60:
0x4ea: {  	v3 =	vbroadcast v3, $0xF;
	(pc) =	sbr.rel @p2 .LBB2_85-.Ltmp60, $4  }
0x4eb: {  	_ = 	snop  }
0x4ec: {  	s4 =	sadd.s32 $0x20, s4;
	[tilespmem:v2+s16+$0x0] =	vst.idx.msk $0x1, v3  }
0x4ed: {  	s11 =	sadd.s32 $0x20, s11;
	v2 =	vld [tilespmem:s4+$0xFFFFFFF0]  }
0x4ee: {  	s12 =	sadd.s32 $0x1, s12;
	v3 =	vld [tilespmem:s11+$0xFFFFFFF0]  }
0x4ef: {  	v4 =	vld [tilespmem:s11+$0x0]  }
0x4f0: {  	v5 =	vld [tilespmem:s4+$0x0];
	_ =	sdelay $0x2  }
0x4f1: {  	v2 =	vmul.f32 v2, v3;
	_ =	sdelay $0x1  }
0x4f2: {  	v3 =	vmul.f32 v5, v4;
	v2 =	vadd.f32 $0.0e+00, v2;
	_ =	sdelay $0x1  }
0x4f3: {  	v2 =	vadd.f32 v3, v2;
	_ =	sdelay $0x1  }
0x4f4: {  	(xrf2) =	vadd.scan.msk.f32 $0xffff, v2;
	_ =	sdelay $0x9  }
0x4f5: {  	v2 =	vmov s8;
	v3, _, _ =	vpop (xrf2)  }
0x4f6: {  	v3 =	vadd.f32 $0.0e+00, v3;
	_ =	sdelay $0x1  }
0x4f7: {  	v3 =	vbroadcast v3, $0xF;
	_ =	sdelay $0x1  }
0x4f8: {  	s11 =	rddreg [dreg:$0x14];
	s8 =	simm.s32 $0x0;
	[tilespmem:v2+s16+$0x0] =	vst.idx.msk $0x1, v3  }
0x4f9: {  	[hbm4b:s11+s8] =	stream.linear.scatter [tilespmem:s16], [sflag:$0x7], $0x80, $0x38;
	[tilespmem:$0x1FE80] =	vst v63  }
0x4fa: {  	_ =	swait.ge [sflag:s23], $0x80  }
0x4fb: {  	s7 =	simm.s32 $0x1A480;
	[sflag:s23] =	ssyncset.done $0x0  }
0x4fc: {  	s5 =	simm.s32 $0x19E00;
	s12 =	rddreg [dreg:$0xa];
	[sflag:s23] =	ssyncadd.s32 $0xFFFFFF80  }
0x4fd: {  	[tilespmem:s7], [sflag:$0x1] =	stream.indirect.gather [hbm4b:s12+s26], $0x20, s5, s26, $0xb8;
	[tilespmem:$0x1FE80] =	vst v63  }
0x4fe: {  	s11 =	simm.s32 $0x1;
	s7 =	simm.s32 $0x1B480  }
0x4ff: {  	[tilespmem:s7], [sflag:$0x2] =	stream.indirect.gather [hbm4b:s1+s26], $0x20, s21, s26, $0xb8;
	[tilespmem:$0x1FE80] =	vst v63  }
0x500: {  	_ =	swait.ge [sflag:s11], $0x1000  }
0x501: {  	[sflag:s11] =	ssyncset.done $0x0  }
0x502: {  	s12 =	simm.s32 $0x2;
	[sflag:s11] =	ssyncadd.s32 $0xFFFFF000  }
0x503: {  	_ =	swait.ge [sflag:s12], $0x1000  }
0x504: {  	[sflag:s12] =	ssyncset.done $0x0  }
0x505: {  	s4 =	simm.s32 $0x1B490;
	[sflag:s12] =	ssyncadd.s32 $0xFFFFF000  }
0x506: {  	s11 =	simm.s32 $0x1A490;
	v2 =	vld [tilespmem:s4+$0xFFFFFFF0]  }
0x507: {  	s12 =	simm.s32 $0x1;
	v3 =	vld [tilespmem:s11+$0xFFFFFFF0]  }
.LBB2_87:
0x508: {  	p2 =	sne.s32 s12, $0x7F;
	v4 =	vld [tilespmem:s11+$0x0]  }
0x509: {  	v5 =	vld [tilespmem:s4+$0x0];
	_ =	sdelay $0x2  }
0x50a: {  	v2 =	vmul.f32 v2, v3;
	_ =	sdelay $0x1  }
0x50b: {  	v2 =	vadd.f32 $0.0e+00, v2;
	v3 =	vmul.f32 v5, v4;
	_ =	sdelay $0x1  }
0x50c: {  	v2 =	vadd.f32 v3, v2;
	_ =	sdelay $0x1  }
0x50d: {  	(xrf2) =	vadd.scan.msk.f32 $0xffff, v2;
	_ =	sdelay $0x9  }
0x50e: {  	v2 =	vmov s8;
	s8 =	smov.u32 s12;
	v3, _, _ =	vpop (xrf2)  }
0x50f: {  	v3 =	vadd.f32 $0.0e+00, v3;
	_ =	sdelay $0x1  }
.Ltmp61:
0x510: {  	v3 =	vbroadcast v3, $0xF;
	(pc) =	sbr.rel @p2 .LBB2_87-.Ltmp61, $4  }
0x511: {  	_ = 	snop  }
0x512: {  	s4 =	sadd.s32 $0x20, s4;
	[tilespmem:v2+s16+$0x0] =	vst.idx.msk $0x1, v3  }
0x513: {  	s11 =	sadd.s32 $0x20, s11;
	v2 =	vld [tilespmem:s4+$0xFFFFFFF0]  }
0x514: {  	s12 =	sadd.s32 $0x1, s12;
	v3 =	vld [tilespmem:s11+$0xFFFFFFF0]  }
0x515: {  	v4 =	vld [tilespmem:s11+$0x0]  }
0x516: {  	v5 =	vld [tilespmem:s4+$0x0];
	_ =	sdelay $0x2  }
0x517: {  	v2 =	vmul.f32 v2, v3;
	_ =	sdelay $0x1  }
0x518: {  	v3 =	vmul.f32 v5, v4;
	v2 =	vadd.f32 $0.0e+00, v2;
	_ =	sdelay $0x1  }
0x519: {  	v2 =	vadd.f32 v3, v2;
	_ =	sdelay $0x1  }
0x51a: {  	(xrf2) =	vadd.scan.msk.f32 $0xffff, v2;
	_ =	sdelay $0x9  }
0x51b: {  	v2 =	vmov s8;
	v3, _, _ =	vpop (xrf2)  }
0x51c: {  	v3 =	vadd.f32 $0.0e+00, v3;
	_ =	sdelay $0x1  }
0x51d: {  	v3 =	vbroadcast v3, $0xF;
	_ =	sdelay $0x1  }
0x51e: {  	s11 =	rddreg [dreg:$0x15];
	s8 =	simm.s32 $0x0;
	[tilespmem:v2+s16+$0x0] =	vst.idx.msk $0x1, v3  }
0x51f: {  	[hbm4b:s11+s8] =	stream.linear.scatter [tilespmem:s16], [sflag:$0x7], $0x80, $0x38;
	[tilespmem:$0x1FE80] =	vst v63  }
0x520: {  	_ =	swait.ge [sflag:s23], $0x80  }
0x521: {  	s7 =	simm.s32 $0x1A480;
	[sflag:s23] =	ssyncset.done $0x0  }
0x522: {  	s5 =	simm.s32 $0x19E80;
	s12 =	rddreg [dreg:$0xa];
	[sflag:s23] =	ssyncadd.s32 $0xFFFFFF80  }
0x523: {  	[tilespmem:s7], [sflag:$0x1] =	stream.indirect.gather [hbm4b:s12+s26], $0x20, s5, s26, $0xb8;
	[tilespmem:$0x1FE80] =	vst v63  }
0x524: {  	s11 =	simm.s32 $0x1;
	s7 =	simm.s32 $0x1B480  }
0x525: {  	[tilespmem:s7], [sflag:$0x2] =	stream.indirect.gather [hbm4b:s1+s26], $0x20, s9, s26, $0xb8;
	[tilespmem:$0x1FE80] =	vst v63  }
0x526: {  	_ =	swait.ge [sflag:s11], $0x1000  }
0x527: {  	[sflag:s11] =	ssyncset.done $0x0  }
0x528: {  	s12 =	simm.s32 $0x2;
	[sflag:s11] =	ssyncadd.s32 $0xFFFFF000  }
0x529: {  	_ =	swait.ge [sflag:s12], $0x1000  }
0x52a: {  	[sflag:s12] =	ssyncset.done $0x0  }
0x52b: {  	s4 =	simm.s32 $0x1B490;
	[sflag:s12] =	ssyncadd.s32 $0xFFFFF000  }
0x52c: {  	s11 =	simm.s32 $0x1A490;
	v2 =	vld [tilespmem:s4+$0xFFFFFFF0]  }
0x52d: {  	s12 =	simm.s32 $0x1;
	v3 =	vld [tilespmem:s11+$0xFFFFFFF0]  }
.LBB2_89:
0x52e: {  	p2 =	sne.s32 s12, $0x7F;
	v4 =	vld [tilespmem:s11+$0x0]  }
0x52f: {  	v5 =	vld [tilespmem:s4+$0x0];
	_ =	sdelay $0x2  }
0x530: {  	v2 =	vmul.f32 v2, v3;
	_ =	sdelay $0x1  }
0x531: {  	v2 =	vadd.f32 $0.0e+00, v2;
	v3 =	vmul.f32 v5, v4;
	_ =	sdelay $0x1  }
0x532: {  	v2 =	vadd.f32 v3, v2;
	_ =	sdelay $0x1  }
0x533: {  	(xrf2) =	vadd.scan.msk.f32 $0xffff, v2;
	_ =	sdelay $0x9  }
0x534: {  	v2 =	vmov s8;
	s8 =	smov.u32 s12;
	v3, _, _ =	vpop (xrf2)  }
0x535: {  	v3 =	vadd.f32 $0.0e+00, v3;
	_ =	sdelay $0x1  }
.Ltmp62:
0x536: {  	v3 =	vbroadcast v3, $0xF;
	(pc) =	sbr.rel @p2 .LBB2_89-.Ltmp62, $4  }
0x537: {  	_ = 	snop  }
0x538: {  	s4 =	sadd.s32 $0x20, s4;
	[tilespmem:v2+s16+$0x0] =	vst.idx.msk $0x1, v3  }
0x539: {  	s11 =	sadd.s32 $0x20, s11;
	v2 =	vld [tilespmem:s4+$0xFFFFFFF0]  }
0x53a: {  	s12 =	sadd.s32 $0x1, s12;
	v3 =	vld [tilespmem:s11+$0xFFFFFFF0]  }
0x53b: {  	v4 =	vld [tilespmem:s11+$0x0]  }
0x53c: {  	v5 =	vld [tilespmem:s4+$0x0];
	_ =	sdelay $0x2  }
0x53d: {  	v2 =	vmul.f32 v2, v3;
	_ =	sdelay $0x1  }
0x53e: {  	v3 =	vmul.f32 v5, v4;
	v2 =	vadd.f32 $0.0e+00, v2;
	_ =	sdelay $0x1  }
0x53f: {  	v2 =	vadd.f32 v3, v2;
	_ =	sdelay $0x1  }
0x540: {  	(xrf2) =	vadd.scan.msk.f32 $0xffff, v2;
	_ =	sdelay $0x9  }
0x541: {  	v2 =	vmov s8;
	v3, _, _ =	vpop (xrf2)  }
0x542: {  	v3 =	vadd.f32 $0.0e+00, v3;
	_ =	sdelay $0x1  }
0x543: {  	v3 =	vbroadcast v3, $0xF;
	_ =	sdelay $0x1  }
0x544: {  	s11 =	rddreg [dreg:$0x16];
	s8 =	simm.s32 $0x0;
	[tilespmem:v2+s16+$0x0] =	vst.idx.msk $0x1, v3  }
0x545: {  	[hbm4b:s11+s8] =	stream.linear.scatter [tilespmem:s16], [sflag:$0x7], $0x80, $0x38;
	[tilespmem:$0x1FE80] =	vst v63  }
0x546: {  	_ =	swait.ge [sflag:s23], $0x80  }
0x547: {  	s7 =	simm.s32 $0x1A480;
	[sflag:s23] =	ssyncset.done $0x0  }
0x548: {  	s5 =	simm.s32 $0x19F00;
	s12 =	rddreg [dreg:$0xa];
	[sflag:s23] =	ssyncadd.s32 $0xFFFFFF80  }
0x549: {  	[tilespmem:s7], [sflag:$0x1] =	stream.indirect.gather [hbm4b:s12+s26], $0x20, s5, s26, $0xb8;
	[tilespmem:$0x1FE80] =	vst v63  }
0x54a: {  	s11 =	simm.s32 $0x1;
	s7 =	simm.s32 $0x1B480;
	s5 =	simm.s32 $0x1A300  }
0x54b: {  	[tilespmem:s7], [sflag:$0x2] =	stream.indirect.gather [hbm4b:s1+s26], $0x20, s5, s26, $0xb8;
	[tilespmem:$0x1FE80] =	vst v63  }
0x54c: {  	_ =	swait.ge [sflag:s11], $0x1000  }
0x54d: {  	[sflag:s11] =	ssyncset.done $0x0  }
0x54e: {  	s12 =	simm.s32 $0x2;
	[sflag:s11] =	ssyncadd.s32 $0xFFFFF000  }
0x54f: {  	_ =	swait.ge [sflag:s12], $0x1000  }
0x550: {  	[sflag:s12] =	ssyncset.done $0x0  }
0x551: {  	s4 =	simm.s32 $0x1B490;
	[sflag:s12] =	ssyncadd.s32 $0xFFFFF000  }
0x552: {  	s11 =	simm.s32 $0x1A490;
	v2 =	vld [tilespmem:s4+$0xFFFFFFF0]  }
0x553: {  	s12 =	simm.s32 $0x1;
	v3 =	vld [tilespmem:s11+$0xFFFFFFF0]  }
.LBB2_91:
0x554: {  	p2 =	sne.s32 s12, $0x7F;
	v4 =	vld [tilespmem:s11+$0x0]  }
0x555: {  	v5 =	vld [tilespmem:s4+$0x0];
	_ =	sdelay $0x2  }
0x556: {  	v2 =	vmul.f32 v2, v3;
	_ =	sdelay $0x1  }
0x557: {  	v2 =	vadd.f32 $0.0e+00, v2;
	v3 =	vmul.f32 v5, v4;
	_ =	sdelay $0x1  }
0x558: {  	v2 =	vadd.f32 v3, v2;
	_ =	sdelay $0x1  }
0x559: {  	(xrf2) =	vadd.scan.msk.f32 $0xffff, v2;
	_ =	sdelay $0x9  }
0x55a: {  	v2 =	vmov s8;
	s8 =	smov.u32 s12;
	v3, _, _ =	vpop (xrf2)  }
0x55b: {  	v3 =	vadd.f32 $0.0e+00, v3;
	_ =	sdelay $0x1  }
.Ltmp63:
0x55c: {  	v3 =	vbroadcast v3, $0xF;
	(pc) =	sbr.rel @p2 .LBB2_91-.Ltmp63, $4  }
0x55d: {  	_ = 	snop  }
0x55e: {  	s4 =	sadd.s32 $0x20, s4;
	[tilespmem:v2+s16+$0x0] =	vst.idx.msk $0x1, v3  }
0x55f: {  	s11 =	sadd.s32 $0x20, s11;
	v2 =	vld [tilespmem:s4+$0xFFFFFFF0]  }
0x560: {  	s12 =	sadd.s32 $0x1, s12;
	v3 =	vld [tilespmem:s11+$0xFFFFFFF0]  }
0x561: {  	v4 =	vld [tilespmem:s11+$0x0]  }
0x562: {  	v5 =	vld [tilespmem:s4+$0x0];
	_ =	sdelay $0x2  }
0x563: {  	v2 =	vmul.f32 v2, v3;
	_ =	sdelay $0x1  }
0x564: {  	v3 =	vmul.f32 v5, v4;
	v2 =	vadd.f32 $0.0e+00, v2;
	_ =	sdelay $0x1  }
0x565: {  	v2 =	vadd.f32 v3, v2;
	_ =	sdelay $0x1  }
0x566: {  	(xrf2) =	vadd.scan.msk.f32 $0xffff, v2;
	_ =	sdelay $0x9  }
0x567: {  	v2 =	vmov s8;
	v3, _, _ =	vpop (xrf2)  }
0x568: {  	v3 =	vadd.f32 $0.0e+00, v3;
	_ =	sdelay $0x1  }
0x569: {  	v3 =	vbroadcast v3, $0xF;
	_ =	sdelay $0x1  }
0x56a: {  	s7 =	rddreg [dreg:$0x17];
	s8 =	simm.s32 $0x0;
	[tilespmem:v2+s16+$0x0] =	vst.idx.msk $0x1, v3  }
0x56b: {  	[hbm4b:s7+s8] =	stream.linear.scatter [tilespmem:s16], [sflag:$0x7], $0x80, $0x38;
	[tilespmem:$0x1FE80] =	vst v63  }
0x56c: {  	_ =	swait.ge [sflag:s23], $0x80  }
0x56d: {  	s12 =	simm.s32 $0x19F80;
	[sflag:s23] =	ssyncset.done $0x0  }
0x56e: {  	s7 =	simm.s32 $0x1A480;
	s11 =	rddreg [dreg:$0xa];
	[sflag:s23] =	ssyncadd.s32 $0xFFFFFF80  }
0x56f: {  	[tilespmem:s7], [sflag:$0x1] =	stream.indirect.gather [hbm4b:s11+s26], $0x20, s12, s26, $0xb8;
	[tilespmem:$0x1FE80] =	vst v63  }
0x570: {  	s7 =	simm.s32 $0x1B480;
	s11 =	simm.s32 $0x1  }
0x571: {  	[tilespmem:s7], [sflag:$0x2] =	stream.indirect.gather [hbm4b:s1+s26], $0x20, s17, s26, $0xb8;
	[tilespmem:$0x1FE80] =	vst v63  }
0x572: {  	_ =	swait.ge [sflag:s11], $0x1000  }
0x573: {  	[sflag:s11] =	ssyncset.done $0x0  }
0x574: {  	s12 =	simm.s32 $0x2;
	[sflag:s11] =	ssyncadd.s32 $0xFFFFF000  }
0x575: {  	_ =	swait.ge [sflag:s12], $0x1000  }
0x576: {  	[sflag:s12] =	ssyncset.done $0x0  }
0x577: {  	s4 =	simm.s32 $0x1B490;
	[sflag:s12] =	ssyncadd.s32 $0xFFFFF000  }
0x578: {  	s11 =	simm.s32 $0x1A490;
	v2 =	vld [tilespmem:s4+$0xFFFFFFF0]  }
0x579: {  	s12 =	simm.s32 $0x1;
	v3 =	vld [tilespmem:s11+$0xFFFFFFF0]  }
.LBB2_93:
0x57a: {  	p2 =	sne.s32 s12, $0x7F;
	v4 =	vld [tilespmem:s11+$0x0]  }
0x57b: {  	v5 =	vld [tilespmem:s4+$0x0];
	_ =	sdelay $0x2  }
0x57c: {  	v2 =	vmul.f32 v2, v3;
	_ =	sdelay $0x1  }
0x57d: {  	v2 =	vadd.f32 $0.0e+00, v2;
	v3 =	vmul.f32 v5, v4;
	_ =	sdelay $0x1  }
0x57e: {  	v2 =	vadd.f32 v3, v2;
	_ =	sdelay $0x1  }
0x57f: {  	(xrf2) =	vadd.scan.msk.f32 $0xffff, v2;
	_ =	sdelay $0x9  }
0x580: {  	v2 =	vmov s8;
	s8 =	smov.u32 s12;
	v3, _, _ =	vpop (xrf2)  }
0x581: {  	v3 =	vadd.f32 $0.0e+00, v3;
	_ =	sdelay $0x1  }
.Ltmp64:
0x582: {  	v3 =	vbroadcast v3, $0xF;
	(pc) =	sbr.rel @p2 .LBB2_93-.Ltmp64, $4  }
0x583: {  	_ = 	snop  }
0x584: {  	s4 =	sadd.s32 $0x20, s4;
	[tilespmem:v2+s16+$0x0] =	vst.idx.msk $0x1, v3  }
0x585: {  	s11 =	sadd.s32 $0x20, s11;
	v2 =	vld [tilespmem:s4+$0xFFFFFFF0]  }
0x586: {  	s12 =	sadd.s32 $0x1, s12;
	v3 =	vld [tilespmem:s11+$0xFFFFFFF0]  }
0x587: {  	v4 =	vld [tilespmem:s11+$0x0]  }
0x588: {  	v5 =	vld [tilespmem:s4+$0x0];
	_ =	sdelay $0x2  }
0x589: {  	v2 =	vmul.f32 v2, v3;
	_ =	sdelay $0x1  }
0x58a: {  	v3 =	vmul.f32 v5, v4;
	v2 =	vadd.f32 $0.0e+00, v2;
	_ =	sdelay $0x1  }
0x58b: {  	v2 =	vadd.f32 v3, v2;
	_ =	sdelay $0x1  }
0x58c: {  	(xrf2) =	vadd.scan.msk.f32 $0xffff, v2;
	_ =	sdelay $0x9  }
0x58d: {  	v2 =	vmov s8;
	v3, _, _ =	vpop (xrf2)  }
0x58e: {  	v3 =	vadd.f32 $0.0e+00, v3;
	_ =	sdelay $0x1  }
0x58f: {  	v3 =	vbroadcast v3, $0xF;
	_ =	sdelay $0x1  }
0x590: {  	s7 =	rddreg [dreg:$0x18];
	s8 =	simm.s32 $0x0;
	[tilespmem:v2+s16+$0x0] =	vst.idx.msk $0x1, v3  }
0x591: {  	[hbm4b:s7+s8] =	stream.linear.scatter [tilespmem:s16], [sflag:$0x7], $0x80, $0x38;
	[tilespmem:$0x1FE80] =	vst v63  }
0x592: {  	_ =	swait.ge [sflag:s23], $0x80  }
0x593: {  	s12 =	simm.s32 $0x1A000;
	[sflag:s23] =	ssyncset.done $0x0  }
0x594: {  	s7 =	simm.s32 $0x1A480;
	s11 =	rddreg [dreg:$0xa];
	[sflag:s23] =	ssyncadd.s32 $0xFFFFFF80  }
0x595: {  	[tilespmem:s7], [sflag:$0x1] =	stream.indirect.gather [hbm4b:s11+s26], $0x20, s12, s26, $0xb8;
	[tilespmem:$0x1FE80] =	vst v63  }
0x596: {  	s7 =	simm.s32 $0x1B480;
	s11 =	simm.s32 $0x1  }
0x597: {  	[tilespmem:s7], [sflag:$0x2] =	stream.indirect.gather [hbm4b:s1+s26], $0x20, s19, s26, $0xb8;
	[tilespmem:$0x1FE80] =	vst v63  }
0x598: {  	_ =	swait.ge [sflag:s11], $0x1000  }
0x599: {  	[sflag:s11] =	ssyncset.done $0x0  }
0x59a: {  	s12 =	simm.s32 $0x2;
	[sflag:s11] =	ssyncadd.s32 $0xFFFFF000  }
0x59b: {  	_ =	swait.ge [sflag:s12], $0x1000  }
0x59c: {  	[sflag:s12] =	ssyncset.done $0x0  }
0x59d: {  	s4 =	simm.s32 $0x1B490;
	[sflag:s12] =	ssyncadd.s32 $0xFFFFF000  }
0x59e: {  	s11 =	simm.s32 $0x1A490;
	v2 =	vld [tilespmem:s4+$0xFFFFFFF0]  }
0x59f: {  	s12 =	simm.s32 $0x1;
	v3 =	vld [tilespmem:s11+$0xFFFFFFF0]  }
.LBB2_95:
0x5a0: {  	p2 =	sne.s32 s12, $0x7F;
	v4 =	vld [tilespmem:s11+$0x0]  }
0x5a1: {  	v5 =	vld [tilespmem:s4+$0x0];
	_ =	sdelay $0x2  }
0x5a2: {  	v2 =	vmul.f32 v2, v3;
	_ =	sdelay $0x1  }
0x5a3: {  	v2 =	vadd.f32 $0.0e+00, v2;
	v3 =	vmul.f32 v5, v4;
	_ =	sdelay $0x1  }
0x5a4: {  	v2 =	vadd.f32 v3, v2;
	_ =	sdelay $0x1  }
0x5a5: {  	(xrf2) =	vadd.scan.msk.f32 $0xffff, v2;
	_ =	sdelay $0x9  }
0x5a6: {  	v2 =	vmov s8;
	s8 =	smov.u32 s12;
	v3, _, _ =	vpop (xrf2)  }
0x5a7: {  	v3 =	vadd.f32 $0.0e+00, v3;
	_ =	sdelay $0x1  }
.Ltmp65:
0x5a8: {  	v3 =	vbroadcast v3, $0xF;
	(pc) =	sbr.rel @p2 .LBB2_95-.Ltmp65, $4  }
0x5a9: {  	_ = 	snop  }
0x5aa: {  	s4 =	sadd.s32 $0x20, s4;
	[tilespmem:v2+s16+$0x0] =	vst.idx.msk $0x1, v3  }
0x5ab: {  	s11 =	sadd.s32 $0x20, s11;
	v2 =	vld [tilespmem:s4+$0xFFFFFFF0]  }
0x5ac: {  	s12 =	sadd.s32 $0x1, s12;
	v3 =	vld [tilespmem:s11+$0xFFFFFFF0]  }
0x5ad: {  	v4 =	vld [tilespmem:s11+$0x0]  }
0x5ae: {  	v5 =	vld [tilespmem:s4+$0x0];
	_ =	sdelay $0x2  }
0x5af: {  	v2 =	vmul.f32 v2, v3;
	_ =	sdelay $0x1  }
0x5b0: {  	v3 =	vmul.f32 v5, v4;
	v2 =	vadd.f32 $0.0e+00, v2;
	_ =	sdelay $0x1  }
0x5b1: {  	v2 =	vadd.f32 v3, v2;
	_ =	sdelay $0x1  }
0x5b2: {  	(xrf2) =	vadd.scan.msk.f32 $0xffff, v2;
	_ =	sdelay $0x9  }
0x5b3: {  	v2 =	vmov s8;
	v3, _, _ =	vpop (xrf2)  }
0x5b4: {  	v3 =	vadd.f32 $0.0e+00, v3;
	_ =	sdelay $0x1  }
0x5b5: {  	v3 =	vbroadcast v3, $0xF;
	_ =	sdelay $0x1  }
0x5b6: {  	s1 =	rddreg [dreg:$0x19];
	[tilespmem:v2+s16+$0x0] =	vst.idx.msk $0x1, v3  }
0x5b7: {  	[hbm4b:s1+s3] =	stream.linear.scatter [tilespmem:s16], [sflag:$0x7], $0x80, $0x38;
	[tilespmem:$0x1FE80] =	vst v63  }
0x5b8: {  	_ =	swait.ge [sflag:s23], $0x80  }
0x5b9: {  	s11 =	rddreg [dreg:$0x1f]  }
0x5ba: {  	s12 =	rddreg [dreg:$0x1a];
	s4 =	sadd.s32 $0x1, s11  }
0x5bb: {  	p2 =	sne.s32 s4, s12  }
.Ltmp66:
0x5bc: {  	_ = 	snop;
	(pc) =	sbr.rel @p2 .LBB2_1-.Ltmp66, $3  }
0x5bd: {  	_ =	sdelay $0x1  }
0x5be: {  	[sflag:s23] =	ssyncset.done $0x0  }
0x5bf: {  	[sflag:s23] =	ssyncadd.s32 $0xFFFFFF80;
	s11 =	simm.s32 $0x1F980  }
0x5c0: {  	_ =	sfence.sel $0x180000  }
0x5c1: {  	[bflag:$0x0] =	sbarrier.arrive $0xFFFF  }
0x5c2: {  	_ =	strace $0x90000047  }
0x5c3: {  	s0 =	stileid.u32;
	[bflag:$0x2] =	sbarrier.arrive $0xFFFF  }
0x5c4: {  	p0 =	sne.s32 s0, $0x0;
	s0 =	rddreg [dreg:$0x3]  }
0x5c5: {  	s0 =	sadd.s32 @!p0 $0x100000, s0  }
0x5c6: {  	[sflag:s0] =	ssyncadd.tile.s32 @!p0 $0x1;
	_ =	shalt  }
.Lfunc_end2:
_tile_overlayer_lowered:
.L_overlay_start_2:
0x5c7: {  	(tag) =	ssettag $0x2  }
0x5c8: {  	s0 =	rddreg [dreg:$0x0];
	s2 =	stileid.u32  }
0x5c9: {  	s1 =	rddreg [dreg:$0x1];
	p0 =	sne.s32 s2, $0x0  }
0x5ca: {  	s3 =	rddreg [dreg:$0x2];
	[bflag:$0x3] =	sbarrier.arrive $0xFFFF;
	s2 =	simm.s32 @!p0 $0x1C07  }
0x5cb: {  	[timem:s3], [sflag:s2] =	dma.local @!p0 [hbm:s0], s1  }
0x5cc: {  	s0 =	simm.s32 @!p0 $0x7  }
0x5cd: {  	_ =	swait.ge @!p0 [sflag:s0], s1  }
0x5ce: {  	s1 =	ssub.s32 @!p0 $0x0, s1;
	[sflag:s0] =	ssyncset.done @!p0 $0x0  }
0x5cf: {  	[sflag:s0] =	ssyncadd.s32 @!p0 s1  }
0x5d0: {  	[bflag:$0x3] =	sbarrier.arrive $0xFFFF  }
0x5d1: {  	_ =	shalt  }

</sc_bundles>
